<compile_context>
chip_gen: v7x
topology: tpu7x:2x2x1
jax: 0.10.2.dev20260603
libtpu: 0.0.44.dev20260713+nightly
codegen_flags: <defaults>
</compile_context>

<pallas_src>
import functools

import jax
import jax.numpy as jnp
from jax import lax
from jax.experimental import pallas as pl
from jax.experimental.pallas import tpu as pltpu
from jax.experimental.pallas import tpu_sc as plsc

_V = 49408
_D = 768
_T = 77
_B = 1024
_NW = 32
_ROWS = _B * _T
_RPW = _ROWS // _NW
_CHUNK = 32
_NCH = _RPW // _CHUNK
_NSLOT = 5
_NBLK = 75 // _NSLOT
_LANES = 16
_DV = _D // _LANES

_mesh = plsc.VectorSubcoreMesh(core_axis_name="c", subcore_axis_name="s")


@functools.partial(
    pl.kernel,
    out_type=jax.ShapeDtypeStruct((_ROWS, _D), jnp.float32),
    mesh=_mesh,
    scratch_types=(
        [pltpu.VMEM((_RPW,), jnp.int32),
         pltpu.VMEM((4 * _D,), jnp.float32)]
        + [pltpu.VMEM((_CHUNK, _D), jnp.float32) for _ in range(_NSLOT)]
        + [pltpu.VMEM((_CHUNK,), jnp.int32) for _ in range(_NSLOT)]
        + [pltpu.SemaphoreType.DMA for _ in range(2 * _NSLOT)]
    ),
)
def _embed_sc(tok_ref, pos_ref, tab_ref, out_ref, idx_v, pos_v, *rest):
    bufs = rest[:_NSLOT]
    oidx = rest[_NSLOT:2 * _NSLOT]
    gsems = rest[2 * _NSLOT:3 * _NSLOT]
    ssems = rest[3 * _NSLOT:4 * _NSLOT]

    wid = lax.axis_index("s") * 2 + lax.axis_index("c")
    base = wid * _RPW
    t0 = base // _B

    pltpu.sync_copy(tok_ref.at[pl.ds(base, _RPW)], idx_v)
    pltpu.sync_copy(pos_ref.at[pl.ds(t0 * _D, 4 * _D)], pos_v)

    def fire_gather(k, sl):
        pltpu.async_copy(
            tab_ref.at[idx_v.at[pl.ds(k * _CHUNK, _CHUNK)]], bufs[sl],
            gsems[sl])

    def wait_gather(k, sl):
        pltpu.make_async_copy(
            tab_ref.at[idx_v.at[pl.ds(k * _CHUNK, _CHUNK)]], bufs[sl],
            gsems[sl]).wait()

    def wait_store(sl):
        pltpu.make_async_copy(bufs[sl], out_ref.at[oidx[sl]],
                              ssems[sl]).wait()

    def process(k, sl):
        g = base + k * _CHUNK
        t = g // _B
        b0 = g % _B
        ti = t - t0
        row0 = b0 * _T + t
        i16 = lax.iota(jnp.int32, _LANES) * _T
        oidx[sl][pl.ds(0, _LANES)] = i16 + row0
        oidx[sl][pl.ds(_LANES, _LANES)] = i16 + (row0 + _LANES * _T)

        wait_gather(k, sl)

        def dv_body(dv, carry):
            off = dv * _LANES
            pv = pos_v[pl.ds(ti * _D + off, _LANES)]
            for i in range(_CHUNK):
                plsc.addupdate(bufs[sl].at[i, pl.ds(off, _LANES)], pv)
            return carry
        lax.fori_loop(0, _DV, dv_body, 0)

        pltpu.async_copy(bufs[sl], out_ref.at[oidx[sl]], ssems[sl])

    for sl in range(_NSLOT):
        fire_gather(sl, sl)

    def block(o, carry):
        for s in range(_NSLOT):
            k = o * _NSLOT + s
            process(k, s)
            s3 = (s - 2) % _NSLOT

            @pl.when(jnp.logical_and(k >= 2, k + 3 <= _NCH - 1))
            def _retire_refill():
                wait_store(s3)
                fire_gather(k + 3, s3)

        return carry

    lax.fori_loop(0, _NBLK, block, 0)

    process(_NCH - 2, 0)
    process(_NCH - 1, 1)

    for sl in (2, 3, 4, 0, 1):
        wait_store(sl)


def kernel(tokens, token_embd, position_embd):
    tokens_t = tokens.astype(jnp.int32).T.reshape(-1)
    pos_flat = jnp.pad(position_embd, ((0, 3), (0, 0))).reshape(-1)
    out = _embed_sc(tokens_t, pos_flat, token_embd)
    return out.reshape(_B, _T, _D)

# --- scband reference (transcript-rebuilt; emitter-appended) ---
"""Pipeline reference for scband-clipembedding-1649267441959 (READ-ONLY COPY).

The authoritative reference and input builder live on the scoring server;
editing this copy changes nothing except your own understanding.
"""

import jax, jax.numpy as jnp
import numpy as np

N_VOCAB = 49408
N_EMBD = 768
N_TOKENS = 77
BATCH = 1024

def setup_inputs(seed: int = 0) -> dict:
    key = jax.random.key(seed)
    k_tok, k_tab, k_pos = jax.random.split(key, 3)
    tokens = jax.random.randint(k_tok, (BATCH, N_TOKENS), 0, N_VOCAB, dtype=jnp.int64 if jax.config.jax_enable_x64 else jnp.int32)
    token_embd = jax.random.normal(k_tab, (N_VOCAB, N_EMBD), dtype=jnp.float32) * 0.02
    position_embd = jax.random.normal(k_pos, (N_TOKENS, N_EMBD), dtype=jnp.float32) * 0.01
    return {"tokens": tokens, "token_embd": token_embd, "position_embd": position_embd}

def reference(tokens, token_embd, position_embd):
    # x = self.token_embd(tokens)
    x = jnp.take(token_embd, tokens, axis=0)  # [B, n_tokens, n_embd]
    # x += self.position_embd  (broadcast over batch)
    x = x + position_embd[None, :, :]
    return x

if __name__ == "__main__":
    import jax
    _d = setup_inputs()
    print(jax.jit(kernel)(*tuple(_d.values())))

</pallas_src>

<mosaic_0001>
#map = affine_map<(d0, d1) -> (0)>
#map1 = affine_map<(d0, d1) -> (0, 0)>
module attributes {stable_mosaic.version = 14 : i64} {
  func.func @_embed_sc(%arg0: i32, %arg1: i32, %arg2: memref<78848xi32, #tpu.memory_space<hbm>>, %arg3: memref<61440xf32, #tpu.memory_space<hbm>>, %arg4: memref<49408x768xf32, #tpu.memory_space<hbm>>, %arg5: memref<78848x768xf32, #tpu.memory_space<hbm>>, %arg6: memref<2464xi32, #tpu.memory_space<vmem>>, %arg7: memref<3072xf32, #tpu.memory_space<vmem>>, %arg8: memref<32x768xf32, #tpu.memory_space<vmem>>, %arg9: memref<32x768xf32, #tpu.memory_space<vmem>>, %arg10: memref<32x768xf32, #tpu.memory_space<vmem>>, %arg11: memref<32x768xf32, #tpu.memory_space<vmem>>, %arg12: memref<32x768xf32, #tpu.memory_space<vmem>>, %arg13: memref<32xi32, #tpu.memory_space<vmem>>, %arg14: memref<32xi32, #tpu.memory_space<vmem>>, %arg15: memref<32xi32, #tpu.memory_space<vmem>>, %arg16: memref<32xi32, #tpu.memory_space<vmem>>, %arg17: memref<32xi32, #tpu.memory_space<vmem>>, %arg18: memref<!tpu.dma_semaphore, #tpu.memory_space<semaphore_mem>>, %arg19: memref<!tpu.dma_semaphore, #tpu.memory_space<semaphore_mem>>, %arg20: memref<!tpu.dma_semaphore, #tpu.memory_space<semaphore_mem>>, %arg21: memref<!tpu.dma_semaphore, #tpu.memory_space<semaphore_mem>>, %arg22: memref<!tpu.dma_semaphore, #tpu.memory_space<semaphore_mem>>, %arg23: memref<!tpu.dma_semaphore, #tpu.memory_space<semaphore_mem>>, %arg24: memref<!tpu.dma_semaphore, #tpu.memory_space<semaphore_mem>>, %arg25: memref<!tpu.dma_semaphore, #tpu.memory_space<semaphore_mem>>, %arg26: memref<!tpu.dma_semaphore, #tpu.memory_space<semaphore_mem>>, %arg27: memref<!tpu.dma_semaphore, #tpu.memory_space<semaphore_mem>>) attributes {dimension_semantics = [#tpu.dimension_semantics<core_parallel>, #tpu.dimension_semantics<subcore_parallel>], iteration_bounds = array<i64: 2, 16>, scalar_prefetch = 0 : i64, scratch_operands = 22 : i64, tpu.core_type = #tpu.core_type<sc_vector_subcore>, window_params = [{transform_indices = #map}, {transform_indices = #map}, {transform_indices = #map1}, {transform_indices = #map1}]} {
    %mul3A = arith.constant 2 : i32
    %mul3A_0 = arith.muli %arg1, %mul3A : i32
    %add3A = arith.addi %mul3A_0, %arg0 : i32
    %mul3A_1 = arith.constant 2464 : i32
    %mul3A_2 = arith.muli %add3A, %mul3A_1 : i32
    %jit3A = arith.constant 1024 : i32
    %div3A = arith.divsi %mul3A_2, %jit3A : i32
    %sign3A = arith.constant 0 : i32
    %sign3A_3 = arith.cmpi sgt, %mul3A_2, %sign3A : i32
    %sign3A_4 = arith.extui %sign3A_3 : i1 to i32
    %sign3A_5 = arith.constant 0 : i32
    %sign3A_6 = arith.cmpi slt, %mul3A_2, %sign3A_5 : i32
    %sign3A_7 = arith.extui %sign3A_6 : i1 to i32
    %sign3A_8 = arith.subi %sign3A_4, %sign3A_7 : i32
    %sign3A_9 = arith.constant 0 : i32
    %sign3A_10 = arith.cmpi sgt, %jit3A, %sign3A_9 : i32
    %sign3A_11 = arith.extui %sign3A_10 : i1 to i32
    %sign3A_12 = arith.constant 0 : i32
    %sign3A_13 = arith.cmpi slt, %jit3A, %sign3A_12 : i32
    %sign3A_14 = arith.extui %sign3A_13 : i1 to i32
    %sign3A_15 = arith.subi %sign3A_11, %sign3A_14 : i32
    %ne3A = arith.cmpi ne, %sign3A_8, %sign3A_15 : i32
    %rem3A = arith.remsi %mul3A_2, %jit3A : i32
    %ne3A_16 = arith.constant 0 : i32
    %ne3A_17 = arith.cmpi ne, %rem3A, %ne3A_16 : i32
    %and3A = arith.andi %ne3A, %ne3A_17 : i1
    %sub3A = arith.constant 1 : i32
    %sub3A_18 = arith.subi %div3A, %sub3A : i32
    %select_n3A = arith.select %and3A, %sub3A_18, %div3A : i32
    "tpu.region"() ({
      %run_scoped3A = tpu.sem_alloc : memref<!tpu.dma_semaphore, #tpu.memory_space<semaphore_mem>>
      %dma_start3A_216 = tpu.memref_slice %arg2[%mul3A_2] : memref<78848xi32, #tpu.memory_space<hbm>> -> memref<2464xi32, #tpu.memory_space<hbm>>
      %dma_start3A_217 = tpu.memref_slice %arg2[%mul3A_2] : memref<78848xi32, #tpu.memory_space<hbm>> -> memref<2464xi32, #tpu.memory_space<hbm>>
      tpu.enqueue_dma source(%dma_start3A_217 : memref<2464xi32, #tpu.memory_space<hbm>>) target(%arg6 : memref<2464xi32, #tpu.memory_space<vmem>>) target_semaphore(%run_scoped3A : memref<!tpu.dma_semaphore, #tpu.memory_space<semaphore_mem>>)
      %dma_wait3A_218 = tpu.memref_slice %arg2[%mul3A_2] : memref<78848xi32, #tpu.memory_space<hbm>> -> memref<2464xi32, #tpu.memory_space<hbm>>
      %dma_wait3A_219 = tpu.memref_slice %arg2[%mul3A_2] : memref<78848xi32, #tpu.memory_space<hbm>> -> memref<2464xi32, #tpu.memory_space<hbm>>
      tpu.wait_dma2 semaphore(%run_scoped3A : memref<!tpu.dma_semaphore, #tpu.memory_space<semaphore_mem>>) src(%dma_wait3A_219 : memref<2464xi32, #tpu.memory_space<hbm>>) dst(%arg6 : memref<2464xi32, #tpu.memory_space<vmem>>)
      tpu.yield
    }) : () -> ()
    %mul3A_19 = arith.constant 768 : i32
    %mul3A_20 = arith.muli %select_n3A, %mul3A_19 : i32
    "tpu.region"() ({
      %run_scoped3A = tpu.sem_alloc : memref<!tpu.dma_semaphore, #tpu.memory_space<semaphore_mem>>
      %dma_start3A_216 = tpu.memref_slice %arg3[%mul3A_20] : memref<61440xf32, #tpu.memory_space<hbm>> -> memref<3072xf32, #tpu.memory_space<hbm>>
      %dma_start3A_217 = tpu.memref_slice %arg3[%mul3A_20] : memref<61440xf32, #tpu.memory_space<hbm>> -> memref<3072xf32, #tpu.memory_space<hbm>>
      tpu.enqueue_dma source(%dma_start3A_217 : memref<3072xf32, #tpu.memory_space<hbm>>) target(%arg7 : memref<3072xf32, #tpu.memory_space<vmem>>) target_semaphore(%run_scoped3A : memref<!tpu.dma_semaphore, #tpu.memory_space<semaphore_mem>>)
      %dma_wait3A_218 = tpu.memref_slice %arg3[%mul3A_20] : memref<61440xf32, #tpu.memory_space<hbm>> -> memref<3072xf32, #tpu.memory_space<hbm>>
      %dma_wait3A_219 = tpu.memref_slice %arg3[%mul3A_20] : memref<61440xf32, #tpu.memory_space<hbm>> -> memref<3072xf32, #tpu.memory_space<hbm>>
      tpu.wait_dma2 semaphore(%run_scoped3A : memref<!tpu.dma_semaphore, #tpu.memory_space<semaphore_mem>>) src(%dma_wait3A_219 : memref<3072xf32, #tpu.memory_space<hbm>>) dst(%arg7 : memref<3072xf32, #tpu.memory_space<vmem>>)
      tpu.yield
    }) : () -> ()
    %dma_start3A = arith.constant 0 : i32
    %dma_start3A_21 = tpu.memref_slice %arg6[%dma_start3A] : memref<2464xi32, #tpu.memory_space<vmem>> -> memref<32xi32, #tpu.memory_space<vmem>>
    %dma_start3A_22 = arith.constant 0 : i32
    %dma_start3A_23 = arith.constant 0 : i32
    %dma_start3A_24 = tpu.memref_slice %arg4[%dma_start3A_22, %dma_start3A_23] : memref<49408x768xf32, #tpu.memory_space<hbm>> -> memref<49408x768xf32, #tpu.memory_space<hbm>>
    tpu.enqueue_indirect_dma source(%dma_start3A_24 : memref<49408x768xf32, #tpu.memory_space<hbm>>) target(%arg8 : memref<32x768xf32, #tpu.memory_space<vmem>>) offsets(%dma_start3A_21 : memref<32xi32, #tpu.memory_space<vmem>>) semaphore(%arg18 : memref<!tpu.dma_semaphore, #tpu.memory_space<semaphore_mem>>)
    %dma_start3A_25 = arith.constant 32 : i32
    %dma_start3A_26 = tpu.memref_slice %arg6[%dma_start3A_25] : memref<2464xi32, #tpu.memory_space<vmem>> -> memref<32xi32, #tpu.memory_space<vmem>>
    %dma_start3A_27 = arith.constant 0 : i32
    %dma_start3A_28 = arith.constant 0 : i32
    %dma_start3A_29 = tpu.memref_slice %arg4[%dma_start3A_27, %dma_start3A_28] : memref<49408x768xf32, #tpu.memory_space<hbm>> -> memref<49408x768xf32, #tpu.memory_space<hbm>>
    tpu.enqueue_indirect_dma source(%dma_start3A_29 : memref<49408x768xf32, #tpu.memory_space<hbm>>) target(%arg9 : memref<32x768xf32, #tpu.memory_space<vmem>>) offsets(%dma_start3A_26 : memref<32xi32, #tpu.memory_space<vmem>>) semaphore(%arg19 : memref<!tpu.dma_semaphore, #tpu.memory_space<semaphore_mem>>)
    %dma_start3A_30 = arith.constant 64 : i32
    %dma_start3A_31 = tpu.memref_slice %arg6[%dma_start3A_30] : memref<2464xi32, #tpu.memory_space<vmem>> -> memref<32xi32, #tpu.memory_space<vmem>>
    %dma_start3A_32 = arith.constant 0 : i32
    %dma_start3A_33 = arith.constant 0 : i32
    %dma_start3A_34 = tpu.memref_slice %arg4[%dma_start3A_32, %dma_start3A_33] : memref<49408x768xf32, #tpu.memory_space<hbm>> -> memref<49408x768xf32, #tpu.memory_space<hbm>>
    tpu.enqueue_indirect_dma source(%dma_start3A_34 : memref<49408x768xf32, #tpu.memory_space<hbm>>) target(%arg10 : memref<32x768xf32, #tpu.memory_space<vmem>>) offsets(%dma_start3A_31 : memref<32xi32, #tpu.memory_space<vmem>>) semaphore(%arg20 : memref<!tpu.dma_semaphore, #tpu.memory_space<semaphore_mem>>)
    %dma_start3A_35 = arith.constant 96 : i32
    %dma_start3A_36 = tpu.memref_slice %arg6[%dma_start3A_35] : memref<2464xi32, #tpu.memory_space<vmem>> -> memref<32xi32, #tpu.memory_space<vmem>>
    %dma_start3A_37 = arith.constant 0 : i32
    %dma_start3A_38 = arith.constant 0 : i32
    %dma_start3A_39 = tpu.memref_slice %arg4[%dma_start3A_37, %dma_start3A_38] : memref<49408x768xf32, #tpu.memory_space<hbm>> -> memref<49408x768xf32, #tpu.memory_space<hbm>>
    tpu.enqueue_indirect_dma source(%dma_start3A_39 : memref<49408x768xf32, #tpu.memory_space<hbm>>) target(%arg11 : memref<32x768xf32, #tpu.memory_space<vmem>>) offsets(%dma_start3A_36 : memref<32xi32, #tpu.memory_space<vmem>>) semaphore(%arg21 : memref<!tpu.dma_semaphore, #tpu.memory_space<semaphore_mem>>)
    %dma_start3A_40 = arith.constant 128 : i32
    %dma_start3A_41 = tpu.memref_slice %arg6[%dma_start3A_40] : memref<2464xi32, #tpu.memory_space<vmem>> -> memref<32xi32, #tpu.memory_space<vmem>>
    %dma_start3A_42 = arith.constant 0 : i32
    %dma_start3A_43 = arith.constant 0 : i32
    %dma_start3A_44 = tpu.memref_slice %arg4[%dma_start3A_42, %dma_start3A_43] : memref<49408x768xf32, #tpu.memory_space<hbm>> -> memref<49408x768xf32, #tpu.memory_space<hbm>>
    tpu.enqueue_indirect_dma source(%dma_start3A_44 : memref<49408x768xf32, #tpu.memory_space<hbm>>) target(%arg12 : memref<32x768xf32, #tpu.memory_space<vmem>>) offsets(%dma_start3A_41 : memref<32xi32, #tpu.memory_space<vmem>>) semaphore(%arg22 : memref<!tpu.dma_semaphore, #tpu.memory_space<semaphore_mem>>)
    %scan3A = arith.constant 0 : i32
    %scan3A_45 = arith.constant 0 : i32
    %scan3A_46 = arith.constant 15 : i32
    %scan3A_47 = arith.addi %scan3A_45, %scan3A_46 : i32
    %scan3A_48 = arith.constant 1 : i32
    scf.for %scan3A_216 = %scan3A_45 to %scan3A_47 step %scan3A_48  : i32 {
      %mul3A_217 = arith.constant 5 : i32
      %mul3A_218 = arith.muli %scan3A_216, %mul3A_217 : i32
      %add3A_219 = arith.constant 0 : i32
      %add3A_220 = arith.addi %mul3A_218, %add3A_219 : i32
      %mul3A_221 = arith.constant 32 : i32
      %mul3A_222 = arith.muli %add3A_220, %mul3A_221 : i32
      %add3A_223 = arith.addi %mul3A_2, %mul3A_222 : i32
      %jit3A_224 = arith.constant 1024 : i32
      %div3A_225 = arith.divsi %add3A_223, %jit3A_224 : i32
      %sign3A_226 = arith.constant 0 : i32
      %sign3A_227 = arith.cmpi sgt, %add3A_223, %sign3A_226 : i32
      %sign3A_228 = arith.extui %sign3A_227 : i1 to i32
      %sign3A_229 = arith.constant 0 : i32
      %sign3A_230 = arith.cmpi slt, %add3A_223, %sign3A_229 : i32
      %sign3A_231 = arith.extui %sign3A_230 : i1 to i32
      %sign3A_232 = arith.subi %sign3A_228, %sign3A_231 : i32
      %sign3A_233 = arith.constant 0 : i32
      %sign3A_234 = arith.cmpi sgt, %jit3A_224, %sign3A_233 : i32
      %sign3A_235 = arith.extui %sign3A_234 : i1 to i32
      %sign3A_236 = arith.constant 0 : i32
      %sign3A_237 = arith.cmpi slt, %jit3A_224, %sign3A_236 : i32
      %sign3A_238 = arith.extui %sign3A_237 : i1 to i32
      %sign3A_239 = arith.subi %sign3A_235, %sign3A_238 : i32
      %ne3A_240 = arith.cmpi ne, %sign3A_232, %sign3A_239 : i32
      %rem3A_241 = arith.remsi %add3A_223, %jit3A_224 : i32
      %ne3A_242 = arith.constant 0 : i32
      %ne3A_243 = arith.cmpi ne, %rem3A_241, %ne3A_242 : i32
      %and3A_244 = arith.andi %ne3A_240, %ne3A_243 : i1
      %sub3A_245 = arith.constant 1 : i32
      %sub3A_246 = arith.subi %div3A_225, %sub3A_245 : i32
      %select_n3A_247 = arith.select %and3A_244, %sub3A_246, %div3A_225 : i32
      %jit3A_248 = arith.constant 1024 : i32
      %eq3A_249 = arith.constant 0 : i32
      %eq3A_250 = arith.cmpi eq, %jit3A_248, %eq3A_249 : i32
      %jit3A_251 = arith.constant 1 : i32
      %select_n3A_252 = arith.select %eq3A_250, %jit3A_251, %jit3A_248 : i32
      %rem3A_253 = arith.remsi %add3A_223, %select_n3A_252 : i32
      %ne3A_254 = arith.constant 0 : i32
      %ne3A_255 = arith.cmpi ne, %rem3A_253, %ne3A_254 : i32
      %lt3A_256 = arith.constant 0 : i32
      %lt3A_257 = arith.cmpi slt, %rem3A_253, %lt3A_256 : i32
      %lt3A_258 = arith.constant 0 : i32
      %lt3A_259 = arith.cmpi slt, %select_n3A_252, %lt3A_258 : i32
      %ne3A_260 = arith.xori %lt3A_257, %lt3A_259 : i1
      %and3A_261 = arith.andi %ne3A_260, %ne3A_255 : i1
      %add3A_262 = arith.addi %rem3A_253, %select_n3A_252 : i32
      %select_n3A_263 = arith.select %and3A_261, %add3A_262, %rem3A_253 : i32
      %sub3A_264 = arith.subi %select_n3A_247, %select_n3A : i32
      %mul3A_265 = arith.constant 77 : i32
      %mul3A_266 = arith.muli %select_n3A_263, %mul3A_265 : i32
      %add3A_267 = arith.addi %mul3A_266, %select_n3A_247 : i32
      %iota3A_268 = tpu.iota {dimensions = array<i32: 0>} : vector<16xi32>
      %mul3A_269 = arith.constant 77 : i32
      %mul3A_270 = vector.broadcast %mul3A_269 : i32 to vector<16xi32>
      %mul3A_271 = arith.muli %iota3A_268, %mul3A_270 : vector<16xi32>
      %add3A_272 = vector.broadcast %add3A_267 : i32 to vector<16xi32>
      %add3A_273 = arith.addi %mul3A_271, %add3A_272 : vector<16xi32>
      %swap3A_274 = arith.constant 0 : index
      %swap3A_275 = tpu.vector_load %arg13[%swap3A_274] {strides = array<i32>} : memref<32xi32, #tpu.memory_space<vmem>>, vector<16xi32>,
      %swap3A_276 = vector.shape_cast %swap3A_275 : vector<16xi32> to vector<16xi32>
      %swap3A_277 = vector.shape_cast %add3A_273 : vector<16xi32> to vector<16xi32>
      tpu.vector_store %arg13[%swap3A_274], %swap3A_277 {strides = array<i32>} : memref<32xi32, #tpu.memory_space<vmem>>, vector<16xi32>,
      %add3A_278 = arith.constant 1232 : i32
      %add3A_279 = arith.addi %add3A_267, %add3A_278 : i32
      %add3A_280 = vector.broadcast %add3A_279 : i32 to vector<16xi32>
      %add3A_281 = arith.addi %mul3A_271, %add3A_280 : vector<16xi32>
      %swap3A_282 = arith.constant 16 : index
      %swap3A_283 = tpu.vector_load %arg13[%swap3A_282] {strides = array<i32>} : memref<32xi32, #tpu.memory_space<vmem>>, vector<16xi32>,
      %swap3A_284 = vector.shape_cast %swap3A_283 : vector<16xi32> to vector<16xi32>
      %swap3A_285 = vector.shape_cast %add3A_281 : vector<16xi32> to vector<16xi32>
      tpu.vector_store %arg13[%swap3A_282], %swap3A_285 {strides = array<i32>} : memref<32xi32, #tpu.memory_space<vmem>>, vector<16xi32>,
      %mul3A_286 = arith.constant 32 : i32
      %mul3A_287 = arith.muli %add3A_220, %mul3A_286 : i32
      %dma_wait3A_288 = tpu.memref_slice %arg6[%mul3A_287] : memref<2464xi32, #tpu.memory_space<vmem>> -> memref<32xi32, #tpu.memory_space<vmem>>
      %dma_wait3A_289 = arith.constant 0 : i32
      %dma_wait3A_290 = arith.constant 0 : i32
      %dma_wait3A_291 = tpu.memref_slice %arg4[%dma_wait3A_289, %dma_wait3A_290] : memref<49408x768xf32, #tpu.memory_space<hbm>> -> memref<49408x768xf32, #tpu.memory_space<hbm>>
      tpu.wait_indirect_dma semaphore(%arg18 : memref<!tpu.dma_semaphore, #tpu.memory_space<semaphore_mem>>) src(%dma_wait3A_291 : memref<49408x768xf32, #tpu.memory_space<hbm>>) dst(%arg8 : memref<32x768xf32, #tpu.memory_space<vmem>>)
      %scan3A_292 = arith.constant 0 : i32
      %scan3A_293 = arith.constant 0 : i32
      %scan3A_294 = arith.constant 48 : i32
      %scan3A_295 = arith.addi %scan3A_293, %scan3A_294 : i32
      %scan3A_296 = arith.constant 1 : i32
      scf.for %scan3A_683 = %scan3A_293 to %scan3A_295 step %scan3A_296  : i32 {
        %mul3A_684 = arith.constant 16 : i32
        %mul3A_685 = arith.muli %scan3A_683, %mul3A_684 : i32
        %mul3A_686 = arith.constant 768 : i32
        %mul3A_687 = arith.muli %sub3A_264, %mul3A_686 : i32
        %add3A_688 = arith.addi %mul3A_687, %mul3A_685 : i32
        %get3A = arith.index_cast %add3A_688 : i32 to index
        %get3A_689 = tpu.vector_load %arg7[%get3A] {strides = array<i32>} : memref<3072xf32, #tpu.memory_space<vmem>>, vector<16xf32>,
        %get3A_690 = vector.shape_cast %get3A_689 : vector<16xf32> to vector<16xf32>
        %swap3A_691 = arith.constant 0 : i32
        %swap3A_692 = arith.index_cast %swap3A_691 : i32 to index
        %swap3A_693 = arith.index_cast %mul3A_685 : i32 to index
        %swap3A_694 = tpu.vector_load %arg8[%swap3A_692, %swap3A_693] {strides = array<i32>} : memref<32x768xf32, #tpu.memory_space<vmem>>, vector<1x16xf32>,
        %swap3A_695 = vector.shape_cast %swap3A_694 : vector<1x16xf32> to vector<16xf32>
        %swap3A_696 = vector.shape_cast %get3A_690 : vector<16xf32> to vector<1x16xf32>
        tpu.vector_store %arg8[%swap3A_692, %swap3A_693], %swap3A_696 {add = true, strides = array<i32>} : memref<32x768xf32, #tpu.memory_space<vmem>>, vector<1x16xf32>,
        %swap3A_697 = arith.constant 1 : i32
        %swap3A_698 = arith.index_cast %swap3A_697 : i32 to index
        %swap3A_699 = arith.index_cast %mul3A_685 : i32 to index
        %swap3A_700 = tpu.vector_load %arg8[%swap3A_698, %swap3A_699] {strides = array<i32>} : memref<32x768xf32, #tpu.memory_space<vmem>>, vector<1x16xf32>,
        %swap3A_701 = vector.shape_cast %swap3A_700 : vector<1x16xf32> to vector<16xf32>
        %swap3A_702 = vector.shape_cast %get3A_690 : vector<16xf32> to vector<1x16xf32>
        tpu.vector_store %arg8[%swap3A_698, %swap3A_699], %swap3A_702 {add = true, strides = array<i32>} : memref<32x768xf32, #tpu.memory_space<vmem>>, vector<1x16xf32>,
        %swap3A_703 = arith.constant 2 : i32
        %swap3A_704 = arith.index_cast %swap3A_703 : i32 to index
        %swap3A_705 = arith.index_cast %mul3A_685 : i32 to index
        %swap3A_706 = tpu.vector_load %arg8[%swap3A_704, %swap3A_705] {strides = array<i32>} : memref<32x768xf32, #tpu.memory_space<vmem>>, vector<1x16xf32>,
        %swap3A_707 = vector.shape_cast %swap3A_706 : vector<1x16xf32> to vector<16xf32>
        %swap3A_708 = vector.shape_cast %get3A_690 : vector<16xf32> to vector<1x16xf32>
        tpu.vector_store %arg8[%swap3A_704, %swap3A_705], %swap3A_708 {add = true, strides = array<i32>} : memref<32x768xf32, #tpu.memory_space<vmem>>, vector<1x16xf32>,
        %swap3A_709 = arith.constant 3 : i32
        %swap3A_710 = arith.index_cast %swap3A_709 : i32 to index
        %swap3A_711 = arith.index_cast %mul3A_685 : i32 to index
        %swap3A_712 = tpu.vector_load %arg8[%swap3A_710, %swap3A_711] {strides = array<i32>} : memref<32x768xf32, #tpu.memory_space<vmem>>, vector<1x16xf32>,
        %swap3A_713 = vector.shape_cast %swap3A_712 : vector<1x16xf32> to vector<16xf32>
        %swap3A_714 = vector.shape_cast %get3A_690 : vector<16xf32> to vector<1x16xf32>
        tpu.vector_store %arg8[%swap3A_710, %swap3A_711], %swap3A_714 {add = true, strides = array<i32>} : memref<32x768xf32, #tpu.memory_space<vmem>>, vector<1x16xf32>,
        %swap3A_715 = arith.constant 4 : i32
        %swap3A_716 = arith.index_cast %swap3A_715 : i32 to index
        %swap3A_717 = arith.index_cast %mul3A_685 : i32 to index
        %swap3A_718 = tpu.vector_load %arg8[%swap3A_716, %swap3A_717] {strides = array<i32>} : memref<32x768xf32, #tpu.memory_space<vmem>>, vector<1x16xf32>,
        %swap3A_719 = vector.shape_cast %swap3A_718 : vector<1x16xf32> to vector<16xf32>
        %swap3A_720 = vector.shape_cast %get3A_690 : vector<16xf32> to vector<1x16xf32>
        tpu.vector_store %arg8[%swap3A_716, %swap3A_717], %swap3A_720 {add = true, strides = array<i32>} : memref<32x768xf32, #tpu.memory_space<vmem>>, vector<1x16xf32>,
        %swap3A_721 = arith.constant 5 : i32
        %swap3A_722 = arith.index_cast %swap3A_721 : i32 to index
        %swap3A_723 = arith.index_cast %mul3A_685 : i32 to index
        %swap3A_724 = tpu.vector_load %arg8[%swap3A_722, %swap3A_723] {strides = array<i32>} : memref<32x768xf32, #tpu.memory_space<vmem>>, vector<1x16xf32>,
        %swap3A_725 = vector.shape_cast %swap3A_724 : vector<1x16xf32> to vector<16xf32>
        %swap3A_726 = vector.shape_cast %get3A_690 : vector<16xf32> to vector<1x16xf32>
        tpu.vector_store %arg8[%swap3A_722, %swap3A_723], %swap3A_726 {add = true, strides = array<i32>} : memref<32x768xf32, #tpu.memory_space<vmem>>, vector<1x16xf32>,
        %swap3A_727 = arith.constant 6 : i32
        %swap3A_728 = arith.index_cast %swap3A_727 : i32 to index
        %swap3A_729 = arith.index_cast %mul3A_685 : i32 to index
        %swap3A_730 = tpu.vector_load %arg8[%swap3A_728, %swap3A_729] {strides = array<i32>} : memref<32x768xf32, #tpu.memory_space<vmem>>, vector<1x16xf32>,
        %swap3A_731 = vector.shape_cast %swap3A_730 : vector<1x16xf32> to vector<16xf32>
        %swap3A_732 = vector.shape_cast %get3A_690 : vector<16xf32> to vector<1x16xf32>
        tpu.vector_store %arg8[%swap3A_728, %swap3A_729], %swap3A_732 {add = true, strides = array<i32>} : memref<32x768xf32, #tpu.memory_space<vmem>>, vector<1x16xf32>,
        %swap3A_733 = arith.constant 7 : i32
        %swap3A_734 = arith.index_cast %swap3A_733 : i32 to index
        %swap3A_735 = arith.index_cast %mul3A_685 : i32 to index
        %swap3A_736 = tpu.vector_load %arg8[%swap3A_734, %swap3A_735] {strides = array<i32>} : memref<32x768xf32, #tpu.memory_space<vmem>>, vector<1x16xf32>,
        %swap3A_737 = vector.shape_cast %swap3A_736 : vector<1x16xf32> to vector<16xf32>
        %swap3A_738 = vector.shape_cast %get3A_690 : vector<16xf32> to vector<1x16xf32>
        tpu.vector_store %arg8[%swap3A_734, %swap3A_735], %swap3A_738 {add = true, strides = array<i32>} : memref<32x768xf32, #tpu.memory_space<vmem>>, vector<1x16xf32>,
        %swap3A_739 = arith.constant 8 : i32
        %swap3A_740 = arith.index_cast %swap3A_739 : i32 to index
        %swap3A_741 = arith.index_cast %mul3A_685 : i32 to index
        %swap3A_742 = tpu.vector_load %arg8[%swap3A_740, %swap3A_741] {strides = array<i32>} : memref<32x768xf32, #tpu.memory_space<vmem>>, vector<1x16xf32>,
        %swap3A_743 = vector.shape_cast %swap3A_742 : vector<1x16xf32> to vector<16xf32>
        %swap3A_744 = vector.shape_cast %get3A_690 : vector<16xf32> to vector<1x16xf32>
        tpu.vector_store %arg8[%swap3A_740, %swap3A_741], %swap3A_744 {add = true, strides = array<i32>} : memref<32x768xf32, #tpu.memory_space<vmem>>, vector<1x16xf32>,
        %swap3A_745 = arith.constant 9 : i32
        %swap3A_746 = arith.index_cast %swap3A_745 : i32 to index
        %swap3A_747 = arith.index_cast %mul3A_685 : i32 to index
        %swap3A_748 = tpu.vector_load %arg8[%swap3A_746, %swap3A_747] {strides = array<i32>} : memref<32x768xf32, #tpu.memory_space<vmem>>, vector<1x16xf32>,
        %swap3A_749 = vector.shape_cast %swap3A_748 : vector<1x16xf32> to vector<16xf32>
        %swap3A_750 = vector.shape_cast %get3A_690 : vector<16xf32> to vector<1x16xf32>
        tpu.vector_store %arg8[%swap3A_746, %swap3A_747], %swap3A_750 {add = true, strides = array<i32>} : memref<32x768xf32, #tpu.memory_space<vmem>>, vector<1x16xf32>,
        %swap3A_751 = arith.constant 10 : i32
        %swap3A_752 = arith.index_cast %swap3A_751 : i32 to index
        %swap3A_753 = arith.index_cast %mul3A_685 : i32 to index
        %swap3A_754 = tpu.vector_load %arg8[%swap3A_752, %swap3A_753] {strides = array<i32>} : memref<32x768xf32, #tpu.memory_space<vmem>>, vector<1x16xf32>,
        %swap3A_755 = vector.shape_cast %swap3A_754 : vector<1x16xf32> to vector<16xf32>
        %swap3A_756 = vector.shape_cast %get3A_690 : vector<16xf32> to vector<1x16xf32>
        tpu.vector_store %arg8[%swap3A_752, %swap3A_753], %swap3A_756 {add = true, strides = array<i32>} : memref<32x768xf32, #tpu.memory_space<vmem>>, vector<1x16xf32>,
        %swap3A_757 = arith.constant 11 : i32
        %swap3A_758 = arith.index_cast %swap3A_757 : i32 to index
        %swap3A_759 = arith.index_cast %mul3A_685 : i32 to index
        %swap3A_760 = tpu.vector_load %arg8[%swap3A_758, %swap3A_759] {strides = array<i32>} : memref<32x768xf32, #tpu.memory_space<vmem>>, vector<1x16xf32>,
        %swap3A_761 = vector.shape_cast %swap3A_760 : vector<1x16xf32> to vector<16xf32>
        %swap3A_762 = vector.shape_cast %get3A_690 : vector<16xf32> to vector<1x16xf32>
        tpu.vector_store %arg8[%swap3A_758, %swap3A_759], %swap3A_762 {add = true, strides = array<i32>} : memref<32x768xf32, #tpu.memory_space<vmem>>, vector<1x16xf32>,
        %swap3A_763 = arith.constant 12 : i32
        %swap3A_764 = arith.index_cast %swap3A_763 : i32 to index
        %swap3A_765 = arith.index_cast %mul3A_685 : i32 to index
        %swap3A_766 = tpu.vector_load %arg8[%swap3A_764, %swap3A_765] {strides = array<i32>} : memref<32x768xf32, #tpu.memory_space<vmem>>, vector<1x16xf32>,
        %swap3A_767 = vector.shape_cast %swap3A_766 : vector<1x16xf32> to vector<16xf32>
        %swap3A_768 = vector.shape_cast %get3A_690 : vector<16xf32> to vector<1x16xf32>
        tpu.vector_store %arg8[%swap3A_764, %swap3A_765], %swap3A_768 {add = true, strides = array<i32>} : memref<32x768xf32, #tpu.memory_space<vmem>>, vector<1x16xf32>,
        %swap3A_769 = arith.constant 13 : i32
        %swap3A_770 = arith.index_cast %swap3A_769 : i32 to index
        %swap3A_771 = arith.index_cast %mul3A_685 : i32 to index
        %swap3A_772 = tpu.vector_load %arg8[%swap3A_770, %swap3A_771] {strides = array<i32>} : memref<32x768xf32, #tpu.memory_space<vmem>>, vector<1x16xf32>,
        %swap3A_773 = vector.shape_cast %swap3A_772 : vector<1x16xf32> to vector<16xf32>
        %swap3A_774 = vector.shape_cast %get3A_690 : vector<16xf32> to vector<1x16xf32>
        tpu.vector_store %arg8[%swap3A_770, %swap3A_771], %swap3A_774 {add = true, strides = array<i32>} : memref<32x768xf32, #tpu.memory_space<vmem>>, vector<1x16xf32>,
        %swap3A_775 = arith.constant 14 : i32
        %swap3A_776 = arith.index_cast %swap3A_775 : i32 to index
        %swap3A_777 = arith.index_cast %mul3A_685 : i32 to index
        %swap3A_778 = tpu.vector_load %arg8[%swap3A_776, %swap3A_777] {strides = array<i32>} : memref<32x768xf32, #tpu.memory_space<vmem>>, vector<1x16xf32>,
        %swap3A_779 = vector.shape_cast %swap3A_778 : vector<1x16xf32> to vector<16xf32>
        %swap3A_780 = vector.shape_cast %get3A_690 : vector<16xf32> to vector<1x16xf32>
        tpu.vector_store %arg8[%swap3A_776, %swap3A_777], %swap3A_780 {add = true, strides = array<i32>} : memref<32x768xf32, #tpu.memory_space<vmem>>, vector<1x16xf32>,
        %swap3A_781 = arith.constant 15 : i32
        %swap3A_782 = arith.index_cast %swap3A_781 : i32 to index
        %swap3A_783 = arith.index_cast %mul3A_685 : i32 to index
        %swap3A_784 = tpu.vector_load %arg8[%swap3A_782, %swap3A_783] {strides = array<i32>} : memref<32x768xf32, #tpu.memory_space<vmem>>, vector<1x16xf32>,
        %swap3A_785 = vector.shape_cast %swap3A_784 : vector<1x16xf32> to vector<16xf32>
        %swap3A_786 = vector.shape_cast %get3A_690 : vector<16xf32> to vector<1x16xf32>
        tpu.vector_store %arg8[%swap3A_782, %swap3A_783], %swap3A_786 {add = true, strides = array<i32>} : memref<32x768xf32, #tpu.memory_space<vmem>>, vector<1x16xf32>,
        %swap3A_787 = arith.constant 16 : i32
        %swap3A_788 = arith.index_cast %swap3A_787 : i32 to index
        %swap3A_789 = arith.index_cast %mul3A_685 : i32 to index
        %swap3A_790 = tpu.vector_load %arg8[%swap3A_788, %swap3A_789] {strides = array<i32>} : memref<32x768xf32, #tpu.memory_space<vmem>>, vector<1x16xf32>,
        %swap3A_791 = vector.shape_cast %swap3A_790 : vector<1x16xf32> to vector<16xf32>
        %swap3A_792 = vector.shape_cast %get3A_690 : vector<16xf32> to vector<1x16xf32>
        tpu.vector_store %arg8[%swap3A_788, %swap3A_789], %swap3A_792 {add = true, strides = array<i32>} : memref<32x768xf32, #tpu.memory_space<vmem>>, vector<1x16xf32>,
        %swap3A_793 = arith.constant 17 : i32
        %swap3A_794 = arith.index_cast %swap3A_793 : i32 to index
        %swap3A_795 = arith.index_cast %mul3A_685 : i32 to index
        %swap3A_796 = tpu.vector_load %arg8[%swap3A_794, %swap3A_795] {strides = array<i32>} : memref<32x768xf32, #tpu.memory_space<vmem>>, vector<1x16xf32>,
        %swap3A_797 = vector.shape_cast %swap3A_796 : vector<1x16xf32> to vector<16xf32>
        %swap3A_798 = vector.shape_cast %get3A_690 : vector<16xf32> to vector<1x16xf32>
        tpu.vector_store %arg8[%swap3A_794, %swap3A_795], %swap3A_798 {add = true, strides = array<i32>} : memref<32x768xf32, #tpu.memory_space<vmem>>, vector<1x16xf32>,
        %swap3A_799 = arith.constant 18 : i32
        %swap3A_800 = arith.index_cast %swap3A_799 : i32 to index
        %swap3A_801 = arith.index_cast %mul3A_685 : i32 to index
        %swap3A_802 = tpu.vector_load %arg8[%swap3A_800, %swap3A_801] {strides = array<i32>} : memref<32x768xf32, #tpu.memory_space<vmem>>, vector<1x16xf32>,
        %swap3A_803 = vector.shape_cast %swap3A_802 : vector<1x16xf32> to vector<16xf32>
        %swap3A_804 = vector.shape_cast %get3A_690 : vector<16xf32> to vector<1x16xf32>
        tpu.vector_store %arg8[%swap3A_800, %swap3A_801], %swap3A_804 {add = true, strides = array<i32>} : memref<32x768xf32, #tpu.memory_space<vmem>>, vector<1x16xf32>,
        %swap3A_805 = arith.constant 19 : i32
        %swap3A_806 = arith.index_cast %swap3A_805 : i32 to index
        %swap3A_807 = arith.index_cast %mul3A_685 : i32 to index
        %swap3A_808 = tpu.vector_load %arg8[%swap3A_806, %swap3A_807] {strides = array<i32>} : memref<32x768xf32, #tpu.memory_space<vmem>>, vector<1x16xf32>,
        %swap3A_809 = vector.shape_cast %swap3A_808 : vector<1x16xf32> to vector<16xf32>
        %swap3A_810 = vector.shape_cast %get3A_690 : vector<16xf32> to vector<1x16xf32>
        tpu.vector_store %arg8[%swap3A_806, %swap3A_807], %swap3A_810 {add = true, strides = array<i32>} : memref<32x768xf32, #tpu.memory_space<vmem>>, vector<1x16xf32>,
        %swap3A_811 = arith.constant 20 : i32
        %swap3A_812 = arith.index_cast %swap3A_811 : i32 to index
        %swap3A_813 = arith.index_cast %mul3A_685 : i32 to index
        %swap3A_814 = tpu.vector_load %arg8[%swap3A_812, %swap3A_813] {strides = array<i32>} : memref<32x768xf32, #tpu.memory_space<vmem>>, vector<1x16xf32>,
        %swap3A_815 = vector.shape_cast %swap3A_814 : vector<1x16xf32> to vector<16xf32>
        %swap3A_816 = vector.shape_cast %get3A_690 : vector<16xf32> to vector<1x16xf32>
        tpu.vector_store %arg8[%swap3A_812, %swap3A_813], %swap3A_816 {add = true, strides = array<i32>} : memref<32x768xf32, #tpu.memory_space<vmem>>, vector<1x16xf32>,
        %swap3A_817 = arith.constant 21 : i32
        %swap3A_818 = arith.index_cast %swap3A_817 : i32 to index
        %swap3A_819 = arith.index_cast %mul3A_685 : i32 to index
        %swap3A_820 = tpu.vector_load %arg8[%swap3A_818, %swap3A_819] {strides = array<i32>} : memref<32x768xf32, #tpu.memory_space<vmem>>, vector<1x16xf32>,
        %swap3A_821 = vector.shape_cast %swap3A_820 : vector<1x16xf32> to vector<16xf32>
        %swap3A_822 = vector.shape_cast %get3A_690 : vector<16xf32> to vector<1x16xf32>
        tpu.vector_store %arg8[%swap3A_818, %swap3A_819], %swap3A_822 {add = true, strides = array<i32>} : memref<32x768xf32, #tpu.memory_space<vmem>>, vector<1x16xf32>,
        %swap3A_823 = arith.constant 22 : i32
        %swap3A_824 = arith.index_cast %swap3A_823 : i32 to index
        %swap3A_825 = arith.index_cast %mul3A_685 : i32 to index
        %swap3A_826 = tpu.vector_load %arg8[%swap3A_824, %swap3A_825] {strides = array<i32>} : memref<32x768xf32, #tpu.memory_space<vmem>>, vector<1x16xf32>,
        %swap3A_827 = vector.shape_cast %swap3A_826 : vector<1x16xf32> to vector<16xf32>
        %swap3A_828 = vector.shape_cast %get3A_690 : vector<16xf32> to vector<1x16xf32>
        tpu.vector_store %arg8[%swap3A_824, %swap3A_825], %swap3A_828 {add = true, strides = array<i32>} : memref<32x768xf32, #tpu.memory_space<vmem>>, vector<1x16xf32>,
        %swap3A_829 = arith.constant 23 : i32
        %swap3A_830 = arith.index_cast %swap3A_829 : i32 to index
        %swap3A_831 = arith.index_cast %mul3A_685 : i32 to index
        %swap3A_832 = tpu.vector_load %arg8[%swap3A_830, %swap3A_831] {strides = array<i32>} : memref<32x768xf32, #tpu.memory_space<vmem>>, vector<1x16xf32>,
        %swap3A_833 = vector.shape_cast %swap3A_832 : vector<1x16xf32> to vector<16xf32>
        %swap3A_834 = vector.shape_cast %get3A_690 : vector<16xf32> to vector<1x16xf32>
        tpu.vector_store %arg8[%swap3A_830, %swap3A_831], %swap3A_834 {add = true, strides = array<i32>} : memref<32x768xf32, #tpu.memory_space<vmem>>, vector<1x16xf32>,
        %swap3A_835 = arith.constant 24 : i32
        %swap3A_836 = arith.index_cast %swap3A_835 : i32 to index
        %swap3A_837 = arith.index_cast %mul3A_685 : i32 to index
        %swap3A_838 = tpu.vector_load %arg8[%swap3A_836, %swap3A_837] {strides = array<i32>} : memref<32x768xf32, #tpu.memory_space<vmem>>, vector<1x16xf32>,
        %swap3A_839 = vector.shape_cast %swap3A_838 : vector<1x16xf32> to vector<16xf32>
        %swap3A_840 = vector.shape_cast %get3A_690 : vector<16xf32> to vector<1x16xf32>
        tpu.vector_store %arg8[%swap3A_836, %swap3A_837], %swap3A_840 {add = true, strides = array<i32>} : memref<32x768xf32, #tpu.memory_space<vmem>>, vector<1x16xf32>,
        %swap3A_841 = arith.constant 25 : i32
        %swap3A_842 = arith.index_cast %swap3A_841 : i32 to index
        %swap3A_843 = arith.index_cast %mul3A_685 : i32 to index
        %swap3A_844 = tpu.vector_load %arg8[%swap3A_842, %swap3A_843] {strides = array<i32>} : memref<32x768xf32, #tpu.memory_space<vmem>>, vector<1x16xf32>,
        %swap3A_845 = vector.shape_cast %swap3A_844 : vector<1x16xf32> to vector<16xf32>
        %swap3A_846 = vector.shape_cast %get3A_690 : vector<16xf32> to vector<1x16xf32>
        tpu.vector_store %arg8[%swap3A_842, %swap3A_843], %swap3A_846 {add = true, strides = array<i32>} : memref<32x768xf32, #tpu.memory_space<vmem>>, vector<1x16xf32>,
        %swap3A_847 = arith.constant 26 : i32
        %swap3A_848 = arith.index_cast %swap3A_847 : i32 to index
        %swap3A_849 = arith.index_cast %mul3A_685 : i32 to index
        %swap3A_850 = tpu.vector_load %arg8[%swap3A_848, %swap3A_849] {strides = array<i32>} : memref<32x768xf32, #tpu.memory_space<vmem>>, vector<1x16xf32>,
        %swap3A_851 = vector.shape_cast %swap3A_850 : vector<1x16xf32> to vector<16xf32>
        %swap3A_852 = vector.shape_cast %get3A_690 : vector<16xf32> to vector<1x16xf32>
        tpu.vector_store %arg8[%swap3A_848, %swap3A_849], %swap3A_852 {add = true, strides = array<i32>} : memref<32x768xf32, #tpu.memory_space<vmem>>, vector<1x16xf32>,
        %swap3A_853 = arith.constant 27 : i32
        %swap3A_854 = arith.index_cast %swap3A_853 : i32 to index
        %swap3A_855 = arith.index_cast %mul3A_685 : i32 to index
        %swap3A_856 = tpu.vector_load %arg8[%swap3A_854, %swap3A_855] {strides = array<i32>} : memref<32x768xf32, #tpu.memory_space<vmem>>, vector<1x16xf32>,
        %swap3A_857 = vector.shape_cast %swap3A_856 : vector<1x16xf32> to vector<16xf32>
        %swap3A_858 = vector.shape_cast %get3A_690 : vector<16xf32> to vector<1x16xf32>
        tpu.vector_store %arg8[%swap3A_854, %swap3A_855], %swap3A_858 {add = true, strides = array<i32>} : memref<32x768xf32, #tpu.memory_space<vmem>>, vector<1x16xf32>,
        %swap3A_859 = arith.constant 28 : i32
        %swap3A_860 = arith.index_cast %swap3A_859 : i32 to index
        %swap3A_861 = arith.index_cast %mul3A_685 : i32 to index
        %swap3A_862 = tpu.vector_load %arg8[%swap3A_860, %swap3A_861] {strides = array<i32>} : memref<32x768xf32, #tpu.memory_space<vmem>>, vector<1x16xf32>,
        %swap3A_863 = vector.shape_cast %swap3A_862 : vector<1x16xf32> to vector<16xf32>
        %swap3A_864 = vector.shape_cast %get3A_690 : vector<16xf32> to vector<1x16xf32>
        tpu.vector_store %arg8[%swap3A_860, %swap3A_861], %swap3A_864 {add = true, strides = array<i32>} : memref<32x768xf32, #tpu.memory_space<vmem>>, vector<1x16xf32>,
        %swap3A_865 = arith.constant 29 : i32
        %swap3A_866 = arith.index_cast %swap3A_865 : i32 to index
        %swap3A_867 = arith.index_cast %mul3A_685 : i32 to index
        %swap3A_868 = tpu.vector_load %arg8[%swap3A_866, %swap3A_867] {strides = array<i32>} : memref<32x768xf32, #tpu.memory_space<vmem>>, vector<1x16xf32>,
        %swap3A_869 = vector.shape_cast %swap3A_868 : vector<1x16xf32> to vector<16xf32>
        %swap3A_870 = vector.shape_cast %get3A_690 : vector<16xf32> to vector<1x16xf32>
        tpu.vector_store %arg8[%swap3A_866, %swap3A_867], %swap3A_870 {add = true, strides = array<i32>} : memref<32x768xf32, #tpu.memory_space<vmem>>, vector<1x16xf32>,
        %swap3A_871 = arith.constant 30 : i32
        %swap3A_872 = arith.index_cast %swap3A_871 : i32 to index
        %swap3A_873 = arith.index_cast %mul3A_685 : i32 to index
        %swap3A_874 = tpu.vector_load %arg8[%swap3A_872, %swap3A_873] {strides = array<i32>} : memref<32x768xf32, #tpu.memory_space<vmem>>, vector<1x16xf32>,
        %swap3A_875 = vector.shape_cast %swap3A_874 : vector<1x16xf32> to vector<16xf32>
        %swap3A_876 = vector.shape_cast %get3A_690 : vector<16xf32> to vector<1x16xf32>
        tpu.vector_store %arg8[%swap3A_872, %swap3A_873], %swap3A_876 {add = true, strides = array<i32>} : memref<32x768xf32, #tpu.memory_space<vmem>>, vector<1x16xf32>,
        %swap3A_877 = arith.constant 31 : i32
        %swap3A_878 = arith.index_cast %swap3A_877 : i32 to index
        %swap3A_879 = arith.index_cast %mul3A_685 : i32 to index
        %swap3A_880 = tpu.vector_load %arg8[%swap3A_878, %swap3A_879] {strides = array<i32>} : memref<32x768xf32, #tpu.memory_space<vmem>>, vector<1x16xf32>,
        %swap3A_881 = vector.shape_cast %swap3A_880 : vector<1x16xf32> to vector<16xf32>
        %swap3A_882 = vector.shape_cast %get3A_690 : vector<16xf32> to vector<1x16xf32>
        tpu.vector_store %arg8[%swap3A_878, %swap3A_879], %swap3A_882 {add = true, strides = array<i32>} : memref<32x768xf32, #tpu.memory_space<vmem>>, vector<1x16xf32>,
      }
      %scan3A_297 = arith.constant 48 : i32
      %dma_start3A_298 = arith.constant 0 : i32
      %dma_start3A_299 = arith.constant 0 : i32
      %dma_start3A_300 = tpu.memref_slice %arg5[%dma_start3A_298, %dma_start3A_299] : memref<78848x768xf32, #tpu.memory_space<hbm>> -> memref<78848x768xf32, #tpu.memory_space<hbm>>
      tpu.enqueue_indirect_dma source(%arg8 : memref<32x768xf32, #tpu.memory_space<vmem>>) target(%dma_start3A_300 : memref<78848x768xf32, #tpu.memory_space<hbm>>) offsets(%arg13 : memref<32xi32, #tpu.memory_space<vmem>>) semaphore(%arg23 : memref<!tpu.dma_semaphore, #tpu.memory_space<semaphore_mem>>)
      %ge3A = arith.constant 2 : i32
      %ge3A_301 = arith.cmpi sge, %add3A_220, %ge3A : i32
      %add3A_302 = arith.constant 3 : i32
      %add3A_303 = arith.addi %add3A_220, %add3A_302 : i32
      %le3A = arith.constant 76 : i32
      %le3A_304 = arith.cmpi sle, %add3A_303, %le3A : i32
      %and3A_305 = arith.andi %ge3A_301, %le3A_304 : i1
      %convert_element_type3A = arith.extui %and3A_305 : i1 to i32
      %cond3A = arith.constant 0 : i32
      %cond3A_306 = arith.cmpi ne, %convert_element_type3A, %cond3A : i32
      scf.if %cond3A_306 {
        %dma_wait3A_683 = arith.constant 0 : i32
        %dma_wait3A_684 = arith.constant 0 : i32
        %dma_wait3A_685 = tpu.memref_slice %arg5[%dma_wait3A_683, %dma_wait3A_684] : memref<78848x768xf32, #tpu.memory_space<hbm>> -> memref<78848x768xf32, #tpu.memory_space<hbm>>
        tpu.wait_indirect_dma semaphore(%arg26 : memref<!tpu.dma_semaphore, #tpu.memory_space<semaphore_mem>>) src(%arg11 : memref<32x768xf32, #tpu.memory_space<vmem>>) dst(%dma_wait3A_685 : memref<78848x768xf32, #tpu.memory_space<hbm>>)
        %add3A_686 = arith.constant 3 : i32
        %add3A_687 = arith.addi %add3A_220, %add3A_686 : i32
        %mul3A_688 = arith.constant 32 : i32
        %mul3A_689 = arith.muli %add3A_687, %mul3A_688 : i32
        %dma_start3A_690 = tpu.memref_slice %arg6[%mul3A_689] : memref<2464xi32, #tpu.memory_space<vmem>> -> memref<32xi32, #tpu.memory_space<vmem>>
        %dma_start3A_691 = arith.constant 0 : i32
        %dma_start3A_692 = arith.constant 0 : i32
        %dma_start3A_693 = tpu.memref_slice %arg4[%dma_start3A_691, %dma_start3A_692] : memref<49408x768xf32, #tpu.memory_space<hbm>> -> memref<49408x768xf32, #tpu.memory_space<hbm>>
        tpu.enqueue_indirect_dma source(%dma_start3A_693 : memref<49408x768xf32, #tpu.memory_space<hbm>>) target(%arg11 : memref<32x768xf32, #tpu.memory_space<vmem>>) offsets(%dma_start3A_690 : memref<32xi32, #tpu.memory_space<vmem>>) semaphore(%arg21 : memref<!tpu.dma_semaphore, #tpu.memory_space<semaphore_mem>>)
      } else {
      }
      %mul3A_307 = arith.constant 5 : i32
      %mul3A_308 = arith.muli %scan3A_216, %mul3A_307 : i32
      %add3A_309 = arith.constant 1 : i32
      %add3A_310 = arith.addi %mul3A_308, %add3A_309 : i32
      %mul3A_311 = arith.constant 32 : i32
      %mul3A_312 = arith.muli %add3A_310, %mul3A_311 : i32
      %add3A_313 = arith.addi %mul3A_2, %mul3A_312 : i32
      %jit3A_314 = arith.constant 1024 : i32
      %div3A_315 = arith.divsi %add3A_313, %jit3A_314 : i32
      %sign3A_316 = arith.constant 0 : i32
      %sign3A_317 = arith.cmpi sgt, %add3A_313, %sign3A_316 : i32
      %sign3A_318 = arith.extui %sign3A_317 : i1 to i32
      %sign3A_319 = arith.constant 0 : i32
      %sign3A_320 = arith.cmpi slt, %add3A_313, %sign3A_319 : i32
      %sign3A_321 = arith.extui %sign3A_320 : i1 to i32
      %sign3A_322 = arith.subi %sign3A_318, %sign3A_321 : i32
      %sign3A_323 = arith.constant 0 : i32
      %sign3A_324 = arith.cmpi sgt, %jit3A_314, %sign3A_323 : i32
      %sign3A_325 = arith.extui %sign3A_324 : i1 to i32
      %sign3A_326 = arith.constant 0 : i32
      %sign3A_327 = arith.cmpi slt, %jit3A_314, %sign3A_326 : i32
      %sign3A_328 = arith.extui %sign3A_327 : i1 to i32
      %sign3A_329 = arith.subi %sign3A_325, %sign3A_328 : i32
      %ne3A_330 = arith.cmpi ne, %sign3A_322, %sign3A_329 : i32
      %rem3A_331 = arith.remsi %add3A_313, %jit3A_314 : i32
      %ne3A_332 = arith.constant 0 : i32
      %ne3A_333 = arith.cmpi ne, %rem3A_331, %ne3A_332 : i32
      %and3A_334 = arith.andi %ne3A_330, %ne3A_333 : i1
      %sub3A_335 = arith.constant 1 : i32
      %sub3A_336 = arith.subi %div3A_315, %sub3A_335 : i32
      %select_n3A_337 = arith.select %and3A_334, %sub3A_336, %div3A_315 : i32
      %jit3A_338 = arith.constant 1024 : i32
      %eq3A_339 = arith.constant 0 : i32
      %eq3A_340 = arith.cmpi eq, %jit3A_338, %eq3A_339 : i32
      %jit3A_341 = arith.constant 1 : i32
      %select_n3A_342 = arith.select %eq3A_340, %jit3A_341, %jit3A_338 : i32
      %rem3A_343 = arith.remsi %add3A_313, %select_n3A_342 : i32
      %ne3A_344 = arith.constant 0 : i32
      %ne3A_345 = arith.cmpi ne, %rem3A_343, %ne3A_344 : i32
      %lt3A_346 = arith.constant 0 : i32
      %lt3A_347 = arith.cmpi slt, %rem3A_343, %lt3A_346 : i32
      %lt3A_348 = arith.constant 0 : i32
      %lt3A_349 = arith.cmpi slt, %select_n3A_342, %lt3A_348 : i32
      %ne3A_350 = arith.xori %lt3A_347, %lt3A_349 : i1
      %and3A_351 = arith.andi %ne3A_350, %ne3A_345 : i1
      %add3A_352 = arith.addi %rem3A_343, %select_n3A_342 : i32
      %select_n3A_353 = arith.select %and3A_351, %add3A_352, %rem3A_343 : i32
      %sub3A_354 = arith.subi %select_n3A_337, %select_n3A : i32
      %mul3A_355 = arith.constant 77 : i32
      %mul3A_356 = arith.muli %select_n3A_353, %mul3A_355 : i32
      %add3A_357 = arith.addi %mul3A_356, %select_n3A_337 : i32
      %iota3A_358 = tpu.iota {dimensions = array<i32: 0>} : vector<16xi32>
      %mul3A_359 = arith.constant 77 : i32
      %mul3A_360 = vector.broadcast %mul3A_359 : i32 to vector<16xi32>
      %mul3A_361 = arith.muli %iota3A_358, %mul3A_360 : vector<16xi32>
      %add3A_362 = vector.broadcast %add3A_357 : i32 to vector<16xi32>
      %add3A_363 = arith.addi %mul3A_361, %add3A_362 : vector<16xi32>
      %swap3A_364 = arith.constant 0 : index
      %swap3A_365 = tpu.vector_load %arg14[%swap3A_364] {strides = array<i32>} : memref<32xi32, #tpu.memory_space<vmem>>, vector<16xi32>,
      %swap3A_366 = vector.shape_cast %swap3A_365 : vector<16xi32> to vector<16xi32>
      %swap3A_367 = vector.shape_cast %add3A_363 : vector<16xi32> to vector<16xi32>
      tpu.vector_store %arg14[%swap3A_364], %swap3A_367 {strides = array<i32>} : memref<32xi32, #tpu.memory_space<vmem>>, vector<16xi32>,
      %add3A_368 = arith.constant 1232 : i32
      %add3A_369 = arith.addi %add3A_357, %add3A_368 : i32
      %add3A_370 = vector.broadcast %add3A_369 : i32 to vector<16xi32>
      %add3A_371 = arith.addi %mul3A_361, %add3A_370 : vector<16xi32>
      %swap3A_372 = arith.constant 16 : index
      %swap3A_373 = tpu.vector_load %arg14[%swap3A_372] {strides = array<i32>} : memref<32xi32, #tpu.memory_space<vmem>>, vector<16xi32>,
      %swap3A_374 = vector.shape_cast %swap3A_373 : vector<16xi32> to vector<16xi32>
      %swap3A_375 = vector.shape_cast %add3A_371 : vector<16xi32> to vector<16xi32>
      tpu.vector_store %arg14[%swap3A_372], %swap3A_375 {strides = array<i32>} : memref<32xi32, #tpu.memory_space<vmem>>, vector<16xi32>,
      %mul3A_376 = arith.constant 32 : i32
      %mul3A_377 = arith.muli %add3A_310, %mul3A_376 : i32
      %dma_wait3A_378 = tpu.memref_slice %arg6[%mul3A_377] : memref<2464xi32, #tpu.memory_space<vmem>> -> memref<32xi32, #tpu.memory_space<vmem>>
      %dma_wait3A_379 = arith.constant 0 : i32
      %dma_wait3A_380 = arith.constant 0 : i32
      %dma_wait3A_381 = tpu.memref_slice %arg4[%dma_wait3A_379, %dma_wait3A_380] : memref<49408x768xf32, #tpu.memory_space<hbm>> -> memref<49408x768xf32, #tpu.memory_space<hbm>>
      tpu.wait_indirect_dma semaphore(%arg19 : memref<!tpu.dma_semaphore, #tpu.memory_space<semaphore_mem>>) src(%dma_wait3A_381 : memref<49408x768xf32, #tpu.memory_space<hbm>>) dst(%arg9 : memref<32x768xf32, #tpu.memory_space<vmem>>)
      %scan3A_382 = arith.constant 0 : i32
      %scan3A_383 = arith.constant 0 : i32
      %scan3A_384 = arith.constant 48 : i32
      %scan3A_385 = arith.addi %scan3A_383, %scan3A_384 : i32
      %scan3A_386 = arith.constant 1 : i32
      scf.for %scan3A_683 = %scan3A_383 to %scan3A_385 step %scan3A_386  : i32 {
        %mul3A_684 = arith.constant 16 : i32
        %mul3A_685 = arith.muli %scan3A_683, %mul3A_684 : i32
        %mul3A_686 = arith.constant 768 : i32
        %mul3A_687 = arith.muli %sub3A_354, %mul3A_686 : i32
        %add3A_688 = arith.addi %mul3A_687, %mul3A_685 : i32
        %get3A = arith.index_cast %add3A_688 : i32 to index
        %get3A_689 = tpu.vector_load %arg7[%get3A] {strides = array<i32>} : memref<3072xf32, #tpu.memory_space<vmem>>, vector<16xf32>,
        %get3A_690 = vector.shape_cast %get3A_689 : vector<16xf32> to vector<16xf32>
        %swap3A_691 = arith.constant 0 : i32
        %swap3A_692 = arith.index_cast %swap3A_691 : i32 to index
        %swap3A_693 = arith.index_cast %mul3A_685 : i32 to index
        %swap3A_694 = tpu.vector_load %arg9[%swap3A_692, %swap3A_693] {strides = array<i32>} : memref<32x768xf32, #tpu.memory_space<vmem>>, vector<1x16xf32>,
        %swap3A_695 = vector.shape_cast %swap3A_694 : vector<1x16xf32> to vector<16xf32>
        %swap3A_696 = vector.shape_cast %get3A_690 : vector<16xf32> to vector<1x16xf32>
        tpu.vector_store %arg9[%swap3A_692, %swap3A_693], %swap3A_696 {add = true, strides = array<i32>} : memref<32x768xf32, #tpu.memory_space<vmem>>, vector<1x16xf32>,
        %swap3A_697 = arith.constant 1 : i32
        %swap3A_698 = arith.index_cast %swap3A_697 : i32 to index
        %swap3A_699 = arith.index_cast %mul3A_685 : i32 to index
        %swap3A_700 = tpu.vector_load %arg9[%swap3A_698, %swap3A_699] {strides = array<i32>} : memref<32x768xf32, #tpu.memory_space<vmem>>, vector<1x16xf32>,
        %swap3A_701 = vector.shape_cast %swap3A_700 : vector<1x16xf32> to vector<16xf32>
        %swap3A_702 = vector.shape_cast %get3A_690 : vector<16xf32> to vector<1x16xf32>
        tpu.vector_store %arg9[%swap3A_698, %swap3A_699], %swap3A_702 {add = true, strides = array<i32>} : memref<32x768xf32, #tpu.memory_space<vmem>>, vector<1x16xf32>,
        %swap3A_703 = arith.constant 2 : i32
        %swap3A_704 = arith.index_cast %swap3A_703 : i32 to index
        %swap3A_705 = arith.index_cast %mul3A_685 : i32 to index
        %swap3A_706 = tpu.vector_load %arg9[%swap3A_704, %swap3A_705] {strides = array<i32>} : memref<32x768xf32, #tpu.memory_space<vmem>>, vector<1x16xf32>,
        %swap3A_707 = vector.shape_cast %swap3A_706 : vector<1x16xf32> to vector<16xf32>
        %swap3A_708 = vector.shape_cast %get3A_690 : vector<16xf32> to vector<1x16xf32>
        tpu.vector_store %arg9[%swap3A_704, %swap3A_705], %swap3A_708 {add = true, strides = array<i32>} : memref<32x768xf32, #tpu.memory_space<vmem>>, vector<1x16xf32>,
        %swap3A_709 = arith.constant 3 : i32
        %swap3A_710 = arith.index_cast %swap3A_709 : i32 to index
        %swap3A_711 = arith.index_cast %mul3A_685 : i32 to index
        %swap3A_712 = tpu.vector_load %arg9[%swap3A_710, %swap3A_711] {strides = array<i32>} : memref<32x768xf32, #tpu.memory_space<vmem>>, vector<1x16xf32>,
        %swap3A_713 = vector.shape_cast %swap3A_712 : vector<1x16xf32> to vector<16xf32>
        %swap3A_714 = vector.shape_cast %get3A_690 : vector<16xf32> to vector<1x16xf32>
        tpu.vector_store %arg9[%swap3A_710, %swap3A_711], %swap3A_714 {add = true, strides = array<i32>} : memref<32x768xf32, #tpu.memory_space<vmem>>, vector<1x16xf32>,
        %swap3A_715 = arith.constant 4 : i32
        %swap3A_716 = arith.index_cast %swap3A_715 : i32 to index
        %swap3A_717 = arith.index_cast %mul3A_685 : i32 to index
        %swap3A_718 = tpu.vector_load %arg9[%swap3A_716, %swap3A_717] {strides = array<i32>} : memref<32x768xf32, #tpu.memory_space<vmem>>, vector<1x16xf32>,
        %swap3A_719 = vector.shape_cast %swap3A_718 : vector<1x16xf32> to vector<16xf32>
        %swap3A_720 = vector.shape_cast %get3A_690 : vector<16xf32> to vector<1x16xf32>
        tpu.vector_store %arg9[%swap3A_716, %swap3A_717], %swap3A_720 {add = true, strides = array<i32>} : memref<32x768xf32, #tpu.memory_space<vmem>>, vector<1x16xf32>,
        %swap3A_721 = arith.constant 5 : i32
        %swap3A_722 = arith.index_cast %swap3A_721 : i32 to index
        %swap3A_723 = arith.index_cast %mul3A_685 : i32 to index
        %swap3A_724 = tpu.vector_load %arg9[%swap3A_722, %swap3A_723] {strides = array<i32>} : memref<32x768xf32, #tpu.memory_space<vmem>>, vector<1x16xf32>,
        %swap3A_725 = vector.shape_cast %swap3A_724 : vector<1x16xf32> to vector<16xf32>
        %swap3A_726 = vector.shape_cast %get3A_690 : vector<16xf32> to vector<1x16xf32>
        tpu.vector_store %arg9[%swap3A_722, %swap3A_723], %swap3A_726 {add = true, strides = array<i32>} : memref<32x768xf32, #tpu.memory_space<vmem>>, vector<1x16xf32>,
        %swap3A_727 = arith.constant 6 : i32
        %swap3A_728 = arith.index_cast %swap3A_727 : i32 to index
        %swap3A_729 = arith.index_cast %mul3A_685 : i32 to index
        %swap3A_730 = tpu.vector_load %arg9[%swap3A_728, %swap3A_729] {strides = array<i32>} : memref<32x768xf32, #tpu.memory_space<vmem>>, vector<1x16xf32>,
        %swap3A_731 = vector.shape_cast %swap3A_730 : vector<1x16xf32> to vector<16xf32>
        %swap3A_732 = vector.shape_cast %get3A_690 : vector<16xf32> to vector<1x16xf32>
        tpu.vector_store %arg9[%swap3A_728, %swap3A_729], %swap3A_732 {add = true, strides = array<i32>} : memref<32x768xf32, #tpu.memory_space<vmem>>, vector<1x16xf32>,
        %swap3A_733 = arith.constant 7 : i32
        %swap3A_734 = arith.index_cast %swap3A_733 : i32 to index
        %swap3A_735 = arith.index_cast %mul3A_685 : i32 to index
        %swap3A_736 = tpu.vector_load %arg9[%swap3A_734, %swap3A_735] {strides = array<i32>} : memref<32x768xf32, #tpu.memory_space<vmem>>, vector<1x16xf32>,
        %swap3A_737 = vector.shape_cast %swap3A_736 : vector<1x16xf32> to vector<16xf32>
        %swap3A_738 = vector.shape_cast %get3A_690 : vector<16xf32> to vector<1x16xf32>
        tpu.vector_store %arg9[%swap3A_734, %swap3A_735], %swap3A_738 {add = true, strides = array<i32>} : memref<32x768xf32, #tpu.memory_space<vmem>>, vector<1x16xf32>,
        %swap3A_739 = arith.constant 8 : i32
        %swap3A_740 = arith.index_cast %swap3A_739 : i32 to index
        %swap3A_741 = arith.index_cast %mul3A_685 : i32 to index
        %swap3A_742 = tpu.vector_load %arg9[%swap3A_740, %swap3A_741] {strides = array<i32>} : memref<32x768xf32, #tpu.memory_space<vmem>>, vector<1x16xf32>,
        %swap3A_743 = vector.shape_cast %swap3A_742 : vector<1x16xf32> to vector<16xf32>
        %swap3A_744 = vector.shape_cast %get3A_690 : vector<16xf32> to vector<1x16xf32>
        tpu.vector_store %arg9[%swap3A_740, %swap3A_741], %swap3A_744 {add = true, strides = array<i32>} : memref<32x768xf32, #tpu.memory_space<vmem>>, vector<1x16xf32>,
        %swap3A_745 = arith.constant 9 : i32
        %swap3A_746 = arith.index_cast %swap3A_745 : i32 to index
        %swap3A_747 = arith.index_cast %mul3A_685 : i32 to index
        %swap3A_748 = tpu.vector_load %arg9[%swap3A_746, %swap3A_747] {strides = array<i32>} : memref<32x768xf32, #tpu.memory_space<vmem>>, vector<1x16xf32>,
        %swap3A_749 = vector.shape_cast %swap3A_748 : vector<1x16xf32> to vector<16xf32>
        %swap3A_750 = vector.shape_cast %get3A_690 : vector<16xf32> to vector<1x16xf32>
        tpu.vector_store %arg9[%swap3A_746, %swap3A_747], %swap3A_750 {add = true, strides = array<i32>} : memref<32x768xf32, #tpu.memory_space<vmem>>, vector<1x16xf32>,
        %swap3A_751 = arith.constant 10 : i32
        %swap3A_752 = arith.index_cast %swap3A_751 : i32 to index
        %swap3A_753 = arith.index_cast %mul3A_685 : i32 to index
        %swap3A_754 = tpu.vector_load %arg9[%swap3A_752, %swap3A_753] {strides = array<i32>} : memref<32x768xf32, #tpu.memory_space<vmem>>, vector<1x16xf32>,
        %swap3A_755 = vector.shape_cast %swap3A_754 : vector<1x16xf32> to vector<16xf32>
        %swap3A_756 = vector.shape_cast %get3A_690 : vector<16xf32> to vector<1x16xf32>
        tpu.vector_store %arg9[%swap3A_752, %swap3A_753], %swap3A_756 {add = true, strides = array<i32>} : memref<32x768xf32, #tpu.memory_space<vmem>>, vector<1x16xf32>,
        %swap3A_757 = arith.constant 11 : i32
        %swap3A_758 = arith.index_cast %swap3A_757 : i32 to index
        %swap3A_759 = arith.index_cast %mul3A_685 : i32 to index
        %swap3A_760 = tpu.vector_load %arg9[%swap3A_758, %swap3A_759] {strides = array<i32>} : memref<32x768xf32, #tpu.memory_space<vmem>>, vector<1x16xf32>,
        %swap3A_761 = vector.shape_cast %swap3A_760 : vector<1x16xf32> to vector<16xf32>
        %swap3A_762 = vector.shape_cast %get3A_690 : vector<16xf32> to vector<1x16xf32>
        tpu.vector_store %arg9[%swap3A_758, %swap3A_759], %swap3A_762 {add = true, strides = array<i32>} : memref<32x768xf32, #tpu.memory_space<vmem>>, vector<1x16xf32>,
        %swap3A_763 = arith.constant 12 : i32
        %swap3A_764 = arith.index_cast %swap3A_763 : i32 to index
        %swap3A_765 = arith.index_cast %mul3A_685 : i32 to index
        %swap3A_766 = tpu.vector_load %arg9[%swap3A_764, %swap3A_765] {strides = array<i32>} : memref<32x768xf32, #tpu.memory_space<vmem>>, vector<1x16xf32>,
        %swap3A_767 = vector.shape_cast %swap3A_766 : vector<1x16xf32> to vector<16xf32>
        %swap3A_768 = vector.shape_cast %get3A_690 : vector<16xf32> to vector<1x16xf32>
        tpu.vector_store %arg9[%swap3A_764, %swap3A_765], %swap3A_768 {add = true, strides = array<i32>} : memref<32x768xf32, #tpu.memory_space<vmem>>, vector<1x16xf32>,
        %swap3A_769 = arith.constant 13 : i32
        %swap3A_770 = arith.index_cast %swap3A_769 : i32 to index
        %swap3A_771 = arith.index_cast %mul3A_685 : i32 to index
        %swap3A_772 = tpu.vector_load %arg9[%swap3A_770, %swap3A_771] {strides = array<i32>} : memref<32x768xf32, #tpu.memory_space<vmem>>, vector<1x16xf32>,
        %swap3A_773 = vector.shape_cast %swap3A_772 : vector<1x16xf32> to vector<16xf32>
        %swap3A_774 = vector.shape_cast %get3A_690 : vector<16xf32> to vector<1x16xf32>
        tpu.vector_store %arg9[%swap3A_770, %swap3A_771], %swap3A_774 {add = true, strides = array<i32>} : memref<32x768xf32, #tpu.memory_space<vmem>>, vector<1x16xf32>,
        %swap3A_775 = arith.constant 14 : i32
        %swap3A_776 = arith.index_cast %swap3A_775 : i32 to index
        %swap3A_777 = arith.index_cast %mul3A_685 : i32 to index
        %swap3A_778 = tpu.vector_load %arg9[%swap3A_776, %swap3A_777] {strides = array<i32>} : memref<32x768xf32, #tpu.memory_space<vmem>>, vector<1x16xf32>,
        %swap3A_779 = vector.shape_cast %swap3A_778 : vector<1x16xf32> to vector<16xf32>
        %swap3A_780 = vector.shape_cast %get3A_690 : vector<16xf32> to vector<1x16xf32>
        tpu.vector_store %arg9[%swap3A_776, %swap3A_777], %swap3A_780 {add = true, strides = array<i32>} : memref<32x768xf32, #tpu.memory_space<vmem>>, vector<1x16xf32>,
        %swap3A_781 = arith.constant 15 : i32
        %swap3A_782 = arith.index_cast %swap3A_781 : i32 to index
        %swap3A_783 = arith.index_cast %mul3A_685 : i32 to index
        %swap3A_784 = tpu.vector_load %arg9[%swap3A_782, %swap3A_783] {strides = array<i32>} : memref<32x768xf32, #tpu.memory_space<vmem>>, vector<1x16xf32>,
        %swap3A_785 = vector.shape_cast %swap3A_784 : vector<1x16xf32> to vector<16xf32>
        %swap3A_786 = vector.shape_cast %get3A_690 : vector<16xf32> to vector<1x16xf32>
        tpu.vector_store %arg9[%swap3A_782, %swap3A_783], %swap3A_786 {add = true, strides = array<i32>} : memref<32x768xf32, #tpu.memory_space<vmem>>, vector<1x16xf32>,
        %swap3A_787 = arith.constant 16 : i32
        %swap3A_788 = arith.index_cast %swap3A_787 : i32 to index
        %swap3A_789 = arith.index_cast %mul3A_685 : i32 to index
        %swap3A_790 = tpu.vector_load %arg9[%swap3A_788, %swap3A_789] {strides = array<i32>} : memref<32x768xf32, #tpu.memory_space<vmem>>, vector<1x16xf32>,
        %swap3A_791 = vector.shape_cast %swap3A_790 : vector<1x16xf32> to vector<16xf32>
        %swap3A_792 = vector.shape_cast %get3A_690 : vector<16xf32> to vector<1x16xf32>
        tpu.vector_store %arg9[%swap3A_788, %swap3A_789], %swap3A_792 {add = true, strides = array<i32>} : memref<32x768xf32, #tpu.memory_space<vmem>>, vector<1x16xf32>,
        %swap3A_793 = arith.constant 17 : i32
        %swap3A_794 = arith.index_cast %swap3A_793 : i32 to index
        %swap3A_795 = arith.index_cast %mul3A_685 : i32 to index
        %swap3A_796 = tpu.vector_load %arg9[%swap3A_794, %swap3A_795] {strides = array<i32>} : memref<32x768xf32, #tpu.memory_space<vmem>>, vector<1x16xf32>,
        %swap3A_797 = vector.shape_cast %swap3A_796 : vector<1x16xf32> to vector<16xf32>
        %swap3A_798 = vector.shape_cast %get3A_690 : vector<16xf32> to vector<1x16xf32>
        tpu.vector_store %arg9[%swap3A_794, %swap3A_795], %swap3A_798 {add = true, strides = array<i32>} : memref<32x768xf32, #tpu.memory_space<vmem>>, vector<1x16xf32>,
        %swap3A_799 = arith.constant 18 : i32
        %swap3A_800 = arith.index_cast %swap3A_799 : i32 to index
        %swap3A_801 = arith.index_cast %mul3A_685 : i32 to index
        %swap3A_802 = tpu.vector_load %arg9[%swap3A_800, %swap3A_801] {strides = array<i32>} : memref<32x768xf32, #tpu.memory_space<vmem>>, vector<1x16xf32>,
        %swap3A_803 = vector.shape_cast %swap3A_802 : vector<1x16xf32> to vector<16xf32>
        %swap3A_804 = vector.shape_cast %get3A_690 : vector<16xf32> to vector<1x16xf32>
        tpu.vector_store %arg9[%swap3A_800, %swap3A_801], %swap3A_804 {add = true, strides = array<i32>} : memref<32x768xf32, #tpu.memory_space<vmem>>, vector<1x16xf32>,
        %swap3A_805 = arith.constant 19 : i32
        %swap3A_806 = arith.index_cast %swap3A_805 : i32 to index
        %swap3A_807 = arith.index_cast %mul3A_685 : i32 to index
        %swap3A_808 = tpu.vector_load %arg9[%swap3A_806, %swap3A_807] {strides = array<i32>} : memref<32x768xf32, #tpu.memory_space<vmem>>, vector<1x16xf32>,
        %swap3A_809 = vector.shape_cast %swap3A_808 : vector<1x16xf32> to vector<16xf32>
        %swap3A_810 = vector.shape_cast %get3A_690 : vector<16xf32> to vector<1x16xf32>
        tpu.vector_store %arg9[%swap3A_806, %swap3A_807], %swap3A_810 {add = true, strides = array<i32>} : memref<32x768xf32, #tpu.memory_space<vmem>>, vector<1x16xf32>,
        %swap3A_811 = arith.constant 20 : i32
        %swap3A_812 = arith.index_cast %swap3A_811 : i32 to index
        %swap3A_813 = arith.index_cast %mul3A_685 : i32 to index
        %swap3A_814 = tpu.vector_load %arg9[%swap3A_812, %swap3A_813] {strides = array<i32>} : memref<32x768xf32, #tpu.memory_space<vmem>>, vector<1x16xf32>,
        %swap3A_815 = vector.shape_cast %swap3A_814 : vector<1x16xf32> to vector<16xf32>
        %swap3A_816 = vector.shape_cast %get3A_690 : vector<16xf32> to vector<1x16xf32>
        tpu.vector_store %arg9[%swap3A_812, %swap3A_813], %swap3A_816 {add = true, strides = array<i32>} : memref<32x768xf32, #tpu.memory_space<vmem>>, vector<1x16xf32>,
        %swap3A_817 = arith.constant 21 : i32
        %swap3A_818 = arith.index_cast %swap3A_817 : i32 to index
        %swap3A_819 = arith.index_cast %mul3A_685 : i32 to index
        %swap3A_820 = tpu.vector_load %arg9[%swap3A_818, %swap3A_819] {strides = array<i32>} : memref<32x768xf32, #tpu.memory_space<vmem>>, vector<1x16xf32>,
        %swap3A_821 = vector.shape_cast %swap3A_820 : vector<1x16xf32> to vector<16xf32>
        %swap3A_822 = vector.shape_cast %get3A_690 : vector<16xf32> to vector<1x16xf32>
        tpu.vector_store %arg9[%swap3A_818, %swap3A_819], %swap3A_822 {add = true, strides = array<i32>} : memref<32x768xf32, #tpu.memory_space<vmem>>, vector<1x16xf32>,
        %swap3A_823 = arith.constant 22 : i32
        %swap3A_824 = arith.index_cast %swap3A_823 : i32 to index
        %swap3A_825 = arith.index_cast %mul3A_685 : i32 to index
        %swap3A_826 = tpu.vector_load %arg9[%swap3A_824, %swap3A_825] {strides = array<i32>} : memref<32x768xf32, #tpu.memory_space<vmem>>, vector<1x16xf32>,
        %swap3A_827 = vector.shape_cast %swap3A_826 : vector<1x16xf32> to vector<16xf32>
        %swap3A_828 = vector.shape_cast %get3A_690 : vector<16xf32> to vector<1x16xf32>
        tpu.vector_store %arg9[%swap3A_824, %swap3A_825], %swap3A_828 {add = true, strides = array<i32>} : memref<32x768xf32, #tpu.memory_space<vmem>>, vector<1x16xf32>,
        %swap3A_829 = arith.constant 23 : i32
        %swap3A_830 = arith.index_cast %swap3A_829 : i32 to index
        %swap3A_831 = arith.index_cast %mul3A_685 : i32 to index
        %swap3A_832 = tpu.vector_load %arg9[%swap3A_830, %swap3A_831] {strides = array<i32>} : memref<32x768xf32, #tpu.memory_space<vmem>>, vector<1x16xf32>,
        %swap3A_833 = vector.shape_cast %swap3A_832 : vector<1x16xf32> to vector<16xf32>
        %swap3A_834 = vector.shape_cast %get3A_690 : vector<16xf32> to vector<1x16xf32>
        tpu.vector_store %arg9[%swap3A_830, %swap3A_831], %swap3A_834 {add = true, strides = array<i32>} : memref<32x768xf32, #tpu.memory_space<vmem>>, vector<1x16xf32>,
        %swap3A_835 = arith.constant 24 : i32
        %swap3A_836 = arith.index_cast %swap3A_835 : i32 to index
        %swap3A_837 = arith.index_cast %mul3A_685 : i32 to index
        %swap3A_838 = tpu.vector_load %arg9[%swap3A_836, %swap3A_837] {strides = array<i32>} : memref<32x768xf32, #tpu.memory_space<vmem>>, vector<1x16xf32>,
        %swap3A_839 = vector.shape_cast %swap3A_838 : vector<1x16xf32> to vector<16xf32>
        %swap3A_840 = vector.shape_cast %get3A_690 : vector<16xf32> to vector<1x16xf32>
        tpu.vector_store %arg9[%swap3A_836, %swap3A_837], %swap3A_840 {add = true, strides = array<i32>} : memref<32x768xf32, #tpu.memory_space<vmem>>, vector<1x16xf32>,
        %swap3A_841 = arith.constant 25 : i32
        %swap3A_842 = arith.index_cast %swap3A_841 : i32 to index
        %swap3A_843 = arith.index_cast %mul3A_685 : i32 to index
        %swap3A_844 = tpu.vector_load %arg9[%swap3A_842, %swap3A_843] {strides = array<i32>} : memref<32x768xf32, #tpu.memory_space<vmem>>, vector<1x16xf32>,
        %swap3A_845 = vector.shape_cast %swap3A_844 : vector<1x16xf32> to vector<16xf32>
        %swap3A_846 = vector.shape_cast %get3A_690 : vector<16xf32> to vector<1x16xf32>
        tpu.vector_store %arg9[%swap3A_842, %swap3A_843], %swap3A_846 {add = true, strides = array<i32>} : memref<32x768xf32, #tpu.memory_space<vmem>>, vector<1x16xf32>,
        %swap3A_847 = arith.constant 26 : i32
        %swap3A_848 = arith.index_cast %swap3A_847 : i32 to index
        %swap3A_849 = arith.index_cast %mul3A_685 : i32 to index
        %swap3A_850 = tpu.vector_load %arg9[%swap3A_848, %swap3A_849] {strides = array<i32>} : memref<32x768xf32, #tpu.memory_space<vmem>>, vector<1x16xf32>,
        %swap3A_851 = vector.shape_cast %swap3A_850 : vector<1x16xf32> to vector<16xf32>
        %swap3A_852 = vector.shape_cast %get3A_690 : vector<16xf32> to vector<1x16xf32>
        tpu.vector_store %arg9[%swap3A_848, %swap3A_849], %swap3A_852 {add = true, strides = array<i32>} : memref<32x768xf32, #tpu.memory_space<vmem>>, vector<1x16xf32>,
        %swap3A_853 = arith.constant 27 : i32
        %swap3A_854 = arith.index_cast %swap3A_853 : i32 to index
        %swap3A_855 = arith.index_cast %mul3A_685 : i32 to index
        %swap3A_856 = tpu.vector_load %arg9[%swap3A_854, %swap3A_855] {strides = array<i32>} : memref<32x768xf32, #tpu.memory_space<vmem>>, vector<1x16xf32>,
        %swap3A_857 = vector.shape_cast %swap3A_856 : vector<1x16xf32> to vector<16xf32>
        %swap3A_858 = vector.shape_cast %get3A_690 : vector<16xf32> to vector<1x16xf32>
        tpu.vector_store %arg9[%swap3A_854, %swap3A_855], %swap3A_858 {add = true, strides = array<i32>} : memref<32x768xf32, #tpu.memory_space<vmem>>, vector<1x16xf32>,
        %swap3A_859 = arith.constant 28 : i32
        %swap3A_860 = arith.index_cast %swap3A_859 : i32 to index
        %swap3A_861 = arith.index_cast %mul3A_685 : i32 to index
        %swap3A_862 = tpu.vector_load %arg9[%swap3A_860, %swap3A_861] {strides = array<i32>} : memref<32x768xf32, #tpu.memory_space<vmem>>, vector<1x16xf32>,
        %swap3A_863 = vector.shape_cast %swap3A_862 : vector<1x16xf32> to vector<16xf32>
        %swap3A_864 = vector.shape_cast %get3A_690 : vector<16xf32> to vector<1x16xf32>
        tpu.vector_store %arg9[%swap3A_860, %swap3A_861], %swap3A_864 {add = true, strides = array<i32>} : memref<32x768xf32, #tpu.memory_space<vmem>>, vector<1x16xf32>,
        %swap3A_865 = arith.constant 29 : i32
        %swap3A_866 = arith.index_cast %swap3A_865 : i32 to index
        %swap3A_867 = arith.index_cast %mul3A_685 : i32 to index
        %swap3A_868 = tpu.vector_load %arg9[%swap3A_866, %swap3A_867] {strides = array<i32>} : memref<32x768xf32, #tpu.memory_space<vmem>>, vector<1x16xf32>,
        %swap3A_869 = vector.shape_cast %swap3A_868 : vector<1x16xf32> to vector<16xf32>
        %swap3A_870 = vector.shape_cast %get3A_690 : vector<16xf32> to vector<1x16xf32>
        tpu.vector_store %arg9[%swap3A_866, %swap3A_867], %swap3A_870 {add = true, strides = array<i32>} : memref<32x768xf32, #tpu.memory_space<vmem>>, vector<1x16xf32>,
        %swap3A_871 = arith.constant 30 : i32
        %swap3A_872 = arith.index_cast %swap3A_871 : i32 to index
        %swap3A_873 = arith.index_cast %mul3A_685 : i32 to index
        %swap3A_874 = tpu.vector_load %arg9[%swap3A_872, %swap3A_873] {strides = array<i32>} : memref<32x768xf32, #tpu.memory_space<vmem>>, vector<1x16xf32>,
        %swap3A_875 = vector.shape_cast %swap3A_874 : vector<1x16xf32> to vector<16xf32>
        %swap3A_876 = vector.shape_cast %get3A_690 : vector<16xf32> to vector<1x16xf32>
        tpu.vector_store %arg9[%swap3A_872, %swap3A_873], %swap3A_876 {add = true, strides = array<i32>} : memref<32x768xf32, #tpu.memory_space<vmem>>, vector<1x16xf32>,
        %swap3A_877 = arith.constant 31 : i32
        %swap3A_878 = arith.index_cast %swap3A_877 : i32 to index
        %swap3A_879 = arith.index_cast %mul3A_685 : i32 to index
        %swap3A_880 = tpu.vector_load %arg9[%swap3A_878, %swap3A_879] {strides = array<i32>} : memref<32x768xf32, #tpu.memory_space<vmem>>, vector<1x16xf32>,
        %swap3A_881 = vector.shape_cast %swap3A_880 : vector<1x16xf32> to vector<16xf32>
        %swap3A_882 = vector.shape_cast %get3A_690 : vector<16xf32> to vector<1x16xf32>
        tpu.vector_store %arg9[%swap3A_878, %swap3A_879], %swap3A_882 {add = true, strides = array<i32>} : memref<32x768xf32, #tpu.memory_space<vmem>>, vector<1x16xf32>,
      }
      %scan3A_387 = arith.constant 48 : i32
      %dma_start3A_388 = arith.constant 0 : i32
      %dma_start3A_389 = arith.constant 0 : i32
      %dma_start3A_390 = tpu.memref_slice %arg5[%dma_start3A_388, %dma_start3A_389] : memref<78848x768xf32, #tpu.memory_space<hbm>> -> memref<78848x768xf32, #tpu.memory_space<hbm>>
      tpu.enqueue_indirect_dma source(%arg9 : memref<32x768xf32, #tpu.memory_space<vmem>>) target(%dma_start3A_390 : memref<78848x768xf32, #tpu.memory_space<hbm>>) offsets(%arg14 : memref<32xi32, #tpu.memory_space<vmem>>) semaphore(%arg24 : memref<!tpu.dma_semaphore, #tpu.memory_space<semaphore_mem>>)
      %ge3A_391 = arith.constant 2 : i32
      %ge3A_392 = arith.cmpi sge, %add3A_310, %ge3A_391 : i32
      %add3A_393 = arith.constant 3 : i32
      %add3A_394 = arith.addi %add3A_310, %add3A_393 : i32
      %le3A_395 = arith.constant 76 : i32
      %le3A_396 = arith.cmpi sle, %add3A_394, %le3A_395 : i32
      %and3A_397 = arith.andi %ge3A_392, %le3A_396 : i1
      %convert_element_type3A_398 = arith.extui %and3A_397 : i1 to i32
      %cond3A_399 = arith.constant 0 : i32
      %cond3A_400 = arith.cmpi ne, %convert_element_type3A_398, %cond3A_399 : i32
      scf.if %cond3A_400 {
        %dma_wait3A_683 = arith.constant 0 : i32
        %dma_wait3A_684 = arith.constant 0 : i32
        %dma_wait3A_685 = tpu.memref_slice %arg5[%dma_wait3A_683, %dma_wait3A_684] : memref<78848x768xf32, #tpu.memory_space<hbm>> -> memref<78848x768xf32, #tpu.memory_space<hbm>>
        tpu.wait_indirect_dma semaphore(%arg27 : memref<!tpu.dma_semaphore, #tpu.memory_space<semaphore_mem>>) src(%arg12 : memref<32x768xf32, #tpu.memory_space<vmem>>) dst(%dma_wait3A_685 : memref<78848x768xf32, #tpu.memory_space<hbm>>)
        %add3A_686 = arith.constant 3 : i32
        %add3A_687 = arith.addi %add3A_310, %add3A_686 : i32
        %mul3A_688 = arith.constant 32 : i32
        %mul3A_689 = arith.muli %add3A_687, %mul3A_688 : i32
        %dma_start3A_690 = tpu.memref_slice %arg6[%mul3A_689] : memref<2464xi32, #tpu.memory_space<vmem>> -> memref<32xi32, #tpu.memory_space<vmem>>
        %dma_start3A_691 = arith.constant 0 : i32
        %dma_start3A_692 = arith.constant 0 : i32
        %dma_start3A_693 = tpu.memref_slice %arg4[%dma_start3A_691, %dma_start3A_692] : memref<49408x768xf32, #tpu.memory_space<hbm>> -> memref<49408x768xf32, #tpu.memory_space<hbm>>
        tpu.enqueue_indirect_dma source(%dma_start3A_693 : memref<49408x768xf32, #tpu.memory_space<hbm>>) target(%arg12 : memref<32x768xf32, #tpu.memory_space<vmem>>) offsets(%dma_start3A_690 : memref<32xi32, #tpu.memory_space<vmem>>) semaphore(%arg22 : memref<!tpu.dma_semaphore, #tpu.memory_space<semaphore_mem>>)
      } else {
      }
      %mul3A_401 = arith.constant 5 : i32
      %mul3A_402 = arith.muli %scan3A_216, %mul3A_401 : i32
      %add3A_403 = arith.constant 2 : i32
      %add3A_404 = arith.addi %mul3A_402, %add3A_403 : i32
      %mul3A_405 = arith.constant 32 : i32
      %mul3A_406 = arith.muli %add3A_404, %mul3A_405 : i32
      %add3A_407 = arith.addi %mul3A_2, %mul3A_406 : i32
      %jit3A_408 = arith.constant 1024 : i32
      %div3A_409 = arith.divsi %add3A_407, %jit3A_408 : i32
      %sign3A_410 = arith.constant 0 : i32
      %sign3A_411 = arith.cmpi sgt, %add3A_407, %sign3A_410 : i32
      %sign3A_412 = arith.extui %sign3A_411 : i1 to i32
      %sign3A_413 = arith.constant 0 : i32
      %sign3A_414 = arith.cmpi slt, %add3A_407, %sign3A_413 : i32
      %sign3A_415 = arith.extui %sign3A_414 : i1 to i32
      %sign3A_416 = arith.subi %sign3A_412, %sign3A_415 : i32
      %sign3A_417 = arith.constant 0 : i32
      %sign3A_418 = arith.cmpi sgt, %jit3A_408, %sign3A_417 : i32
      %sign3A_419 = arith.extui %sign3A_418 : i1 to i32
      %sign3A_420 = arith.constant 0 : i32
      %sign3A_421 = arith.cmpi slt, %jit3A_408, %sign3A_420 : i32
      %sign3A_422 = arith.extui %sign3A_421 : i1 to i32
      %sign3A_423 = arith.subi %sign3A_419, %sign3A_422 : i32
      %ne3A_424 = arith.cmpi ne, %sign3A_416, %sign3A_423 : i32
      %rem3A_425 = arith.remsi %add3A_407, %jit3A_408 : i32
      %ne3A_426 = arith.constant 0 : i32
      %ne3A_427 = arith.cmpi ne, %rem3A_425, %ne3A_426 : i32
      %and3A_428 = arith.andi %ne3A_424, %ne3A_427 : i1
      %sub3A_429 = arith.constant 1 : i32
      %sub3A_430 = arith.subi %div3A_409, %sub3A_429 : i32
      %select_n3A_431 = arith.select %and3A_428, %sub3A_430, %div3A_409 : i32
      %jit3A_432 = arith.constant 1024 : i32
      %eq3A_433 = arith.constant 0 : i32
      %eq3A_434 = arith.cmpi eq, %jit3A_432, %eq3A_433 : i32
      %jit3A_435 = arith.constant 1 : i32
      %select_n3A_436 = arith.select %eq3A_434, %jit3A_435, %jit3A_432 : i32
      %rem3A_437 = arith.remsi %add3A_407, %select_n3A_436 : i32
      %ne3A_438 = arith.constant 0 : i32
      %ne3A_439 = arith.cmpi ne, %rem3A_437, %ne3A_438 : i32
      %lt3A_440 = arith.constant 0 : i32
      %lt3A_441 = arith.cmpi slt, %rem3A_437, %lt3A_440 : i32
      %lt3A_442 = arith.constant 0 : i32
      %lt3A_443 = arith.cmpi slt, %select_n3A_436, %lt3A_442 : i32
      %ne3A_444 = arith.xori %lt3A_441, %lt3A_443 : i1
      %and3A_445 = arith.andi %ne3A_444, %ne3A_439 : i1
      %add3A_446 = arith.addi %rem3A_437, %select_n3A_436 : i32
      %select_n3A_447 = arith.select %and3A_445, %add3A_446, %rem3A_437 : i32
      %sub3A_448 = arith.subi %select_n3A_431, %select_n3A : i32
      %mul3A_449 = arith.constant 77 : i32
      %mul3A_450 = arith.muli %select_n3A_447, %mul3A_449 : i32
      %add3A_451 = arith.addi %mul3A_450, %select_n3A_431 : i32
      %iota3A_452 = tpu.iota {dimensions = array<i32: 0>} : vector<16xi32>
      %mul3A_453 = arith.constant 77 : i32
      %mul3A_454 = vector.broadcast %mul3A_453 : i32 to vector<16xi32>
      %mul3A_455 = arith.muli %iota3A_452, %mul3A_454 : vector<16xi32>
      %add3A_456 = vector.broadcast %add3A_451 : i32 to vector<16xi32>
      %add3A_457 = arith.addi %mul3A_455, %add3A_456 : vector<16xi32>
      %swap3A_458 = arith.constant 0 : index
      %swap3A_459 = tpu.vector_load %arg15[%swap3A_458] {strides = array<i32>} : memref<32xi32, #tpu.memory_space<vmem>>, vector<16xi32>,
      %swap3A_460 = vector.shape_cast %swap3A_459 : vector<16xi32> to vector<16xi32>
      %swap3A_461 = vector.shape_cast %add3A_457 : vector<16xi32> to vector<16xi32>
      tpu.vector_store %arg15[%swap3A_458], %swap3A_461 {strides = array<i32>} : memref<32xi32, #tpu.memory_space<vmem>>, vector<16xi32>,
      %add3A_462 = arith.constant 1232 : i32
      %add3A_463 = arith.addi %add3A_451, %add3A_462 : i32
      %add3A_464 = vector.broadcast %add3A_463 : i32 to vector<16xi32>
      %add3A_465 = arith.addi %mul3A_455, %add3A_464 : vector<16xi32>
      %swap3A_466 = arith.constant 16 : index
      %swap3A_467 = tpu.vector_load %arg15[%swap3A_466] {strides = array<i32>} : memref<32xi32, #tpu.memory_space<vmem>>, vector<16xi32>,
      %swap3A_468 = vector.shape_cast %swap3A_467 : vector<16xi32> to vector<16xi32>
      %swap3A_469 = vector.shape_cast %add3A_465 : vector<16xi32> to vector<16xi32>
      tpu.vector_store %arg15[%swap3A_466], %swap3A_469 {strides = array<i32>} : memref<32xi32, #tpu.memory_space<vmem>>, vector<16xi32>,
      %mul3A_470 = arith.constant 32 : i32
      %mul3A_471 = arith.muli %add3A_404, %mul3A_470 : i32
      %dma_wait3A_472 = tpu.memref_slice %arg6[%mul3A_471] : memref<2464xi32, #tpu.memory_space<vmem>> -> memref<32xi32, #tpu.memory_space<vmem>>
      %dma_wait3A_473 = arith.constant 0 : i32
      %dma_wait3A_474 = arith.constant 0 : i32
      %dma_wait3A_475 = tpu.memref_slice %arg4[%dma_wait3A_473, %dma_wait3A_474] : memref<49408x768xf32, #tpu.memory_space<hbm>> -> memref<49408x768xf32, #tpu.memory_space<hbm>>
      tpu.wait_indirect_dma semaphore(%arg20 : memref<!tpu.dma_semaphore, #tpu.memory_space<semaphore_mem>>) src(%dma_wait3A_475 : memref<49408x768xf32, #tpu.memory_space<hbm>>) dst(%arg10 : memref<32x768xf32, #tpu.memory_space<vmem>>)
      %scan3A_476 = arith.constant 0 : i32
      %scan3A_477 = arith.constant 0 : i32
      %scan3A_478 = arith.constant 48 : i32
      %scan3A_479 = arith.addi %scan3A_477, %scan3A_478 : i32
      %scan3A_480 = arith.constant 1 : i32
      scf.for %scan3A_683 = %scan3A_477 to %scan3A_479 step %scan3A_480  : i32 {
        %mul3A_684 = arith.constant 16 : i32
        %mul3A_685 = arith.muli %scan3A_683, %mul3A_684 : i32
        %mul3A_686 = arith.constant 768 : i32
        %mul3A_687 = arith.muli %sub3A_448, %mul3A_686 : i32
        %add3A_688 = arith.addi %mul3A_687, %mul3A_685 : i32
        %get3A = arith.index_cast %add3A_688 : i32 to index
        %get3A_689 = tpu.vector_load %arg7[%get3A] {strides = array<i32>} : memref<3072xf32, #tpu.memory_space<vmem>>, vector<16xf32>,
        %get3A_690 = vector.shape_cast %get3A_689 : vector<16xf32> to vector<16xf32>
        %swap3A_691 = arith.constant 0 : i32
        %swap3A_692 = arith.index_cast %swap3A_691 : i32 to index
        %swap3A_693 = arith.index_cast %mul3A_685 : i32 to index
        %swap3A_694 = tpu.vector_load %arg10[%swap3A_692, %swap3A_693] {strides = array<i32>} : memref<32x768xf32, #tpu.memory_space<vmem>>, vector<1x16xf32>,
        %swap3A_695 = vector.shape_cast %swap3A_694 : vector<1x16xf32> to vector<16xf32>
        %swap3A_696 = vector.shape_cast %get3A_690 : vector<16xf32> to vector<1x16xf32>
        tpu.vector_store %arg10[%swap3A_692, %swap3A_693], %swap3A_696 {add = true, strides = array<i32>} : memref<32x768xf32, #tpu.memory_space<vmem>>, vector<1x16xf32>,
        %swap3A_697 = arith.constant 1 : i32
        %swap3A_698 = arith.index_cast %swap3A_697 : i32 to index
        %swap3A_699 = arith.index_cast %mul3A_685 : i32 to index
        %swap3A_700 = tpu.vector_load %arg10[%swap3A_698, %swap3A_699] {strides = array<i32>} : memref<32x768xf32, #tpu.memory_space<vmem>>, vector<1x16xf32>,
        %swap3A_701 = vector.shape_cast %swap3A_700 : vector<1x16xf32> to vector<16xf32>
        %swap3A_702 = vector.shape_cast %get3A_690 : vector<16xf32> to vector<1x16xf32>
        tpu.vector_store %arg10[%swap3A_698, %swap3A_699], %swap3A_702 {add = true, strides = array<i32>} : memref<32x768xf32, #tpu.memory_space<vmem>>, vector<1x16xf32>,
        %swap3A_703 = arith.constant 2 : i32
        %swap3A_704 = arith.index_cast %swap3A_703 : i32 to index
        %swap3A_705 = arith.index_cast %mul3A_685 : i32 to index
        %swap3A_706 = tpu.vector_load %arg10[%swap3A_704, %swap3A_705] {strides = array<i32>} : memref<32x768xf32, #tpu.memory_space<vmem>>, vector<1x16xf32>,
        %swap3A_707 = vector.shape_cast %swap3A_706 : vector<1x16xf32> to vector<16xf32>
        %swap3A_708 = vector.shape_cast %get3A_690 : vector<16xf32> to vector<1x16xf32>
        tpu.vector_store %arg10[%swap3A_704, %swap3A_705], %swap3A_708 {add = true, strides = array<i32>} : memref<32x768xf32, #tpu.memory_space<vmem>>, vector<1x16xf32>,
        %swap3A_709 = arith.constant 3 : i32
        %swap3A_710 = arith.index_cast %swap3A_709 : i32 to index
        %swap3A_711 = arith.index_cast %mul3A_685 : i32 to index
        %swap3A_712 = tpu.vector_load %arg10[%swap3A_710, %swap3A_711] {strides = array<i32>} : memref<32x768xf32, #tpu.memory_space<vmem>>, vector<1x16xf32>,
        %swap3A_713 = vector.shape_cast %swap3A_712 : vector<1x16xf32> to vector<16xf32>
        %swap3A_714 = vector.shape_cast %get3A_690 : vector<16xf32> to vector<1x16xf32>
        tpu.vector_store %arg10[%swap3A_710, %swap3A_711], %swap3A_714 {add = true, strides = array<i32>} : memref<32x768xf32, #tpu.memory_space<vmem>>, vector<1x16xf32>,
        %swap3A_715 = arith.constant 4 : i32
        %swap3A_716 = arith.index_cast %swap3A_715 : i32 to index
        %swap3A_717 = arith.index_cast %mul3A_685 : i32 to index
        %swap3A_718 = tpu.vector_load %arg10[%swap3A_716, %swap3A_717] {strides = array<i32>} : memref<32x768xf32, #tpu.memory_space<vmem>>, vector<1x16xf32>,
        %swap3A_719 = vector.shape_cast %swap3A_718 : vector<1x16xf32> to vector<16xf32>
        %swap3A_720 = vector.shape_cast %get3A_690 : vector<16xf32> to vector<1x16xf32>
        tpu.vector_store %arg10[%swap3A_716, %swap3A_717], %swap3A_720 {add = true, strides = array<i32>} : memref<32x768xf32, #tpu.memory_space<vmem>>, vector<1x16xf32>,
        %swap3A_721 = arith.constant 5 : i32
        %swap3A_722 = arith.index_cast %swap3A_721 : i32 to index
        %swap3A_723 = arith.index_cast %mul3A_685 : i32 to index
        %swap3A_724 = tpu.vector_load %arg10[%swap3A_722, %swap3A_723] {strides = array<i32>} : memref<32x768xf32, #tpu.memory_space<vmem>>, vector<1x16xf32>,
        %swap3A_725 = vector.shape_cast %swap3A_724 : vector<1x16xf32> to vector<16xf32>
        %swap3A_726 = vector.shape_cast %get3A_690 : vector<16xf32> to vector<1x16xf32>
        tpu.vector_store %arg10[%swap3A_722, %swap3A_723], %swap3A_726 {add = true, strides = array<i32>} : memref<32x768xf32, #tpu.memory_space<vmem>>, vector<1x16xf32>,
        %swap3A_727 = arith.constant 6 : i32
        %swap3A_728 = arith.index_cast %swap3A_727 : i32 to index
        %swap3A_729 = arith.index_cast %mul3A_685 : i32 to index
        %swap3A_730 = tpu.vector_load %arg10[%swap3A_728, %swap3A_729] {strides = array<i32>} : memref<32x768xf32, #tpu.memory_space<vmem>>, vector<1x16xf32>,
        %swap3A_731 = vector.shape_cast %swap3A_730 : vector<1x16xf32> to vector<16xf32>
        %swap3A_732 = vector.shape_cast %get3A_690 : vector<16xf32> to vector<1x16xf32>
        tpu.vector_store %arg10[%swap3A_728, %swap3A_729], %swap3A_732 {add = true, strides = array<i32>} : memref<32x768xf32, #tpu.memory_space<vmem>>, vector<1x16xf32>,
        %swap3A_733 = arith.constant 7 : i32
        %swap3A_734 = arith.index_cast %swap3A_733 : i32 to index
        %swap3A_735 = arith.index_cast %mul3A_685 : i32 to index
        %swap3A_736 = tpu.vector_load %arg10[%swap3A_734, %swap3A_735] {strides = array<i32>} : memref<32x768xf32, #tpu.memory_space<vmem>>, vector<1x16xf32>,
        %swap3A_737 = vector.shape_cast %swap3A_736 : vector<1x16xf32> to vector<16xf32>
        %swap3A_738 = vector.shape_cast %get3A_690 : vector<16xf32> to vector<1x16xf32>
        tpu.vector_store %arg10[%swap3A_734, %swap3A_735], %swap3A_738 {add = true, strides = array<i32>} : memref<32x768xf32, #tpu.memory_space<vmem>>, vector<1x16xf32>,
        %swap3A_739 = arith.constant 8 : i32
        %swap3A_740 = arith.index_cast %swap3A_739 : i32 to index
        %swap3A_741 = arith.index_cast %mul3A_685 : i32 to index
        %swap3A_742 = tpu.vector_load %arg10[%swap3A_740, %swap3A_741] {strides = array<i32>} : memref<32x768xf32, #tpu.memory_space<vmem>>, vector<1x16xf32>,
        %swap3A_743 = vector.shape_cast %swap3A_742 : vector<1x16xf32> to vector<16xf32>
        %swap3A_744 = vector.shape_cast %get3A_690 : vector<16xf32> to vector<1x16xf32>
        tpu.vector_store %arg10[%swap3A_740, %swap3A_741], %swap3A_744 {add = true, strides = array<i32>} : memref<32x768xf32, #tpu.memory_space<vmem>>, vector<1x16xf32>,
        %swap3A_745 = arith.constant 9 : i32
        %swap3A_746 = arith.index_cast %swap3A_745 : i32 to index
        %swap3A_747 = arith.index_cast %mul3A_685 : i32 to index
        %swap3A_748 = tpu.vector_load %arg10[%swap3A_746, %swap3A_747] {strides = array<i32>} : memref<32x768xf32, #tpu.memory_space<vmem>>, vector<1x16xf32>,
        %swap3A_749 = vector.shape_cast %swap3A_748 : vector<1x16xf32> to vector<16xf32>
        %swap3A_750 = vector.shape_cast %get3A_690 : vector<16xf32> to vector<1x16xf32>
        tpu.vector_store %arg10[%swap3A_746, %swap3A_747], %swap3A_750 {add = true, strides = array<i32>} : memref<32x768xf32, #tpu.memory_space<vmem>>, vector<1x16xf32>,
        %swap3A_751 = arith.constant 10 : i32
        %swap3A_752 = arith.index_cast %swap3A_751 : i32 to index
        %swap3A_753 = arith.index_cast %mul3A_685 : i32 to index
        %swap3A_754 = tpu.vector_load %arg10[%swap3A_752, %swap3A_753] {strides = array<i32>} : memref<32x768xf32, #tpu.memory_space<vmem>>, vector<1x16xf32>,
        %swap3A_755 = vector.shape_cast %swap3A_754 : vector<1x16xf32> to vector<16xf32>
        %swap3A_756 = vector.shape_cast %get3A_690 : vector<16xf32> to vector<1x16xf32>
        tpu.vector_store %arg10[%swap3A_752, %swap3A_753], %swap3A_756 {add = true, strides = array<i32>} : memref<32x768xf32, #tpu.memory_space<vmem>>, vector<1x16xf32>,
        %swap3A_757 = arith.constant 11 : i32
        %swap3A_758 = arith.index_cast %swap3A_757 : i32 to index
        %swap3A_759 = arith.index_cast %mul3A_685 : i32 to index
        %swap3A_760 = tpu.vector_load %arg10[%swap3A_758, %swap3A_759] {strides = array<i32>} : memref<32x768xf32, #tpu.memory_space<vmem>>, vector<1x16xf32>,
        %swap3A_761 = vector.shape_cast %swap3A_760 : vector<1x16xf32> to vector<16xf32>
        %swap3A_762 = vector.shape_cast %get3A_690 : vector<16xf32> to vector<1x16xf32>
        tpu.vector_store %arg10[%swap3A_758, %swap3A_759], %swap3A_762 {add = true, strides = array<i32>} : memref<32x768xf32, #tpu.memory_space<vmem>>, vector<1x16xf32>,
        %swap3A_763 = arith.constant 12 : i32
        %swap3A_764 = arith.index_cast %swap3A_763 : i32 to index
        %swap3A_765 = arith.index_cast %mul3A_685 : i32 to index
        %swap3A_766 = tpu.vector_load %arg10[%swap3A_764, %swap3A_765] {strides = array<i32>} : memref<32x768xf32, #tpu.memory_space<vmem>>, vector<1x16xf32>,
        %swap3A_767 = vector.shape_cast %swap3A_766 : vector<1x16xf32> to vector<16xf32>
        %swap3A_768 = vector.shape_cast %get3A_690 : vector<16xf32> to vector<1x16xf32>
        tpu.vector_store %arg10[%swap3A_764, %swap3A_765], %swap3A_768 {add = true, strides = array<i32>} : memref<32x768xf32, #tpu.memory_space<vmem>>, vector<1x16xf32>,
        %swap3A_769 = arith.constant 13 : i32
        %swap3A_770 = arith.index_cast %swap3A_769 : i32 to index
        %swap3A_771 = arith.index_cast %mul3A_685 : i32 to index
        %swap3A_772 = tpu.vector_load %arg10[%swap3A_770, %swap3A_771] {strides = array<i32>} : memref<32x768xf32, #tpu.memory_space<vmem>>, vector<1x16xf32>,
        %swap3A_773 = vector.shape_cast %swap3A_772 : vector<1x16xf32> to vector<16xf32>
        %swap3A_774 = vector.shape_cast %get3A_690 : vector<16xf32> to vector<1x16xf32>
        tpu.vector_store %arg10[%swap3A_770, %swap3A_771], %swap3A_774 {add = true, strides = array<i32>} : memref<32x768xf32, #tpu.memory_space<vmem>>, vector<1x16xf32>,
        %swap3A_775 = arith.constant 14 : i32
        %swap3A_776 = arith.index_cast %swap3A_775 : i32 to index
        %swap3A_777 = arith.index_cast %mul3A_685 : i32 to index
        %swap3A_778 = tpu.vector_load %arg10[%swap3A_776, %swap3A_777] {strides = array<i32>} : memref<32x768xf32, #tpu.memory_space<vmem>>, vector<1x16xf32>,
        %swap3A_779 = vector.shape_cast %swap3A_778 : vector<1x16xf32> to vector<16xf32>
        %swap3A_780 = vector.shape_cast %get3A_690 : vector<16xf32> to vector<1x16xf32>
        tpu.vector_store %arg10[%swap3A_776, %swap3A_777], %swap3A_780 {add = true, strides = array<i32>} : memref<32x768xf32, #tpu.memory_space<vmem>>, vector<1x16xf32>,
        %swap3A_781 = arith.constant 15 : i32
        %swap3A_782 = arith.index_cast %swap3A_781 : i32 to index
        %swap3A_783 = arith.index_cast %mul3A_685 : i32 to index
        %swap3A_784 = tpu.vector_load %arg10[%swap3A_782, %swap3A_783] {strides = array<i32>} : memref<32x768xf32, #tpu.memory_space<vmem>>, vector<1x16xf32>,
        %swap3A_785 = vector.shape_cast %swap3A_784 : vector<1x16xf32> to vector<16xf32>
        %swap3A_786 = vector.shape_cast %get3A_690 : vector<16xf32> to vector<1x16xf32>
        tpu.vector_store %arg10[%swap3A_782, %swap3A_783], %swap3A_786 {add = true, strides = array<i32>} : memref<32x768xf32, #tpu.memory_space<vmem>>, vector<1x16xf32>,
        %swap3A_787 = arith.constant 16 : i32
        %swap3A_788 = arith.index_cast %swap3A_787 : i32 to index
        %swap3A_789 = arith.index_cast %mul3A_685 : i32 to index
        %swap3A_790 = tpu.vector_load %arg10[%swap3A_788, %swap3A_789] {strides = array<i32>} : memref<32x768xf32, #tpu.memory_space<vmem>>, vector<1x16xf32>,
        %swap3A_791 = vector.shape_cast %swap3A_790 : vector<1x16xf32> to vector<16xf32>
        %swap3A_792 = vector.shape_cast %get3A_690 : vector<16xf32> to vector<1x16xf32>
        tpu.vector_store %arg10[%swap3A_788, %swap3A_789], %swap3A_792 {add = true, strides = array<i32>} : memref<32x768xf32, #tpu.memory_space<vmem>>, vector<1x16xf32>,
        %swap3A_793 = arith.constant 17 : i32
        %swap3A_794 = arith.index_cast %swap3A_793 : i32 to index
        %swap3A_795 = arith.index_cast %mul3A_685 : i32 to index
        %swap3A_796 = tpu.vector_load %arg10[%swap3A_794, %swap3A_795] {strides = array<i32>} : memref<32x768xf32, #tpu.memory_space<vmem>>, vector<1x16xf32>,
        %swap3A_797 = vector.shape_cast %swap3A_796 : vector<1x16xf32> to vector<16xf32>
        %swap3A_798 = vector.shape_cast %get3A_690 : vector<16xf32> to vector<1x16xf32>
        tpu.vector_store %arg10[%swap3A_794, %swap3A_795], %swap3A_798 {add = true, strides = array<i32>} : memref<32x768xf32, #tpu.memory_space<vmem>>, vector<1x16xf32>,
        %swap3A_799 = arith.constant 18 : i32
        %swap3A_800 = arith.index_cast %swap3A_799 : i32 to index
        %swap3A_801 = arith.index_cast %mul3A_685 : i32 to index
        %swap3A_802 = tpu.vector_load %arg10[%swap3A_800, %swap3A_801] {strides = array<i32>} : memref<32x768xf32, #tpu.memory_space<vmem>>, vector<1x16xf32>,
        %swap3A_803 = vector.shape_cast %swap3A_802 : vector<1x16xf32> to vector<16xf32>
        %swap3A_804 = vector.shape_cast %get3A_690 : vector<16xf32> to vector<1x16xf32>
        tpu.vector_store %arg10[%swap3A_800, %swap3A_801], %swap3A_804 {add = true, strides = array<i32>} : memref<32x768xf32, #tpu.memory_space<vmem>>, vector<1x16xf32>,
        %swap3A_805 = arith.constant 19 : i32
        %swap3A_806 = arith.index_cast %swap3A_805 : i32 to index
        %swap3A_807 = arith.index_cast %mul3A_685 : i32 to index
        %swap3A_808 = tpu.vector_load %arg10[%swap3A_806, %swap3A_807] {strides = array<i32>} : memref<32x768xf32, #tpu.memory_space<vmem>>, vector<1x16xf32>,
        %swap3A_809 = vector.shape_cast %swap3A_808 : vector<1x16xf32> to vector<16xf32>
        %swap3A_810 = vector.shape_cast %get3A_690 : vector<16xf32> to vector<1x16xf32>
        tpu.vector_store %arg10[%swap3A_806, %swap3A_807], %swap3A_810 {add = true, strides = array<i32>} : memref<32x768xf32, #tpu.memory_space<vmem>>, vector<1x16xf32>,
        %swap3A_811 = arith.constant 20 : i32
        %swap3A_812 = arith.index_cast %swap3A_811 : i32 to index
        %swap3A_813 = arith.index_cast %mul3A_685 : i32 to index
        %swap3A_814 = tpu.vector_load %arg10[%swap3A_812, %swap3A_813] {strides = array<i32>} : memref<32x768xf32, #tpu.memory_space<vmem>>, vector<1x16xf32>,
        %swap3A_815 = vector.shape_cast %swap3A_814 : vector<1x16xf32> to vector<16xf32>
        %swap3A_816 = vector.shape_cast %get3A_690 : vector<16xf32> to vector<1x16xf32>
        tpu.vector_store %arg10[%swap3A_812, %swap3A_813], %swap3A_816 {add = true, strides = array<i32>} : memref<32x768xf32, #tpu.memory_space<vmem>>, vector<1x16xf32>,
        %swap3A_817 = arith.constant 21 : i32
        %swap3A_818 = arith.index_cast %swap3A_817 : i32 to index
        %swap3A_819 = arith.index_cast %mul3A_685 : i32 to index
        %swap3A_820 = tpu.vector_load %arg10[%swap3A_818, %swap3A_819] {strides = array<i32>} : memref<32x768xf32, #tpu.memory_space<vmem>>, vector<1x16xf32>,
        %swap3A_821 = vector.shape_cast %swap3A_820 : vector<1x16xf32> to vector<16xf32>
        %swap3A_822 = vector.shape_cast %get3A_690 : vector<16xf32> to vector<1x16xf32>
        tpu.vector_store %arg10[%swap3A_818, %swap3A_819], %swap3A_822 {add = true, strides = array<i32>} : memref<32x768xf32, #tpu.memory_space<vmem>>, vector<1x16xf32>,
        %swap3A_823 = arith.constant 22 : i32
        %swap3A_824 = arith.index_cast %swap3A_823 : i32 to index
        %swap3A_825 = arith.index_cast %mul3A_685 : i32 to index
        %swap3A_826 = tpu.vector_load %arg10[%swap3A_824, %swap3A_825] {strides = array<i32>} : memref<32x768xf32, #tpu.memory_space<vmem>>, vector<1x16xf32>,
        %swap3A_827 = vector.shape_cast %swap3A_826 : vector<1x16xf32> to vector<16xf32>
        %swap3A_828 = vector.shape_cast %get3A_690 : vector<16xf32> to vector<1x16xf32>
        tpu.vector_store %arg10[%swap3A_824, %swap3A_825], %swap3A_828 {add = true, strides = array<i32>} : memref<32x768xf32, #tpu.memory_space<vmem>>, vector<1x16xf32>,
        %swap3A_829 = arith.constant 23 : i32
        %swap3A_830 = arith.index_cast %swap3A_829 : i32 to index
        %swap3A_831 = arith.index_cast %mul3A_685 : i32 to index
        %swap3A_832 = tpu.vector_load %arg10[%swap3A_830, %swap3A_831] {strides = array<i32>} : memref<32x768xf32, #tpu.memory_space<vmem>>, vector<1x16xf32>,
        %swap3A_833 = vector.shape_cast %swap3A_832 : vector<1x16xf32> to vector<16xf32>
        %swap3A_834 = vector.shape_cast %get3A_690 : vector<16xf32> to vector<1x16xf32>
        tpu.vector_store %arg10[%swap3A_830, %swap3A_831], %swap3A_834 {add = true, strides = array<i32>} : memref<32x768xf32, #tpu.memory_space<vmem>>, vector<1x16xf32>,
        %swap3A_835 = arith.constant 24 : i32
        %swap3A_836 = arith.index_cast %swap3A_835 : i32 to index
        %swap3A_837 = arith.index_cast %mul3A_685 : i32 to index
        %swap3A_838 = tpu.vector_load %arg10[%swap3A_836, %swap3A_837] {strides = array<i32>} : memref<32x768xf32, #tpu.memory_space<vmem>>, vector<1x16xf32>,
        %swap3A_839 = vector.shape_cast %swap3A_838 : vector<1x16xf32> to vector<16xf32>
        %swap3A_840 = vector.shape_cast %get3A_690 : vector<16xf32> to vector<1x16xf32>
        tpu.vector_store %arg10[%swap3A_836, %swap3A_837], %swap3A_840 {add = true, strides = array<i32>} : memref<32x768xf32, #tpu.memory_space<vmem>>, vector<1x16xf32>,
        %swap3A_841 = arith.constant 25 : i32
        %swap3A_842 = arith.index_cast %swap3A_841 : i32 to index
        %swap3A_843 = arith.index_cast %mul3A_685 : i32 to index
        %swap3A_844 = tpu.vector_load %arg10[%swap3A_842, %swap3A_843] {strides = array<i32>} : memref<32x768xf32, #tpu.memory_space<vmem>>, vector<1x16xf32>,
        %swap3A_845 = vector.shape_cast %swap3A_844 : vector<1x16xf32> to vector<16xf32>
        %swap3A_846 = vector.shape_cast %get3A_690 : vector<16xf32> to vector<1x16xf32>
        tpu.vector_store %arg10[%swap3A_842, %swap3A_843], %swap3A_846 {add = true, strides = array<i32>} : memref<32x768xf32, #tpu.memory_space<vmem>>, vector<1x16xf32>,
        %swap3A_847 = arith.constant 26 : i32
        %swap3A_848 = arith.index_cast %swap3A_847 : i32 to index
        %swap3A_849 = arith.index_cast %mul3A_685 : i32 to index
        %swap3A_850 = tpu.vector_load %arg10[%swap3A_848, %swap3A_849] {strides = array<i32>} : memref<32x768xf32, #tpu.memory_space<vmem>>, vector<1x16xf32>,
        %swap3A_851 = vector.shape_cast %swap3A_850 : vector<1x16xf32> to vector<16xf32>
        %swap3A_852 = vector.shape_cast %get3A_690 : vector<16xf32> to vector<1x16xf32>
        tpu.vector_store %arg10[%swap3A_848, %swap3A_849], %swap3A_852 {add = true, strides = array<i32>} : memref<32x768xf32, #tpu.memory_space<vmem>>, vector<1x16xf32>,
        %swap3A_853 = arith.constant 27 : i32
        %swap3A_854 = arith.index_cast %swap3A_853 : i32 to index
        %swap3A_855 = arith.index_cast %mul3A_685 : i32 to index
        %swap3A_856 = tpu.vector_load %arg10[%swap3A_854, %swap3A_855] {strides = array<i32>} : memref<32x768xf32, #tpu.memory_space<vmem>>, vector<1x16xf32>,
        %swap3A_857 = vector.shape_cast %swap3A_856 : vector<1x16xf32> to vector<16xf32>
        %swap3A_858 = vector.shape_cast %get3A_690 : vector<16xf32> to vector<1x16xf32>
        tpu.vector_store %arg10[%swap3A_854, %swap3A_855], %swap3A_858 {add = true, strides = array<i32>} : memref<32x768xf32, #tpu.memory_space<vmem>>, vector<1x16xf32>,
        %swap3A_859 = arith.constant 28 : i32
        %swap3A_860 = arith.index_cast %swap3A_859 : i32 to index
        %swap3A_861 = arith.index_cast %mul3A_685 : i32 to index
        %swap3A_862 = tpu.vector_load %arg10[%swap3A_860, %swap3A_861] {strides = array<i32>} : memref<32x768xf32, #tpu.memory_space<vmem>>, vector<1x16xf32>,
        %swap3A_863 = vector.shape_cast %swap3A_862 : vector<1x16xf32> to vector<16xf32>
        %swap3A_864 = vector.shape_cast %get3A_690 : vector<16xf32> to vector<1x16xf32>
        tpu.vector_store %arg10[%swap3A_860, %swap3A_861], %swap3A_864 {add = true, strides = array<i32>} : memref<32x768xf32, #tpu.memory_space<vmem>>, vector<1x16xf32>,
        %swap3A_865 = arith.constant 29 : i32
        %swap3A_866 = arith.index_cast %swap3A_865 : i32 to index
        %swap3A_867 = arith.index_cast %mul3A_685 : i32 to index
        %swap3A_868 = tpu.vector_load %arg10[%swap3A_866, %swap3A_867] {strides = array<i32>} : memref<32x768xf32, #tpu.memory_space<vmem>>, vector<1x16xf32>,
        %swap3A_869 = vector.shape_cast %swap3A_868 : vector<1x16xf32> to vector<16xf32>
        %swap3A_870 = vector.shape_cast %get3A_690 : vector<16xf32> to vector<1x16xf32>
        tpu.vector_store %arg10[%swap3A_866, %swap3A_867], %swap3A_870 {add = true, strides = array<i32>} : memref<32x768xf32, #tpu.memory_space<vmem>>, vector<1x16xf32>,
        %swap3A_871 = arith.constant 30 : i32
        %swap3A_872 = arith.index_cast %swap3A_871 : i32 to index
        %swap3A_873 = arith.index_cast %mul3A_685 : i32 to index
        %swap3A_874 = tpu.vector_load %arg10[%swap3A_872, %swap3A_873] {strides = array<i32>} : memref<32x768xf32, #tpu.memory_space<vmem>>, vector<1x16xf32>,
        %swap3A_875 = vector.shape_cast %swap3A_874 : vector<1x16xf32> to vector<16xf32>
        %swap3A_876 = vector.shape_cast %get3A_690 : vector<16xf32> to vector<1x16xf32>
        tpu.vector_store %arg10[%swap3A_872, %swap3A_873], %swap3A_876 {add = true, strides = array<i32>} : memref<32x768xf32, #tpu.memory_space<vmem>>, vector<1x16xf32>,
        %swap3A_877 = arith.constant 31 : i32
        %swap3A_878 = arith.index_cast %swap3A_877 : i32 to index
        %swap3A_879 = arith.index_cast %mul3A_685 : i32 to index
        %swap3A_880 = tpu.vector_load %arg10[%swap3A_878, %swap3A_879] {strides = array<i32>} : memref<32x768xf32, #tpu.memory_space<vmem>>, vector<1x16xf32>,
        %swap3A_881 = vector.shape_cast %swap3A_880 : vector<1x16xf32> to vector<16xf32>
        %swap3A_882 = vector.shape_cast %get3A_690 : vector<16xf32> to vector<1x16xf32>
        tpu.vector_store %arg10[%swap3A_878, %swap3A_879], %swap3A_882 {add = true, strides = array<i32>} : memref<32x768xf32, #tpu.memory_space<vmem>>, vector<1x16xf32>,
      }
      %scan3A_481 = arith.constant 48 : i32
      %dma_start3A_482 = arith.constant 0 : i32
      %dma_start3A_483 = arith.constant 0 : i32
      %dma_start3A_484 = tpu.memref_slice %arg5[%dma_start3A_482, %dma_start3A_483] : memref<78848x768xf32, #tpu.memory_space<hbm>> -> memref<78848x768xf32, #tpu.memory_space<hbm>>
      tpu.enqueue_indirect_dma source(%arg10 : memref<32x768xf32, #tpu.memory_space<vmem>>) target(%dma_start3A_484 : memref<78848x768xf32, #tpu.memory_space<hbm>>) offsets(%arg15 : memref<32xi32, #tpu.memory_space<vmem>>) semaphore(%arg25 : memref<!tpu.dma_semaphore, #tpu.memory_space<semaphore_mem>>)
      %ge3A_485 = arith.constant 2 : i32
      %ge3A_486 = arith.cmpi sge, %add3A_404, %ge3A_485 : i32
      %add3A_487 = arith.constant 3 : i32
      %add3A_488 = arith.addi %add3A_404, %add3A_487 : i32
      %le3A_489 = arith.constant 76 : i32
      %le3A_490 = arith.cmpi sle, %add3A_488, %le3A_489 : i32
      %and3A_491 = arith.andi %ge3A_486, %le3A_490 : i1
      %convert_element_type3A_492 = arith.extui %and3A_491 : i1 to i32
      %cond3A_493 = arith.constant 0 : i32
      %cond3A_494 = arith.cmpi ne, %convert_element_type3A_492, %cond3A_493 : i32
      scf.if %cond3A_494 {
        %dma_wait3A_683 = arith.constant 0 : i32
        %dma_wait3A_684 = arith.constant 0 : i32
        %dma_wait3A_685 = tpu.memref_slice %arg5[%dma_wait3A_683, %dma_wait3A_684] : memref<78848x768xf32, #tpu.memory_space<hbm>> -> memref<78848x768xf32, #tpu.memory_space<hbm>>
        tpu.wait_indirect_dma semaphore(%arg23 : memref<!tpu.dma_semaphore, #tpu.memory_space<semaphore_mem>>) src(%arg8 : memref<32x768xf32, #tpu.memory_space<vmem>>) dst(%dma_wait3A_685 : memref<78848x768xf32, #tpu.memory_space<hbm>>)
        %add3A_686 = arith.constant 3 : i32
        %add3A_687 = arith.addi %add3A_404, %add3A_686 : i32
        %mul3A_688 = arith.constant 32 : i32
        %mul3A_689 = arith.muli %add3A_687, %mul3A_688 : i32
        %dma_start3A_690 = tpu.memref_slice %arg6[%mul3A_689] : memref<2464xi32, #tpu.memory_space<vmem>> -> memref<32xi32, #tpu.memory_space<vmem>>
        %dma_start3A_691 = arith.constant 0 : i32
        %dma_start3A_692 = arith.constant 0 : i32
        %dma_start3A_693 = tpu.memref_slice %arg4[%dma_start3A_691, %dma_start3A_692] : memref<49408x768xf32, #tpu.memory_space<hbm>> -> memref<49408x768xf32, #tpu.memory_space<hbm>>
        tpu.enqueue_indirect_dma source(%dma_start3A_693 : memref<49408x768xf32, #tpu.memory_space<hbm>>) target(%arg8 : memref<32x768xf32, #tpu.memory_space<vmem>>) offsets(%dma_start3A_690 : memref<32xi32, #tpu.memory_space<vmem>>) semaphore(%arg18 : memref<!tpu.dma_semaphore, #tpu.memory_space<semaphore_mem>>)
      } else {
      }
      %mul3A_495 = arith.constant 5 : i32
      %mul3A_496 = arith.muli %scan3A_216, %mul3A_495 : i32
      %add3A_497 = arith.constant 3 : i32
      %add3A_498 = arith.addi %mul3A_496, %add3A_497 : i32
      %mul3A_499 = arith.constant 32 : i32
      %mul3A_500 = arith.muli %add3A_498, %mul3A_499 : i32
      %add3A_501 = arith.addi %mul3A_2, %mul3A_500 : i32
      %jit3A_502 = arith.constant 1024 : i32
      %div3A_503 = arith.divsi %add3A_501, %jit3A_502 : i32
      %sign3A_504 = arith.constant 0 : i32
      %sign3A_505 = arith.cmpi sgt, %add3A_501, %sign3A_504 : i32
      %sign3A_506 = arith.extui %sign3A_505 : i1 to i32
      %sign3A_507 = arith.constant 0 : i32
      %sign3A_508 = arith.cmpi slt, %add3A_501, %sign3A_507 : i32
      %sign3A_509 = arith.extui %sign3A_508 : i1 to i32
      %sign3A_510 = arith.subi %sign3A_506, %sign3A_509 : i32
      %sign3A_511 = arith.constant 0 : i32
      %sign3A_512 = arith.cmpi sgt, %jit3A_502, %sign3A_511 : i32
      %sign3A_513 = arith.extui %sign3A_512 : i1 to i32
      %sign3A_514 = arith.constant 0 : i32
      %sign3A_515 = arith.cmpi slt, %jit3A_502, %sign3A_514 : i32
      %sign3A_516 = arith.extui %sign3A_515 : i1 to i32
      %sign3A_517 = arith.subi %sign3A_513, %sign3A_516 : i32
      %ne3A_518 = arith.cmpi ne, %sign3A_510, %sign3A_517 : i32
      %rem3A_519 = arith.remsi %add3A_501, %jit3A_502 : i32
      %ne3A_520 = arith.constant 0 : i32
      %ne3A_521 = arith.cmpi ne, %rem3A_519, %ne3A_520 : i32
      %and3A_522 = arith.andi %ne3A_518, %ne3A_521 : i1
      %sub3A_523 = arith.constant 1 : i32
      %sub3A_524 = arith.subi %div3A_503, %sub3A_523 : i32
      %select_n3A_525 = arith.select %and3A_522, %sub3A_524, %div3A_503 : i32
      %jit3A_526 = arith.constant 1024 : i32
      %eq3A_527 = arith.constant 0 : i32
      %eq3A_528 = arith.cmpi eq, %jit3A_526, %eq3A_527 : i32
      %jit3A_529 = arith.constant 1 : i32
      %select_n3A_530 = arith.select %eq3A_528, %jit3A_529, %jit3A_526 : i32
      %rem3A_531 = arith.remsi %add3A_501, %select_n3A_530 : i32
      %ne3A_532 = arith.constant 0 : i32
      %ne3A_533 = arith.cmpi ne, %rem3A_531, %ne3A_532 : i32
      %lt3A_534 = arith.constant 0 : i32
      %lt3A_535 = arith.cmpi slt, %rem3A_531, %lt3A_534 : i32
      %lt3A_536 = arith.constant 0 : i32
      %lt3A_537 = arith.cmpi slt, %select_n3A_530, %lt3A_536 : i32
      %ne3A_538 = arith.xori %lt3A_535, %lt3A_537 : i1
      %and3A_539 = arith.andi %ne3A_538, %ne3A_533 : i1
      %add3A_540 = arith.addi %rem3A_531, %select_n3A_530 : i32
      %select_n3A_541 = arith.select %and3A_539, %add3A_540, %rem3A_531 : i32
      %sub3A_542 = arith.subi %select_n3A_525, %select_n3A : i32
      %mul3A_543 = arith.constant 77 : i32
      %mul3A_544 = arith.muli %select_n3A_541, %mul3A_543 : i32
      %add3A_545 = arith.addi %mul3A_544, %select_n3A_525 : i32
      %iota3A_546 = tpu.iota {dimensions = array<i32: 0>} : vector<16xi32>
      %mul3A_547 = arith.constant 77 : i32
      %mul3A_548 = vector.broadcast %mul3A_547 : i32 to vector<16xi32>
      %mul3A_549 = arith.muli %iota3A_546, %mul3A_548 : vector<16xi32>
      %add3A_550 = vector.broadcast %add3A_545 : i32 to vector<16xi32>
      %add3A_551 = arith.addi %mul3A_549, %add3A_550 : vector<16xi32>
      %swap3A_552 = arith.constant 0 : index
      %swap3A_553 = tpu.vector_load %arg16[%swap3A_552] {strides = array<i32>} : memref<32xi32, #tpu.memory_space<vmem>>, vector<16xi32>,
      %swap3A_554 = vector.shape_cast %swap3A_553 : vector<16xi32> to vector<16xi32>
      %swap3A_555 = vector.shape_cast %add3A_551 : vector<16xi32> to vector<16xi32>
      tpu.vector_store %arg16[%swap3A_552], %swap3A_555 {strides = array<i32>} : memref<32xi32, #tpu.memory_space<vmem>>, vector<16xi32>,
      %add3A_556 = arith.constant 1232 : i32
      %add3A_557 = arith.addi %add3A_545, %add3A_556 : i32
      %add3A_558 = vector.broadcast %add3A_557 : i32 to vector<16xi32>
      %add3A_559 = arith.addi %mul3A_549, %add3A_558 : vector<16xi32>
      %swap3A_560 = arith.constant 16 : index
      %swap3A_561 = tpu.vector_load %arg16[%swap3A_560] {strides = array<i32>} : memref<32xi32, #tpu.memory_space<vmem>>, vector<16xi32>,
      %swap3A_562 = vector.shape_cast %swap3A_561 : vector<16xi32> to vector<16xi32>
      %swap3A_563 = vector.shape_cast %add3A_559 : vector<16xi32> to vector<16xi32>
      tpu.vector_store %arg16[%swap3A_560], %swap3A_563 {strides = array<i32>} : memref<32xi32, #tpu.memory_space<vmem>>, vector<16xi32>,
      %mul3A_564 = arith.constant 32 : i32
      %mul3A_565 = arith.muli %add3A_498, %mul3A_564 : i32
      %dma_wait3A_566 = tpu.memref_slice %arg6[%mul3A_565] : memref<2464xi32, #tpu.memory_space<vmem>> -> memref<32xi32, #tpu.memory_space<vmem>>
      %dma_wait3A_567 = arith.constant 0 : i32
      %dma_wait3A_568 = arith.constant 0 : i32
      %dma_wait3A_569 = tpu.memref_slice %arg4[%dma_wait3A_567, %dma_wait3A_568] : memref<49408x768xf32, #tpu.memory_space<hbm>> -> memref<49408x768xf32, #tpu.memory_space<hbm>>
      tpu.wait_indirect_dma semaphore(%arg21 : memref<!tpu.dma_semaphore, #tpu.memory_space<semaphore_mem>>) src(%dma_wait3A_569 : memref<49408x768xf32, #tpu.memory_space<hbm>>) dst(%arg11 : memref<32x768xf32, #tpu.memory_space<vmem>>)
      %scan3A_570 = arith.constant 0 : i32
      %scan3A_571 = arith.constant 0 : i32
      %scan3A_572 = arith.constant 48 : i32
      %scan3A_573 = arith.addi %scan3A_571, %scan3A_572 : i32
      %scan3A_574 = arith.constant 1 : i32
      scf.for %scan3A_683 = %scan3A_571 to %scan3A_573 step %scan3A_574  : i32 {
        %mul3A_684 = arith.constant 16 : i32
        %mul3A_685 = arith.muli %scan3A_683, %mul3A_684 : i32
        %mul3A_686 = arith.constant 768 : i32
        %mul3A_687 = arith.muli %sub3A_542, %mul3A_686 : i32
        %add3A_688 = arith.addi %mul3A_687, %mul3A_685 : i32
        %get3A = arith.index_cast %add3A_688 : i32 to index
        %get3A_689 = tpu.vector_load %arg7[%get3A] {strides = array<i32>} : memref<3072xf32, #tpu.memory_space<vmem>>, vector<16xf32>,
        %get3A_690 = vector.shape_cast %get3A_689 : vector<16xf32> to vector<16xf32>
        %swap3A_691 = arith.constant 0 : i32
        %swap3A_692 = arith.index_cast %swap3A_691 : i32 to index
        %swap3A_693 = arith.index_cast %mul3A_685 : i32 to index
        %swap3A_694 = tpu.vector_load %arg11[%swap3A_692, %swap3A_693] {strides = array<i32>} : memref<32x768xf32, #tpu.memory_space<vmem>>, vector<1x16xf32>,
        %swap3A_695 = vector.shape_cast %swap3A_694 : vector<1x16xf32> to vector<16xf32>
        %swap3A_696 = vector.shape_cast %get3A_690 : vector<16xf32> to vector<1x16xf32>
        tpu.vector_store %arg11[%swap3A_692, %swap3A_693], %swap3A_696 {add = true, strides = array<i32>} : memref<32x768xf32, #tpu.memory_space<vmem>>, vector<1x16xf32>,
        %swap3A_697 = arith.constant 1 : i32
        %swap3A_698 = arith.index_cast %swap3A_697 : i32 to index
        %swap3A_699 = arith.index_cast %mul3A_685 : i32 to index
        %swap3A_700 = tpu.vector_load %arg11[%swap3A_698, %swap3A_699] {strides = array<i32>} : memref<32x768xf32, #tpu.memory_space<vmem>>, vector<1x16xf32>,
        %swap3A_701 = vector.shape_cast %swap3A_700 : vector<1x16xf32> to vector<16xf32>
        %swap3A_702 = vector.shape_cast %get3A_690 : vector<16xf32> to vector<1x16xf32>
        tpu.vector_store %arg11[%swap3A_698, %swap3A_699], %swap3A_702 {add = true, strides = array<i32>} : memref<32x768xf32, #tpu.memory_space<vmem>>, vector<1x16xf32>,
        %swap3A_703 = arith.constant 2 : i32
        %swap3A_704 = arith.index_cast %swap3A_703 : i32 to index
        %swap3A_705 = arith.index_cast %mul3A_685 : i32 to index
        %swap3A_706 = tpu.vector_load %arg11[%swap3A_704, %swap3A_705] {strides = array<i32>} : memref<32x768xf32, #tpu.memory_space<vmem>>, vector<1x16xf32>,
        %swap3A_707 = vector.shape_cast %swap3A_706 : vector<1x16xf32> to vector<16xf32>
        %swap3A_708 = vector.shape_cast %get3A_690 : vector<16xf32> to vector<1x16xf32>
        tpu.vector_store %arg11[%swap3A_704, %swap3A_705], %swap3A_708 {add = true, strides = array<i32>} : memref<32x768xf32, #tpu.memory_space<vmem>>, vector<1x16xf32>,
        %swap3A_709 = arith.constant 3 : i32
        %swap3A_710 = arith.index_cast %swap3A_709 : i32 to index
        %swap3A_711 = arith.index_cast %mul3A_685 : i32 to index
        %swap3A_712 = tpu.vector_load %arg11[%swap3A_710, %swap3A_711] {strides = array<i32>} : memref<32x768xf32, #tpu.memory_space<vmem>>, vector<1x16xf32>,
        %swap3A_713 = vector.shape_cast %swap3A_712 : vector<1x16xf32> to vector<16xf32>
        %swap3A_714 = vector.shape_cast %get3A_690 : vector<16xf32> to vector<1x16xf32>
        tpu.vector_store %arg11[%swap3A_710, %swap3A_711], %swap3A_714 {add = true, strides = array<i32>} : memref<32x768xf32, #tpu.memory_space<vmem>>, vector<1x16xf32>,
        %swap3A_715 = arith.constant 4 : i32
        %swap3A_716 = arith.index_cast %swap3A_715 : i32 to index
        %swap3A_717 = arith.index_cast %mul3A_685 : i32 to index
        %swap3A_718 = tpu.vector_load %arg11[%swap3A_716, %swap3A_717] {strides = array<i32>} : memref<32x768xf32, #tpu.memory_space<vmem>>, vector<1x16xf32>,
        %swap3A_719 = vector.shape_cast %swap3A_718 : vector<1x16xf32> to vector<16xf32>
        %swap3A_720 = vector.shape_cast %get3A_690 : vector<16xf32> to vector<1x16xf32>
        tpu.vector_store %arg11[%swap3A_716, %swap3A_717], %swap3A_720 {add = true, strides = array<i32>} : memref<32x768xf32, #tpu.memory_space<vmem>>, vector<1x16xf32>,
        %swap3A_721 = arith.constant 5 : i32
        %swap3A_722 = arith.index_cast %swap3A_721 : i32 to index
        %swap3A_723 = arith.index_cast %mul3A_685 : i32 to index
        %swap3A_724 = tpu.vector_load %arg11[%swap3A_722, %swap3A_723] {strides = array<i32>} : memref<32x768xf32, #tpu.memory_space<vmem>>, vector<1x16xf32>,
        %swap3A_725 = vector.shape_cast %swap3A_724 : vector<1x16xf32> to vector<16xf32>
        %swap3A_726 = vector.shape_cast %get3A_690 : vector<16xf32> to vector<1x16xf32>
        tpu.vector_store %arg11[%swap3A_722, %swap3A_723], %swap3A_726 {add = true, strides = array<i32>} : memref<32x768xf32, #tpu.memory_space<vmem>>, vector<1x16xf32>,
        %swap3A_727 = arith.constant 6 : i32
        %swap3A_728 = arith.index_cast %swap3A_727 : i32 to index
        %swap3A_729 = arith.index_cast %mul3A_685 : i32 to index
        %swap3A_730 = tpu.vector_load %arg11[%swap3A_728, %swap3A_729] {strides = array<i32>} : memref<32x768xf32, #tpu.memory_space<vmem>>, vector<1x16xf32>,
        %swap3A_731 = vector.shape_cast %swap3A_730 : vector<1x16xf32> to vector<16xf32>
        %swap3A_732 = vector.shape_cast %get3A_690 : vector<16xf32> to vector<1x16xf32>
        tpu.vector_store %arg11[%swap3A_728, %swap3A_729], %swap3A_732 {add = true, strides = array<i32>} : memref<32x768xf32, #tpu.memory_space<vmem>>, vector<1x16xf32>,
        %swap3A_733 = arith.constant 7 : i32
        %swap3A_734 = arith.index_cast %swap3A_733 : i32 to index
        %swap3A_735 = arith.index_cast %mul3A_685 : i32 to index
        %swap3A_736 = tpu.vector_load %arg11[%swap3A_734, %swap3A_735] {strides = array<i32>} : memref<32x768xf32, #tpu.memory_space<vmem>>, vector<1x16xf32>,
        %swap3A_737 = vector.shape_cast %swap3A_736 : vector<1x16xf32> to vector<16xf32>
        %swap3A_738 = vector.shape_cast %get3A_690 : vector<16xf32> to vector<1x16xf32>
        tpu.vector_store %arg11[%swap3A_734, %swap3A_735], %swap3A_738 {add = true, strides = array<i32>} : memref<32x768xf32, #tpu.memory_space<vmem>>, vector<1x16xf32>,
        %swap3A_739 = arith.constant 8 : i32
        %swap3A_740 = arith.index_cast %swap3A_739 : i32 to index
        %swap3A_741 = arith.index_cast %mul3A_685 : i32 to index
        %swap3A_742 = tpu.vector_load %arg11[%swap3A_740, %swap3A_741] {strides = array<i32>} : memref<32x768xf32, #tpu.memory_space<vmem>>, vector<1x16xf32>,
        %swap3A_743 = vector.shape_cast %swap3A_742 : vector<1x16xf32> to vector<16xf32>
        %swap3A_744 = vector.shape_cast %get3A_690 : vector<16xf32> to vector<1x16xf32>
        tpu.vector_store %arg11[%swap3A_740, %swap3A_741], %swap3A_744 {add = true, strides = array<i32>} : memref<32x768xf32, #tpu.memory_space<vmem>>, vector<1x16xf32>,
        %swap3A_745 = arith.constant 9 : i32
        %swap3A_746 = arith.index_cast %swap3A_745 : i32 to index
        %swap3A_747 = arith.index_cast %mul3A_685 : i32 to index
        %swap3A_748 = tpu.vector_load %arg11[%swap3A_746, %swap3A_747] {strides = array<i32>} : memref<32x768xf32, #tpu.memory_space<vmem>>, vector<1x16xf32>,
        %swap3A_749 = vector.shape_cast %swap3A_748 : vector<1x16xf32> to vector<16xf32>
        %swap3A_750 = vector.shape_cast %get3A_690 : vector<16xf32> to vector<1x16xf32>
        tpu.vector_store %arg11[%swap3A_746, %swap3A_747], %swap3A_750 {add = true, strides = array<i32>} : memref<32x768xf32, #tpu.memory_space<vmem>>, vector<1x16xf32>,
        %swap3A_751 = arith.constant 10 : i32
        %swap3A_752 = arith.index_cast %swap3A_751 : i32 to index
        %swap3A_753 = arith.index_cast %mul3A_685 : i32 to index
        %swap3A_754 = tpu.vector_load %arg11[%swap3A_752, %swap3A_753] {strides = array<i32>} : memref<32x768xf32, #tpu.memory_space<vmem>>, vector<1x16xf32>,
        %swap3A_755 = vector.shape_cast %swap3A_754 : vector<1x16xf32> to vector<16xf32>
        %swap3A_756 = vector.shape_cast %get3A_690 : vector<16xf32> to vector<1x16xf32>
        tpu.vector_store %arg11[%swap3A_752, %swap3A_753], %swap3A_756 {add = true, strides = array<i32>} : memref<32x768xf32, #tpu.memory_space<vmem>>, vector<1x16xf32>,
        %swap3A_757 = arith.constant 11 : i32
        %swap3A_758 = arith.index_cast %swap3A_757 : i32 to index
        %swap3A_759 = arith.index_cast %mul3A_685 : i32 to index
        %swap3A_760 = tpu.vector_load %arg11[%swap3A_758, %swap3A_759] {strides = array<i32>} : memref<32x768xf32, #tpu.memory_space<vmem>>, vector<1x16xf32>,
        %swap3A_761 = vector.shape_cast %swap3A_760 : vector<1x16xf32> to vector<16xf32>
        %swap3A_762 = vector.shape_cast %get3A_690 : vector<16xf32> to vector<1x16xf32>
        tpu.vector_store %arg11[%swap3A_758, %swap3A_759], %swap3A_762 {add = true, strides = array<i32>} : memref<32x768xf32, #tpu.memory_space<vmem>>, vector<1x16xf32>,
        %swap3A_763 = arith.constant 12 : i32
        %swap3A_764 = arith.index_cast %swap3A_763 : i32 to index
        %swap3A_765 = arith.index_cast %mul3A_685 : i32 to index
        %swap3A_766 = tpu.vector_load %arg11[%swap3A_764, %swap3A_765] {strides = array<i32>} : memref<32x768xf32, #tpu.memory_space<vmem>>, vector<1x16xf32>,
        %swap3A_767 = vector.shape_cast %swap3A_766 : vector<1x16xf32> to vector<16xf32>
        %swap3A_768 = vector.shape_cast %get3A_690 : vector<16xf32> to vector<1x16xf32>
        tpu.vector_store %arg11[%swap3A_764, %swap3A_765], %swap3A_768 {add = true, strides = array<i32>} : memref<32x768xf32, #tpu.memory_space<vmem>>, vector<1x16xf32>,
        %swap3A_769 = arith.constant 13 : i32
        %swap3A_770 = arith.index_cast %swap3A_769 : i32 to index
        %swap3A_771 = arith.index_cast %mul3A_685 : i32 to index
        %swap3A_772 = tpu.vector_load %arg11[%swap3A_770, %swap3A_771] {strides = array<i32>} : memref<32x768xf32, #tpu.memory_space<vmem>>, vector<1x16xf32>,
        %swap3A_773 = vector.shape_cast %swap3A_772 : vector<1x16xf32> to vector<16xf32>
        %swap3A_774 = vector.shape_cast %get3A_690 : vector<16xf32> to vector<1x16xf32>
        tpu.vector_store %arg11[%swap3A_770, %swap3A_771], %swap3A_774 {add = true, strides = array<i32>} : memref<32x768xf32, #tpu.memory_space<vmem>>, vector<1x16xf32>,
        %swap3A_775 = arith.constant 14 : i32
        %swap3A_776 = arith.index_cast %swap3A_775 : i32 to index
        %swap3A_777 = arith.index_cast %mul3A_685 : i32 to index
        %swap3A_778 = tpu.vector_load %arg11[%swap3A_776, %swap3A_777] {strides = array<i32>} : memref<32x768xf32, #tpu.memory_space<vmem>>, vector<1x16xf32>,
        %swap3A_779 = vector.shape_cast %swap3A_778 : vector<1x16xf32> to vector<16xf32>
        %swap3A_780 = vector.shape_cast %get3A_690 : vector<16xf32> to vector<1x16xf32>
        tpu.vector_store %arg11[%swap3A_776, %swap3A_777], %swap3A_780 {add = true, strides = array<i32>} : memref<32x768xf32, #tpu.memory_space<vmem>>, vector<1x16xf32>,
        %swap3A_781 = arith.constant 15 : i32
        %swap3A_782 = arith.index_cast %swap3A_781 : i32 to index
        %swap3A_783 = arith.index_cast %mul3A_685 : i32 to index
        %swap3A_784 = tpu.vector_load %arg11[%swap3A_782, %swap3A_783] {strides = array<i32>} : memref<32x768xf32, #tpu.memory_space<vmem>>, vector<1x16xf32>,
        %swap3A_785 = vector.shape_cast %swap3A_784 : vector<1x16xf32> to vector<16xf32>
        %swap3A_786 = vector.shape_cast %get3A_690 : vector<16xf32> to vector<1x16xf32>
        tpu.vector_store %arg11[%swap3A_782, %swap3A_783], %swap3A_786 {add = true, strides = array<i32>} : memref<32x768xf32, #tpu.memory_space<vmem>>, vector<1x16xf32>,
        %swap3A_787 = arith.constant 16 : i32
        %swap3A_788 = arith.index_cast %swap3A_787 : i32 to index
        %swap3A_789 = arith.index_cast %mul3A_685 : i32 to index
        %swap3A_790 = tpu.vector_load %arg11[%swap3A_788, %swap3A_789] {strides = array<i32>} : memref<32x768xf32, #tpu.memory_space<vmem>>, vector<1x16xf32>,
        %swap3A_791 = vector.shape_cast %swap3A_790 : vector<1x16xf32> to vector<16xf32>
        %swap3A_792 = vector.shape_cast %get3A_690 : vector<16xf32> to vector<1x16xf32>
        tpu.vector_store %arg11[%swap3A_788, %swap3A_789], %swap3A_792 {add = true, strides = array<i32>} : memref<32x768xf32, #tpu.memory_space<vmem>>, vector<1x16xf32>,
        %swap3A_793 = arith.constant 17 : i32
        %swap3A_794 = arith.index_cast %swap3A_793 : i32 to index
        %swap3A_795 = arith.index_cast %mul3A_685 : i32 to index
        %swap3A_796 = tpu.vector_load %arg11[%swap3A_794, %swap3A_795] {strides = array<i32>} : memref<32x768xf32, #tpu.memory_space<vmem>>, vector<1x16xf32>,
        %swap3A_797 = vector.shape_cast %swap3A_796 : vector<1x16xf32> to vector<16xf32>
        %swap3A_798 = vector.shape_cast %get3A_690 : vector<16xf32> to vector<1x16xf32>
        tpu.vector_store %arg11[%swap3A_794, %swap3A_795], %swap3A_798 {add = true, strides = array<i32>} : memref<32x768xf32, #tpu.memory_space<vmem>>, vector<1x16xf32>,
        %swap3A_799 = arith.constant 18 : i32
        %swap3A_800 = arith.index_cast %swap3A_799 : i32 to index
        %swap3A_801 = arith.index_cast %mul3A_685 : i32 to index
        %swap3A_802 = tpu.vector_load %arg11[%swap3A_800, %swap3A_801] {strides = array<i32>} : memref<32x768xf32, #tpu.memory_space<vmem>>, vector<1x16xf32>,
        %swap3A_803 = vector.shape_cast %swap3A_802 : vector<1x16xf32> to vector<16xf32>
        %swap3A_804 = vector.shape_cast %get3A_690 : vector<16xf32> to vector<1x16xf32>
        tpu.vector_store %arg11[%swap3A_800, %swap3A_801], %swap3A_804 {add = true, strides = array<i32>} : memref<32x768xf32, #tpu.memory_space<vmem>>, vector<1x16xf32>,
        %swap3A_805 = arith.constant 19 : i32
        %swap3A_806 = arith.index_cast %swap3A_805 : i32 to index
        %swap3A_807 = arith.index_cast %mul3A_685 : i32 to index
        %swap3A_808 = tpu.vector_load %arg11[%swap3A_806, %swap3A_807] {strides = array<i32>} : memref<32x768xf32, #tpu.memory_space<vmem>>, vector<1x16xf32>,
        %swap3A_809 = vector.shape_cast %swap3A_808 : vector<1x16xf32> to vector<16xf32>
        %swap3A_810 = vector.shape_cast %get3A_690 : vector<16xf32> to vector<1x16xf32>
        tpu.vector_store %arg11[%swap3A_806, %swap3A_807], %swap3A_810 {add = true, strides = array<i32>} : memref<32x768xf32, #tpu.memory_space<vmem>>, vector<1x16xf32>,
        %swap3A_811 = arith.constant 20 : i32
        %swap3A_812 = arith.index_cast %swap3A_811 : i32 to index
        %swap3A_813 = arith.index_cast %mul3A_685 : i32 to index
        %swap3A_814 = tpu.vector_load %arg11[%swap3A_812, %swap3A_813] {strides = array<i32>} : memref<32x768xf32, #tpu.memory_space<vmem>>, vector<1x16xf32>,
        %swap3A_815 = vector.shape_cast %swap3A_814 : vector<1x16xf32> to vector<16xf32>
        %swap3A_816 = vector.shape_cast %get3A_690 : vector<16xf32> to vector<1x16xf32>
        tpu.vector_store %arg11[%swap3A_812, %swap3A_813], %swap3A_816 {add = true, strides = array<i32>} : memref<32x768xf32, #tpu.memory_space<vmem>>, vector<1x16xf32>,
        %swap3A_817 = arith.constant 21 : i32
        %swap3A_818 = arith.index_cast %swap3A_817 : i32 to index
        %swap3A_819 = arith.index_cast %mul3A_685 : i32 to index
        %swap3A_820 = tpu.vector_load %arg11[%swap3A_818, %swap3A_819] {strides = array<i32>} : memref<32x768xf32, #tpu.memory_space<vmem>>, vector<1x16xf32>,
        %swap3A_821 = vector.shape_cast %swap3A_820 : vector<1x16xf32> to vector<16xf32>
        %swap3A_822 = vector.shape_cast %get3A_690 : vector<16xf32> to vector<1x16xf32>
        tpu.vector_store %arg11[%swap3A_818, %swap3A_819], %swap3A_822 {add = true, strides = array<i32>} : memref<32x768xf32, #tpu.memory_space<vmem>>, vector<1x16xf32>,
        %swap3A_823 = arith.constant 22 : i32
        %swap3A_824 = arith.index_cast %swap3A_823 : i32 to index
        %swap3A_825 = arith.index_cast %mul3A_685 : i32 to index
        %swap3A_826 = tpu.vector_load %arg11[%swap3A_824, %swap3A_825] {strides = array<i32>} : memref<32x768xf32, #tpu.memory_space<vmem>>, vector<1x16xf32>,
        %swap3A_827 = vector.shape_cast %swap3A_826 : vector<1x16xf32> to vector<16xf32>
        %swap3A_828 = vector.shape_cast %get3A_690 : vector<16xf32> to vector<1x16xf32>
        tpu.vector_store %arg11[%swap3A_824, %swap3A_825], %swap3A_828 {add = true, strides = array<i32>} : memref<32x768xf32, #tpu.memory_space<vmem>>, vector<1x16xf32>,
        %swap3A_829 = arith.constant 23 : i32
        %swap3A_830 = arith.index_cast %swap3A_829 : i32 to index
        %swap3A_831 = arith.index_cast %mul3A_685 : i32 to index
        %swap3A_832 = tpu.vector_load %arg11[%swap3A_830, %swap3A_831] {strides = array<i32>} : memref<32x768xf32, #tpu.memory_space<vmem>>, vector<1x16xf32>,
        %swap3A_833 = vector.shape_cast %swap3A_832 : vector<1x16xf32> to vector<16xf32>
        %swap3A_834 = vector.shape_cast %get3A_690 : vector<16xf32> to vector<1x16xf32>
        tpu.vector_store %arg11[%swap3A_830, %swap3A_831], %swap3A_834 {add = true, strides = array<i32>} : memref<32x768xf32, #tpu.memory_space<vmem>>, vector<1x16xf32>,
        %swap3A_835 = arith.constant 24 : i32
        %swap3A_836 = arith.index_cast %swap3A_835 : i32 to index
        %swap3A_837 = arith.index_cast %mul3A_685 : i32 to index
        %swap3A_838 = tpu.vector_load %arg11[%swap3A_836, %swap3A_837] {strides = array<i32>} : memref<32x768xf32, #tpu.memory_space<vmem>>, vector<1x16xf32>,
        %swap3A_839 = vector.shape_cast %swap3A_838 : vector<1x16xf32> to vector<16xf32>
        %swap3A_840 = vector.shape_cast %get3A_690 : vector<16xf32> to vector<1x16xf32>
        tpu.vector_store %arg11[%swap3A_836, %swap3A_837], %swap3A_840 {add = true, strides = array<i32>} : memref<32x768xf32, #tpu.memory_space<vmem>>, vector<1x16xf32>,
        %swap3A_841 = arith.constant 25 : i32
        %swap3A_842 = arith.index_cast %swap3A_841 : i32 to index
        %swap3A_843 = arith.index_cast %mul3A_685 : i32 to index
        %swap3A_844 = tpu.vector_load %arg11[%swap3A_842, %swap3A_843] {strides = array<i32>} : memref<32x768xf32, #tpu.memory_space<vmem>>, vector<1x16xf32>,
        %swap3A_845 = vector.shape_cast %swap3A_844 : vector<1x16xf32> to vector<16xf32>
        %swap3A_846 = vector.shape_cast %get3A_690 : vector<16xf32> to vector<1x16xf32>
        tpu.vector_store %arg11[%swap3A_842, %swap3A_843], %swap3A_846 {add = true, strides = array<i32>} : memref<32x768xf32, #tpu.memory_space<vmem>>, vector<1x16xf32>,
        %swap3A_847 = arith.constant 26 : i32
        %swap3A_848 = arith.index_cast %swap3A_847 : i32 to index
        %swap3A_849 = arith.index_cast %mul3A_685 : i32 to index
        %swap3A_850 = tpu.vector_load %arg11[%swap3A_848, %swap3A_849] {strides = array<i32>} : memref<32x768xf32, #tpu.memory_space<vmem>>, vector<1x16xf32>,
        %swap3A_851 = vector.shape_cast %swap3A_850 : vector<1x16xf32> to vector<16xf32>
        %swap3A_852 = vector.shape_cast %get3A_690 : vector<16xf32> to vector<1x16xf32>
        tpu.vector_store %arg11[%swap3A_848, %swap3A_849], %swap3A_852 {add = true, strides = array<i32>} : memref<32x768xf32, #tpu.memory_space<vmem>>, vector<1x16xf32>,
        %swap3A_853 = arith.constant 27 : i32
        %swap3A_854 = arith.index_cast %swap3A_853 : i32 to index
        %swap3A_855 = arith.index_cast %mul3A_685 : i32 to index
        %swap3A_856 = tpu.vector_load %arg11[%swap3A_854, %swap3A_855] {strides = array<i32>} : memref<32x768xf32, #tpu.memory_space<vmem>>, vector<1x16xf32>,
        %swap3A_857 = vector.shape_cast %swap3A_856 : vector<1x16xf32> to vector<16xf32>
        %swap3A_858 = vector.shape_cast %get3A_690 : vector<16xf32> to vector<1x16xf32>
        tpu.vector_store %arg11[%swap3A_854, %swap3A_855], %swap3A_858 {add = true, strides = array<i32>} : memref<32x768xf32, #tpu.memory_space<vmem>>, vector<1x16xf32>,
        %swap3A_859 = arith.constant 28 : i32
        %swap3A_860 = arith.index_cast %swap3A_859 : i32 to index
        %swap3A_861 = arith.index_cast %mul3A_685 : i32 to index
        %swap3A_862 = tpu.vector_load %arg11[%swap3A_860, %swap3A_861] {strides = array<i32>} : memref<32x768xf32, #tpu.memory_space<vmem>>, vector<1x16xf32>,
        %swap3A_863 = vector.shape_cast %swap3A_862 : vector<1x16xf32> to vector<16xf32>
        %swap3A_864 = vector.shape_cast %get3A_690 : vector<16xf32> to vector<1x16xf32>
        tpu.vector_store %arg11[%swap3A_860, %swap3A_861], %swap3A_864 {add = true, strides = array<i32>} : memref<32x768xf32, #tpu.memory_space<vmem>>, vector<1x16xf32>,
        %swap3A_865 = arith.constant 29 : i32
        %swap3A_866 = arith.index_cast %swap3A_865 : i32 to index
        %swap3A_867 = arith.index_cast %mul3A_685 : i32 to index
        %swap3A_868 = tpu.vector_load %arg11[%swap3A_866, %swap3A_867] {strides = array<i32>} : memref<32x768xf32, #tpu.memory_space<vmem>>, vector<1x16xf32>,
        %swap3A_869 = vector.shape_cast %swap3A_868 : vector<1x16xf32> to vector<16xf32>
        %swap3A_870 = vector.shape_cast %get3A_690 : vector<16xf32> to vector<1x16xf32>
        tpu.vector_store %arg11[%swap3A_866, %swap3A_867], %swap3A_870 {add = true, strides = array<i32>} : memref<32x768xf32, #tpu.memory_space<vmem>>, vector<1x16xf32>,
        %swap3A_871 = arith.constant 30 : i32
        %swap3A_872 = arith.index_cast %swap3A_871 : i32 to index
        %swap3A_873 = arith.index_cast %mul3A_685 : i32 to index
        %swap3A_874 = tpu.vector_load %arg11[%swap3A_872, %swap3A_873] {strides = array<i32>} : memref<32x768xf32, #tpu.memory_space<vmem>>, vector<1x16xf32>,
        %swap3A_875 = vector.shape_cast %swap3A_874 : vector<1x16xf32> to vector<16xf32>
        %swap3A_876 = vector.shape_cast %get3A_690 : vector<16xf32> to vector<1x16xf32>
        tpu.vector_store %arg11[%swap3A_872, %swap3A_873], %swap3A_876 {add = true, strides = array<i32>} : memref<32x768xf32, #tpu.memory_space<vmem>>, vector<1x16xf32>,
        %swap3A_877 = arith.constant 31 : i32
        %swap3A_878 = arith.index_cast %swap3A_877 : i32 to index
        %swap3A_879 = arith.index_cast %mul3A_685 : i32 to index
        %swap3A_880 = tpu.vector_load %arg11[%swap3A_878, %swap3A_879] {strides = array<i32>} : memref<32x768xf32, #tpu.memory_space<vmem>>, vector<1x16xf32>,
        %swap3A_881 = vector.shape_cast %swap3A_880 : vector<1x16xf32> to vector<16xf32>
        %swap3A_882 = vector.shape_cast %get3A_690 : vector<16xf32> to vector<1x16xf32>
        tpu.vector_store %arg11[%swap3A_878, %swap3A_879], %swap3A_882 {add = true, strides = array<i32>} : memref<32x768xf32, #tpu.memory_space<vmem>>, vector<1x16xf32>,
      }
      %scan3A_575 = arith.constant 48 : i32
      %dma_start3A_576 = arith.constant 0 : i32
      %dma_start3A_577 = arith.constant 0 : i32
      %dma_start3A_578 = tpu.memref_slice %arg5[%dma_start3A_576, %dma_start3A_577] : memref<78848x768xf32, #tpu.memory_space<hbm>> -> memref<78848x768xf32, #tpu.memory_space<hbm>>
      tpu.enqueue_indirect_dma source(%arg11 : memref<32x768xf32, #tpu.memory_space<vmem>>) target(%dma_start3A_578 : memref<78848x768xf32, #tpu.memory_space<hbm>>) offsets(%arg16 : memref<32xi32, #tpu.memory_space<vmem>>) semaphore(%arg26 : memref<!tpu.dma_semaphore, #tpu.memory_space<semaphore_mem>>)
      %ge3A_579 = arith.constant 2 : i32
      %ge3A_580 = arith.cmpi sge, %add3A_498, %ge3A_579 : i32
      %add3A_581 = arith.constant 3 : i32
      %add3A_582 = arith.addi %add3A_498, %add3A_581 : i32
      %le3A_583 = arith.constant 76 : i32
      %le3A_584 = arith.cmpi sle, %add3A_582, %le3A_583 : i32
      %and3A_585 = arith.andi %ge3A_580, %le3A_584 : i1
      %convert_element_type3A_586 = arith.extui %and3A_585 : i1 to i32
      %cond3A_587 = arith.constant 0 : i32
      %cond3A_588 = arith.cmpi ne, %convert_element_type3A_586, %cond3A_587 : i32
      scf.if %cond3A_588 {
        %dma_wait3A_683 = arith.constant 0 : i32
        %dma_wait3A_684 = arith.constant 0 : i32
        %dma_wait3A_685 = tpu.memref_slice %arg5[%dma_wait3A_683, %dma_wait3A_684] : memref<78848x768xf32, #tpu.memory_space<hbm>> -> memref<78848x768xf32, #tpu.memory_space<hbm>>
        tpu.wait_indirect_dma semaphore(%arg24 : memref<!tpu.dma_semaphore, #tpu.memory_space<semaphore_mem>>) src(%arg9 : memref<32x768xf32, #tpu.memory_space<vmem>>) dst(%dma_wait3A_685 : memref<78848x768xf32, #tpu.memory_space<hbm>>)
        %add3A_686 = arith.constant 3 : i32
        %add3A_687 = arith.addi %add3A_498, %add3A_686 : i32
        %mul3A_688 = arith.constant 32 : i32
        %mul3A_689 = arith.muli %add3A_687, %mul3A_688 : i32
        %dma_start3A_690 = tpu.memref_slice %arg6[%mul3A_689] : memref<2464xi32, #tpu.memory_space<vmem>> -> memref<32xi32, #tpu.memory_space<vmem>>
        %dma_start3A_691 = arith.constant 0 : i32
        %dma_start3A_692 = arith.constant 0 : i32
        %dma_start3A_693 = tpu.memref_slice %arg4[%dma_start3A_691, %dma_start3A_692] : memref<49408x768xf32, #tpu.memory_space<hbm>> -> memref<49408x768xf32, #tpu.memory_space<hbm>>
        tpu.enqueue_indirect_dma source(%dma_start3A_693 : memref<49408x768xf32, #tpu.memory_space<hbm>>) target(%arg9 : memref<32x768xf32, #tpu.memory_space<vmem>>) offsets(%dma_start3A_690 : memref<32xi32, #tpu.memory_space<vmem>>) semaphore(%arg19 : memref<!tpu.dma_semaphore, #tpu.memory_space<semaphore_mem>>)
      } else {
      }
      %mul3A_589 = arith.constant 5 : i32
      %mul3A_590 = arith.muli %scan3A_216, %mul3A_589 : i32
      %add3A_591 = arith.constant 4 : i32
      %add3A_592 = arith.addi %mul3A_590, %add3A_591 : i32
      %mul3A_593 = arith.constant 32 : i32
      %mul3A_594 = arith.muli %add3A_592, %mul3A_593 : i32
      %add3A_595 = arith.addi %mul3A_2, %mul3A_594 : i32
      %jit3A_596 = arith.constant 1024 : i32
      %div3A_597 = arith.divsi %add3A_595, %jit3A_596 : i32
      %sign3A_598 = arith.constant 0 : i32
      %sign3A_599 = arith.cmpi sgt, %add3A_595, %sign3A_598 : i32
      %sign3A_600 = arith.extui %sign3A_599 : i1 to i32
      %sign3A_601 = arith.constant 0 : i32
      %sign3A_602 = arith.cmpi slt, %add3A_595, %sign3A_601 : i32
      %sign3A_603 = arith.extui %sign3A_602 : i1 to i32
      %sign3A_604 = arith.subi %sign3A_600, %sign3A_603 : i32
      %sign3A_605 = arith.constant 0 : i32
      %sign3A_606 = arith.cmpi sgt, %jit3A_596, %sign3A_605 : i32
      %sign3A_607 = arith.extui %sign3A_606 : i1 to i32
      %sign3A_608 = arith.constant 0 : i32
      %sign3A_609 = arith.cmpi slt, %jit3A_596, %sign3A_608 : i32
      %sign3A_610 = arith.extui %sign3A_609 : i1 to i32
      %sign3A_611 = arith.subi %sign3A_607, %sign3A_610 : i32
      %ne3A_612 = arith.cmpi ne, %sign3A_604, %sign3A_611 : i32
      %rem3A_613 = arith.remsi %add3A_595, %jit3A_596 : i32
      %ne3A_614 = arith.constant 0 : i32
      %ne3A_615 = arith.cmpi ne, %rem3A_613, %ne3A_614 : i32
      %and3A_616 = arith.andi %ne3A_612, %ne3A_615 : i1
      %sub3A_617 = arith.constant 1 : i32
      %sub3A_618 = arith.subi %div3A_597, %sub3A_617 : i32
      %select_n3A_619 = arith.select %and3A_616, %sub3A_618, %div3A_597 : i32
      %jit3A_620 = arith.constant 1024 : i32
      %eq3A_621 = arith.constant 0 : i32
      %eq3A_622 = arith.cmpi eq, %jit3A_620, %eq3A_621 : i32
      %jit3A_623 = arith.constant 1 : i32
      %select_n3A_624 = arith.select %eq3A_622, %jit3A_623, %jit3A_620 : i32
      %rem3A_625 = arith.remsi %add3A_595, %select_n3A_624 : i32
      %ne3A_626 = arith.constant 0 : i32
      %ne3A_627 = arith.cmpi ne, %rem3A_625, %ne3A_626 : i32
      %lt3A_628 = arith.constant 0 : i32
      %lt3A_629 = arith.cmpi slt, %rem3A_625, %lt3A_628 : i32
      %lt3A_630 = arith.constant 0 : i32
      %lt3A_631 = arith.cmpi slt, %select_n3A_624, %lt3A_630 : i32
      %ne3A_632 = arith.xori %lt3A_629, %lt3A_631 : i1
      %and3A_633 = arith.andi %ne3A_632, %ne3A_627 : i1
      %add3A_634 = arith.addi %rem3A_625, %select_n3A_624 : i32
      %select_n3A_635 = arith.select %and3A_633, %add3A_634, %rem3A_625 : i32
      %sub3A_636 = arith.subi %select_n3A_619, %select_n3A : i32
      %mul3A_637 = arith.constant 77 : i32
      %mul3A_638 = arith.muli %select_n3A_635, %mul3A_637 : i32
      %add3A_639 = arith.addi %mul3A_638, %select_n3A_619 : i32
      %iota3A_640 = tpu.iota {dimensions = array<i32: 0>} : vector<16xi32>
      %mul3A_641 = arith.constant 77 : i32
      %mul3A_642 = vector.broadcast %mul3A_641 : i32 to vector<16xi32>
      %mul3A_643 = arith.muli %iota3A_640, %mul3A_642 : vector<16xi32>
      %add3A_644 = vector.broadcast %add3A_639 : i32 to vector<16xi32>
      %add3A_645 = arith.addi %mul3A_643, %add3A_644 : vector<16xi32>
      %swap3A_646 = arith.constant 0 : index
      %swap3A_647 = tpu.vector_load %arg17[%swap3A_646] {strides = array<i32>} : memref<32xi32, #tpu.memory_space<vmem>>, vector<16xi32>,
      %swap3A_648 = vector.shape_cast %swap3A_647 : vector<16xi32> to vector<16xi32>
      %swap3A_649 = vector.shape_cast %add3A_645 : vector<16xi32> to vector<16xi32>
      tpu.vector_store %arg17[%swap3A_646], %swap3A_649 {strides = array<i32>} : memref<32xi32, #tpu.memory_space<vmem>>, vector<16xi32>,
      %add3A_650 = arith.constant 1232 : i32
      %add3A_651 = arith.addi %add3A_639, %add3A_650 : i32
      %add3A_652 = vector.broadcast %add3A_651 : i32 to vector<16xi32>
      %add3A_653 = arith.addi %mul3A_643, %add3A_652 : vector<16xi32>
      %swap3A_654 = arith.constant 16 : index
      %swap3A_655 = tpu.vector_load %arg17[%swap3A_654] {strides = array<i32>} : memref<32xi32, #tpu.memory_space<vmem>>, vector<16xi32>,
      %swap3A_656 = vector.shape_cast %swap3A_655 : vector<16xi32> to vector<16xi32>
      %swap3A_657 = vector.shape_cast %add3A_653 : vector<16xi32> to vector<16xi32>
      tpu.vector_store %arg17[%swap3A_654], %swap3A_657 {strides = array<i32>} : memref<32xi32, #tpu.memory_space<vmem>>, vector<16xi32>,
      %mul3A_658 = arith.constant 32 : i32
      %mul3A_659 = arith.muli %add3A_592, %mul3A_658 : i32
      %dma_wait3A_660 = tpu.memref_slice %arg6[%mul3A_659] : memref<2464xi32, #tpu.memory_space<vmem>> -> memref<32xi32, #tpu.memory_space<vmem>>
      %dma_wait3A_661 = arith.constant 0 : i32
      %dma_wait3A_662 = arith.constant 0 : i32
      %dma_wait3A_663 = tpu.memref_slice %arg4[%dma_wait3A_661, %dma_wait3A_662] : memref<49408x768xf32, #tpu.memory_space<hbm>> -> memref<49408x768xf32, #tpu.memory_space<hbm>>
      tpu.wait_indirect_dma semaphore(%arg22 : memref<!tpu.dma_semaphore, #tpu.memory_space<semaphore_mem>>) src(%dma_wait3A_663 : memref<49408x768xf32, #tpu.memory_space<hbm>>) dst(%arg12 : memref<32x768xf32, #tpu.memory_space<vmem>>)
      %scan3A_664 = arith.constant 0 : i32
      %scan3A_665 = arith.constant 0 : i32
      %scan3A_666 = arith.constant 48 : i32
      %scan3A_667 = arith.addi %scan3A_665, %scan3A_666 : i32
      %scan3A_668 = arith.constant 1 : i32
      scf.for %scan3A_683 = %scan3A_665 to %scan3A_667 step %scan3A_668  : i32 {
        %mul3A_684 = arith.constant 16 : i32
        %mul3A_685 = arith.muli %scan3A_683, %mul3A_684 : i32
        %mul3A_686 = arith.constant 768 : i32
        %mul3A_687 = arith.muli %sub3A_636, %mul3A_686 : i32
        %add3A_688 = arith.addi %mul3A_687, %mul3A_685 : i32
        %get3A = arith.index_cast %add3A_688 : i32 to index
        %get3A_689 = tpu.vector_load %arg7[%get3A] {strides = array<i32>} : memref<3072xf32, #tpu.memory_space<vmem>>, vector<16xf32>,
        %get3A_690 = vector.shape_cast %get3A_689 : vector<16xf32> to vector<16xf32>
        %swap3A_691 = arith.constant 0 : i32
        %swap3A_692 = arith.index_cast %swap3A_691 : i32 to index
        %swap3A_693 = arith.index_cast %mul3A_685 : i32 to index
        %swap3A_694 = tpu.vector_load %arg12[%swap3A_692, %swap3A_693] {strides = array<i32>} : memref<32x768xf32, #tpu.memory_space<vmem>>, vector<1x16xf32>,
        %swap3A_695 = vector.shape_cast %swap3A_694 : vector<1x16xf32> to vector<16xf32>
        %swap3A_696 = vector.shape_cast %get3A_690 : vector<16xf32> to vector<1x16xf32>
        tpu.vector_store %arg12[%swap3A_692, %swap3A_693], %swap3A_696 {add = true, strides = array<i32>} : memref<32x768xf32, #tpu.memory_space<vmem>>, vector<1x16xf32>,
        %swap3A_697 = arith.constant 1 : i32
        %swap3A_698 = arith.index_cast %swap3A_697 : i32 to index
        %swap3A_699 = arith.index_cast %mul3A_685 : i32 to index
        %swap3A_700 = tpu.vector_load %arg12[%swap3A_698, %swap3A_699] {strides = array<i32>} : memref<32x768xf32, #tpu.memory_space<vmem>>, vector<1x16xf32>,
        %swap3A_701 = vector.shape_cast %swap3A_700 : vector<1x16xf32> to vector<16xf32>
        %swap3A_702 = vector.shape_cast %get3A_690 : vector<16xf32> to vector<1x16xf32>
        tpu.vector_store %arg12[%swap3A_698, %swap3A_699], %swap3A_702 {add = true, strides = array<i32>} : memref<32x768xf32, #tpu.memory_space<vmem>>, vector<1x16xf32>,
        %swap3A_703 = arith.constant 2 : i32
        %swap3A_704 = arith.index_cast %swap3A_703 : i32 to index
        %swap3A_705 = arith.index_cast %mul3A_685 : i32 to index
        %swap3A_706 = tpu.vector_load %arg12[%swap3A_704, %swap3A_705] {strides = array<i32>} : memref<32x768xf32, #tpu.memory_space<vmem>>, vector<1x16xf32>,
        %swap3A_707 = vector.shape_cast %swap3A_706 : vector<1x16xf32> to vector<16xf32>
        %swap3A_708 = vector.shape_cast %get3A_690 : vector<16xf32> to vector<1x16xf32>
        tpu.vector_store %arg12[%swap3A_704, %swap3A_705], %swap3A_708 {add = true, strides = array<i32>} : memref<32x768xf32, #tpu.memory_space<vmem>>, vector<1x16xf32>,
        %swap3A_709 = arith.constant 3 : i32
        %swap3A_710 = arith.index_cast %swap3A_709 : i32 to index
        %swap3A_711 = arith.index_cast %mul3A_685 : i32 to index
        %swap3A_712 = tpu.vector_load %arg12[%swap3A_710, %swap3A_711] {strides = array<i32>} : memref<32x768xf32, #tpu.memory_space<vmem>>, vector<1x16xf32>,
        %swap3A_713 = vector.shape_cast %swap3A_712 : vector<1x16xf32> to vector<16xf32>
        %swap3A_714 = vector.shape_cast %get3A_690 : vector<16xf32> to vector<1x16xf32>
        tpu.vector_store %arg12[%swap3A_710, %swap3A_711], %swap3A_714 {add = true, strides = array<i32>} : memref<32x768xf32, #tpu.memory_space<vmem>>, vector<1x16xf32>,
        %swap3A_715 = arith.constant 4 : i32
        %swap3A_716 = arith.index_cast %swap3A_715 : i32 to index
        %swap3A_717 = arith.index_cast %mul3A_685 : i32 to index
        %swap3A_718 = tpu.vector_load %arg12[%swap3A_716, %swap3A_717] {strides = array<i32>} : memref<32x768xf32, #tpu.memory_space<vmem>>, vector<1x16xf32>,
        %swap3A_719 = vector.shape_cast %swap3A_718 : vector<1x16xf32> to vector<16xf32>
        %swap3A_720 = vector.shape_cast %get3A_690 : vector<16xf32> to vector<1x16xf32>
        tpu.vector_store %arg12[%swap3A_716, %swap3A_717], %swap3A_720 {add = true, strides = array<i32>} : memref<32x768xf32, #tpu.memory_space<vmem>>, vector<1x16xf32>,
        %swap3A_721 = arith.constant 5 : i32
        %swap3A_722 = arith.index_cast %swap3A_721 : i32 to index
        %swap3A_723 = arith.index_cast %mul3A_685 : i32 to index
        %swap3A_724 = tpu.vector_load %arg12[%swap3A_722, %swap3A_723] {strides = array<i32>} : memref<32x768xf32, #tpu.memory_space<vmem>>, vector<1x16xf32>,
        %swap3A_725 = vector.shape_cast %swap3A_724 : vector<1x16xf32> to vector<16xf32>
        %swap3A_726 = vector.shape_cast %get3A_690 : vector<16xf32> to vector<1x16xf32>
        tpu.vector_store %arg12[%swap3A_722, %swap3A_723], %swap3A_726 {add = true, strides = array<i32>} : memref<32x768xf32, #tpu.memory_space<vmem>>, vector<1x16xf32>,
        %swap3A_727 = arith.constant 6 : i32
        %swap3A_728 = arith.index_cast %swap3A_727 : i32 to index
        %swap3A_729 = arith.index_cast %mul3A_685 : i32 to index
        %swap3A_730 = tpu.vector_load %arg12[%swap3A_728, %swap3A_729] {strides = array<i32>} : memref<32x768xf32, #tpu.memory_space<vmem>>, vector<1x16xf32>,
        %swap3A_731 = vector.shape_cast %swap3A_730 : vector<1x16xf32> to vector<16xf32>
        %swap3A_732 = vector.shape_cast %get3A_690 : vector<16xf32> to vector<1x16xf32>
        tpu.vector_store %arg12[%swap3A_728, %swap3A_729], %swap3A_732 {add = true, strides = array<i32>} : memref<32x768xf32, #tpu.memory_space<vmem>>, vector<1x16xf32>,
        %swap3A_733 = arith.constant 7 : i32
        %swap3A_734 = arith.index_cast %swap3A_733 : i32 to index
        %swap3A_735 = arith.index_cast %mul3A_685 : i32 to index
        %swap3A_736 = tpu.vector_load %arg12[%swap3A_734, %swap3A_735] {strides = array<i32>} : memref<32x768xf32, #tpu.memory_space<vmem>>, vector<1x16xf32>,
        %swap3A_737 = vector.shape_cast %swap3A_736 : vector<1x16xf32> to vector<16xf32>
        %swap3A_738 = vector.shape_cast %get3A_690 : vector<16xf32> to vector<1x16xf32>
        tpu.vector_store %arg12[%swap3A_734, %swap3A_735], %swap3A_738 {add = true, strides = array<i32>} : memref<32x768xf32, #tpu.memory_space<vmem>>, vector<1x16xf32>,
        %swap3A_739 = arith.constant 8 : i32
        %swap3A_740 = arith.index_cast %swap3A_739 : i32 to index
        %swap3A_741 = arith.index_cast %mul3A_685 : i32 to index
        %swap3A_742 = tpu.vector_load %arg12[%swap3A_740, %swap3A_741] {strides = array<i32>} : memref<32x768xf32, #tpu.memory_space<vmem>>, vector<1x16xf32>,
        %swap3A_743 = vector.shape_cast %swap3A_742 : vector<1x16xf32> to vector<16xf32>
        %swap3A_744 = vector.shape_cast %get3A_690 : vector<16xf32> to vector<1x16xf32>
        tpu.vector_store %arg12[%swap3A_740, %swap3A_741], %swap3A_744 {add = true, strides = array<i32>} : memref<32x768xf32, #tpu.memory_space<vmem>>, vector<1x16xf32>,
        %swap3A_745 = arith.constant 9 : i32
        %swap3A_746 = arith.index_cast %swap3A_745 : i32 to index
        %swap3A_747 = arith.index_cast %mul3A_685 : i32 to index
        %swap3A_748 = tpu.vector_load %arg12[%swap3A_746, %swap3A_747] {strides = array<i32>} : memref<32x768xf32, #tpu.memory_space<vmem>>, vector<1x16xf32>,
        %swap3A_749 = vector.shape_cast %swap3A_748 : vector<1x16xf32> to vector<16xf32>
        %swap3A_750 = vector.shape_cast %get3A_690 : vector<16xf32> to vector<1x16xf32>
        tpu.vector_store %arg12[%swap3A_746, %swap3A_747], %swap3A_750 {add = true, strides = array<i32>} : memref<32x768xf32, #tpu.memory_space<vmem>>, vector<1x16xf32>,
        %swap3A_751 = arith.constant 10 : i32
        %swap3A_752 = arith.index_cast %swap3A_751 : i32 to index
        %swap3A_753 = arith.index_cast %mul3A_685 : i32 to index
        %swap3A_754 = tpu.vector_load %arg12[%swap3A_752, %swap3A_753] {strides = array<i32>} : memref<32x768xf32, #tpu.memory_space<vmem>>, vector<1x16xf32>,
        %swap3A_755 = vector.shape_cast %swap3A_754 : vector<1x16xf32> to vector<16xf32>
        %swap3A_756 = vector.shape_cast %get3A_690 : vector<16xf32> to vector<1x16xf32>
        tpu.vector_store %arg12[%swap3A_752, %swap3A_753], %swap3A_756 {add = true, strides = array<i32>} : memref<32x768xf32, #tpu.memory_space<vmem>>, vector<1x16xf32>,
        %swap3A_757 = arith.constant 11 : i32
        %swap3A_758 = arith.index_cast %swap3A_757 : i32 to index
        %swap3A_759 = arith.index_cast %mul3A_685 : i32 to index
        %swap3A_760 = tpu.vector_load %arg12[%swap3A_758, %swap3A_759] {strides = array<i32>} : memref<32x768xf32, #tpu.memory_space<vmem>>, vector<1x16xf32>,
        %swap3A_761 = vector.shape_cast %swap3A_760 : vector<1x16xf32> to vector<16xf32>
        %swap3A_762 = vector.shape_cast %get3A_690 : vector<16xf32> to vector<1x16xf32>
        tpu.vector_store %arg12[%swap3A_758, %swap3A_759], %swap3A_762 {add = true, strides = array<i32>} : memref<32x768xf32, #tpu.memory_space<vmem>>, vector<1x16xf32>,
        %swap3A_763 = arith.constant 12 : i32
        %swap3A_764 = arith.index_cast %swap3A_763 : i32 to index
        %swap3A_765 = arith.index_cast %mul3A_685 : i32 to index
        %swap3A_766 = tpu.vector_load %arg12[%swap3A_764, %swap3A_765] {strides = array<i32>} : memref<32x768xf32, #tpu.memory_space<vmem>>, vector<1x16xf32>,
        %swap3A_767 = vector.shape_cast %swap3A_766 : vector<1x16xf32> to vector<16xf32>
        %swap3A_768 = vector.shape_cast %get3A_690 : vector<16xf32> to vector<1x16xf32>
        tpu.vector_store %arg12[%swap3A_764, %swap3A_765], %swap3A_768 {add = true, strides = array<i32>} : memref<32x768xf32, #tpu.memory_space<vmem>>, vector<1x16xf32>,
        %swap3A_769 = arith.constant 13 : i32
        %swap3A_770 = arith.index_cast %swap3A_769 : i32 to index
        %swap3A_771 = arith.index_cast %mul3A_685 : i32 to index
        %swap3A_772 = tpu.vector_load %arg12[%swap3A_770, %swap3A_771] {strides = array<i32>} : memref<32x768xf32, #tpu.memory_space<vmem>>, vector<1x16xf32>,
        %swap3A_773 = vector.shape_cast %swap3A_772 : vector<1x16xf32> to vector<16xf32>
        %swap3A_774 = vector.shape_cast %get3A_690 : vector<16xf32> to vector<1x16xf32>
        tpu.vector_store %arg12[%swap3A_770, %swap3A_771], %swap3A_774 {add = true, strides = array<i32>} : memref<32x768xf32, #tpu.memory_space<vmem>>, vector<1x16xf32>,
        %swap3A_775 = arith.constant 14 : i32
        %swap3A_776 = arith.index_cast %swap3A_775 : i32 to index
        %swap3A_777 = arith.index_cast %mul3A_685 : i32 to index
        %swap3A_778 = tpu.vector_load %arg12[%swap3A_776, %swap3A_777] {strides = array<i32>} : memref<32x768xf32, #tpu.memory_space<vmem>>, vector<1x16xf32>,
        %swap3A_779 = vector.shape_cast %swap3A_778 : vector<1x16xf32> to vector<16xf32>
        %swap3A_780 = vector.shape_cast %get3A_690 : vector<16xf32> to vector<1x16xf32>
        tpu.vector_store %arg12[%swap3A_776, %swap3A_777], %swap3A_780 {add = true, strides = array<i32>} : memref<32x768xf32, #tpu.memory_space<vmem>>, vector<1x16xf32>,
        %swap3A_781 = arith.constant 15 : i32
        %swap3A_782 = arith.index_cast %swap3A_781 : i32 to index
        %swap3A_783 = arith.index_cast %mul3A_685 : i32 to index
        %swap3A_784 = tpu.vector_load %arg12[%swap3A_782, %swap3A_783] {strides = array<i32>} : memref<32x768xf32, #tpu.memory_space<vmem>>, vector<1x16xf32>,
        %swap3A_785 = vector.shape_cast %swap3A_784 : vector<1x16xf32> to vector<16xf32>
        %swap3A_786 = vector.shape_cast %get3A_690 : vector<16xf32> to vector<1x16xf32>
        tpu.vector_store %arg12[%swap3A_782, %swap3A_783], %swap3A_786 {add = true, strides = array<i32>} : memref<32x768xf32, #tpu.memory_space<vmem>>, vector<1x16xf32>,
        %swap3A_787 = arith.constant 16 : i32
        %swap3A_788 = arith.index_cast %swap3A_787 : i32 to index
        %swap3A_789 = arith.index_cast %mul3A_685 : i32 to index
        %swap3A_790 = tpu.vector_load %arg12[%swap3A_788, %swap3A_789] {strides = array<i32>} : memref<32x768xf32, #tpu.memory_space<vmem>>, vector<1x16xf32>,
        %swap3A_791 = vector.shape_cast %swap3A_790 : vector<1x16xf32> to vector<16xf32>
        %swap3A_792 = vector.shape_cast %get3A_690 : vector<16xf32> to vector<1x16xf32>
        tpu.vector_store %arg12[%swap3A_788, %swap3A_789], %swap3A_792 {add = true, strides = array<i32>} : memref<32x768xf32, #tpu.memory_space<vmem>>, vector<1x16xf32>,
        %swap3A_793 = arith.constant 17 : i32
        %swap3A_794 = arith.index_cast %swap3A_793 : i32 to index
        %swap3A_795 = arith.index_cast %mul3A_685 : i32 to index
        %swap3A_796 = tpu.vector_load %arg12[%swap3A_794, %swap3A_795] {strides = array<i32>} : memref<32x768xf32, #tpu.memory_space<vmem>>, vector<1x16xf32>,
        %swap3A_797 = vector.shape_cast %swap3A_796 : vector<1x16xf32> to vector<16xf32>
        %swap3A_798 = vector.shape_cast %get3A_690 : vector<16xf32> to vector<1x16xf32>
        tpu.vector_store %arg12[%swap3A_794, %swap3A_795], %swap3A_798 {add = true, strides = array<i32>} : memref<32x768xf32, #tpu.memory_space<vmem>>, vector<1x16xf32>,
        %swap3A_799 = arith.constant 18 : i32
        %swap3A_800 = arith.index_cast %swap3A_799 : i32 to index
        %swap3A_801 = arith.index_cast %mul3A_685 : i32 to index
        %swap3A_802 = tpu.vector_load %arg12[%swap3A_800, %swap3A_801] {strides = array<i32>} : memref<32x768xf32, #tpu.memory_space<vmem>>, vector<1x16xf32>,
        %swap3A_803 = vector.shape_cast %swap3A_802 : vector<1x16xf32> to vector<16xf32>
        %swap3A_804 = vector.shape_cast %get3A_690 : vector<16xf32> to vector<1x16xf32>
        tpu.vector_store %arg12[%swap3A_800, %swap3A_801], %swap3A_804 {add = true, strides = array<i32>} : memref<32x768xf32, #tpu.memory_space<vmem>>, vector<1x16xf32>,
        %swap3A_805 = arith.constant 19 : i32
        %swap3A_806 = arith.index_cast %swap3A_805 : i32 to index
        %swap3A_807 = arith.index_cast %mul3A_685 : i32 to index
        %swap3A_808 = tpu.vector_load %arg12[%swap3A_806, %swap3A_807] {strides = array<i32>} : memref<32x768xf32, #tpu.memory_space<vmem>>, vector<1x16xf32>,
        %swap3A_809 = vector.shape_cast %swap3A_808 : vector<1x16xf32> to vector<16xf32>
        %swap3A_810 = vector.shape_cast %get3A_690 : vector<16xf32> to vector<1x16xf32>
        tpu.vector_store %arg12[%swap3A_806, %swap3A_807], %swap3A_810 {add = true, strides = array<i32>} : memref<32x768xf32, #tpu.memory_space<vmem>>, vector<1x16xf32>,
        %swap3A_811 = arith.constant 20 : i32
        %swap3A_812 = arith.index_cast %swap3A_811 : i32 to index
        %swap3A_813 = arith.index_cast %mul3A_685 : i32 to index
        %swap3A_814 = tpu.vector_load %arg12[%swap3A_812, %swap3A_813] {strides = array<i32>} : memref<32x768xf32, #tpu.memory_space<vmem>>, vector<1x16xf32>,
        %swap3A_815 = vector.shape_cast %swap3A_814 : vector<1x16xf32> to vector<16xf32>
        %swap3A_816 = vector.shape_cast %get3A_690 : vector<16xf32> to vector<1x16xf32>
        tpu.vector_store %arg12[%swap3A_812, %swap3A_813], %swap3A_816 {add = true, strides = array<i32>} : memref<32x768xf32, #tpu.memory_space<vmem>>, vector<1x16xf32>,
        %swap3A_817 = arith.constant 21 : i32
        %swap3A_818 = arith.index_cast %swap3A_817 : i32 to index
        %swap3A_819 = arith.index_cast %mul3A_685 : i32 to index
        %swap3A_820 = tpu.vector_load %arg12[%swap3A_818, %swap3A_819] {strides = array<i32>} : memref<32x768xf32, #tpu.memory_space<vmem>>, vector<1x16xf32>,
        %swap3A_821 = vector.shape_cast %swap3A_820 : vector<1x16xf32> to vector<16xf32>
        %swap3A_822 = vector.shape_cast %get3A_690 : vector<16xf32> to vector<1x16xf32>
        tpu.vector_store %arg12[%swap3A_818, %swap3A_819], %swap3A_822 {add = true, strides = array<i32>} : memref<32x768xf32, #tpu.memory_space<vmem>>, vector<1x16xf32>,
        %swap3A_823 = arith.constant 22 : i32
        %swap3A_824 = arith.index_cast %swap3A_823 : i32 to index
        %swap3A_825 = arith.index_cast %mul3A_685 : i32 to index
        %swap3A_826 = tpu.vector_load %arg12[%swap3A_824, %swap3A_825] {strides = array<i32>} : memref<32x768xf32, #tpu.memory_space<vmem>>, vector<1x16xf32>,
        %swap3A_827 = vector.shape_cast %swap3A_826 : vector<1x16xf32> to vector<16xf32>
        %swap3A_828 = vector.shape_cast %get3A_690 : vector<16xf32> to vector<1x16xf32>
        tpu.vector_store %arg12[%swap3A_824, %swap3A_825], %swap3A_828 {add = true, strides = array<i32>} : memref<32x768xf32, #tpu.memory_space<vmem>>, vector<1x16xf32>,
        %swap3A_829 = arith.constant 23 : i32
        %swap3A_830 = arith.index_cast %swap3A_829 : i32 to index
        %swap3A_831 = arith.index_cast %mul3A_685 : i32 to index
        %swap3A_832 = tpu.vector_load %arg12[%swap3A_830, %swap3A_831] {strides = array<i32>} : memref<32x768xf32, #tpu.memory_space<vmem>>, vector<1x16xf32>,
        %swap3A_833 = vector.shape_cast %swap3A_832 : vector<1x16xf32> to vector<16xf32>
        %swap3A_834 = vector.shape_cast %get3A_690 : vector<16xf32> to vector<1x16xf32>
        tpu.vector_store %arg12[%swap3A_830, %swap3A_831], %swap3A_834 {add = true, strides = array<i32>} : memref<32x768xf32, #tpu.memory_space<vmem>>, vector<1x16xf32>,
        %swap3A_835 = arith.constant 24 : i32
        %swap3A_836 = arith.index_cast %swap3A_835 : i32 to index
        %swap3A_837 = arith.index_cast %mul3A_685 : i32 to index
        %swap3A_838 = tpu.vector_load %arg12[%swap3A_836, %swap3A_837] {strides = array<i32>} : memref<32x768xf32, #tpu.memory_space<vmem>>, vector<1x16xf32>,
        %swap3A_839 = vector.shape_cast %swap3A_838 : vector<1x16xf32> to vector<16xf32>
        %swap3A_840 = vector.shape_cast %get3A_690 : vector<16xf32> to vector<1x16xf32>
        tpu.vector_store %arg12[%swap3A_836, %swap3A_837], %swap3A_840 {add = true, strides = array<i32>} : memref<32x768xf32, #tpu.memory_space<vmem>>, vector<1x16xf32>,
        %swap3A_841 = arith.constant 25 : i32
        %swap3A_842 = arith.index_cast %swap3A_841 : i32 to index
        %swap3A_843 = arith.index_cast %mul3A_685 : i32 to index
        %swap3A_844 = tpu.vector_load %arg12[%swap3A_842, %swap3A_843] {strides = array<i32>} : memref<32x768xf32, #tpu.memory_space<vmem>>, vector<1x16xf32>,
        %swap3A_845 = vector.shape_cast %swap3A_844 : vector<1x16xf32> to vector<16xf32>
        %swap3A_846 = vector.shape_cast %get3A_690 : vector<16xf32> to vector<1x16xf32>
        tpu.vector_store %arg12[%swap3A_842, %swap3A_843], %swap3A_846 {add = true, strides = array<i32>} : memref<32x768xf32, #tpu.memory_space<vmem>>, vector<1x16xf32>,
        %swap3A_847 = arith.constant 26 : i32
        %swap3A_848 = arith.index_cast %swap3A_847 : i32 to index
        %swap3A_849 = arith.index_cast %mul3A_685 : i32 to index
        %swap3A_850 = tpu.vector_load %arg12[%swap3A_848, %swap3A_849] {strides = array<i32>} : memref<32x768xf32, #tpu.memory_space<vmem>>, vector<1x16xf32>,
        %swap3A_851 = vector.shape_cast %swap3A_850 : vector<1x16xf32> to vector<16xf32>
        %swap3A_852 = vector.shape_cast %get3A_690 : vector<16xf32> to vector<1x16xf32>
        tpu.vector_store %arg12[%swap3A_848, %swap3A_849], %swap3A_852 {add = true, strides = array<i32>} : memref<32x768xf32, #tpu.memory_space<vmem>>, vector<1x16xf32>,
        %swap3A_853 = arith.constant 27 : i32
        %swap3A_854 = arith.index_cast %swap3A_853 : i32 to index
        %swap3A_855 = arith.index_cast %mul3A_685 : i32 to index
        %swap3A_856 = tpu.vector_load %arg12[%swap3A_854, %swap3A_855] {strides = array<i32>} : memref<32x768xf32, #tpu.memory_space<vmem>>, vector<1x16xf32>,
        %swap3A_857 = vector.shape_cast %swap3A_856 : vector<1x16xf32> to vector<16xf32>
        %swap3A_858 = vector.shape_cast %get3A_690 : vector<16xf32> to vector<1x16xf32>
        tpu.vector_store %arg12[%swap3A_854, %swap3A_855], %swap3A_858 {add = true, strides = array<i32>} : memref<32x768xf32, #tpu.memory_space<vmem>>, vector<1x16xf32>,
        %swap3A_859 = arith.constant 28 : i32
        %swap3A_860 = arith.index_cast %swap3A_859 : i32 to index
        %swap3A_861 = arith.index_cast %mul3A_685 : i32 to index
        %swap3A_862 = tpu.vector_load %arg12[%swap3A_860, %swap3A_861] {strides = array<i32>} : memref<32x768xf32, #tpu.memory_space<vmem>>, vector<1x16xf32>,
        %swap3A_863 = vector.shape_cast %swap3A_862 : vector<1x16xf32> to vector<16xf32>
        %swap3A_864 = vector.shape_cast %get3A_690 : vector<16xf32> to vector<1x16xf32>
        tpu.vector_store %arg12[%swap3A_860, %swap3A_861], %swap3A_864 {add = true, strides = array<i32>} : memref<32x768xf32, #tpu.memory_space<vmem>>, vector<1x16xf32>,
        %swap3A_865 = arith.constant 29 : i32
        %swap3A_866 = arith.index_cast %swap3A_865 : i32 to index
        %swap3A_867 = arith.index_cast %mul3A_685 : i32 to index
        %swap3A_868 = tpu.vector_load %arg12[%swap3A_866, %swap3A_867] {strides = array<i32>} : memref<32x768xf32, #tpu.memory_space<vmem>>, vector<1x16xf32>,
        %swap3A_869 = vector.shape_cast %swap3A_868 : vector<1x16xf32> to vector<16xf32>
        %swap3A_870 = vector.shape_cast %get3A_690 : vector<16xf32> to vector<1x16xf32>
        tpu.vector_store %arg12[%swap3A_866, %swap3A_867], %swap3A_870 {add = true, strides = array<i32>} : memref<32x768xf32, #tpu.memory_space<vmem>>, vector<1x16xf32>,
        %swap3A_871 = arith.constant 30 : i32
        %swap3A_872 = arith.index_cast %swap3A_871 : i32 to index
        %swap3A_873 = arith.index_cast %mul3A_685 : i32 to index
        %swap3A_874 = tpu.vector_load %arg12[%swap3A_872, %swap3A_873] {strides = array<i32>} : memref<32x768xf32, #tpu.memory_space<vmem>>, vector<1x16xf32>,
        %swap3A_875 = vector.shape_cast %swap3A_874 : vector<1x16xf32> to vector<16xf32>
        %swap3A_876 = vector.shape_cast %get3A_690 : vector<16xf32> to vector<1x16xf32>
        tpu.vector_store %arg12[%swap3A_872, %swap3A_873], %swap3A_876 {add = true, strides = array<i32>} : memref<32x768xf32, #tpu.memory_space<vmem>>, vector<1x16xf32>,
        %swap3A_877 = arith.constant 31 : i32
        %swap3A_878 = arith.index_cast %swap3A_877 : i32 to index
        %swap3A_879 = arith.index_cast %mul3A_685 : i32 to index
        %swap3A_880 = tpu.vector_load %arg12[%swap3A_878, %swap3A_879] {strides = array<i32>} : memref<32x768xf32, #tpu.memory_space<vmem>>, vector<1x16xf32>,
        %swap3A_881 = vector.shape_cast %swap3A_880 : vector<1x16xf32> to vector<16xf32>
        %swap3A_882 = vector.shape_cast %get3A_690 : vector<16xf32> to vector<1x16xf32>
        tpu.vector_store %arg12[%swap3A_878, %swap3A_879], %swap3A_882 {add = true, strides = array<i32>} : memref<32x768xf32, #tpu.memory_space<vmem>>, vector<1x16xf32>,
      }
      %scan3A_669 = arith.constant 48 : i32
      %dma_start3A_670 = arith.constant 0 : i32
      %dma_start3A_671 = arith.constant 0 : i32
      %dma_start3A_672 = tpu.memref_slice %arg5[%dma_start3A_670, %dma_start3A_671] : memref<78848x768xf32, #tpu.memory_space<hbm>> -> memref<78848x768xf32, #tpu.memory_space<hbm>>
      tpu.enqueue_indirect_dma source(%arg12 : memref<32x768xf32, #tpu.memory_space<vmem>>) target(%dma_start3A_672 : memref<78848x768xf32, #tpu.memory_space<hbm>>) offsets(%arg17 : memref<32xi32, #tpu.memory_space<vmem>>) semaphore(%arg27 : memref<!tpu.dma_semaphore, #tpu.memory_space<semaphore_mem>>)
      %ge3A_673 = arith.constant 2 : i32
      %ge3A_674 = arith.cmpi sge, %add3A_592, %ge3A_673 : i32
      %add3A_675 = arith.constant 3 : i32
      %add3A_676 = arith.addi %add3A_592, %add3A_675 : i32
      %le3A_677 = arith.constant 76 : i32
      %le3A_678 = arith.cmpi sle, %add3A_676, %le3A_677 : i32
      %and3A_679 = arith.andi %ge3A_674, %le3A_678 : i1
      %convert_element_type3A_680 = arith.extui %and3A_679 : i1 to i32
      %cond3A_681 = arith.constant 0 : i32
      %cond3A_682 = arith.cmpi ne, %convert_element_type3A_680, %cond3A_681 : i32
      scf.if %cond3A_682 {
        %dma_wait3A_683 = arith.constant 0 : i32
        %dma_wait3A_684 = arith.constant 0 : i32
        %dma_wait3A_685 = tpu.memref_slice %arg5[%dma_wait3A_683, %dma_wait3A_684] : memref<78848x768xf32, #tpu.memory_space<hbm>> -> memref<78848x768xf32, #tpu.memory_space<hbm>>
        tpu.wait_indirect_dma semaphore(%arg25 : memref<!tpu.dma_semaphore, #tpu.memory_space<semaphore_mem>>) src(%arg10 : memref<32x768xf32, #tpu.memory_space<vmem>>) dst(%dma_wait3A_685 : memref<78848x768xf32, #tpu.memory_space<hbm>>)
        %add3A_686 = arith.constant 3 : i32
        %add3A_687 = arith.addi %add3A_592, %add3A_686 : i32
        %mul3A_688 = arith.constant 32 : i32
        %mul3A_689 = arith.muli %add3A_687, %mul3A_688 : i32
        %dma_start3A_690 = tpu.memref_slice %arg6[%mul3A_689] : memref<2464xi32, #tpu.memory_space<vmem>> -> memref<32xi32, #tpu.memory_space<vmem>>
        %dma_start3A_691 = arith.constant 0 : i32
        %dma_start3A_692 = arith.constant 0 : i32
        %dma_start3A_693 = tpu.memref_slice %arg4[%dma_start3A_691, %dma_start3A_692] : memref<49408x768xf32, #tpu.memory_space<hbm>> -> memref<49408x768xf32, #tpu.memory_space<hbm>>
        tpu.enqueue_indirect_dma source(%dma_start3A_693 : memref<49408x768xf32, #tpu.memory_space<hbm>>) target(%arg10 : memref<32x768xf32, #tpu.memory_space<vmem>>) offsets(%dma_start3A_690 : memref<32xi32, #tpu.memory_space<vmem>>) semaphore(%arg20 : memref<!tpu.dma_semaphore, #tpu.memory_space<semaphore_mem>>)
      } else {
      }
    }
    %scan3A_49 = arith.constant 15 : i32
    %add3A_50 = arith.constant 2400 : i32
    %add3A_51 = arith.addi %mul3A_2, %add3A_50 : i32
    %jit3A_52 = arith.constant 1024 : i32
    %div3A_53 = arith.divsi %add3A_51, %jit3A_52 : i32
    %sign3A_54 = arith.constant 0 : i32
    %sign3A_55 = arith.cmpi sgt, %add3A_51, %sign3A_54 : i32
    %sign3A_56 = arith.extui %sign3A_55 : i1 to i32
    %sign3A_57 = arith.constant 0 : i32
    %sign3A_58 = arith.cmpi slt, %add3A_51, %sign3A_57 : i32
    %sign3A_59 = arith.extui %sign3A_58 : i1 to i32
    %sign3A_60 = arith.subi %sign3A_56, %sign3A_59 : i32
    %sign3A_61 = arith.constant 0 : i32
    %sign3A_62 = arith.cmpi sgt, %jit3A_52, %sign3A_61 : i32
    %sign3A_63 = arith.extui %sign3A_62 : i1 to i32
    %sign3A_64 = arith.constant 0 : i32
    %sign3A_65 = arith.cmpi slt, %jit3A_52, %sign3A_64 : i32
    %sign3A_66 = arith.extui %sign3A_65 : i1 to i32
    %sign3A_67 = arith.subi %sign3A_63, %sign3A_66 : i32
    %ne3A_68 = arith.cmpi ne, %sign3A_60, %sign3A_67 : i32
    %rem3A_69 = arith.remsi %add3A_51, %jit3A_52 : i32
    %ne3A_70 = arith.constant 0 : i32
    %ne3A_71 = arith.cmpi ne, %rem3A_69, %ne3A_70 : i32
    %and3A_72 = arith.andi %ne3A_68, %ne3A_71 : i1
    %sub3A_73 = arith.constant 1 : i32
    %sub3A_74 = arith.subi %div3A_53, %sub3A_73 : i32
    %select_n3A_75 = arith.select %and3A_72, %sub3A_74, %div3A_53 : i32
    %jit3A_76 = arith.constant 1024 : i32
    %eq3A = arith.constant 0 : i32
    %eq3A_77 = arith.cmpi eq, %jit3A_76, %eq3A : i32
    %jit3A_78 = arith.constant 1 : i32
    %select_n3A_79 = arith.select %eq3A_77, %jit3A_78, %jit3A_76 : i32
    %rem3A_80 = arith.remsi %add3A_51, %select_n3A_79 : i32
    %ne3A_81 = arith.constant 0 : i32
    %ne3A_82 = arith.cmpi ne, %rem3A_80, %ne3A_81 : i32
    %lt3A = arith.constant 0 : i32
    %lt3A_83 = arith.cmpi slt, %rem3A_80, %lt3A : i32
    %lt3A_84 = arith.constant 0 : i32
    %lt3A_85 = arith.cmpi slt, %select_n3A_79, %lt3A_84 : i32
    %ne3A_86 = arith.xori %lt3A_83, %lt3A_85 : i1
    %and3A_87 = arith.andi %ne3A_86, %ne3A_82 : i1
    %add3A_88 = arith.addi %rem3A_80, %select_n3A_79 : i32
    %select_n3A_89 = arith.select %and3A_87, %add3A_88, %rem3A_80 : i32
    %sub3A_90 = arith.subi %select_n3A_75, %select_n3A : i32
    %mul3A_91 = arith.constant 77 : i32
    %mul3A_92 = arith.muli %select_n3A_89, %mul3A_91 : i32
    %add3A_93 = arith.addi %mul3A_92, %select_n3A_75 : i32
    %iota3A = tpu.iota {dimensions = array<i32: 0>} : vector<16xi32>
    %mul3A_94 = arith.constant 77 : i32
    %mul3A_95 = vector.broadcast %mul3A_94 : i32 to vector<16xi32>
    %mul3A_96 = arith.muli %iota3A, %mul3A_95 : vector<16xi32>
    %add3A_97 = vector.broadcast %add3A_93 : i32 to vector<16xi32>
    %add3A_98 = arith.addi %mul3A_96, %add3A_97 : vector<16xi32>
    %swap3A = arith.constant 0 : index
    %swap3A_99 = tpu.vector_load %arg13[%swap3A] {strides = array<i32>} : memref<32xi32, #tpu.memory_space<vmem>>, vector<16xi32>,
    %swap3A_100 = vector.shape_cast %swap3A_99 : vector<16xi32> to vector<16xi32>
    %swap3A_101 = vector.shape_cast %add3A_98 : vector<16xi32> to vector<16xi32>
    tpu.vector_store %arg13[%swap3A], %swap3A_101 {strides = array<i32>} : memref<32xi32, #tpu.memory_space<vmem>>, vector<16xi32>,
    %add3A_102 = arith.constant 1232 : i32
    %add3A_103 = arith.addi %add3A_93, %add3A_102 : i32
    %add3A_104 = vector.broadcast %add3A_103 : i32 to vector<16xi32>
    %add3A_105 = arith.addi %mul3A_96, %add3A_104 : vector<16xi32>
    %swap3A_106 = arith.constant 16 : index
    %swap3A_107 = tpu.vector_load %arg13[%swap3A_106] {strides = array<i32>} : memref<32xi32, #tpu.memory_space<vmem>>, vector<16xi32>,
    %swap3A_108 = vector.shape_cast %swap3A_107 : vector<16xi32> to vector<16xi32>
    %swap3A_109 = vector.shape_cast %add3A_105 : vector<16xi32> to vector<16xi32>
    tpu.vector_store %arg13[%swap3A_106], %swap3A_109 {strides = array<i32>} : memref<32xi32, #tpu.memory_space<vmem>>, vector<16xi32>,
    %dma_wait3A = arith.constant 2400 : i32
    %dma_wait3A_110 = tpu.memref_slice %arg6[%dma_wait3A] : memref<2464xi32, #tpu.memory_space<vmem>> -> memref<32xi32, #tpu.memory_space<vmem>>
    %dma_wait3A_111 = arith.constant 0 : i32
    %dma_wait3A_112 = arith.constant 0 : i32
    %dma_wait3A_113 = tpu.memref_slice %arg4[%dma_wait3A_111, %dma_wait3A_112] : memref<49408x768xf32, #tpu.memory_space<hbm>> -> memref<49408x768xf32, #tpu.memory_space<hbm>>
    tpu.wait_indirect_dma semaphore(%arg18 : memref<!tpu.dma_semaphore, #tpu.memory_space<semaphore_mem>>) src(%dma_wait3A_113 : memref<49408x768xf32, #tpu.memory_space<hbm>>) dst(%arg8 : memref<32x768xf32, #tpu.memory_space<vmem>>)
    %scan3A_114 = arith.constant 0 : i32
    %scan3A_115 = arith.constant 0 : i32
    %scan3A_116 = arith.constant 48 : i32
    %scan3A_117 = arith.addi %scan3A_115, %scan3A_116 : i32
    %scan3A_118 = arith.constant 1 : i32
    scf.for %scan3A_216 = %scan3A_115 to %scan3A_117 step %scan3A_118  : i32 {
      %mul3A_217 = arith.constant 16 : i32
      %mul3A_218 = arith.muli %scan3A_216, %mul3A_217 : i32
      %mul3A_219 = arith.constant 768 : i32
      %mul3A_220 = arith.muli %sub3A_90, %mul3A_219 : i32
      %add3A_221 = arith.addi %mul3A_220, %mul3A_218 : i32
      %get3A = arith.index_cast %add3A_221 : i32 to index
      %get3A_222 = tpu.vector_load %arg7[%get3A] {strides = array<i32>} : memref<3072xf32, #tpu.memory_space<vmem>>, vector<16xf32>,
      %get3A_223 = vector.shape_cast %get3A_222 : vector<16xf32> to vector<16xf32>
      %swap3A_224 = arith.constant 0 : i32
      %swap3A_225 = arith.index_cast %swap3A_224 : i32 to index
      %swap3A_226 = arith.index_cast %mul3A_218 : i32 to index
      %swap3A_227 = tpu.vector_load %arg8[%swap3A_225, %swap3A_226] {strides = array<i32>} : memref<32x768xf32, #tpu.memory_space<vmem>>, vector<1x16xf32>,
      %swap3A_228 = vector.shape_cast %swap3A_227 : vector<1x16xf32> to vector<16xf32>
      %swap3A_229 = vector.shape_cast %get3A_223 : vector<16xf32> to vector<1x16xf32>
      tpu.vector_store %arg8[%swap3A_225, %swap3A_226], %swap3A_229 {add = true, strides = array<i32>} : memref<32x768xf32, #tpu.memory_space<vmem>>, vector<1x16xf32>,
      %swap3A_230 = arith.constant 1 : i32
      %swap3A_231 = arith.index_cast %swap3A_230 : i32 to index
      %swap3A_232 = arith.index_cast %mul3A_218 : i32 to index
      %swap3A_233 = tpu.vector_load %arg8[%swap3A_231, %swap3A_232] {strides = array<i32>} : memref<32x768xf32, #tpu.memory_space<vmem>>, vector<1x16xf32>,
      %swap3A_234 = vector.shape_cast %swap3A_233 : vector<1x16xf32> to vector<16xf32>
      %swap3A_235 = vector.shape_cast %get3A_223 : vector<16xf32> to vector<1x16xf32>
      tpu.vector_store %arg8[%swap3A_231, %swap3A_232], %swap3A_235 {add = true, strides = array<i32>} : memref<32x768xf32, #tpu.memory_space<vmem>>, vector<1x16xf32>,
      %swap3A_236 = arith.constant 2 : i32
      %swap3A_237 = arith.index_cast %swap3A_236 : i32 to index
      %swap3A_238 = arith.index_cast %mul3A_218 : i32 to index
      %swap3A_239 = tpu.vector_load %arg8[%swap3A_237, %swap3A_238] {strides = array<i32>} : memref<32x768xf32, #tpu.memory_space<vmem>>, vector<1x16xf32>,
      %swap3A_240 = vector.shape_cast %swap3A_239 : vector<1x16xf32> to vector<16xf32>
      %swap3A_241 = vector.shape_cast %get3A_223 : vector<16xf32> to vector<1x16xf32>
      tpu.vector_store %arg8[%swap3A_237, %swap3A_238], %swap3A_241 {add = true, strides = array<i32>} : memref<32x768xf32, #tpu.memory_space<vmem>>, vector<1x16xf32>,
      %swap3A_242 = arith.constant 3 : i32
      %swap3A_243 = arith.index_cast %swap3A_242 : i32 to index
      %swap3A_244 = arith.index_cast %mul3A_218 : i32 to index
      %swap3A_245 = tpu.vector_load %arg8[%swap3A_243, %swap3A_244] {strides = array<i32>} : memref<32x768xf32, #tpu.memory_space<vmem>>, vector<1x16xf32>,
      %swap3A_246 = vector.shape_cast %swap3A_245 : vector<1x16xf32> to vector<16xf32>
      %swap3A_247 = vector.shape_cast %get3A_223 : vector<16xf32> to vector<1x16xf32>
      tpu.vector_store %arg8[%swap3A_243, %swap3A_244], %swap3A_247 {add = true, strides = array<i32>} : memref<32x768xf32, #tpu.memory_space<vmem>>, vector<1x16xf32>,
      %swap3A_248 = arith.constant 4 : i32
      %swap3A_249 = arith.index_cast %swap3A_248 : i32 to index
      %swap3A_250 = arith.index_cast %mul3A_218 : i32 to index
      %swap3A_251 = tpu.vector_load %arg8[%swap3A_249, %swap3A_250] {strides = array<i32>} : memref<32x768xf32, #tpu.memory_space<vmem>>, vector<1x16xf32>,
      %swap3A_252 = vector.shape_cast %swap3A_251 : vector<1x16xf32> to vector<16xf32>
      %swap3A_253 = vector.shape_cast %get3A_223 : vector<16xf32> to vector<1x16xf32>
      tpu.vector_store %arg8[%swap3A_249, %swap3A_250], %swap3A_253 {add = true, strides = array<i32>} : memref<32x768xf32, #tpu.memory_space<vmem>>, vector<1x16xf32>,
      %swap3A_254 = arith.constant 5 : i32
      %swap3A_255 = arith.index_cast %swap3A_254 : i32 to index
      %swap3A_256 = arith.index_cast %mul3A_218 : i32 to index
      %swap3A_257 = tpu.vector_load %arg8[%swap3A_255, %swap3A_256] {strides = array<i32>} : memref<32x768xf32, #tpu.memory_space<vmem>>, vector<1x16xf32>,
      %swap3A_258 = vector.shape_cast %swap3A_257 : vector<1x16xf32> to vector<16xf32>
      %swap3A_259 = vector.shape_cast %get3A_223 : vector<16xf32> to vector<1x16xf32>
      tpu.vector_store %arg8[%swap3A_255, %swap3A_256], %swap3A_259 {add = true, strides = array<i32>} : memref<32x768xf32, #tpu.memory_space<vmem>>, vector<1x16xf32>,
      %swap3A_260 = arith.constant 6 : i32
      %swap3A_261 = arith.index_cast %swap3A_260 : i32 to index
      %swap3A_262 = arith.index_cast %mul3A_218 : i32 to index
      %swap3A_263 = tpu.vector_load %arg8[%swap3A_261, %swap3A_262] {strides = array<i32>} : memref<32x768xf32, #tpu.memory_space<vmem>>, vector<1x16xf32>,
      %swap3A_264 = vector.shape_cast %swap3A_263 : vector<1x16xf32> to vector<16xf32>
      %swap3A_265 = vector.shape_cast %get3A_223 : vector<16xf32> to vector<1x16xf32>
      tpu.vector_store %arg8[%swap3A_261, %swap3A_262], %swap3A_265 {add = true, strides = array<i32>} : memref<32x768xf32, #tpu.memory_space<vmem>>, vector<1x16xf32>,
      %swap3A_266 = arith.constant 7 : i32
      %swap3A_267 = arith.index_cast %swap3A_266 : i32 to index
      %swap3A_268 = arith.index_cast %mul3A_218 : i32 to index
      %swap3A_269 = tpu.vector_load %arg8[%swap3A_267, %swap3A_268] {strides = array<i32>} : memref<32x768xf32, #tpu.memory_space<vmem>>, vector<1x16xf32>,
      %swap3A_270 = vector.shape_cast %swap3A_269 : vector<1x16xf32> to vector<16xf32>
      %swap3A_271 = vector.shape_cast %get3A_223 : vector<16xf32> to vector<1x16xf32>
      tpu.vector_store %arg8[%swap3A_267, %swap3A_268], %swap3A_271 {add = true, strides = array<i32>} : memref<32x768xf32, #tpu.memory_space<vmem>>, vector<1x16xf32>,
      %swap3A_272 = arith.constant 8 : i32
      %swap3A_273 = arith.index_cast %swap3A_272 : i32 to index
      %swap3A_274 = arith.index_cast %mul3A_218 : i32 to index
      %swap3A_275 = tpu.vector_load %arg8[%swap3A_273, %swap3A_274] {strides = array<i32>} : memref<32x768xf32, #tpu.memory_space<vmem>>, vector<1x16xf32>,
      %swap3A_276 = vector.shape_cast %swap3A_275 : vector<1x16xf32> to vector<16xf32>
      %swap3A_277 = vector.shape_cast %get3A_223 : vector<16xf32> to vector<1x16xf32>
      tpu.vector_store %arg8[%swap3A_273, %swap3A_274], %swap3A_277 {add = true, strides = array<i32>} : memref<32x768xf32, #tpu.memory_space<vmem>>, vector<1x16xf32>,
      %swap3A_278 = arith.constant 9 : i32
      %swap3A_279 = arith.index_cast %swap3A_278 : i32 to index
      %swap3A_280 = arith.index_cast %mul3A_218 : i32 to index
      %swap3A_281 = tpu.vector_load %arg8[%swap3A_279, %swap3A_280] {strides = array<i32>} : memref<32x768xf32, #tpu.memory_space<vmem>>, vector<1x16xf32>,
      %swap3A_282 = vector.shape_cast %swap3A_281 : vector<1x16xf32> to vector<16xf32>
      %swap3A_283 = vector.shape_cast %get3A_223 : vector<16xf32> to vector<1x16xf32>
      tpu.vector_store %arg8[%swap3A_279, %swap3A_280], %swap3A_283 {add = true, strides = array<i32>} : memref<32x768xf32, #tpu.memory_space<vmem>>, vector<1x16xf32>,
      %swap3A_284 = arith.constant 10 : i32
      %swap3A_285 = arith.index_cast %swap3A_284 : i32 to index
      %swap3A_286 = arith.index_cast %mul3A_218 : i32 to index
      %swap3A_287 = tpu.vector_load %arg8[%swap3A_285, %swap3A_286] {strides = array<i32>} : memref<32x768xf32, #tpu.memory_space<vmem>>, vector<1x16xf32>,
      %swap3A_288 = vector.shape_cast %swap3A_287 : vector<1x16xf32> to vector<16xf32>
      %swap3A_289 = vector.shape_cast %get3A_223 : vector<16xf32> to vector<1x16xf32>
      tpu.vector_store %arg8[%swap3A_285, %swap3A_286], %swap3A_289 {add = true, strides = array<i32>} : memref<32x768xf32, #tpu.memory_space<vmem>>, vector<1x16xf32>,
      %swap3A_290 = arith.constant 11 : i32
      %swap3A_291 = arith.index_cast %swap3A_290 : i32 to index
      %swap3A_292 = arith.index_cast %mul3A_218 : i32 to index
      %swap3A_293 = tpu.vector_load %arg8[%swap3A_291, %swap3A_292] {strides = array<i32>} : memref<32x768xf32, #tpu.memory_space<vmem>>, vector<1x16xf32>,
      %swap3A_294 = vector.shape_cast %swap3A_293 : vector<1x16xf32> to vector<16xf32>
      %swap3A_295 = vector.shape_cast %get3A_223 : vector<16xf32> to vector<1x16xf32>
      tpu.vector_store %arg8[%swap3A_291, %swap3A_292], %swap3A_295 {add = true, strides = array<i32>} : memref<32x768xf32, #tpu.memory_space<vmem>>, vector<1x16xf32>,
      %swap3A_296 = arith.constant 12 : i32
      %swap3A_297 = arith.index_cast %swap3A_296 : i32 to index
      %swap3A_298 = arith.index_cast %mul3A_218 : i32 to index
      %swap3A_299 = tpu.vector_load %arg8[%swap3A_297, %swap3A_298] {strides = array<i32>} : memref<32x768xf32, #tpu.memory_space<vmem>>, vector<1x16xf32>,
      %swap3A_300 = vector.shape_cast %swap3A_299 : vector<1x16xf32> to vector<16xf32>
      %swap3A_301 = vector.shape_cast %get3A_223 : vector<16xf32> to vector<1x16xf32>
      tpu.vector_store %arg8[%swap3A_297, %swap3A_298], %swap3A_301 {add = true, strides = array<i32>} : memref<32x768xf32, #tpu.memory_space<vmem>>, vector<1x16xf32>,
      %swap3A_302 = arith.constant 13 : i32
      %swap3A_303 = arith.index_cast %swap3A_302 : i32 to index
      %swap3A_304 = arith.index_cast %mul3A_218 : i32 to index
      %swap3A_305 = tpu.vector_load %arg8[%swap3A_303, %swap3A_304] {strides = array<i32>} : memref<32x768xf32, #tpu.memory_space<vmem>>, vector<1x16xf32>,
      %swap3A_306 = vector.shape_cast %swap3A_305 : vector<1x16xf32> to vector<16xf32>
      %swap3A_307 = vector.shape_cast %get3A_223 : vector<16xf32> to vector<1x16xf32>
      tpu.vector_store %arg8[%swap3A_303, %swap3A_304], %swap3A_307 {add = true, strides = array<i32>} : memref<32x768xf32, #tpu.memory_space<vmem>>, vector<1x16xf32>,
      %swap3A_308 = arith.constant 14 : i32
      %swap3A_309 = arith.index_cast %swap3A_308 : i32 to index
      %swap3A_310 = arith.index_cast %mul3A_218 : i32 to index
      %swap3A_311 = tpu.vector_load %arg8[%swap3A_309, %swap3A_310] {strides = array<i32>} : memref<32x768xf32, #tpu.memory_space<vmem>>, vector<1x16xf32>,
      %swap3A_312 = vector.shape_cast %swap3A_311 : vector<1x16xf32> to vector<16xf32>
      %swap3A_313 = vector.shape_cast %get3A_223 : vector<16xf32> to vector<1x16xf32>
      tpu.vector_store %arg8[%swap3A_309, %swap3A_310], %swap3A_313 {add = true, strides = array<i32>} : memref<32x768xf32, #tpu.memory_space<vmem>>, vector<1x16xf32>,
      %swap3A_314 = arith.constant 15 : i32
      %swap3A_315 = arith.index_cast %swap3A_314 : i32 to index
      %swap3A_316 = arith.index_cast %mul3A_218 : i32 to index
      %swap3A_317 = tpu.vector_load %arg8[%swap3A_315, %swap3A_316] {strides = array<i32>} : memref<32x768xf32, #tpu.memory_space<vmem>>, vector<1x16xf32>,
      %swap3A_318 = vector.shape_cast %swap3A_317 : vector<1x16xf32> to vector<16xf32>
      %swap3A_319 = vector.shape_cast %get3A_223 : vector<16xf32> to vector<1x16xf32>
      tpu.vector_store %arg8[%swap3A_315, %swap3A_316], %swap3A_319 {add = true, strides = array<i32>} : memref<32x768xf32, #tpu.memory_space<vmem>>, vector<1x16xf32>,
      %swap3A_320 = arith.constant 16 : i32
      %swap3A_321 = arith.index_cast %swap3A_320 : i32 to index
      %swap3A_322 = arith.index_cast %mul3A_218 : i32 to index
      %swap3A_323 = tpu.vector_load %arg8[%swap3A_321, %swap3A_322] {strides = array<i32>} : memref<32x768xf32, #tpu.memory_space<vmem>>, vector<1x16xf32>,
      %swap3A_324 = vector.shape_cast %swap3A_323 : vector<1x16xf32> to vector<16xf32>
      %swap3A_325 = vector.shape_cast %get3A_223 : vector<16xf32> to vector<1x16xf32>
      tpu.vector_store %arg8[%swap3A_321, %swap3A_322], %swap3A_325 {add = true, strides = array<i32>} : memref<32x768xf32, #tpu.memory_space<vmem>>, vector<1x16xf32>,
      %swap3A_326 = arith.constant 17 : i32
      %swap3A_327 = arith.index_cast %swap3A_326 : i32 to index
      %swap3A_328 = arith.index_cast %mul3A_218 : i32 to index
      %swap3A_329 = tpu.vector_load %arg8[%swap3A_327, %swap3A_328] {strides = array<i32>} : memref<32x768xf32, #tpu.memory_space<vmem>>, vector<1x16xf32>,
      %swap3A_330 = vector.shape_cast %swap3A_329 : vector<1x16xf32> to vector<16xf32>
      %swap3A_331 = vector.shape_cast %get3A_223 : vector<16xf32> to vector<1x16xf32>
      tpu.vector_store %arg8[%swap3A_327, %swap3A_328], %swap3A_331 {add = true, strides = array<i32>} : memref<32x768xf32, #tpu.memory_space<vmem>>, vector<1x16xf32>,
      %swap3A_332 = arith.constant 18 : i32
      %swap3A_333 = arith.index_cast %swap3A_332 : i32 to index
      %swap3A_334 = arith.index_cast %mul3A_218 : i32 to index
      %swap3A_335 = tpu.vector_load %arg8[%swap3A_333, %swap3A_334] {strides = array<i32>} : memref<32x768xf32, #tpu.memory_space<vmem>>, vector<1x16xf32>,
      %swap3A_336 = vector.shape_cast %swap3A_335 : vector<1x16xf32> to vector<16xf32>
      %swap3A_337 = vector.shape_cast %get3A_223 : vector<16xf32> to vector<1x16xf32>
      tpu.vector_store %arg8[%swap3A_333, %swap3A_334], %swap3A_337 {add = true, strides = array<i32>} : memref<32x768xf32, #tpu.memory_space<vmem>>, vector<1x16xf32>,
      %swap3A_338 = arith.constant 19 : i32
      %swap3A_339 = arith.index_cast %swap3A_338 : i32 to index
      %swap3A_340 = arith.index_cast %mul3A_218 : i32 to index
      %swap3A_341 = tpu.vector_load %arg8[%swap3A_339, %swap3A_340] {strides = array<i32>} : memref<32x768xf32, #tpu.memory_space<vmem>>, vector<1x16xf32>,
      %swap3A_342 = vector.shape_cast %swap3A_341 : vector<1x16xf32> to vector<16xf32>
      %swap3A_343 = vector.shape_cast %get3A_223 : vector<16xf32> to vector<1x16xf32>
      tpu.vector_store %arg8[%swap3A_339, %swap3A_340], %swap3A_343 {add = true, strides = array<i32>} : memref<32x768xf32, #tpu.memory_space<vmem>>, vector<1x16xf32>,
      %swap3A_344 = arith.constant 20 : i32
      %swap3A_345 = arith.index_cast %swap3A_344 : i32 to index
      %swap3A_346 = arith.index_cast %mul3A_218 : i32 to index
      %swap3A_347 = tpu.vector_load %arg8[%swap3A_345, %swap3A_346] {strides = array<i32>} : memref<32x768xf32, #tpu.memory_space<vmem>>, vector<1x16xf32>,
      %swap3A_348 = vector.shape_cast %swap3A_347 : vector<1x16xf32> to vector<16xf32>
      %swap3A_349 = vector.shape_cast %get3A_223 : vector<16xf32> to vector<1x16xf32>
      tpu.vector_store %arg8[%swap3A_345, %swap3A_346], %swap3A_349 {add = true, strides = array<i32>} : memref<32x768xf32, #tpu.memory_space<vmem>>, vector<1x16xf32>,
      %swap3A_350 = arith.constant 21 : i32
      %swap3A_351 = arith.index_cast %swap3A_350 : i32 to index
      %swap3A_352 = arith.index_cast %mul3A_218 : i32 to index
      %swap3A_353 = tpu.vector_load %arg8[%swap3A_351, %swap3A_352] {strides = array<i32>} : memref<32x768xf32, #tpu.memory_space<vmem>>, vector<1x16xf32>,
      %swap3A_354 = vector.shape_cast %swap3A_353 : vector<1x16xf32> to vector<16xf32>
      %swap3A_355 = vector.shape_cast %get3A_223 : vector<16xf32> to vector<1x16xf32>
      tpu.vector_store %arg8[%swap3A_351, %swap3A_352], %swap3A_355 {add = true, strides = array<i32>} : memref<32x768xf32, #tpu.memory_space<vmem>>, vector<1x16xf32>,
      %swap3A_356 = arith.constant 22 : i32
      %swap3A_357 = arith.index_cast %swap3A_356 : i32 to index
      %swap3A_358 = arith.index_cast %mul3A_218 : i32 to index
      %swap3A_359 = tpu.vector_load %arg8[%swap3A_357, %swap3A_358] {strides = array<i32>} : memref<32x768xf32, #tpu.memory_space<vmem>>, vector<1x16xf32>,
      %swap3A_360 = vector.shape_cast %swap3A_359 : vector<1x16xf32> to vector<16xf32>
      %swap3A_361 = vector.shape_cast %get3A_223 : vector<16xf32> to vector<1x16xf32>
      tpu.vector_store %arg8[%swap3A_357, %swap3A_358], %swap3A_361 {add = true, strides = array<i32>} : memref<32x768xf32, #tpu.memory_space<vmem>>, vector<1x16xf32>,
      %swap3A_362 = arith.constant 23 : i32
      %swap3A_363 = arith.index_cast %swap3A_362 : i32 to index
      %swap3A_364 = arith.index_cast %mul3A_218 : i32 to index
      %swap3A_365 = tpu.vector_load %arg8[%swap3A_363, %swap3A_364] {strides = array<i32>} : memref<32x768xf32, #tpu.memory_space<vmem>>, vector<1x16xf32>,
      %swap3A_366 = vector.shape_cast %swap3A_365 : vector<1x16xf32> to vector<16xf32>
      %swap3A_367 = vector.shape_cast %get3A_223 : vector<16xf32> to vector<1x16xf32>
      tpu.vector_store %arg8[%swap3A_363, %swap3A_364], %swap3A_367 {add = true, strides = array<i32>} : memref<32x768xf32, #tpu.memory_space<vmem>>, vector<1x16xf32>,
      %swap3A_368 = arith.constant 24 : i32
      %swap3A_369 = arith.index_cast %swap3A_368 : i32 to index
      %swap3A_370 = arith.index_cast %mul3A_218 : i32 to index
      %swap3A_371 = tpu.vector_load %arg8[%swap3A_369, %swap3A_370] {strides = array<i32>} : memref<32x768xf32, #tpu.memory_space<vmem>>, vector<1x16xf32>,
      %swap3A_372 = vector.shape_cast %swap3A_371 : vector<1x16xf32> to vector<16xf32>
      %swap3A_373 = vector.shape_cast %get3A_223 : vector<16xf32> to vector<1x16xf32>
      tpu.vector_store %arg8[%swap3A_369, %swap3A_370], %swap3A_373 {add = true, strides = array<i32>} : memref<32x768xf32, #tpu.memory_space<vmem>>, vector<1x16xf32>,
      %swap3A_374 = arith.constant 25 : i32
      %swap3A_375 = arith.index_cast %swap3A_374 : i32 to index
      %swap3A_376 = arith.index_cast %mul3A_218 : i32 to index
      %swap3A_377 = tpu.vector_load %arg8[%swap3A_375, %swap3A_376] {strides = array<i32>} : memref<32x768xf32, #tpu.memory_space<vmem>>, vector<1x16xf32>,
      %swap3A_378 = vector.shape_cast %swap3A_377 : vector<1x16xf32> to vector<16xf32>
      %swap3A_379 = vector.shape_cast %get3A_223 : vector<16xf32> to vector<1x16xf32>
      tpu.vector_store %arg8[%swap3A_375, %swap3A_376], %swap3A_379 {add = true, strides = array<i32>} : memref<32x768xf32, #tpu.memory_space<vmem>>, vector<1x16xf32>,
      %swap3A_380 = arith.constant 26 : i32
      %swap3A_381 = arith.index_cast %swap3A_380 : i32 to index
      %swap3A_382 = arith.index_cast %mul3A_218 : i32 to index
      %swap3A_383 = tpu.vector_load %arg8[%swap3A_381, %swap3A_382] {strides = array<i32>} : memref<32x768xf32, #tpu.memory_space<vmem>>, vector<1x16xf32>,
      %swap3A_384 = vector.shape_cast %swap3A_383 : vector<1x16xf32> to vector<16xf32>
      %swap3A_385 = vector.shape_cast %get3A_223 : vector<16xf32> to vector<1x16xf32>
      tpu.vector_store %arg8[%swap3A_381, %swap3A_382], %swap3A_385 {add = true, strides = array<i32>} : memref<32x768xf32, #tpu.memory_space<vmem>>, vector<1x16xf32>,
      %swap3A_386 = arith.constant 27 : i32
      %swap3A_387 = arith.index_cast %swap3A_386 : i32 to index
      %swap3A_388 = arith.index_cast %mul3A_218 : i32 to index
      %swap3A_389 = tpu.vector_load %arg8[%swap3A_387, %swap3A_388] {strides = array<i32>} : memref<32x768xf32, #tpu.memory_space<vmem>>, vector<1x16xf32>,
      %swap3A_390 = vector.shape_cast %swap3A_389 : vector<1x16xf32> to vector<16xf32>
      %swap3A_391 = vector.shape_cast %get3A_223 : vector<16xf32> to vector<1x16xf32>
      tpu.vector_store %arg8[%swap3A_387, %swap3A_388], %swap3A_391 {add = true, strides = array<i32>} : memref<32x768xf32, #tpu.memory_space<vmem>>, vector<1x16xf32>,
      %swap3A_392 = arith.constant 28 : i32
      %swap3A_393 = arith.index_cast %swap3A_392 : i32 to index
      %swap3A_394 = arith.index_cast %mul3A_218 : i32 to index
      %swap3A_395 = tpu.vector_load %arg8[%swap3A_393, %swap3A_394] {strides = array<i32>} : memref<32x768xf32, #tpu.memory_space<vmem>>, vector<1x16xf32>,
      %swap3A_396 = vector.shape_cast %swap3A_395 : vector<1x16xf32> to vector<16xf32>
      %swap3A_397 = vector.shape_cast %get3A_223 : vector<16xf32> to vector<1x16xf32>
      tpu.vector_store %arg8[%swap3A_393, %swap3A_394], %swap3A_397 {add = true, strides = array<i32>} : memref<32x768xf32, #tpu.memory_space<vmem>>, vector<1x16xf32>,
      %swap3A_398 = arith.constant 29 : i32
      %swap3A_399 = arith.index_cast %swap3A_398 : i32 to index
      %swap3A_400 = arith.index_cast %mul3A_218 : i32 to index
      %swap3A_401 = tpu.vector_load %arg8[%swap3A_399, %swap3A_400] {strides = array<i32>} : memref<32x768xf32, #tpu.memory_space<vmem>>, vector<1x16xf32>,
      %swap3A_402 = vector.shape_cast %swap3A_401 : vector<1x16xf32> to vector<16xf32>
      %swap3A_403 = vector.shape_cast %get3A_223 : vector<16xf32> to vector<1x16xf32>
      tpu.vector_store %arg8[%swap3A_399, %swap3A_400], %swap3A_403 {add = true, strides = array<i32>} : memref<32x768xf32, #tpu.memory_space<vmem>>, vector<1x16xf32>,
      %swap3A_404 = arith.constant 30 : i32
      %swap3A_405 = arith.index_cast %swap3A_404 : i32 to index
      %swap3A_406 = arith.index_cast %mul3A_218 : i32 to index
      %swap3A_407 = tpu.vector_load %arg8[%swap3A_405, %swap3A_406] {strides = array<i32>} : memref<32x768xf32, #tpu.memory_space<vmem>>, vector<1x16xf32>,
      %swap3A_408 = vector.shape_cast %swap3A_407 : vector<1x16xf32> to vector<16xf32>
      %swap3A_409 = vector.shape_cast %get3A_223 : vector<16xf32> to vector<1x16xf32>
      tpu.vector_store %arg8[%swap3A_405, %swap3A_406], %swap3A_409 {add = true, strides = array<i32>} : memref<32x768xf32, #tpu.memory_space<vmem>>, vector<1x16xf32>,
      %swap3A_410 = arith.constant 31 : i32
      %swap3A_411 = arith.index_cast %swap3A_410 : i32 to index
      %swap3A_412 = arith.index_cast %mul3A_218 : i32 to index
      %swap3A_413 = tpu.vector_load %arg8[%swap3A_411, %swap3A_412] {strides = array<i32>} : memref<32x768xf32, #tpu.memory_space<vmem>>, vector<1x16xf32>,
      %swap3A_414 = vector.shape_cast %swap3A_413 : vector<1x16xf32> to vector<16xf32>
      %swap3A_415 = vector.shape_cast %get3A_223 : vector<16xf32> to vector<1x16xf32>
      tpu.vector_store %arg8[%swap3A_411, %swap3A_412], %swap3A_415 {add = true, strides = array<i32>} : memref<32x768xf32, #tpu.memory_space<vmem>>, vector<1x16xf32>,
    }
    %scan3A_119 = arith.constant 48 : i32
    %dma_start3A_120 = arith.constant 0 : i32
    %dma_start3A_121 = arith.constant 0 : i32
    %dma_start3A_122 = tpu.memref_slice %arg5[%dma_start3A_120, %dma_start3A_121] : memref<78848x768xf32, #tpu.memory_space<hbm>> -> memref<78848x768xf32, #tpu.memory_space<hbm>>
    tpu.enqueue_indirect_dma source(%arg8 : memref<32x768xf32, #tpu.memory_space<vmem>>) target(%dma_start3A_122 : memref<78848x768xf32, #tpu.memory_space<hbm>>) offsets(%arg13 : memref<32xi32, #tpu.memory_space<vmem>>) semaphore(%arg23 : memref<!tpu.dma_semaphore, #tpu.memory_space<semaphore_mem>>)
    %add3A_123 = arith.constant 2432 : i32
    %add3A_124 = arith.addi %mul3A_2, %add3A_123 : i32
    %jit3A_125 = arith.constant 1024 : i32
    %div3A_126 = arith.divsi %add3A_124, %jit3A_125 : i32
    %sign3A_127 = arith.constant 0 : i32
    %sign3A_128 = arith.cmpi sgt, %add3A_124, %sign3A_127 : i32
    %sign3A_129 = arith.extui %sign3A_128 : i1 to i32
    %sign3A_130 = arith.constant 0 : i32
    %sign3A_131 = arith.cmpi slt, %add3A_124, %sign3A_130 : i32
    %sign3A_132 = arith.extui %sign3A_131 : i1 to i32
    %sign3A_133 = arith.subi %sign3A_129, %sign3A_132 : i32
    %sign3A_134 = arith.constant 0 : i32
    %sign3A_135 = arith.cmpi sgt, %jit3A_125, %sign3A_134 : i32
    %sign3A_136 = arith.extui %sign3A_135 : i1 to i32
    %sign3A_137 = arith.constant 0 : i32
    %sign3A_138 = arith.cmpi slt, %jit3A_125, %sign3A_137 : i32
    %sign3A_139 = arith.extui %sign3A_138 : i1 to i32
    %sign3A_140 = arith.subi %sign3A_136, %sign3A_139 : i32
    %ne3A_141 = arith.cmpi ne, %sign3A_133, %sign3A_140 : i32
    %rem3A_142 = arith.remsi %add3A_124, %jit3A_125 : i32
    %ne3A_143 = arith.constant 0 : i32
    %ne3A_144 = arith.cmpi ne, %rem3A_142, %ne3A_143 : i32
    %and3A_145 = arith.andi %ne3A_141, %ne3A_144 : i1
    %sub3A_146 = arith.constant 1 : i32
    %sub3A_147 = arith.subi %div3A_126, %sub3A_146 : i32
    %select_n3A_148 = arith.select %and3A_145, %sub3A_147, %div3A_126 : i32
    %jit3A_149 = arith.constant 1024 : i32
    %eq3A_150 = arith.constant 0 : i32
    %eq3A_151 = arith.cmpi eq, %jit3A_149, %eq3A_150 : i32
    %jit3A_152 = arith.constant 1 : i32
    %select_n3A_153 = arith.select %eq3A_151, %jit3A_152, %jit3A_149 : i32
    %rem3A_154 = arith.remsi %add3A_124, %select_n3A_153 : i32
    %ne3A_155 = arith.constant 0 : i32
    %ne3A_156 = arith.cmpi ne, %rem3A_154, %ne3A_155 : i32
    %lt3A_157 = arith.constant 0 : i32
    %lt3A_158 = arith.cmpi slt, %rem3A_154, %lt3A_157 : i32
    %lt3A_159 = arith.constant 0 : i32
    %lt3A_160 = arith.cmpi slt, %select_n3A_153, %lt3A_159 : i32
    %ne3A_161 = arith.xori %lt3A_158, %lt3A_160 : i1
    %and3A_162 = arith.andi %ne3A_161, %ne3A_156 : i1
    %add3A_163 = arith.addi %rem3A_154, %select_n3A_153 : i32
    %select_n3A_164 = arith.select %and3A_162, %add3A_163, %rem3A_154 : i32
    %sub3A_165 = arith.subi %select_n3A_148, %select_n3A : i32
    %mul3A_166 = arith.constant 77 : i32
    %mul3A_167 = arith.muli %select_n3A_164, %mul3A_166 : i32
    %add3A_168 = arith.addi %mul3A_167, %select_n3A_148 : i32
    %iota3A_169 = tpu.iota {dimensions = array<i32: 0>} : vector<16xi32>
    %mul3A_170 = arith.constant 77 : i32
    %mul3A_171 = vector.broadcast %mul3A_170 : i32 to vector<16xi32>
    %mul3A_172 = arith.muli %iota3A_169, %mul3A_171 : vector<16xi32>
    %add3A_173 = vector.broadcast %add3A_168 : i32 to vector<16xi32>
    %add3A_174 = arith.addi %mul3A_172, %add3A_173 : vector<16xi32>
    %swap3A_175 = arith.constant 0 : index
    %swap3A_176 = tpu.vector_load %arg14[%swap3A_175] {strides = array<i32>} : memref<32xi32, #tpu.memory_space<vmem>>, vector<16xi32>,
    %swap3A_177 = vector.shape_cast %swap3A_176 : vector<16xi32> to vector<16xi32>
    %swap3A_178 = vector.shape_cast %add3A_174 : vector<16xi32> to vector<16xi32>
    tpu.vector_store %arg14[%swap3A_175], %swap3A_178 {strides = array<i32>} : memref<32xi32, #tpu.memory_space<vmem>>, vector<16xi32>,
    %add3A_179 = arith.constant 1232 : i32
    %add3A_180 = arith.addi %add3A_168, %add3A_179 : i32
    %add3A_181 = vector.broadcast %add3A_180 : i32 to vector<16xi32>
    %add3A_182 = arith.addi %mul3A_172, %add3A_181 : vector<16xi32>
    %swap3A_183 = arith.constant 16 : index
    %swap3A_184 = tpu.vector_load %arg14[%swap3A_183] {strides = array<i32>} : memref<32xi32, #tpu.memory_space<vmem>>, vector<16xi32>,
    %swap3A_185 = vector.shape_cast %swap3A_184 : vector<16xi32> to vector<16xi32>
    %swap3A_186 = vector.shape_cast %add3A_182 : vector<16xi32> to vector<16xi32>
    tpu.vector_store %arg14[%swap3A_183], %swap3A_186 {strides = array<i32>} : memref<32xi32, #tpu.memory_space<vmem>>, vector<16xi32>,
    %dma_wait3A_187 = arith.constant 2432 : i32
    %dma_wait3A_188 = tpu.memref_slice %arg6[%dma_wait3A_187] : memref<2464xi32, #tpu.memory_space<vmem>> -> memref<32xi32, #tpu.memory_space<vmem>>
    %dma_wait3A_189 = arith.constant 0 : i32
    %dma_wait3A_190 = arith.constant 0 : i32
    %dma_wait3A_191 = tpu.memref_slice %arg4[%dma_wait3A_189, %dma_wait3A_190] : memref<49408x768xf32, #tpu.memory_space<hbm>> -> memref<49408x768xf32, #tpu.memory_space<hbm>>
    tpu.wait_indirect_dma semaphore(%arg19 : memref<!tpu.dma_semaphore, #tpu.memory_space<semaphore_mem>>) src(%dma_wait3A_191 : memref<49408x768xf32, #tpu.memory_space<hbm>>) dst(%arg9 : memref<32x768xf32, #tpu.memory_space<vmem>>)
    %scan3A_192 = arith.constant 0 : i32
    %scan3A_193 = arith.constant 0 : i32
    %scan3A_194 = arith.constant 48 : i32
    %scan3A_195 = arith.addi %scan3A_193, %scan3A_194 : i32
    %scan3A_196 = arith.constant 1 : i32
    scf.for %scan3A_216 = %scan3A_193 to %scan3A_195 step %scan3A_196  : i32 {
      %mul3A_217 = arith.constant 16 : i32
      %mul3A_218 = arith.muli %scan3A_216, %mul3A_217 : i32
      %mul3A_219 = arith.constant 768 : i32
      %mul3A_220 = arith.muli %sub3A_165, %mul3A_219 : i32
      %add3A_221 = arith.addi %mul3A_220, %mul3A_218 : i32
      %get3A = arith.index_cast %add3A_221 : i32 to index
      %get3A_222 = tpu.vector_load %arg7[%get3A] {strides = array<i32>} : memref<3072xf32, #tpu.memory_space<vmem>>, vector<16xf32>,
      %get3A_223 = vector.shape_cast %get3A_222 : vector<16xf32> to vector<16xf32>
      %swap3A_224 = arith.constant 0 : i32
      %swap3A_225 = arith.index_cast %swap3A_224 : i32 to index
      %swap3A_226 = arith.index_cast %mul3A_218 : i32 to index
      %swap3A_227 = tpu.vector_load %arg9[%swap3A_225, %swap3A_226] {strides = array<i32>} : memref<32x768xf32, #tpu.memory_space<vmem>>, vector<1x16xf32>,
      %swap3A_228 = vector.shape_cast %swap3A_227 : vector<1x16xf32> to vector<16xf32>
      %swap3A_229 = vector.shape_cast %get3A_223 : vector<16xf32> to vector<1x16xf32>
      tpu.vector_store %arg9[%swap3A_225, %swap3A_226], %swap3A_229 {add = true, strides = array<i32>} : memref<32x768xf32, #tpu.memory_space<vmem>>, vector<1x16xf32>,
      %swap3A_230 = arith.constant 1 : i32
      %swap3A_231 = arith.index_cast %swap3A_230 : i32 to index
      %swap3A_232 = arith.index_cast %mul3A_218 : i32 to index
      %swap3A_233 = tpu.vector_load %arg9[%swap3A_231, %swap3A_232] {strides = array<i32>} : memref<32x768xf32, #tpu.memory_space<vmem>>, vector<1x16xf32>,
      %swap3A_234 = vector.shape_cast %swap3A_233 : vector<1x16xf32> to vector<16xf32>
      %swap3A_235 = vector.shape_cast %get3A_223 : vector<16xf32> to vector<1x16xf32>
      tpu.vector_store %arg9[%swap3A_231, %swap3A_232], %swap3A_235 {add = true, strides = array<i32>} : memref<32x768xf32, #tpu.memory_space<vmem>>, vector<1x16xf32>,
      %swap3A_236 = arith.constant 2 : i32
      %swap3A_237 = arith.index_cast %swap3A_236 : i32 to index
      %swap3A_238 = arith.index_cast %mul3A_218 : i32 to index
      %swap3A_239 = tpu.vector_load %arg9[%swap3A_237, %swap3A_238] {strides = array<i32>} : memref<32x768xf32, #tpu.memory_space<vmem>>, vector<1x16xf32>,
      %swap3A_240 = vector.shape_cast %swap3A_239 : vector<1x16xf32> to vector<16xf32>
      %swap3A_241 = vector.shape_cast %get3A_223 : vector<16xf32> to vector<1x16xf32>
      tpu.vector_store %arg9[%swap3A_237, %swap3A_238], %swap3A_241 {add = true, strides = array<i32>} : memref<32x768xf32, #tpu.memory_space<vmem>>, vector<1x16xf32>,
      %swap3A_242 = arith.constant 3 : i32
      %swap3A_243 = arith.index_cast %swap3A_242 : i32 to index
      %swap3A_244 = arith.index_cast %mul3A_218 : i32 to index
      %swap3A_245 = tpu.vector_load %arg9[%swap3A_243, %swap3A_244] {strides = array<i32>} : memref<32x768xf32, #tpu.memory_space<vmem>>, vector<1x16xf32>,
      %swap3A_246 = vector.shape_cast %swap3A_245 : vector<1x16xf32> to vector<16xf32>
      %swap3A_247 = vector.shape_cast %get3A_223 : vector<16xf32> to vector<1x16xf32>
      tpu.vector_store %arg9[%swap3A_243, %swap3A_244], %swap3A_247 {add = true, strides = array<i32>} : memref<32x768xf32, #tpu.memory_space<vmem>>, vector<1x16xf32>,
      %swap3A_248 = arith.constant 4 : i32
      %swap3A_249 = arith.index_cast %swap3A_248 : i32 to index
      %swap3A_250 = arith.index_cast %mul3A_218 : i32 to index
      %swap3A_251 = tpu.vector_load %arg9[%swap3A_249, %swap3A_250] {strides = array<i32>} : memref<32x768xf32, #tpu.memory_space<vmem>>, vector<1x16xf32>,
      %swap3A_252 = vector.shape_cast %swap3A_251 : vector<1x16xf32> to vector<16xf32>
      %swap3A_253 = vector.shape_cast %get3A_223 : vector<16xf32> to vector<1x16xf32>
      tpu.vector_store %arg9[%swap3A_249, %swap3A_250], %swap3A_253 {add = true, strides = array<i32>} : memref<32x768xf32, #tpu.memory_space<vmem>>, vector<1x16xf32>,
      %swap3A_254 = arith.constant 5 : i32
      %swap3A_255 = arith.index_cast %swap3A_254 : i32 to index
      %swap3A_256 = arith.index_cast %mul3A_218 : i32 to index
      %swap3A_257 = tpu.vector_load %arg9[%swap3A_255, %swap3A_256] {strides = array<i32>} : memref<32x768xf32, #tpu.memory_space<vmem>>, vector<1x16xf32>,
      %swap3A_258 = vector.shape_cast %swap3A_257 : vector<1x16xf32> to vector<16xf32>
      %swap3A_259 = vector.shape_cast %get3A_223 : vector<16xf32> to vector<1x16xf32>
      tpu.vector_store %arg9[%swap3A_255, %swap3A_256], %swap3A_259 {add = true, strides = array<i32>} : memref<32x768xf32, #tpu.memory_space<vmem>>, vector<1x16xf32>,
      %swap3A_260 = arith.constant 6 : i32
      %swap3A_261 = arith.index_cast %swap3A_260 : i32 to index
      %swap3A_262 = arith.index_cast %mul3A_218 : i32 to index
      %swap3A_263 = tpu.vector_load %arg9[%swap3A_261, %swap3A_262] {strides = array<i32>} : memref<32x768xf32, #tpu.memory_space<vmem>>, vector<1x16xf32>,
      %swap3A_264 = vector.shape_cast %swap3A_263 : vector<1x16xf32> to vector<16xf32>
      %swap3A_265 = vector.shape_cast %get3A_223 : vector<16xf32> to vector<1x16xf32>
      tpu.vector_store %arg9[%swap3A_261, %swap3A_262], %swap3A_265 {add = true, strides = array<i32>} : memref<32x768xf32, #tpu.memory_space<vmem>>, vector<1x16xf32>,
      %swap3A_266 = arith.constant 7 : i32
      %swap3A_267 = arith.index_cast %swap3A_266 : i32 to index
      %swap3A_268 = arith.index_cast %mul3A_218 : i32 to index
      %swap3A_269 = tpu.vector_load %arg9[%swap3A_267, %swap3A_268] {strides = array<i32>} : memref<32x768xf32, #tpu.memory_space<vmem>>, vector<1x16xf32>,
      %swap3A_270 = vector.shape_cast %swap3A_269 : vector<1x16xf32> to vector<16xf32>
      %swap3A_271 = vector.shape_cast %get3A_223 : vector<16xf32> to vector<1x16xf32>
      tpu.vector_store %arg9[%swap3A_267, %swap3A_268], %swap3A_271 {add = true, strides = array<i32>} : memref<32x768xf32, #tpu.memory_space<vmem>>, vector<1x16xf32>,
      %swap3A_272 = arith.constant 8 : i32
      %swap3A_273 = arith.index_cast %swap3A_272 : i32 to index
      %swap3A_274 = arith.index_cast %mul3A_218 : i32 to index
      %swap3A_275 = tpu.vector_load %arg9[%swap3A_273, %swap3A_274] {strides = array<i32>} : memref<32x768xf32, #tpu.memory_space<vmem>>, vector<1x16xf32>,
      %swap3A_276 = vector.shape_cast %swap3A_275 : vector<1x16xf32> to vector<16xf32>
      %swap3A_277 = vector.shape_cast %get3A_223 : vector<16xf32> to vector<1x16xf32>
      tpu.vector_store %arg9[%swap3A_273, %swap3A_274], %swap3A_277 {add = true, strides = array<i32>} : memref<32x768xf32, #tpu.memory_space<vmem>>, vector<1x16xf32>,
      %swap3A_278 = arith.constant 9 : i32
      %swap3A_279 = arith.index_cast %swap3A_278 : i32 to index
      %swap3A_280 = arith.index_cast %mul3A_218 : i32 to index
      %swap3A_281 = tpu.vector_load %arg9[%swap3A_279, %swap3A_280] {strides = array<i32>} : memref<32x768xf32, #tpu.memory_space<vmem>>, vector<1x16xf32>,
      %swap3A_282 = vector.shape_cast %swap3A_281 : vector<1x16xf32> to vector<16xf32>
      %swap3A_283 = vector.shape_cast %get3A_223 : vector<16xf32> to vector<1x16xf32>
      tpu.vector_store %arg9[%swap3A_279, %swap3A_280], %swap3A_283 {add = true, strides = array<i32>} : memref<32x768xf32, #tpu.memory_space<vmem>>, vector<1x16xf32>,
      %swap3A_284 = arith.constant 10 : i32
      %swap3A_285 = arith.index_cast %swap3A_284 : i32 to index
      %swap3A_286 = arith.index_cast %mul3A_218 : i32 to index
      %swap3A_287 = tpu.vector_load %arg9[%swap3A_285, %swap3A_286] {strides = array<i32>} : memref<32x768xf32, #tpu.memory_space<vmem>>, vector<1x16xf32>,
      %swap3A_288 = vector.shape_cast %swap3A_287 : vector<1x16xf32> to vector<16xf32>
      %swap3A_289 = vector.shape_cast %get3A_223 : vector<16xf32> to vector<1x16xf32>
      tpu.vector_store %arg9[%swap3A_285, %swap3A_286], %swap3A_289 {add = true, strides = array<i32>} : memref<32x768xf32, #tpu.memory_space<vmem>>, vector<1x16xf32>,
      %swap3A_290 = arith.constant 11 : i32
      %swap3A_291 = arith.index_cast %swap3A_290 : i32 to index
      %swap3A_292 = arith.index_cast %mul3A_218 : i32 to index
      %swap3A_293 = tpu.vector_load %arg9[%swap3A_291, %swap3A_292] {strides = array<i32>} : memref<32x768xf32, #tpu.memory_space<vmem>>, vector<1x16xf32>,
      %swap3A_294 = vector.shape_cast %swap3A_293 : vector<1x16xf32> to vector<16xf32>
      %swap3A_295 = vector.shape_cast %get3A_223 : vector<16xf32> to vector<1x16xf32>
      tpu.vector_store %arg9[%swap3A_291, %swap3A_292], %swap3A_295 {add = true, strides = array<i32>} : memref<32x768xf32, #tpu.memory_space<vmem>>, vector<1x16xf32>,
      %swap3A_296 = arith.constant 12 : i32
      %swap3A_297 = arith.index_cast %swap3A_296 : i32 to index
      %swap3A_298 = arith.index_cast %mul3A_218 : i32 to index
      %swap3A_299 = tpu.vector_load %arg9[%swap3A_297, %swap3A_298] {strides = array<i32>} : memref<32x768xf32, #tpu.memory_space<vmem>>, vector<1x16xf32>,
      %swap3A_300 = vector.shape_cast %swap3A_299 : vector<1x16xf32> to vector<16xf32>
      %swap3A_301 = vector.shape_cast %get3A_223 : vector<16xf32> to vector<1x16xf32>
      tpu.vector_store %arg9[%swap3A_297, %swap3A_298], %swap3A_301 {add = true, strides = array<i32>} : memref<32x768xf32, #tpu.memory_space<vmem>>, vector<1x16xf32>,
      %swap3A_302 = arith.constant 13 : i32
      %swap3A_303 = arith.index_cast %swap3A_302 : i32 to index
      %swap3A_304 = arith.index_cast %mul3A_218 : i32 to index
      %swap3A_305 = tpu.vector_load %arg9[%swap3A_303, %swap3A_304] {strides = array<i32>} : memref<32x768xf32, #tpu.memory_space<vmem>>, vector<1x16xf32>,
      %swap3A_306 = vector.shape_cast %swap3A_305 : vector<1x16xf32> to vector<16xf32>
      %swap3A_307 = vector.shape_cast %get3A_223 : vector<16xf32> to vector<1x16xf32>
      tpu.vector_store %arg9[%swap3A_303, %swap3A_304], %swap3A_307 {add = true, strides = array<i32>} : memref<32x768xf32, #tpu.memory_space<vmem>>, vector<1x16xf32>,
      %swap3A_308 = arith.constant 14 : i32
      %swap3A_309 = arith.index_cast %swap3A_308 : i32 to index
      %swap3A_310 = arith.index_cast %mul3A_218 : i32 to index
      %swap3A_311 = tpu.vector_load %arg9[%swap3A_309, %swap3A_310] {strides = array<i32>} : memref<32x768xf32, #tpu.memory_space<vmem>>, vector<1x16xf32>,
      %swap3A_312 = vector.shape_cast %swap3A_311 : vector<1x16xf32> to vector<16xf32>
      %swap3A_313 = vector.shape_cast %get3A_223 : vector<16xf32> to vector<1x16xf32>
      tpu.vector_store %arg9[%swap3A_309, %swap3A_310], %swap3A_313 {add = true, strides = array<i32>} : memref<32x768xf32, #tpu.memory_space<vmem>>, vector<1x16xf32>,
      %swap3A_314 = arith.constant 15 : i32
      %swap3A_315 = arith.index_cast %swap3A_314 : i32 to index
      %swap3A_316 = arith.index_cast %mul3A_218 : i32 to index
      %swap3A_317 = tpu.vector_load %arg9[%swap3A_315, %swap3A_316] {strides = array<i32>} : memref<32x768xf32, #tpu.memory_space<vmem>>, vector<1x16xf32>,
      %swap3A_318 = vector.shape_cast %swap3A_317 : vector<1x16xf32> to vector<16xf32>
      %swap3A_319 = vector.shape_cast %get3A_223 : vector<16xf32> to vector<1x16xf32>
      tpu.vector_store %arg9[%swap3A_315, %swap3A_316], %swap3A_319 {add = true, strides = array<i32>} : memref<32x768xf32, #tpu.memory_space<vmem>>, vector<1x16xf32>,
      %swap3A_320 = arith.constant 16 : i32
      %swap3A_321 = arith.index_cast %swap3A_320 : i32 to index
      %swap3A_322 = arith.index_cast %mul3A_218 : i32 to index
      %swap3A_323 = tpu.vector_load %arg9[%swap3A_321, %swap3A_322] {strides = array<i32>} : memref<32x768xf32, #tpu.memory_space<vmem>>, vector<1x16xf32>,
      %swap3A_324 = vector.shape_cast %swap3A_323 : vector<1x16xf32> to vector<16xf32>
      %swap3A_325 = vector.shape_cast %get3A_223 : vector<16xf32> to vector<1x16xf32>
      tpu.vector_store %arg9[%swap3A_321, %swap3A_322], %swap3A_325 {add = true, strides = array<i32>} : memref<32x768xf32, #tpu.memory_space<vmem>>, vector<1x16xf32>,
      %swap3A_326 = arith.constant 17 : i32
      %swap3A_327 = arith.index_cast %swap3A_326 : i32 to index
      %swap3A_328 = arith.index_cast %mul3A_218 : i32 to index
      %swap3A_329 = tpu.vector_load %arg9[%swap3A_327, %swap3A_328] {strides = array<i32>} : memref<32x768xf32, #tpu.memory_space<vmem>>, vector<1x16xf32>,
      %swap3A_330 = vector.shape_cast %swap3A_329 : vector<1x16xf32> to vector<16xf32>
      %swap3A_331 = vector.shape_cast %get3A_223 : vector<16xf32> to vector<1x16xf32>
      tpu.vector_store %arg9[%swap3A_327, %swap3A_328], %swap3A_331 {add = true, strides = array<i32>} : memref<32x768xf32, #tpu.memory_space<vmem>>, vector<1x16xf32>,
      %swap3A_332 = arith.constant 18 : i32
      %swap3A_333 = arith.index_cast %swap3A_332 : i32 to index
      %swap3A_334 = arith.index_cast %mul3A_218 : i32 to index
      %swap3A_335 = tpu.vector_load %arg9[%swap3A_333, %swap3A_334] {strides = array<i32>} : memref<32x768xf32, #tpu.memory_space<vmem>>, vector<1x16xf32>,
      %swap3A_336 = vector.shape_cast %swap3A_335 : vector<1x16xf32> to vector<16xf32>
      %swap3A_337 = vector.shape_cast %get3A_223 : vector<16xf32> to vector<1x16xf32>
      tpu.vector_store %arg9[%swap3A_333, %swap3A_334], %swap3A_337 {add = true, strides = array<i32>} : memref<32x768xf32, #tpu.memory_space<vmem>>, vector<1x16xf32>,
      %swap3A_338 = arith.constant 19 : i32
      %swap3A_339 = arith.index_cast %swap3A_338 : i32 to index
      %swap3A_340 = arith.index_cast %mul3A_218 : i32 to index
      %swap3A_341 = tpu.vector_load %arg9[%swap3A_339, %swap3A_340] {strides = array<i32>} : memref<32x768xf32, #tpu.memory_space<vmem>>, vector<1x16xf32>,
      %swap3A_342 = vector.shape_cast %swap3A_341 : vector<1x16xf32> to vector<16xf32>
      %swap3A_343 = vector.shape_cast %get3A_223 : vector<16xf32> to vector<1x16xf32>
      tpu.vector_store %arg9[%swap3A_339, %swap3A_340], %swap3A_343 {add = true, strides = array<i32>} : memref<32x768xf32, #tpu.memory_space<vmem>>, vector<1x16xf32>,
      %swap3A_344 = arith.constant 20 : i32
      %swap3A_345 = arith.index_cast %swap3A_344 : i32 to index
      %swap3A_346 = arith.index_cast %mul3A_218 : i32 to index
      %swap3A_347 = tpu.vector_load %arg9[%swap3A_345, %swap3A_346] {strides = array<i32>} : memref<32x768xf32, #tpu.memory_space<vmem>>, vector<1x16xf32>,
      %swap3A_348 = vector.shape_cast %swap3A_347 : vector<1x16xf32> to vector<16xf32>
      %swap3A_349 = vector.shape_cast %get3A_223 : vector<16xf32> to vector<1x16xf32>
      tpu.vector_store %arg9[%swap3A_345, %swap3A_346], %swap3A_349 {add = true, strides = array<i32>} : memref<32x768xf32, #tpu.memory_space<vmem>>, vector<1x16xf32>,
      %swap3A_350 = arith.constant 21 : i32
      %swap3A_351 = arith.index_cast %swap3A_350 : i32 to index
      %swap3A_352 = arith.index_cast %mul3A_218 : i32 to index
      %swap3A_353 = tpu.vector_load %arg9[%swap3A_351, %swap3A_352] {strides = array<i32>} : memref<32x768xf32, #tpu.memory_space<vmem>>, vector<1x16xf32>,
      %swap3A_354 = vector.shape_cast %swap3A_353 : vector<1x16xf32> to vector<16xf32>
      %swap3A_355 = vector.shape_cast %get3A_223 : vector<16xf32> to vector<1x16xf32>
      tpu.vector_store %arg9[%swap3A_351, %swap3A_352], %swap3A_355 {add = true, strides = array<i32>} : memref<32x768xf32, #tpu.memory_space<vmem>>, vector<1x16xf32>,
      %swap3A_356 = arith.constant 22 : i32
      %swap3A_357 = arith.index_cast %swap3A_356 : i32 to index
      %swap3A_358 = arith.index_cast %mul3A_218 : i32 to index
      %swap3A_359 = tpu.vector_load %arg9[%swap3A_357, %swap3A_358] {strides = array<i32>} : memref<32x768xf32, #tpu.memory_space<vmem>>, vector<1x16xf32>,
      %swap3A_360 = vector.shape_cast %swap3A_359 : vector<1x16xf32> to vector<16xf32>
      %swap3A_361 = vector.shape_cast %get3A_223 : vector<16xf32> to vector<1x16xf32>
      tpu.vector_store %arg9[%swap3A_357, %swap3A_358], %swap3A_361 {add = true, strides = array<i32>} : memref<32x768xf32, #tpu.memory_space<vmem>>, vector<1x16xf32>,
      %swap3A_362 = arith.constant 23 : i32
      %swap3A_363 = arith.index_cast %swap3A_362 : i32 to index
      %swap3A_364 = arith.index_cast %mul3A_218 : i32 to index
      %swap3A_365 = tpu.vector_load %arg9[%swap3A_363, %swap3A_364] {strides = array<i32>} : memref<32x768xf32, #tpu.memory_space<vmem>>, vector<1x16xf32>,
      %swap3A_366 = vector.shape_cast %swap3A_365 : vector<1x16xf32> to vector<16xf32>
      %swap3A_367 = vector.shape_cast %get3A_223 : vector<16xf32> to vector<1x16xf32>
      tpu.vector_store %arg9[%swap3A_363, %swap3A_364], %swap3A_367 {add = true, strides = array<i32>} : memref<32x768xf32, #tpu.memory_space<vmem>>, vector<1x16xf32>,
      %swap3A_368 = arith.constant 24 : i32
      %swap3A_369 = arith.index_cast %swap3A_368 : i32 to index
      %swap3A_370 = arith.index_cast %mul3A_218 : i32 to index
      %swap3A_371 = tpu.vector_load %arg9[%swap3A_369, %swap3A_370] {strides = array<i32>} : memref<32x768xf32, #tpu.memory_space<vmem>>, vector<1x16xf32>,
      %swap3A_372 = vector.shape_cast %swap3A_371 : vector<1x16xf32> to vector<16xf32>
      %swap3A_373 = vector.shape_cast %get3A_223 : vector<16xf32> to vector<1x16xf32>
      tpu.vector_store %arg9[%swap3A_369, %swap3A_370], %swap3A_373 {add = true, strides = array<i32>} : memref<32x768xf32, #tpu.memory_space<vmem>>, vector<1x16xf32>,
      %swap3A_374 = arith.constant 25 : i32
      %swap3A_375 = arith.index_cast %swap3A_374 : i32 to index
      %swap3A_376 = arith.index_cast %mul3A_218 : i32 to index
      %swap3A_377 = tpu.vector_load %arg9[%swap3A_375, %swap3A_376] {strides = array<i32>} : memref<32x768xf32, #tpu.memory_space<vmem>>, vector<1x16xf32>,
      %swap3A_378 = vector.shape_cast %swap3A_377 : vector<1x16xf32> to vector<16xf32>
      %swap3A_379 = vector.shape_cast %get3A_223 : vector<16xf32> to vector<1x16xf32>
      tpu.vector_store %arg9[%swap3A_375, %swap3A_376], %swap3A_379 {add = true, strides = array<i32>} : memref<32x768xf32, #tpu.memory_space<vmem>>, vector<1x16xf32>,
      %swap3A_380 = arith.constant 26 : i32
      %swap3A_381 = arith.index_cast %swap3A_380 : i32 to index
      %swap3A_382 = arith.index_cast %mul3A_218 : i32 to index
      %swap3A_383 = tpu.vector_load %arg9[%swap3A_381, %swap3A_382] {strides = array<i32>} : memref<32x768xf32, #tpu.memory_space<vmem>>, vector<1x16xf32>,
      %swap3A_384 = vector.shape_cast %swap3A_383 : vector<1x16xf32> to vector<16xf32>
      %swap3A_385 = vector.shape_cast %get3A_223 : vector<16xf32> to vector<1x16xf32>
      tpu.vector_store %arg9[%swap3A_381, %swap3A_382], %swap3A_385 {add = true, strides = array<i32>} : memref<32x768xf32, #tpu.memory_space<vmem>>, vector<1x16xf32>,
      %swap3A_386 = arith.constant 27 : i32
      %swap3A_387 = arith.index_cast %swap3A_386 : i32 to index
      %swap3A_388 = arith.index_cast %mul3A_218 : i32 to index
      %swap3A_389 = tpu.vector_load %arg9[%swap3A_387, %swap3A_388] {strides = array<i32>} : memref<32x768xf32, #tpu.memory_space<vmem>>, vector<1x16xf32>,
      %swap3A_390 = vector.shape_cast %swap3A_389 : vector<1x16xf32> to vector<16xf32>
      %swap3A_391 = vector.shape_cast %get3A_223 : vector<16xf32> to vector<1x16xf32>
      tpu.vector_store %arg9[%swap3A_387, %swap3A_388], %swap3A_391 {add = true, strides = array<i32>} : memref<32x768xf32, #tpu.memory_space<vmem>>, vector<1x16xf32>,
      %swap3A_392 = arith.constant 28 : i32
      %swap3A_393 = arith.index_cast %swap3A_392 : i32 to index
      %swap3A_394 = arith.index_cast %mul3A_218 : i32 to index
      %swap3A_395 = tpu.vector_load %arg9[%swap3A_393, %swap3A_394] {strides = array<i32>} : memref<32x768xf32, #tpu.memory_space<vmem>>, vector<1x16xf32>,
      %swap3A_396 = vector.shape_cast %swap3A_395 : vector<1x16xf32> to vector<16xf32>
      %swap3A_397 = vector.shape_cast %get3A_223 : vector<16xf32> to vector<1x16xf32>
      tpu.vector_store %arg9[%swap3A_393, %swap3A_394], %swap3A_397 {add = true, strides = array<i32>} : memref<32x768xf32, #tpu.memory_space<vmem>>, vector<1x16xf32>,
      %swap3A_398 = arith.constant 29 : i32
      %swap3A_399 = arith.index_cast %swap3A_398 : i32 to index
      %swap3A_400 = arith.index_cast %mul3A_218 : i32 to index
      %swap3A_401 = tpu.vector_load %arg9[%swap3A_399, %swap3A_400] {strides = array<i32>} : memref<32x768xf32, #tpu.memory_space<vmem>>, vector<1x16xf32>,
      %swap3A_402 = vector.shape_cast %swap3A_401 : vector<1x16xf32> to vector<16xf32>
      %swap3A_403 = vector.shape_cast %get3A_223 : vector<16xf32> to vector<1x16xf32>
      tpu.vector_store %arg9[%swap3A_399, %swap3A_400], %swap3A_403 {add = true, strides = array<i32>} : memref<32x768xf32, #tpu.memory_space<vmem>>, vector<1x16xf32>,
      %swap3A_404 = arith.constant 30 : i32
      %swap3A_405 = arith.index_cast %swap3A_404 : i32 to index
      %swap3A_406 = arith.index_cast %mul3A_218 : i32 to index
      %swap3A_407 = tpu.vector_load %arg9[%swap3A_405, %swap3A_406] {strides = array<i32>} : memref<32x768xf32, #tpu.memory_space<vmem>>, vector<1x16xf32>,
      %swap3A_408 = vector.shape_cast %swap3A_407 : vector<1x16xf32> to vector<16xf32>
      %swap3A_409 = vector.shape_cast %get3A_223 : vector<16xf32> to vector<1x16xf32>
      tpu.vector_store %arg9[%swap3A_405, %swap3A_406], %swap3A_409 {add = true, strides = array<i32>} : memref<32x768xf32, #tpu.memory_space<vmem>>, vector<1x16xf32>,
      %swap3A_410 = arith.constant 31 : i32
      %swap3A_411 = arith.index_cast %swap3A_410 : i32 to index
      %swap3A_412 = arith.index_cast %mul3A_218 : i32 to index
      %swap3A_413 = tpu.vector_load %arg9[%swap3A_411, %swap3A_412] {strides = array<i32>} : memref<32x768xf32, #tpu.memory_space<vmem>>, vector<1x16xf32>,
      %swap3A_414 = vector.shape_cast %swap3A_413 : vector<1x16xf32> to vector<16xf32>
      %swap3A_415 = vector.shape_cast %get3A_223 : vector<16xf32> to vector<1x16xf32>
      tpu.vector_store %arg9[%swap3A_411, %swap3A_412], %swap3A_415 {add = true, strides = array<i32>} : memref<32x768xf32, #tpu.memory_space<vmem>>, vector<1x16xf32>,
    }
    %scan3A_197 = arith.constant 48 : i32
    %dma_start3A_198 = arith.constant 0 : i32
    %dma_start3A_199 = arith.constant 0 : i32
    %dma_start3A_200 = tpu.memref_slice %arg5[%dma_start3A_198, %dma_start3A_199] : memref<78848x768xf32, #tpu.memory_space<hbm>> -> memref<78848x768xf32, #tpu.memory_space<hbm>>
    tpu.enqueue_indirect_dma source(%arg9 : memref<32x768xf32, #tpu.memory_space<vmem>>) target(%dma_start3A_200 : memref<78848x768xf32, #tpu.memory_space<hbm>>) offsets(%arg14 : memref<32xi32, #tpu.memory_space<vmem>>) semaphore(%arg24 : memref<!tpu.dma_semaphore, #tpu.memory_space<semaphore_mem>>)
    %dma_wait3A_201 = arith.constant 0 : i32
    %dma_wait3A_202 = arith.constant 0 : i32
    %dma_wait3A_203 = tpu.memref_slice %arg5[%dma_wait3A_201, %dma_wait3A_202] : memref<78848x768xf32, #tpu.memory_space<hbm>> -> memref<78848x768xf32, #tpu.memory_space<hbm>>
    tpu.wait_indirect_dma semaphore(%arg25 : memref<!tpu.dma_semaphore, #tpu.memory_space<semaphore_mem>>) src(%arg10 : memref<32x768xf32, #tpu.memory_space<vmem>>) dst(%dma_wait3A_203 : memref<78848x768xf32, #tpu.memory_space<hbm>>)
    %dma_wait3A_204 = arith.constant 0 : i32
    %dma_wait3A_205 = arith.constant 0 : i32
    %dma_wait3A_206 = tpu.memref_slice %arg5[%dma_wait3A_204, %dma_wait3A_205] : memref<78848x768xf32, #tpu.memory_space<hbm>> -> memref<78848x768xf32, #tpu.memory_space<hbm>>
    tpu.wait_indirect_dma semaphore(%arg26 : memref<!tpu.dma_semaphore, #tpu.memory_space<semaphore_mem>>) src(%arg11 : memref<32x768xf32, #tpu.memory_space<vmem>>) dst(%dma_wait3A_206 : memref<78848x768xf32, #tpu.memory_space<hbm>>)
    %dma_wait3A_207 = arith.constant 0 : i32
    %dma_wait3A_208 = arith.constant 0 : i32
    %dma_wait3A_209 = tpu.memref_slice %arg5[%dma_wait3A_207, %dma_wait3A_208] : memref<78848x768xf32, #tpu.memory_space<hbm>> -> memref<78848x768xf32, #tpu.memory_space<hbm>>
    tpu.wait_indirect_dma semaphore(%arg27 : memref<!tpu.dma_semaphore, #tpu.memory_space<semaphore_mem>>) src(%arg12 : memref<32x768xf32, #tpu.memory_space<vmem>>) dst(%dma_wait3A_209 : memref<78848x768xf32, #tpu.memory_space<hbm>>)
    %dma_wait3A_210 = arith.constant 0 : i32
    %dma_wait3A_211 = arith.constant 0 : i32
    %dma_wait3A_212 = tpu.memref_slice %arg5[%dma_wait3A_210, %dma_wait3A_211] : memref<78848x768xf32, #tpu.memory_space<hbm>> -> memref<78848x768xf32, #tpu.memory_space<hbm>>
    tpu.wait_indirect_dma semaphore(%arg23 : memref<!tpu.dma_semaphore, #tpu.memory_space<semaphore_mem>>) src(%arg8 : memref<32x768xf32, #tpu.memory_space<vmem>>) dst(%dma_wait3A_212 : memref<78848x768xf32, #tpu.memory_space<hbm>>)
    %dma_wait3A_213 = arith.constant 0 : i32
    %dma_wait3A_214 = arith.constant 0 : i32
    %dma_wait3A_215 = tpu.memref_slice %arg5[%dma_wait3A_213, %dma_wait3A_214] : memref<78848x768xf32, #tpu.memory_space<hbm>> -> memref<78848x768xf32, #tpu.memory_space<hbm>>
    tpu.wait_indirect_dma semaphore(%arg24 : memref<!tpu.dma_semaphore, #tpu.memory_space<semaphore_mem>>) src(%arg9 : memref<32x768xf32, #tpu.memory_space<vmem>>) dst(%dma_wait3A_215 : memref<78848x768xf32, #tpu.memory_space<hbm>>)
    return
  }
}

</mosaic_0001>

<sc_bundles>
// kernel: kernel.3.cloned.1.call-start
scs
__scs_entry_jumppad:
0x0: {  	(pc) =	sbr.rel $0x88, $3  }
0x1: {  	(tag) =	ssettag $0x0;
	lr =	simm.s32 $0x1  }
0x2: {  	[smem:$0x3F9E] =	sst lr;
	_ =	strace $0xD0000000  }
0x3: {  	_ = 	snop  }
0x4: {  	_ = 	snop  }
0x5: {  	_ = 	snop  }
0x6: {  	_ = 	snop  }
0x7: {  	_ = 	snop  }
__scs_overlays_trampoline_lowered:
0x8: {  	[smem:$0x3FAD] =	sst s0  }
0x9: {  	[smem:$0x3FAE] =	sst s1  }
0xa: {  	[smem:$0x3FAF] =	sst s2  }
0xb: {  	[smem:$0x3FB0] =	sst s3  }
0xc: {  	[smem:$0x3FB1] =	sst s4  }
0xd: {  	[smem:$0x3FB2] =	sst s5  }
0xe: {  	[smem:$0x3FB3] =	sst s6  }
0xf: {  	[smem:$0x3FB4] =	sst s7  }
0x10: {  	[smem:$0x3FB5] =	sst s8  }
0x11: {  	[smem:$0x3FB6] =	sst s9;
	s0 =	simm.s32 @!p0 $0x0  }
0x12: {  	s1 =	sld [smem:$0x3F9C];
	s0 =	simm.s32 @p0 $0x1  }
0x13: {  	[smem:$0x3FB7] =	sst s0;
	s0 =	simm.s32 @!p1 $0x0  }
0x14: {  	s2 =	sld [smem:$0x3F9B];
	s0 =	simm.s32 @p1 $0x1  }
0x15: {  	[smem:$0x3FB8] =	sst s0;
	s0 =	simm.s32 @!p2 $0x0  }
0x16: {  	s3 =	sld [smem:$0x3FDB];
	s0 =	simm.s32 @p2 $0x1  }
0x17: {  	s4 =	simm.s32 $0x1BF5;
	[smem:$0x3FBA] =	sst s0  }
0x18: {  	s0 =	sld [smem:$0x3F9D];
	_ =	swait.ge [sflag:s4], $0x0  }
0x19: {  	s7 =	sld [smem:$0x3F9E]  }
0x1a: {  	s8 =	sadd.s32 $0xFFFFE003, lr  }
0x1b: {  	s9 =	sadd.s32 $0xFFFFFEF7, lr;
	s5 =	simm.s32 $0xFFFFFFFF;
	p2 =	slt.u32 s8, $0xFFFFF086  }
0x1c: {  	p1 =	slt.u32 s9, $0xF7A;
	s5 =	simm.s32 @!p2 $0x0  }
0x1d: {  	s5 =	simm.s32 @p1 $0x1;
	p0 =	seq.s32 s7, s2  }
0x1e: {  	s7 =	smul.u32 @!p0 $0xF7A, s2;
	p2 =	seq.s32 @!p0 s5, $0x0  }
0x1f: {  	s9 =	smul.u32 $0xF7A, s1;
	s8 =	simm.s32 @!p0 $0x1BF5;
	p2 =	por !p2, p0  }
0x20: {  	[sflag:s8] =	ssyncset.s32 @!p0 $0xFFFFF086;
	s6 =	sadd.s32 @!p0 s3, s7;
	s7 =	simm.s32 @!p0 $0x108  }
0x21: {  	s3 =	sadd.s32 s3, s9;
	s6 =	sadd.s32 @!p0 $0x88, s6;
	s7 =	simm.s32 @p2 $0x1082  }
0x22: {  	[simem:s7], [sflag:s8] =	dma.local @!p0 [hbm:s6], $0xF7A  }
0x23: {  	s9 =	sor.u32 $0xD0000000, s2;
	s6 =	simm.s32 $0x108;
	_ =	swait.ge @!p0 [sflag:s8], $0x0  }
0x24: {  	s3 =	sadd.s32 $0x88, s3;
	s6 =	simm.s32 @!p1 $0x1082;
	[sflag:s4] =	ssyncset.s32 $0xFFFFF086  }
0x25: {  	[simem:s6], [sflag:s4] =	dma.local [hbm:s3], $0xF7A  }
0x26: {  	[smem:$0x3F9E] =	sst s1;
	(tag) =	ssettag s2;
	_ =	strace s9  }
0x27: {  	s1 =	sld [smem:$0x3FAE]  }
0x28: {  	s2 =	sld [smem:$0x3FAF]  }
0x29: {  	s4 =	sld [smem:$0x3FB1]  }
0x2a: {  	p0 =	seq.s32 s5, $0x0;
	s5 =	sld [smem:$0x3FB2]  }
0x2b: {  	s6 =	sld [smem:$0x3FB3]  }
0x2c: {  	s7 =	sld [smem:$0x3FB4]  }
0x2d: {  	s3 =	simm.s32 $0x108;
	s8 =	sld [smem:$0x3FB5]  }
0x2e: {  	s3 =	simm.s32 @!p0 $0x1082;
	s9 =	sld [smem:$0x3FB6]  }
0x2f: {  	lr =	sadd.s32 s0, s3;
	s0 =	sld [smem:$0x3FAD]  }
0x30: {  	s3 =	sld [smem:$0x3FB0]  }
0x31: {  	[smem:$0x3FB9] =	sst s10  }
0x32: {  	s10 =	sld [smem:$0x3FB7];
	_ =	sdelay $0x3  }
0x33: {  	p0 =	seq.s32 s10, $0x1;
	s10 =	sld [smem:$0x3FB9];
	_ =	sdelay $0x3  }
0x34: {  	[smem:$0x3FB9] =	sst s10  }
0x35: {  	s10 =	sld [smem:$0x3FB8];
	_ =	sdelay $0x3  }
0x36: {  	p1 =	seq.s32 s10, $0x1;
	s10 =	sld [smem:$0x3FB9];
	_ =	sdelay $0x3  }
0x37: {  	[smem:$0x3FB9] =	sst s10  }
0x38: {  	s10 =	sld [smem:$0x3FBA]  }
0x39: {  	_ = 	snop;
	(pc) =	sbr.ind lr, $3  }
0x3a: {  	_ = 	snop  }
0x3b: {  	_ = 	snop  }
0x3c: {  	p2 =	seq.s32 s10, $0x1;
	s10 =	sld [smem:$0x3FB9]  }
0x3d: {  	_ =	shalt  }
0x3e: {  	_ =	shalt  }
0x3f: {  	_ =	shalt  }
0x40: {  	_ =	shalt  }
0x41: {  	_ =	shalt  }
0x42: {  	_ =	shalt  }
0x43: {  	_ =	shalt  }
0x44: {  	_ =	shalt  }
0x45: {  	_ =	shalt  }
0x46: {  	_ =	shalt  }
0x47: {  	_ =	shalt  }
0x48: {  	_ =	shalt  }
0x49: {  	_ =	shalt  }
0x4a: {  	_ =	shalt  }
0x4b: {  	_ =	shalt  }
0x4c: {  	_ =	shalt  }
0x4d: {  	_ =	shalt  }
0x4e: {  	_ =	shalt  }
0x4f: {  	_ =	shalt  }
0x50: {  	_ =	shalt  }
0x51: {  	_ =	shalt  }
0x52: {  	_ =	shalt  }
0x53: {  	_ =	shalt  }
0x54: {  	_ =	shalt  }
0x55: {  	_ =	shalt  }
0x56: {  	_ =	shalt  }
0x57: {  	_ =	shalt  }
0x58: {  	_ =	shalt  }
0x59: {  	_ =	shalt  }
0x5a: {  	_ =	shalt  }
0x5b: {  	_ =	shalt  }
0x5c: {  	_ =	shalt  }
0x5d: {  	_ =	shalt  }
0x5e: {  	_ =	shalt  }
0x5f: {  	_ =	shalt  }
0x60: {  	_ =	shalt  }
0x61: {  	_ =	shalt  }
0x62: {  	_ =	shalt  }
0x63: {  	_ =	shalt  }
0x64: {  	_ =	shalt  }
0x65: {  	_ =	shalt  }
0x66: {  	_ =	shalt  }
0x67: {  	_ =	shalt  }
0x68: {  	_ =	shalt  }
0x69: {  	_ =	shalt  }
0x6a: {  	_ =	shalt  }
0x6b: {  	_ =	shalt  }
0x6c: {  	_ =	shalt  }
0x6d: {  	_ =	shalt  }
0x6e: {  	_ =	shalt  }
0x6f: {  	_ =	shalt  }
0x70: {  	_ =	shalt  }
0x71: {  	_ =	shalt  }
0x72: {  	_ =	shalt  }
0x73: {  	_ =	shalt  }
0x74: {  	_ =	shalt  }
0x75: {  	_ =	shalt  }
0x76: {  	_ =	shalt  }
0x77: {  	_ =	shalt  }
0x78: {  	_ =	shalt  }
0x79: {  	_ =	shalt  }
0x7a: {  	_ =	shalt  }
0x7b: {  	_ =	shalt  }
0x7c: {  	_ =	shalt  }
0x7d: {  	_ =	shalt  }
0x7e: {  	_ =	shalt  }
0x7f: {  	_ =	shalt  }
0x80: {  	_ =	shalt  }
0x81: {  	_ =	shalt  }
0x82: {  	_ =	shalt  }
0x83: {  	_ =	shalt  }
0x84: {  	_ =	shalt  }
0x85: {  	_ =	shalt  }
0x86: {  	_ =	shalt  }
0x87: {  	_ =	shalt  }
.Lfunc_end0:
.L_simem_size_0:
called_computation.1_lowered:
.L_overlay_start_0:
0x88: {  	s2 =	sld [smem:$0x3FD9]  }
0x89: {  	s3 =	sld [smem:$0x3FFE];
	_ =	sdelay $0x1  }
0x8a: {  	s1 =	srdreg.scid  }
0x8b: {  	s0 =	sand.u32 $0x1, s1  }
0x8c: {  	s17 =	sshll.u32 s0, $0xA;
	s2 =	sadd.s32 s3, s2  }
0x8d: {  	s2 =	sadd.s32 s2, s17  }
0x8e: {  	[smem:$0x3FC5] =	sst s2  }
0x8f: {  	_ = 	snop  }
0x90: {  	s2 =	sld [smem:$0x3FC8]  }
0x91: {  	s18 =	sld [smem:$0x3FD0];
	(tm) =	ssettm $0x1  }
0x92: {  	s4 =	sld [smem:$0x3FFB];
	_ =	sdelay $0x3  }
0x93: {  	_ =	strace s4  }
0x94: {  	s4 =	sld [smem:$0x3FFC];
	_ =	sdelay $0x3  }
0x95: {  	_ =	strace s4  }
0x96: {  	s4 =	sld [smem:$0x3FFD];
	_ =	sdelay $0x3  }
0x97: {  	_ =	strace s4  }
0x98: {  	_ =	strace $0x8FFFFFFF  }
0x99: {  	s19 =	sld [smem:$0x3FDB];
	_ =	sdelay $0x1  }
0x9a: {  	s5 =	simm.s32 $_scs_section_size  }
0x9b: {  	s6 =	simm.s32 $_size__tile_overlayer_lowered;
	s7 =	simm.s32 $_tile_overlayer_lowered  }
0x9c: {  	s22 =	simm.s32 $0x1BFF;
	s21 =	sshll.u32 s7, $0x1;
	s4 =	sadd.s32 s5, s19  }
0x9d: {  	s8 =	simm.s32 $0x0;
	s20 =	sshll.u32 s6, $0x1;
	s6 =	sadd.s32 s21, s4  }
0x9e: {  	[timem:s8], [sflag:s22] =	dma.local [hbm:s6], s20  }
0x9f: {  	_ =	swait.ge [sflag:s22], s20  }
0xa0: {  	s5 =	ssub.s32 $0x0, s20;
	[sflag:s22] =	ssyncset.done $0x0  }
0xa1: {  	[sflag:s22] =	ssyncadd.s32 s5;
	_ =	sdelay $0x1  }
0xa2: {  	s23 =	simm.s32 $0x1B8B  }
0xa3: {  	_ =	swait.ge [sflag:s23], $0x1  }
0xa4: {  	[sflag:s23] =	ssyncset.done $0x0  }
0xa5: {  	s25 =	simm.s32 $0x1B8E;
	s24 =	sld [smem:$0x3FFE];
	[sflag:s23] =	ssyncadd.s32 $0xFFFFFFFF  }
0xa6: {  	s26 =	simm.s32 $execute0_lowered;
	[smem:$0x3FD2] =	sst s25  }
0xa7: {  	s6 =	sshll.u32 s26, $0x1;
	_ =	strace $0x80000046;
	[dreg:$0x1] =	wrdreg $0xFFFFFFFF  }
0xa8: {  	s28 =	simm.s32 $_size_execute0_lowered;
	s4 =	sadd.s32 s4, s6;
	[dreg:$0x0] =	wrdreg $0x0  }
0xa9: {  	s6 =	sshll.u32 s28, $0x1;
	[dreg:$0x2] =	wrdreg s4  }
0xaa: {  	[dreg:$0x3] =	wrdreg s6  }
0xab: {  	[dreg:$0x4] =	wrdreg $0xC0  }
0xac: {  	_ =	task [dreg:s8], $0x5FFFF  }
0xad: {  	[dreg:$0x1] =	wrdreg $0xFFFFFFFF  }
0xae: {  	[dreg:$0x0] =	wrdreg $0x60  }
0xaf: {  	[dreg:$0x2] =	wrdreg s24  }
0xb0: {  	[dreg:$0x3] =	wrdreg s2  }
0xb1: {  	[dreg:$0x4] =	wrdreg s18  }
0xb2: {  	[dreg:$0x5] =	wrdreg $0x9  }
0xb3: {  	_ =	task.clear_ibuf [dreg:s8], $0x6FFFF;
	_ =	strace $0x90000046  }
0xb4: {  	s29 =	simm.s32 $0x9;
	_ =	strace $0x80000048  }
0xb5: {  	_ =	swait.ge [sflag:s29], $0x1  }
0xb6: {  	[sflag:s29] =	ssyncadd.s32 $0xFFFFFFFF  }
0xb7: {  	_ =	strace $0x90000048  }
0xb8: {  	_ =	sfence  }
0xb9: {  	s30 =	sld [smem:$0x0];
	_ =	sdelay $0x2  }
0xba: {  	s31 =	sshll.u32 s1, $0xD;
	s1 =	sshrl.u32 s1, $0x2  }
0xbb: {  	s3 =	sand.u32 $0x4000, s31;
	s1 =	sadd.s32 s1, s30  }
0xbc: {  	s0 =	sor.u32 s3, s0;
	s1 =	sshll.u32 s1, $0x11  }
0xbd: {  	s0 =	sor.u32 s1, s0  }
0xbe: {  	s0 =	sadd.s32 $0x8F2B, s0  }
0xbf: {  	[sflag:s0] =	ssyncadd.remote.s32 $0x1  }
0xc0: {  	_ =	sfence.sel $0xFFFF  }
0xc1: {  	[dreg:$0x0] =	wrdreg $0xFFFFFFFF;
	(pc) =	sbr.abs _section_cstart, $3  }
0xc2: {  	[dreg:$0x1] =	wrdreg $0xFFFFFFFF  }
0xc3: {  	_ =	task.clear_ibuf [dreg:s8], $0x2FFFF;
	_ =	strace $0x9FFFFFFF  }
0xc4: {  	(tm) =	ssettm $0x7FFFFFFF  }
0xc5: {  	_ =	shalt  }
tec
execute0_lowered:
.L_overlay_start_1:
0x0: {  	(tag) =	ssettag $0x1  }
0x1: {  	s0 =	srdreg.scid  }
0x2: {  	s11 =	stileid.u32;
	s1 =	rddreg [dreg:$0x0]  }
0x3: {  	s2 =	rddreg [dreg:$0x1];
	s5 =	simm.s32 $0x0;
	s31 =	simm.s32 $0x7600  }
0x4: {  	s29 =	simm.s32 $0xAE00;
	s0 =	sand.u32 $0x1, s0;
	s3 =	sshll.u32 s11, $0x1  }
0x5: {  	[smem:$0x7FF] =	sst s5;
	s20 =	smul.u32 $0x1340, s11;
	s4 =	sor.u32 s0, s3  }
0x6: {  	s3 =	rddreg [dreg:$0x2];
	s8 =	ssub.s32 $0x2, s0;
	s0 =	smul.u32 $0x9A0, s0  }
0x7: {  	_ =	strace $0x80000047;
	s30 =	smul.u32 $0x9A0, s4;
	s9 =	sshrl.u32 s8, $0x1  }
0x8: {  	s10 =	sadd.s32 $0x100, s3;
	s11 =	sadd.s32 $0x200, s3;
	s12 =	ssub.s32 s8, s9  }
0x9: {  	s8 =	sadd.s32 $0x100, s2;
	s9 =	sadd.s32 $0x200, s2;
	s24 =	sadd.s32 s0, s20  }
0xa: {  	s6 =	sshrl.u32 s30, $0xA;
	s22 =	sadd.s32 $0x20, s30;
	[dreg:$0x8] =	wrdreg s24  }
0xb: {  	s7 =	sshrl.u32 s30, $0x3;
	s23 =	sadd.s32 $0x40, s30;
	[dreg:$0x6] =	wrdreg s22  }
0xc: {  	s19 =	sadd.s32 $0x960, s30;
	s12 =	smax.u32 s12, $0x1;
	[dreg:$0x7] =	wrdreg s23  }
0xd: {  	s13 =	sadd.s32 $0x980, s30;
	s25 =	sadd.s32 $0x20, s24;
	[dreg:$0x9] =	wrdreg s12  }
0xe: {  	s20 =	sshrl.u32 s24, $0xA;
	s26 =	sadd.s32 $0x40, s24;
	[dreg:$0xa] =	wrdreg s25  }
0xf: {  	s28 =	sadd.s32 $0x60, s24;
	s4 =	sadd.s32 $0x80, s24;
	[dreg:$0xb] =	wrdreg s26  }
0x10: {  	s6 =	smul.u32 $0x60, s6;
	s7 =	sadd.s32 s7, s1;
	[dreg:$0xc] =	wrdreg s28  }
0x11: {  	s21 =	sand.u32 $0x3E0, s19;
	s15 =	smul.u32 $0x300, s20;
	[dreg:$0xd] =	wrdreg s4  }
0x12: {  	s26 =	simm.s32 $0x9E00;
	s12 =	simm.s32 $0xBE00;
	s4 =	simm.s32 $0x0  }
0x13: {  	s18 =	sadd.s32 $0x2600, s7;
	s7 =	smul.u32 $0x4D, s21;
	s21 =	sadd.s32 $0x980, s24  }
0x14: {  	s1 =	sadd.s32 s6, s1;
	[dreg:$0x4] =	wrdreg s18;
	s18 =	sand.u32 $0x3E0, s13  }
0x15: {  	s6 =	sadd.s32 $0x960, s24;
	s16 =	sshrl.u32 s21, $0xA;
	s1 =	sadd.s32 $0x800, s1  }
0x16: {  	s17 =	smul.u32 $0x300, s16;
	[dreg:$0x5] =	wrdreg s1;
	s1 =	sshrl.u32 s19, $0xA  }
0x17: {  	v7 =	vlaneseq.u32;
	s24 =	simm.s32 $0x8E00;
	s0 =	sadd.s32 s1, s7;
	s1 =	smul.u32 $0x4D, s18  }
0x18: {  	v0 =	vmul.u32 $0x4D, v7;
	s6 =	sshrl.u32 s6, $0xA;
	s16 =	smul.u32 $0xFFFFFD00, s20;
	s19 =	sshrl.u32 s13, $0xA  }
0x19: {  	vm0 =	vmmov $0xffff;
	v5 =	vand.u32 $0x7, v7;
	v6 =	vshrl.u32 v7, $0x3;
	s14 =	smul.u32 $0x300, s6;
	s13 =	simm.s32 $0xC600;
	s1 =	sadd.s32 s19, s1  }
0x1a: {  	v7 =	vor.u32 $0x8, v7;
	v6 =	vmul.u32 $0x8, v6;
	s20 =	ssub.s32 s17, s15;
	s22 =	sadd.s32 $0x4D0, s0;
	v1 =	vadd.s32 s0, v0;
	s23 =	sadd.s32 $0x4D0, s1  }
0x1b: {  	s17 =	simm.s32 $0x7E00;
	s19 =	ssub.s32 s14, s15;
	s15 =	simm.s32 $0xCE00;
	v2 =	vadd.s32 s22, v0;
	v3 =	vadd.s32 s1, v0;
	v4 =	vadd.s32 s23, v0  }
.LBB2_1:
0x1c: {  	[dreg:$0xe] =	wrdreg s4  }
0x1d: {  	s0 =	rddreg [dreg:$0x4];
	s1 =	simm.s32 $0xB  }
0x1e: {  	[tilespmem:s5], [sflag:$0xB] =	stream.linear.gather [hbm4b:s0+s5], $0x9A0, $0x38;
	[tilespmem:$0x1F880] =	vst v63  }
0x1f: {  	_ =	swait.ge [sflag:s1], $0x9A0  }
0x20: {  	[sflag:s1] =	ssyncset.done $0x0  }
0x21: {  	s22 =	simm.s32 $0xA00;
	s21 =	rddreg [dreg:$0x5];
	[sflag:s1] =	ssyncadd.s32 $0xFFFFF660  }
0x22: {  	[tilespmem:s22], [sflag:$0xB] =	stream.linear.gather [hbm4b:s21+s5], $0xC00, $0x38;
	[tilespmem:$0x1F880] =	vst v63  }
0x23: {  	_ =	swait.ge [sflag:s1], $0xC00  }
0x24: {  	[sflag:s1] =	ssyncset.done $0x0  }
0x25: {  	[sflag:s1] =	ssyncadd.s32 $0xFFFFF400  }
0x26: {  	v8 =	vld [tilespmem:$0x0];
	_ =	sdelay $0x4  }
0x27: {  	v9 =	vshrl.u32 v8, $0x3  }
0x28: {  	v9 =	vmul.u32 $0x30, v9  }
0x29: {  	v8 =	vand.u32 $0x7, v8  }
0x2a: {  	v8 =	vor.u32 v8, v9  }
0x2b: {  	v9 =	vperm.xlane v8, v5;
	_ =	sdelay $0x1  }
0x2c: {  	v9 =	vadd.s32 v6, v9;
	_ =	sdelay $0x3  }
0x2d: {  	s23 =	simm.s32 $0x1600;
	v8 =	vperm.xlane v8, v7  }
0x2e: {  	[tilespmem:s23], [sflag:$0x1] =	stream.indirect_vreg.gather [hbm4b:s2+s5], $0x80, v9, vm0, $0xb8;
	[tilespmem:$0x1F880] =	vst v63  }
0x2f: {  	s25 =	simm.s32 $0x1E00;
	v8 =	vadd.s32 v6, v8  }
0x30: {  	[tilespmem:s25], [sflag:$0x1] =	stream.indirect_vreg.gather [hbm4b:s8+s5], $0x80, v9, vm0, $0xb8;
	[tilespmem:$0x1F880] =	vst v63  }
0x31: {  	s1 =	simm.s32 $0x2600  }
0x32: {  	[tilespmem:s1], [sflag:$0x1] =	stream.indirect_vreg.gather [hbm4b:s9+s5], $0x80, v9, vm0, $0xb8;
	[tilespmem:$0x1F880] =	vst v63  }
0x33: {  	s4 =	simm.s32 $0x2E00  }
0x34: {  	[tilespmem:s4], [sflag:$0x1] =	stream.indirect_vreg.gather [hbm4b:s2+s5], $0x80, v8, vm0, $0xb8;
	[tilespmem:$0x1F880] =	vst v63  }
0x35: {  	s6 =	simm.s32 $0x3600  }
0x36: {  	[tilespmem:s6], [sflag:$0x1] =	stream.indirect_vreg.gather [hbm4b:s8+s5], $0x80, v8, vm0, $0xb8;
	[tilespmem:$0x1F880] =	vst v63  }
0x37: {  	s7 =	simm.s32 $0x3E00  }
0x38: {  	[tilespmem:s7], [sflag:$0x1] =	stream.indirect_vreg.gather [hbm4b:s9+s5], $0x80, v8, vm0, $0xb8;
	[tilespmem:$0x1F880] =	vst v63  }
0x39: {  	v8 =	vld [tilespmem:$0x10];
	_ =	sdelay $0x4  }
0x3a: {  	v55 =	vshrl.u32 v8, $0x3  }
0x3b: {  	v9 =	vmul.u32 $0x30, v55  }
0x3c: {  	v8 =	vand.u32 $0x7, v8  }
0x3d: {  	v8 =	vor.u32 v8, v9  }
0x3e: {  	v9 =	vperm.xlane v8, v5;
	_ =	sdelay $0x1  }
0x3f: {  	v9 =	vadd.s32 v6, v9;
	_ =	sdelay $0x3  }
0x40: {  	s14 =	simm.s32 $0x4600;
	v8 =	vperm.xlane v8, v7  }
0x41: {  	[tilespmem:s14], [sflag:$0x1] =	stream.indirect_vreg.gather [hbm4b:s2+s5], $0x80, v9, vm0, $0xb8;
	[tilespmem:$0x1F880] =	vst v63  }
0x42: {  	s18 =	simm.s32 $0x4E00;
	v8 =	vadd.s32 v6, v8  }
0x43: {  	[tilespmem:s18], [sflag:$0x1] =	stream.indirect_vreg.gather [hbm4b:s8+s5], $0x80, v9, vm0, $0xb8;
	[tilespmem:$0x1F880] =	vst v63  }
0x44: {  	s21 =	simm.s32 $0x5600  }
0x45: {  	[tilespmem:s21], [sflag:$0x1] =	stream.indirect_vreg.gather [hbm4b:s9+s5], $0x80, v9, vm0, $0xb8;
	[tilespmem:$0x1F880] =	vst v63  }
0x46: {  	s22 =	simm.s32 $0x5E00  }
0x47: {  	[tilespmem:s22], [sflag:$0x1] =	stream.indirect_vreg.gather [hbm4b:s2+s5], $0x80, v8, vm0, $0xb8;
	[tilespmem:$0x1F880] =	vst v63  }
0x48: {  	s23 =	simm.s32 $0x6600  }
0x49: {  	[tilespmem:s23], [sflag:$0x1] =	stream.indirect_vreg.gather [hbm4b:s8+s5], $0x80, v8, vm0, $0xb8;
	[tilespmem:$0x1F880] =	vst v63  }
0x4a: {  	s25 =	simm.s32 $0x6E00  }
0x4b: {  	[tilespmem:s25], [sflag:$0x1] =	stream.indirect_vreg.gather [hbm4b:s9+s5], $0x80, v8, vm0, $0xb8;
	[tilespmem:$0x1F880] =	vst v63  }
0x4c: {  	v8 =	vld [tilespmem:$0x20];
	_ =	sdelay $0x4  }
0x4d: {  	v56 =	vshrl.u32 v8, $0x3  }
0x4e: {  	v9 =	vmul.u32 $0x30, v56  }
0x4f: {  	v8 =	vand.u32 $0x7, v8  }
0x50: {  	v8 =	vor.u32 v8, v9  }
0x51: {  	v9 =	vperm.xlane v8, v5;
	_ =	sdelay $0x1  }
0x52: {  	v9 =	vadd.s32 v6, v9;
	_ =	sdelay $0x3  }
0x53: {  	v8 =	vperm.xlane v8, v7  }
0x54: {  	[tilespmem:s31], [sflag:$0x2] =	stream.indirect_vreg.gather [hbm4b:s2+s5], $0x80, v9, vm0, $0xb8;
	[tilespmem:$0x1F880] =	vst v63  }
0x55: {  	v8 =	vadd.s32 v6, v8  }
0x56: {  	[tilespmem:s17], [sflag:$0x2] =	stream.indirect_vreg.gather [hbm4b:s8+s5], $0x80, v9, vm0, $0xb8;
	[tilespmem:$0x1F880] =	vst v63  }
0x57: {  	s1 =	simm.s32 $0x8600  }
0x58: {  	[tilespmem:s1], [sflag:$0x2] =	stream.indirect_vreg.gather [hbm4b:s9+s5], $0x80, v9, vm0, $0xb8;
	[tilespmem:$0x1F880] =	vst v63  }
0x59: {  	_ = 	snop  }
0x5a: {  	[tilespmem:s24], [sflag:$0x2] =	stream.indirect_vreg.gather [hbm4b:s2+s5], $0x80, v8, vm0, $0xb8;
	[tilespmem:$0x1F880] =	vst v63  }
0x5b: {  	s4 =	simm.s32 $0x9600  }
0x5c: {  	[tilespmem:s4], [sflag:$0x2] =	stream.indirect_vreg.gather [hbm4b:s8+s5], $0x80, v8, vm0, $0xb8;
	[tilespmem:$0x1F880] =	vst v63  }
0x5d: {  	_ = 	snop  }
0x5e: {  	[tilespmem:s26], [sflag:$0x2] =	stream.indirect_vreg.gather [hbm4b:s9+s5], $0x80, v8, vm0, $0xb8;
	[tilespmem:$0x1F880] =	vst v63  }
0x5f: {  	v8 =	vld [tilespmem:$0x30];
	_ =	sdelay $0x4  }
0x60: {  	v57 =	vshrl.u32 v8, $0x3  }
0x61: {  	v9 =	vmul.u32 $0x30, v57  }
0x62: {  	v8 =	vand.u32 $0x7, v8  }
0x63: {  	v8 =	vor.u32 v8, v9  }
0x64: {  	v9 =	vperm.xlane v8, v5;
	_ =	sdelay $0x1  }
0x65: {  	v9 =	vadd.s32 v6, v9;
	_ =	sdelay $0x3  }
0x66: {  	s6 =	simm.s32 $0xA600;
	v8 =	vperm.xlane v8, v7  }
0x67: {  	[tilespmem:s6], [sflag:$0x2] =	stream.indirect_vreg.gather [hbm4b:s2+s5], $0x80, v9, vm0, $0xb8;
	[tilespmem:$0x1F880] =	vst v63  }
0x68: {  	v8 =	vadd.s32 v6, v8  }
0x69: {  	[tilespmem:s29], [sflag:$0x2] =	stream.indirect_vreg.gather [hbm4b:s8+s5], $0x80, v9, vm0, $0xb8;
	[tilespmem:$0x1F880] =	vst v63  }
0x6a: {  	s7 =	simm.s32 $0xB600  }
0x6b: {  	[tilespmem:s7], [sflag:$0x2] =	stream.indirect_vreg.gather [hbm4b:s9+s5], $0x80, v9, vm0, $0xb8;
	[tilespmem:$0x1F880] =	vst v63  }
0x6c: {  	_ = 	snop  }
0x6d: {  	[tilespmem:s12], [sflag:$0x2] =	stream.indirect_vreg.gather [hbm4b:s2+s5], $0x80, v8, vm0, $0xb8;
	[tilespmem:$0x1F880] =	vst v63  }
0x6e: {  	_ = 	snop  }
0x6f: {  	[tilespmem:s13], [sflag:$0x2] =	stream.indirect_vreg.gather [hbm4b:s8+s5], $0x80, v8, vm0, $0xb8;
	[tilespmem:$0x1F880] =	vst v63  }
0x70: {  	_ = 	snop  }
0x71: {  	[tilespmem:s15], [sflag:$0x2] =	stream.indirect_vreg.gather [hbm4b:s9+s5], $0x80, v8, vm0, $0xb8;
	[tilespmem:$0x1F880] =	vst v63  }
0x72: {  	v8 =	vld [tilespmem:$0x40];
	_ =	sdelay $0x4  }
0x73: {  	v58 =	vshrl.u32 v8, $0x3  }
0x74: {  	v9 =	vmul.u32 $0x30, v58  }
0x75: {  	v8 =	vand.u32 $0x7, v8  }
0x76: {  	v8 =	vor.u32 v8, v9  }
0x77: {  	v9 =	vperm.xlane v8, v5;
	_ =	sdelay $0x1  }
0x78: {  	v9 =	vadd.s32 v6, v9;
	_ =	sdelay $0x3  }
0x79: {  	s15 =	simm.s32 $0xD600;
	v8 =	vperm.xlane v8, v7  }
0x7a: {  	[tilespmem:s15], [sflag:$0x3] =	stream.indirect_vreg.gather [hbm4b:s2+s5], $0x80, v9, vm0, $0xb8;
	[tilespmem:$0x1F880] =	vst v63  }
0x7b: {  	s17 =	simm.s32 $0xDE00;
	v8 =	vadd.s32 v6, v8  }
0x7c: {  	[tilespmem:s17], [sflag:$0x3] =	stream.indirect_vreg.gather [hbm4b:s8+s5], $0x80, v9, vm0, $0xb8;
	[tilespmem:$0x1F880] =	vst v63  }
0x7d: {  	s23 =	simm.s32 $0xE600  }
0x7e: {  	[tilespmem:s23], [sflag:$0x3] =	stream.indirect_vreg.gather [hbm4b:s9+s5], $0x80, v9, vm0, $0xb8;
	[tilespmem:$0x1F880] =	vst v63  }
0x7f: {  	s24 =	simm.s32 $0xEE00  }
0x80: {  	[tilespmem:s24], [sflag:$0x3] =	stream.indirect_vreg.gather [hbm4b:s2+s5], $0x80, v8, vm0, $0xb8;
	[tilespmem:$0x1F880] =	vst v63  }
0x81: {  	s25 =	simm.s32 $0xF600  }
0x82: {  	[tilespmem:s25], [sflag:$0x3] =	stream.indirect_vreg.gather [hbm4b:s8+s5], $0x80, v8, vm0, $0xb8;
	[tilespmem:$0x1F880] =	vst v63  }
0x83: {  	s26 =	simm.s32 $0xFE00  }
0x84: {  	[tilespmem:s26], [sflag:$0x3] =	stream.indirect_vreg.gather [hbm4b:s9+s5], $0x80, v8, vm0, $0xb8;
	[tilespmem:$0x1F880] =	vst v63  }
0x85: {  	v8 =	vld [tilespmem:$0x50];
	_ =	sdelay $0x4  }
0x86: {  	v59 =	vshrl.u32 v8, $0x3  }
0x87: {  	v9 =	vmul.u32 $0x30, v59  }
0x88: {  	v8 =	vand.u32 $0x7, v8  }
0x89: {  	v8 =	vor.u32 v8, v9  }
0x8a: {  	v9 =	vperm.xlane v8, v5;
	_ =	sdelay $0x1  }
0x8b: {  	v9 =	vadd.s32 v6, v9;
	_ =	sdelay $0x3  }
0x8c: {  	s29 =	simm.s32 $0x10600;
	v8 =	vperm.xlane v8, v7  }
0x8d: {  	[tilespmem:s29], [sflag:$0x3] =	stream.indirect_vreg.gather [hbm4b:s2+s5], $0x80, v9, vm0, $0xb8;
	[tilespmem:$0x1F880] =	vst v63  }
0x8e: {  	s31 =	simm.s32 $0x10E00;
	v8 =	vadd.s32 v6, v8  }
0x8f: {  	[tilespmem:s31], [sflag:$0x3] =	stream.indirect_vreg.gather [hbm4b:s8+s5], $0x80, v9, vm0, $0xb8;
	[tilespmem:$0x1F880] =	vst v63  }
0x90: {  	s1 =	simm.s32 $0x11600  }
0x91: {  	[tilespmem:s1], [sflag:$0x3] =	stream.indirect_vreg.gather [hbm4b:s9+s5], $0x80, v9, vm0, $0xb8;
	[tilespmem:$0x1F880] =	vst v63  }
0x92: {  	s4 =	simm.s32 $0x11E00  }
0x93: {  	[tilespmem:s4], [sflag:$0x3] =	stream.indirect_vreg.gather [hbm4b:s2+s5], $0x80, v8, vm0, $0xb8;
	[tilespmem:$0x1F880] =	vst v63  }
0x94: {  	s6 =	simm.s32 $0x12600  }
0x95: {  	[tilespmem:s6], [sflag:$0x3] =	stream.indirect_vreg.gather [hbm4b:s8+s5], $0x80, v8, vm0, $0xb8;
	[tilespmem:$0x1F880] =	vst v63  }
0x96: {  	s7 =	simm.s32 $0x12E00  }
0x97: {  	[tilespmem:s7], [sflag:$0x3] =	stream.indirect_vreg.gather [hbm4b:s9+s5], $0x80, v8, vm0, $0xb8;
	[tilespmem:$0x1F880] =	vst v63  }
0x98: {  	v8 =	vld [tilespmem:$0x60];
	_ =	sdelay $0x4  }
0x99: {  	v60 =	vshrl.u32 v8, $0x3  }
0x9a: {  	v9 =	vmul.u32 $0x30, v60  }
0x9b: {  	v8 =	vand.u32 $0x7, v8  }
0x9c: {  	v8 =	vor.u32 v8, v9  }
0x9d: {  	v9 =	vperm.xlane v8, v5;
	_ =	sdelay $0x1  }
0x9e: {  	v9 =	vadd.s32 v6, v9;
	_ =	sdelay $0x3  }
0x9f: {  	s12 =	simm.s32 $0x13600;
	v8 =	vperm.xlane v8, v7  }
0xa0: {  	[tilespmem:s12], [sflag:$0x4] =	stream.indirect_vreg.gather [hbm4b:s2+s5], $0x80, v9, vm0, $0xb8;
	[tilespmem:$0x1F880] =	vst v63  }
0xa1: {  	s13 =	simm.s32 $0x13E00;
	v8 =	vadd.s32 v6, v8  }
0xa2: {  	[tilespmem:s13], [sflag:$0x4] =	stream.indirect_vreg.gather [hbm4b:s8+s5], $0x80, v9, vm0, $0xb8;
	[tilespmem:$0x1F880] =	vst v63  }
0xa3: {  	s15 =	simm.s32 $0x14600  }
0xa4: {  	[tilespmem:s15], [sflag:$0x4] =	stream.indirect_vreg.gather [hbm4b:s9+s5], $0x80, v9, vm0, $0xb8;
	[tilespmem:$0x1F880] =	vst v63  }
0xa5: {  	s17 =	simm.s32 $0x14E00  }
0xa6: {  	[tilespmem:s17], [sflag:$0x4] =	stream.indirect_vreg.gather [hbm4b:s2+s5], $0x80, v8, vm0, $0xb8;
	[tilespmem:$0x1F880] =	vst v63  }
0xa7: {  	s23 =	simm.s32 $0x15600  }
0xa8: {  	[tilespmem:s23], [sflag:$0x4] =	stream.indirect_vreg.gather [hbm4b:s8+s5], $0x80, v8, vm0, $0xb8;
	[tilespmem:$0x1F880] =	vst v63  }
0xa9: {  	s24 =	simm.s32 $0x15E00  }
0xaa: {  	[tilespmem:s24], [sflag:$0x4] =	stream.indirect_vreg.gather [hbm4b:s9+s5], $0x80, v8, vm0, $0xb8;
	[tilespmem:$0x1F880] =	vst v63  }
0xab: {  	v8 =	vld [tilespmem:$0x70];
	_ =	sdelay $0x4  }
0xac: {  	v61 =	vshrl.u32 v8, $0x3  }
0xad: {  	v9 =	vmul.u32 $0x30, v61  }
0xae: {  	v8 =	vand.u32 $0x7, v8  }
0xaf: {  	v8 =	vor.u32 v8, v9  }
0xb0: {  	v9 =	vperm.xlane v8, v5;
	_ =	sdelay $0x1  }
0xb1: {  	v9 =	vadd.s32 v6, v9;
	_ =	sdelay $0x3  }
0xb2: {  	s25 =	simm.s32 $0x16600;
	v8 =	vperm.xlane v8, v7  }
0xb3: {  	[tilespmem:s25], [sflag:$0x4] =	stream.indirect_vreg.gather [hbm4b:s2+s5], $0x80, v9, vm0, $0xb8;
	[tilespmem:$0x1F880] =	vst v63  }
0xb4: {  	s26 =	simm.s32 $0x16E00;
	v8 =	vadd.s32 v6, v8  }
0xb5: {  	[tilespmem:s26], [sflag:$0x4] =	stream.indirect_vreg.gather [hbm4b:s8+s5], $0x80, v9, vm0, $0xb8;
	[tilespmem:$0x1F880] =	vst v63  }
0xb6: {  	s29 =	simm.s32 $0x17600  }
0xb7: {  	[tilespmem:s29], [sflag:$0x4] =	stream.indirect_vreg.gather [hbm4b:s9+s5], $0x80, v9, vm0, $0xb8;
	[tilespmem:$0x1F880] =	vst v63  }
0xb8: {  	s31 =	simm.s32 $0x17E00  }
0xb9: {  	[tilespmem:s31], [sflag:$0x4] =	stream.indirect_vreg.gather [hbm4b:s2+s5], $0x80, v8, vm0, $0xb8;
	[tilespmem:$0x1F880] =	vst v63  }
0xba: {  	s1 =	simm.s32 $0x18600  }
0xbb: {  	[tilespmem:s1], [sflag:$0x4] =	stream.indirect_vreg.gather [hbm4b:s8+s5], $0x80, v8, vm0, $0xb8;
	[tilespmem:$0x1F880] =	vst v63  }
0xbc: {  	s4 =	simm.s32 $0x18E00  }
0xbd: {  	[tilespmem:s4], [sflag:$0x4] =	stream.indirect_vreg.gather [hbm4b:s9+s5], $0x80, v8, vm0, $0xb8;
	[tilespmem:$0x1F880] =	vst v63  }
0xbe: {  	v8 =	vld [tilespmem:$0x80];
	_ =	sdelay $0x4  }
0xbf: {  	v62 =	vshrl.u32 v8, $0x3  }
0xc0: {  	v9 =	vmul.u32 $0x30, v62  }
0xc1: {  	v8 =	vand.u32 $0x7, v8  }
0xc2: {  	v8 =	vor.u32 v8, v9  }
0xc3: {  	v9 =	vperm.xlane v8, v5;
	_ =	sdelay $0x1  }
0xc4: {  	v9 =	vadd.s32 v6, v9;
	_ =	sdelay $0x3  }
0xc5: {  	s6 =	simm.s32 $0x19600;
	v8 =	vperm.xlane v8, v7  }
0xc6: {  	[tilespmem:s6], [sflag:$0x5] =	stream.indirect_vreg.gather [hbm4b:s2+s5], $0x80, v9, vm0, $0xb8;
	[tilespmem:$0x1F880] =	vst v63  }
0xc7: {  	s7 =	simm.s32 $0x19E00;
	v8 =	vadd.s32 v6, v8  }
0xc8: {  	[tilespmem:s7], [sflag:$0x5] =	stream.indirect_vreg.gather [hbm4b:s8+s5], $0x80, v9, vm0, $0xb8;
	[tilespmem:$0x1F880] =	vst v63  }
0xc9: {  	s12 =	simm.s32 $0x1A600  }
0xca: {  	[tilespmem:s12], [sflag:$0x5] =	stream.indirect_vreg.gather [hbm4b:s9+s5], $0x80, v9, vm0, $0xb8;
	[tilespmem:$0x1F880] =	vst v63  }
0xcb: {  	s13 =	simm.s32 $0x1AE00  }
0xcc: {  	[tilespmem:s13], [sflag:$0x5] =	stream.indirect_vreg.gather [hbm4b:s2+s5], $0x80, v8, vm0, $0xb8;
	[tilespmem:$0x1F880] =	vst v63  }
0xcd: {  	s15 =	simm.s32 $0x1B600  }
0xce: {  	[tilespmem:s15], [sflag:$0x5] =	stream.indirect_vreg.gather [hbm4b:s8+s5], $0x80, v8, vm0, $0xb8;
	[tilespmem:$0x1F880] =	vst v63  }
0xcf: {  	s17 =	simm.s32 $0x1BE00  }
0xd0: {  	[tilespmem:s17], [sflag:$0x5] =	stream.indirect_vreg.gather [hbm4b:s9+s5], $0x80, v8, vm0, $0xb8;
	[tilespmem:$0x1F880] =	vst v63  }
0xd1: {  	v8 =	vld [tilespmem:$0x90];
	_ =	sdelay $0x4  }
0xd2: {  	v63 =	vshrl.u32 v8, $0x3  }
0xd3: {  	v9 =	vmul.u32 $0x30, v63  }
0xd4: {  	v8 =	vand.u32 $0x7, v8  }
0xd5: {  	v8 =	vor.u32 v8, v9  }
0xd6: {  	v9 =	vperm.xlane v8, v5;
	_ =	sdelay $0x1  }
0xd7: {  	v9 =	vadd.s32 v6, v9;
	_ =	sdelay $0x3  }
0xd8: {  	s28 =	rddreg [dreg:$0xa];
	s23 =	simm.s32 $0x1C600;
	v8 =	vperm.xlane v8, v7  }
0xd9: {  	[tilespmem:s23], [sflag:$0x5] =	stream.indirect_vreg.gather [hbm4b:s2+s5], $0x80, v9, vm0, $0xb8;
	[tilespmem:$0x1F880] =	vst v63  }
0xda: {  	s0 =	rddreg [dreg:$0x8];
	s24 =	simm.s32 $0x1CE00;
	v8 =	vadd.s32 v6, v8  }
0xdb: {  	[tilespmem:s24], [sflag:$0x5] =	stream.indirect_vreg.gather [hbm4b:s8+s5], $0x80, v9, vm0, $0xb8;
	[tilespmem:$0x1F880] =	vst v63  }
0xdc: {  	s14 =	simm.s32 $0xAE00;
	s18 =	simm.s32 $0x7E00;
	s25 =	simm.s32 $0x1D600  }
0xdd: {  	[tilespmem:s25], [sflag:$0x5] =	stream.indirect_vreg.gather [hbm4b:s9+s5], $0x80, v9, vm0, $0xb8;
	[tilespmem:$0x1F880] =	vst v63  }
0xde: {  	s21 =	simm.s32 $0x8E00;
	s26 =	simm.s32 $0x1DE00;
	s4 =	rddreg [dreg:$0xd]  }
0xdf: {  	[tilespmem:s26], [sflag:$0x5] =	stream.indirect_vreg.gather [hbm4b:s2+s5], $0x80, v8, vm0, $0xb8;
	[tilespmem:$0x1F880] =	vst v63  }
0xe0: {  	s22 =	simm.s32 $0x9E00;
	s29 =	simm.s32 $0x1E600;
	s6 =	rddreg [dreg:$0xc]  }
0xe1: {  	[tilespmem:s29], [sflag:$0x5] =	stream.indirect_vreg.gather [hbm4b:s8+s5], $0x80, v8, vm0, $0xb8;
	[tilespmem:$0x1F880] =	vst v63  }
0xe2: {  	s31 =	simm.s32 $0x1EE00;
	s23 =	simm.s32 $0x0;
	s25 =	rddreg [dreg:$0xb]  }
0xe3: {  	[tilespmem:s31], [sflag:$0x5] =	stream.indirect_vreg.gather [hbm4b:s9+s5], $0x80, v8, vm0, $0xb8;
	[tilespmem:$0x1F880] =	vst v63  }
.LBB2_2:
0xe4: {  	s29 =	smul.u32 $0xA0, s23;
	_ =	sdelay $0x1  }
0xe5: {  	s1 =	sadd.s32 s30, s29  }
0xe6: {  	s7 =	sand.u32 $0x3E0, s1  }
0xe7: {  	s7 =	smul.u32 $0x4D, s7  }
0xe8: {  	s1 =	sshrl.u32 s1, $0xA  }
0xe9: {  	s12 =	sshrl.u32 s0, $0xA;
	s1 =	sadd.s32 s1, s7  }
0xea: {  	s12 =	smul.u32 $0x300, s12;
	v8 =	vadd.s32 s1, v0;
	s1 =	sadd.s32 $0x4D0, s1  }
0xeb: {  	s17 =	smov.u32 s30;
	[tilespmem:$0x1F600] =	vst v8;
	v8 =	vadd.s32 s1, v0  }
0xec: {  	[dreg:$0x13] =	wrdreg s0;
	s13 =	simm.s32 $0x1;
	s26 =	sadd.s32 s12, s16;
	[tilespmem:$0x1F610] =	vst v8  }
0xed: {  	s24 =	simm.s32 $0x0;
	s15 =	sadd.s32 $0x0, s26;
	_ =	swait.ge [sflag:s13], $0x6000  }
0xee: {  	s30 =	sand.u32 $0x70, s24;
	s1 =	sand.u32 $0xFFFFFF80, s15;
	[sflag:s13] =	ssyncset.done $0x0  }
0xef: {  	s1 =	sor.u32 s30, s1;
	[sflag:s13] =	ssyncadd.s32 $0xFFFFA000  }
0xf0: {  	v8 =	vld [tilespmem:s1+$0xA00]  }
0xf1: {  	s31 =	sshrl.u32 s4, $0xA  }
0xf2: {  	s0 =	smul.u32 $0x300, s31;
	s31 =	sshrl.u32 s28, $0xA  }
0xf3: {  	[dreg:$0xf] =	wrdreg s4;
	s4 =	sshrl.u32 s6, $0xA;
	s13 =	sand.u32 $0x1C00, s24  }
0xf4: {  	[dreg:$0x12] =	wrdreg s28;
	s28 =	smul.u32 $0x300, s31;
	s1 =	sor.u32 s30, s13  }
0xf5: {  	[dreg:$0x10] =	wrdreg s6;
	s6 =	sshrl.u32 s25, $0xA;
	s15 =	smul.u32 $0x300, s4;
	[tilespmem:s1+$0x1780] =	vst.add.f32.msk $0xffff, v8  }
0xf6: {  	s12 =	sadd.s32 s0, s16;
	s30 =	smul.u32 $0x300, s6;
	[tilespmem:s1+$0x1700] =	vst.add.f32.msk $0xffff, v8  }
0xf7: {  	s7 =	sor.u32 s24, s24;
	[dreg:$0x11] =	wrdreg s25;
	s28 =	sadd.s32 s28, s16;
	[tilespmem:s1+$0x1600] =	vst.add.f32.msk $0xffff, v8  }
0xf8: {  	s13 =	sadd.s32 s15, s16;
	s15 =	simm.s32 $0x10;
	s25 =	sadd.s32 s30, s16;
	[tilespmem:s1+$0x1680] =	vst.add.f32.msk $0xffff, v8  }
.LBB2_3:
0xf9: {  	p0 =	sne.s32 s15, $0x2F0  }
0xfa: {  	[tilespmem:s1+$0x1800] =	vst.add.f32.msk $0xffff, v8;
	s24 =	sadd.s32 $0x80, s24;
	s30 =	smov.u32 s15;
	s15 =	sadd.s32 $0x10, s15  }
0xfb: {  	s31 =	sor.u32 s24, s30;
	[tilespmem:s1+$0x1900] =	vst.add.f32.msk $0xffff, v8  }
0xfc: {  	s0 =	sor.u32 $0x380, s7;
	[tilespmem:s1+$0x1880] =	vst.add.f32.msk $0xffff, v8;
	s7 =	smov.u32 s31  }
0xfd: {  	[tilespmem:s0+$0x1600] =	vst.add.f32.msk $0xffff, v8  }
0xfe: {  	[tilespmem:s1+$0x2E00] =	vst.add.f32.msk $0xffff, v8  }
0xff: {  	[tilespmem:s1+$0x5F80] =	vst.add.f32.msk $0xffff, v8  }
0x100: {  	[tilespmem:s1+$0x5F00] =	vst.add.f32.msk $0xffff, v8  }
0x101: {  	[tilespmem:s1+$0x5E80] =	vst.add.f32.msk $0xffff, v8  }
0x102: {  	[tilespmem:s1+$0x5E00] =	vst.add.f32.msk $0xffff, v8  }
0x103: {  	[tilespmem:s1+$0x4980] =	vst.add.f32.msk $0xffff, v8  }
0x104: {  	[tilespmem:s1+$0x4900] =	vst.add.f32.msk $0xffff, v8  }
0x105: {  	[tilespmem:s1+$0x4880] =	vst.add.f32.msk $0xffff, v8  }
0x106: {  	[tilespmem:s1+$0x4800] =	vst.add.f32.msk $0xffff, v8  }
0x107: {  	[tilespmem:s1+$0x4780] =	vst.add.f32.msk $0xffff, v8  }
0x108: {  	[tilespmem:s1+$0x4700] =	vst.add.f32.msk $0xffff, v8  }
0x109: {  	[tilespmem:s1+$0x4680] =	vst.add.f32.msk $0xffff, v8  }
0x10a: {  	[tilespmem:s1+$0x4600] =	vst.add.f32.msk $0xffff, v8  }
0x10b: {  	[tilespmem:s1+$0x3180] =	vst.add.f32.msk $0xffff, v8  }
0x10c: {  	[tilespmem:s1+$0x3100] =	vst.add.f32.msk $0xffff, v8  }
0x10d: {  	[tilespmem:s1+$0x3080] =	vst.add.f32.msk $0xffff, v8  }
0x10e: {  	[tilespmem:s1+$0x3000] =	vst.add.f32.msk $0xffff, v8  }
0x10f: {  	[tilespmem:s1+$0x2F80] =	vst.add.f32.msk $0xffff, v8  }
0x110: {  	s0 =	sor.u32 $0x6000, s1;
	[tilespmem:s1+$0x2F00] =	vst.add.f32.msk $0xffff, v8  }
0x111: {  	s6 =	sor.u32 $0x6080, s1;
	s31 =	sadd.s32 s30, s26;
	[tilespmem:s1+$0x2E80] =	vst.add.f32.msk $0xffff, v8  }
0x112: {  	s30 =	sand.u32 $0x70, s30;
	s31 =	sand.u32 $0xFFFFFF80, s31;
	[tilespmem:s0+$0x0] =	vst.add.f32.msk $0xffff, v8;
	s0 =	sor.u32 $0x6100, s1  }
0x113: {  	s31 =	sor.u32 s30, s31;
	s1 =	sor.u32 $0x6180, s1;
	[tilespmem:s6+$0x0] =	vst.add.f32.msk $0xffff, v8  }
0x114: {  	[tilespmem:s0+$0x0] =	vst.add.f32.msk $0xffff, v8  }
0x115: {  	[tilespmem:s1+$0x0] =	vst.add.f32.msk $0xffff, v8  }
0x116: {  	v8 =	vld [tilespmem:s31+$0xA00];
	_ =	sdelay $0x2  }
0x117: {  	s0 =	sand.u32 $0x1C00, s24  }
.Ltmp0:
0x118: {  	s1 =	sor.u32 s30, s0;
	(pc) =	sbr.rel @p0 .LBB2_3-.Ltmp0, $4  }
0x119: {  	[tilespmem:s1+$0x1780] =	vst.add.f32.msk $0xffff, v8  }
0x11a: {  	[tilespmem:s1+$0x1700] =	vst.add.f32.msk $0xffff, v8  }
0x11b: {  	[tilespmem:s1+$0x1600] =	vst.add.f32.msk $0xffff, v8  }
0x11c: {  	[tilespmem:s1+$0x1680] =	vst.add.f32.msk $0xffff, v8  }
0x11d: {  	[tilespmem:s1+$0x1800] =	vst.add.f32.msk $0xffff, v8  }
0x11e: {  	[tilespmem:s1+$0x1900] =	vst.add.f32.msk $0xffff, v8  }
0x11f: {  	[tilespmem:s1+$0x1880] =	vst.add.f32.msk $0xffff, v8;
	s0 =	sor.u32 $0x380, s7  }
0x120: {  	[tilespmem:s0+$0x1600] =	vst.add.f32.msk $0xffff, v8  }
0x121: {  	[tilespmem:s1+$0x2E00] =	vst.add.f32.msk $0xffff, v8  }
0x122: {  	[tilespmem:s1+$0x5F80] =	vst.add.f32.msk $0xffff, v8  }
0x123: {  	[tilespmem:s1+$0x5F00] =	vst.add.f32.msk $0xffff, v8  }
0x124: {  	[tilespmem:s1+$0x5E80] =	vst.add.f32.msk $0xffff, v8  }
0x125: {  	[tilespmem:s1+$0x5E00] =	vst.add.f32.msk $0xffff, v8  }
0x126: {  	[tilespmem:s1+$0x4980] =	vst.add.f32.msk $0xffff, v8  }
0x127: {  	[tilespmem:s1+$0x4900] =	vst.add.f32.msk $0xffff, v8  }
0x128: {  	[tilespmem:s1+$0x4880] =	vst.add.f32.msk $0xffff, v8  }
0x129: {  	[tilespmem:s1+$0x4800] =	vst.add.f32.msk $0xffff, v8  }
0x12a: {  	[tilespmem:s1+$0x4780] =	vst.add.f32.msk $0xffff, v8  }
0x12b: {  	[tilespmem:s1+$0x4700] =	vst.add.f32.msk $0xffff, v8  }
0x12c: {  	[tilespmem:s1+$0x4680] =	vst.add.f32.msk $0xffff, v8  }
0x12d: {  	[tilespmem:s1+$0x4600] =	vst.add.f32.msk $0xffff, v8  }
0x12e: {  	[tilespmem:s1+$0x3180] =	vst.add.f32.msk $0xffff, v8  }
0x12f: {  	[tilespmem:s1+$0x3100] =	vst.add.f32.msk $0xffff, v8  }
0x130: {  	[tilespmem:s1+$0x3080] =	vst.add.f32.msk $0xffff, v8  }
0x131: {  	[tilespmem:s1+$0x3000] =	vst.add.f32.msk $0xffff, v8  }
0x132: {  	[tilespmem:s1+$0x2F80] =	vst.add.f32.msk $0xffff, v8  }
0x133: {  	[tilespmem:s1+$0x2F00] =	vst.add.f32.msk $0xffff, v8  }
0x134: {  	s7 =	sor.u32 $0x6000, s1;
	[tilespmem:s1+$0x2E80] =	vst.add.f32.msk $0xffff, v8  }
0x135: {  	s6 =	sor.u32 $0x6080, s1;
	[tilespmem:s7+$0x0] =	vst.add.f32.msk $0xffff, v8  }
0x136: {  	s15 =	sor.u32 $0x6100, s1;
	[tilespmem:s6+$0x0] =	vst.add.f32.msk $0xffff, v8  }
0x137: {  	s24 =	sor.u32 $0x6180, s1;
	[tilespmem:s15+$0x0] =	vst.add.f32.msk $0xffff, v8  }
0x138: {  	[tilespmem:s24+$0x0] =	vst.add.f32.msk $0xffff, v8  }
0x139: {  	v8 =	vld [tilespmem:$0x1F600];
	_ =	sdelay $0x4  }
0x13a: {  	v9 =	vshrl.u32 v8, $0x3  }
0x13b: {  	v9 =	vmul.u32 $0x30, v9  }
0x13c: {  	v8 =	vand.u32 $0x7, v8  }
0x13d: {  	v8 =	vor.u32 v8, v9  }
0x13e: {  	v9 =	vperm.xlane v8, v5;
	_ =	sdelay $0x1  }
0x13f: {  	v9 =	vadd.s32 v6, v9;
	_ =	sdelay $0x3  }
0x140: {  	s26 =	simm.s32 $0x1600;
	v8 =	vperm.xlane v8, v7  }
0x141: {  	[hbm4b:s3+s5] =	stream.indirect_vreg.scatter [tilespmem:s26], [sflag:$0x6], $0x80, v9, vm0, $0xb8;
	[tilespmem:$0x1F880] =	vst v63  }
0x142: {  	s31 =	simm.s32 $0x1E00;
	v8 =	vadd.s32 v6, v8  }
0x143: {  	[hbm4b:s10+s5] =	stream.indirect_vreg.scatter [tilespmem:s31], [sflag:$0x6], $0x80, v9, vm0, $0xb8;
	[tilespmem:$0x1F880] =	vst v63  }
0x144: {  	s1 =	simm.s32 $0x2600  }
0x145: {  	[hbm4b:s11+s5] =	stream.indirect_vreg.scatter [tilespmem:s1], [sflag:$0x6], $0x80, v9, vm0, $0xb8;
	[tilespmem:$0x1F880] =	vst v63  }
0x146: {  	s4 =	simm.s32 $0x2E00  }
0x147: {  	[hbm4b:s3+s5] =	stream.indirect_vreg.scatter [tilespmem:s4], [sflag:$0x6], $0x80, v8, vm0, $0xb8;
	[tilespmem:$0x1F880] =	vst v63  }
0x148: {  	s6 =	simm.s32 $0x3600  }
0x149: {  	[hbm4b:s10+s5] =	stream.indirect_vreg.scatter [tilespmem:s6], [sflag:$0x6], $0x80, v8, vm0, $0xb8;
	[tilespmem:$0x1F880] =	vst v63  }
0x14a: {  	s7 =	simm.s32 $0x3E00  }
0x14b: {  	[hbm4b:s11+s5] =	stream.indirect_vreg.scatter [tilespmem:s7], [sflag:$0x6], $0x80, v8, vm0, $0xb8;
	[tilespmem:$0x1F880] =	vst v63  }
0x14c: {  	v8 =	vld [tilespmem:$0x1F610];
	_ =	sdelay $0x4  }
0x14d: {  	v9 =	vshrl.u32 v8, $0x3  }
0x14e: {  	v9 =	vmul.u32 $0x30, v9  }
0x14f: {  	v8 =	vand.u32 $0x7, v8  }
0x150: {  	v8 =	vor.u32 v8, v9  }
0x151: {  	v9 =	vperm.xlane v8, v5;
	_ =	sdelay $0x1  }
0x152: {  	v9 =	vadd.s32 v6, v9;
	_ =	sdelay $0x3  }
0x153: {  	s15 =	simm.s32 $0x4600;
	v8 =	vperm.xlane v8, v7  }
0x154: {  	[hbm4b:s3+s5] =	stream.indirect_vreg.scatter [tilespmem:s15], [sflag:$0x6], $0x80, v9, vm0, $0xb8;
	[tilespmem:$0x1F880] =	vst v63  }
0x155: {  	s24 =	simm.s32 $0x4E00;
	v8 =	vadd.s32 v6, v8  }
0x156: {  	[hbm4b:s10+s5] =	stream.indirect_vreg.scatter [tilespmem:s24], [sflag:$0x6], $0x80, v9, vm0, $0xb8;
	[tilespmem:$0x1F880] =	vst v63  }
0x157: {  	s26 =	simm.s32 $0x5600  }
0x158: {  	[hbm4b:s11+s5] =	stream.indirect_vreg.scatter [tilespmem:s26], [sflag:$0x6], $0x80, v9, vm0, $0xb8;
	[tilespmem:$0x1F880] =	vst v63  }
0x159: {  	s31 =	simm.s32 $0x5E00  }
0x15a: {  	[hbm4b:s3+s5] =	stream.indirect_vreg.scatter [tilespmem:s31], [sflag:$0x6], $0x80, v8, vm0, $0xb8;
	[tilespmem:$0x1F880] =	vst v63  }
0x15b: {  	p0 =	seq.s32 s23, $0x0;
	s1 =	simm.s32 $0x6600  }
0x15c: {  	[hbm4b:s10+s5] =	stream.indirect_vreg.scatter [tilespmem:s1], [sflag:$0x6], $0x80, v8, vm0, $0xb8;
	[tilespmem:$0x1F880] =	vst v63  }
0x15d: {  	s0 =	simm.s32 @!p0 $0x9;
	s4 =	simm.s32 $0x6E00;
	s1 =	smul.u32 $0x5, s23  }
0x15e: {  	[hbm4b:s11+s5] =	stream.indirect_vreg.scatter [tilespmem:s4], [sflag:$0x6], $0x80, v8, vm0, $0xb8;
	[tilespmem:$0x1F880] =	vst v63  }
0x15f: {  	s26 =	sadd.s32 $0x3, s1;
	_ =	swait.ge @!p0 [sflag:s0], $0x6000  }
0x160: {  	s6 =	sshll.u32 @!p0 s26, $0x5;
	[sflag:s0] =	ssyncset.done @!p0 $0x0  }
0x161: {  	[sflag:s0] =	ssyncadd.s32 @!p0 $0xFFFFA000;
	s0 =	sand.u32 @!p0 $0x3FFFFFE0, s6  }
0x162: {  	v8 =	vld @!p0 [tilespmem:s0+$0x0];
	_ =	sdelay $0x4  }
0x163: {  	v9 =	vshrl.u32 @!p0 v8, $0x3  }
0x164: {  	v9 =	vmul.u32 @!p0 $0x30, v9  }
0x165: {  	v10 =	vlaneseq.u32 @!p0;
	v8 =	vand.u32 @!p0 $0x7, v8  }
0x166: {  	v11 =	vshrl.u32 @!p0 v10, $0x3;
	v8 =	vor.u32 @!p0 v8, v9;
	v9 =	vand.u32 @!p0 $0x7, v10  }
0x167: {  	v11 =	vmul.u32 @!p0 $0x8, v11;
	v12 =	vperm.xlane @!p0 v8, v9;
	_ =	sdelay $0x1  }
0x168: {  	v12 =	vadd.s32 @!p0 v11, v12;
	_ =	sdelay $0x2  }
0x169: {  	v10 =	vor.u32 @!p0 $0x8, v10  }
0x16a: {  	vm1 =	vmmov @!p0 $0xffff;
	s7 =	simm.s32 @!p0 $0x13600;
	s6 =	simm.s32 @!p0 $0x0;
	v8 =	vperm.xlane @!p0 v8, v10  }
0x16b: {  	[tilespmem:s7], [sflag:$0x4] =	stream.indirect_vreg.gather @!p0 [hbm4b:s2+s6], $0x80, v12, vm1, $0xb8;
	[tilespmem:$0x1F880] =	vst v63  }
0x16c: {  	v8 =	vadd.s32 @!p0 v11, v8;
	s7 =	simm.s32 @!p0 $0x13E00  }
0x16d: {  	[tilespmem:s7], [sflag:$0x4] =	stream.indirect_vreg.gather @!p0 [hbm4b:s8+s6], $0x80, v12, vm1, $0xb8;
	[tilespmem:$0x1F880] =	vst v63  }
0x16e: {  	s7 =	simm.s32 @!p0 $0x14600  }
0x16f: {  	[tilespmem:s7], [sflag:$0x4] =	stream.indirect_vreg.gather @!p0 [hbm4b:s9+s6], $0x80, v12, vm1, $0xb8;
	[tilespmem:$0x1F880] =	vst v63  }
0x170: {  	s7 =	simm.s32 @!p0 $0x14E00  }
0x171: {  	[tilespmem:s7], [sflag:$0x4] =	stream.indirect_vreg.gather @!p0 [hbm4b:s2+s6], $0x80, v8, vm1, $0xb8;
	[tilespmem:$0x1F880] =	vst v63  }
0x172: {  	s7 =	simm.s32 @!p0 $0x15600  }
0x173: {  	[tilespmem:s7], [sflag:$0x4] =	stream.indirect_vreg.gather @!p0 [hbm4b:s8+s6], $0x80, v8, vm1, $0xb8;
	[tilespmem:$0x1F880] =	vst v63  }
0x174: {  	s7 =	simm.s32 @!p0 $0x15E00  }
0x175: {  	[tilespmem:s7], [sflag:$0x4] =	stream.indirect_vreg.gather @!p0 [hbm4b:s9+s6], $0x80, v8, vm1, $0xb8;
	[tilespmem:$0x1F880] =	vst v63  }
0x176: {  	v8 =	vld @!p0 [tilespmem:s0+$0x10];
	_ =	sdelay $0x4  }
0x177: {  	v12 =	vshrl.u32 @!p0 v8, $0x3  }
0x178: {  	v12 =	vmul.u32 @!p0 $0x30, v12  }
0x179: {  	v8 =	vand.u32 @!p0 $0x7, v8  }
0x17a: {  	v8 =	vor.u32 @!p0 v8, v12  }
0x17b: {  	v9 =	vperm.xlane @!p0 v8, v9;
	_ =	sdelay $0x1  }
0x17c: {  	v9 =	vadd.s32 @!p0 v11, v9;
	_ =	sdelay $0x3  }
0x17d: {  	s0 =	simm.s32 @!p0 $0x16600;
	v8 =	vperm.xlane @!p0 v8, v10  }
0x17e: {  	[tilespmem:s0], [sflag:$0x4] =	stream.indirect_vreg.gather @!p0 [hbm4b:s2+s6], $0x80, v9, vm1, $0xb8;
	[tilespmem:$0x1F880] =	vst v63  }
0x17f: {  	v8 =	vadd.s32 @!p0 v11, v8;
	s0 =	simm.s32 @!p0 $0x16E00  }
0x180: {  	[tilespmem:s0], [sflag:$0x4] =	stream.indirect_vreg.gather @!p0 [hbm4b:s8+s6], $0x80, v9, vm1, $0xb8;
	[tilespmem:$0x1F880] =	vst v63  }
0x181: {  	s0 =	simm.s32 @!p0 $0x17600  }
0x182: {  	[tilespmem:s0], [sflag:$0x4] =	stream.indirect_vreg.gather @!p0 [hbm4b:s9+s6], $0x80, v9, vm1, $0xb8;
	[tilespmem:$0x1F880] =	vst v63  }
0x183: {  	s0 =	simm.s32 @!p0 $0x17E00  }
0x184: {  	[tilespmem:s0], [sflag:$0x4] =	stream.indirect_vreg.gather @!p0 [hbm4b:s2+s6], $0x80, v8, vm1, $0xb8;
	[tilespmem:$0x1F880] =	vst v63  }
0x185: {  	s0 =	simm.s32 @!p0 $0x18600  }
0x186: {  	[tilespmem:s0], [sflag:$0x4] =	stream.indirect_vreg.gather @!p0 [hbm4b:s8+s6], $0x80, v8, vm1, $0xb8;
	[tilespmem:$0x1F880] =	vst v63  }
0x187: {  	s0 =	simm.s32 @!p0 $0x18E00  }
0x188: {  	[tilespmem:s0], [sflag:$0x4] =	stream.indirect_vreg.gather @!p0 [hbm4b:s9+s6], $0x80, v8, vm1, $0xb8;
	[tilespmem:$0x1F880] =	vst v63  }
0x189: {  	s6 =	rddreg [dreg:$0x6]  }
0x18a: {  	s0 =	sadd.s32 s29, s6  }
0x18b: {  	s7 =	sand.u32 $0x3E0, s0  }
0x18c: {  	s6 =	smul.u32 $0x4D, s7  }
0x18d: {  	s0 =	sshrl.u32 s0, $0xA  }
0x18e: {  	s0 =	sadd.s32 s0, s6  }
0x18f: {  	v8 =	vadd.s32 s0, v0;
	s0 =	sadd.s32 $0x4D0, s0  }
0x190: {  	[tilespmem:$0x1F680] =	vst v8;
	v8 =	vadd.s32 s0, v0  }
0x191: {  	s4 =	simm.s32 $0x2;
	[tilespmem:$0x1F690] =	vst v8  }
0x192: {  	s15 =	sadd.s32 $0x0, s28;
	s7 =	simm.s32 $0x0;
	_ =	swait.ge [sflag:s4], $0x6000  }
0x193: {  	s24 =	sand.u32 $0x70, s7;
	s0 =	sand.u32 $0xFFFFFF80, s15;
	[sflag:s4] =	ssyncset.done $0x0  }
0x194: {  	s0 =	sor.u32 s24, s0;
	[sflag:s4] =	ssyncadd.s32 $0xFFFFA000  }
0x195: {  	v8 =	vld [tilespmem:s0+$0xA00];
	_ =	sdelay $0x2  }
0x196: {  	s31 =	sand.u32 $0x1C00, s7  }
0x197: {  	s24 =	sor.u32 s24, s31  }
0x198: {  	[tilespmem:s24+$0x7780] =	vst.add.f32.msk $0xffff, v8  }
0x199: {  	[tilespmem:s24+$0x7700] =	vst.add.f32.msk $0xffff, v8  }
0x19a: {  	[tilespmem:s24+$0x7600] =	vst.add.f32.msk $0xffff, v8  }
0x19b: {  	s30 =	simm.s32 $0x10;
	s15 =	sor.u32 s7, s7;
	[tilespmem:s24+$0x7680] =	vst.add.f32.msk $0xffff, v8  }
.LBB2_5:
0x19c: {  	p1 =	sne.s32 s30, $0x2F0  }
0x19d: {  	[tilespmem:s24+$0x7800] =	vst.add.f32.msk $0xffff, v8;
	s7 =	sadd.s32 $0x80, s7;
	s0 =	smov.u32 s30;
	s30 =	sadd.s32 $0x10, s30  }
0x19e: {  	s6 =	sor.u32 s7, s0;
	[tilespmem:s24+$0x7900] =	vst.add.f32.msk $0xffff, v8  }
0x19f: {  	s31 =	sor.u32 $0x380, s15;
	[tilespmem:s24+$0x7880] =	vst.add.f32.msk $0xffff, v8;
	s15 =	smov.u32 s6  }
0x1a0: {  	[tilespmem:s31+$0x7600] =	vst.add.f32.msk $0xffff, v8  }
0x1a1: {  	[tilespmem:s24+$0x8E00] =	vst.add.f32.msk $0xffff, v8  }
0x1a2: {  	[tilespmem:s24+$0xBF80] =	vst.add.f32.msk $0xffff, v8  }
0x1a3: {  	[tilespmem:s24+$0xBF00] =	vst.add.f32.msk $0xffff, v8  }
0x1a4: {  	[tilespmem:s24+$0xBE80] =	vst.add.f32.msk $0xffff, v8  }
0x1a5: {  	[tilespmem:s24+$0xBE00] =	vst.add.f32.msk $0xffff, v8  }
0x1a6: {  	[tilespmem:s24+$0xA980] =	vst.add.f32.msk $0xffff, v8  }
0x1a7: {  	[tilespmem:s24+$0xA900] =	vst.add.f32.msk $0xffff, v8  }
0x1a8: {  	[tilespmem:s24+$0xA880] =	vst.add.f32.msk $0xffff, v8  }
0x1a9: {  	[tilespmem:s24+$0xA800] =	vst.add.f32.msk $0xffff, v8  }
0x1aa: {  	[tilespmem:s24+$0xA780] =	vst.add.f32.msk $0xffff, v8  }
0x1ab: {  	[tilespmem:s24+$0xA700] =	vst.add.f32.msk $0xffff, v8  }
0x1ac: {  	[tilespmem:s24+$0xA680] =	vst.add.f32.msk $0xffff, v8  }
0x1ad: {  	[tilespmem:s24+$0xA600] =	vst.add.f32.msk $0xffff, v8  }
0x1ae: {  	[tilespmem:s24+$0x9180] =	vst.add.f32.msk $0xffff, v8  }
0x1af: {  	[tilespmem:s24+$0x9100] =	vst.add.f32.msk $0xffff, v8  }
0x1b0: {  	[tilespmem:s24+$0x9080] =	vst.add.f32.msk $0xffff, v8  }
0x1b1: {  	[tilespmem:s24+$0x9000] =	vst.add.f32.msk $0xffff, v8  }
0x1b2: {  	[tilespmem:s24+$0x8F80] =	vst.add.f32.msk $0xffff, v8  }
0x1b3: {  	s6 =	sor.u32 $0xC000, s24;
	[tilespmem:s24+$0x8F00] =	vst.add.f32.msk $0xffff, v8  }
0x1b4: {  	s4 =	sor.u32 $0xC080, s24;
	s31 =	sadd.s32 s0, s28;
	[tilespmem:s24+$0x8E80] =	vst.add.f32.msk $0xffff, v8  }
0x1b5: {  	s0 =	sand.u32 $0x70, s0;
	s31 =	sand.u32 $0xFFFFFF80, s31;
	[tilespmem:s6+$0x0] =	vst.add.f32.msk $0xffff, v8;
	s6 =	sor.u32 $0xC100, s24  }
0x1b6: {  	s31 =	sor.u32 s0, s31;
	[tilespmem:s4+$0x0] =	vst.add.f32.msk $0xffff, v8;
	s4 =	sor.u32 $0xC180, s24  }
0x1b7: {  	[tilespmem:s6+$0x0] =	vst.add.f32.msk $0xffff, v8  }
0x1b8: {  	[tilespmem:s4+$0x0] =	vst.add.f32.msk $0xffff, v8  }
0x1b9: {  	v8 =	vld [tilespmem:s31+$0xA00];
	_ =	sdelay $0x2  }
0x1ba: {  	s4 =	sand.u32 $0x1C00, s7  }
.Ltmp1:
0x1bb: {  	s24 =	sor.u32 s0, s4;
	(pc) =	sbr.rel @p1 .LBB2_5-.Ltmp1, $4  }
0x1bc: {  	[tilespmem:s24+$0x7780] =	vst.add.f32.msk $0xffff, v8  }
0x1bd: {  	[tilespmem:s24+$0x7700] =	vst.add.f32.msk $0xffff, v8  }
0x1be: {  	[tilespmem:s24+$0x7600] =	vst.add.f32.msk $0xffff, v8  }
0x1bf: {  	[tilespmem:s24+$0x7680] =	vst.add.f32.msk $0xffff, v8  }
0x1c0: {  	[tilespmem:s24+$0x7800] =	vst.add.f32.msk $0xffff, v8  }
0x1c1: {  	[tilespmem:s24+$0x7900] =	vst.add.f32.msk $0xffff, v8  }
0x1c2: {  	[tilespmem:s24+$0x7880] =	vst.add.f32.msk $0xffff, v8;
	s0 =	sor.u32 $0x380, s15  }
0x1c3: {  	[tilespmem:s0+$0x7600] =	vst.add.f32.msk $0xffff, v8  }
0x1c4: {  	[tilespmem:s24+$0x8E00] =	vst.add.f32.msk $0xffff, v8  }
0x1c5: {  	[tilespmem:s24+$0xBF80] =	vst.add.f32.msk $0xffff, v8  }
0x1c6: {  	[tilespmem:s24+$0xBF00] =	vst.add.f32.msk $0xffff, v8  }
0x1c7: {  	[tilespmem:s24+$0xBE80] =	vst.add.f32.msk $0xffff, v8  }
0x1c8: {  	[tilespmem:s24+$0xBE00] =	vst.add.f32.msk $0xffff, v8  }
0x1c9: {  	[tilespmem:s24+$0xA980] =	vst.add.f32.msk $0xffff, v8  }
0x1ca: {  	[tilespmem:s24+$0xA900] =	vst.add.f32.msk $0xffff, v8  }
0x1cb: {  	[tilespmem:s24+$0xA880] =	vst.add.f32.msk $0xffff, v8  }
0x1cc: {  	[tilespmem:s24+$0xA800] =	vst.add.f32.msk $0xffff, v8  }
0x1cd: {  	[tilespmem:s24+$0xA780] =	vst.add.f32.msk $0xffff, v8  }
0x1ce: {  	[tilespmem:s24+$0xA700] =	vst.add.f32.msk $0xffff, v8  }
0x1cf: {  	[tilespmem:s24+$0xA680] =	vst.add.f32.msk $0xffff, v8  }
0x1d0: {  	[tilespmem:s24+$0xA600] =	vst.add.f32.msk $0xffff, v8  }
0x1d1: {  	[tilespmem:s24+$0x9180] =	vst.add.f32.msk $0xffff, v8  }
0x1d2: {  	[tilespmem:s24+$0x9100] =	vst.add.f32.msk $0xffff, v8  }
0x1d3: {  	[tilespmem:s24+$0x9080] =	vst.add.f32.msk $0xffff, v8  }
0x1d4: {  	[tilespmem:s24+$0x9000] =	vst.add.f32.msk $0xffff, v8  }
0x1d5: {  	[tilespmem:s24+$0x8F80] =	vst.add.f32.msk $0xffff, v8  }
0x1d6: {  	[tilespmem:s24+$0x8F00] =	vst.add.f32.msk $0xffff, v8  }
0x1d7: {  	s6 =	sor.u32 $0xC000, s24;
	[tilespmem:s24+$0x8E80] =	vst.add.f32.msk $0xffff, v8  }
0x1d8: {  	s4 =	sor.u32 $0xC080, s24;
	[tilespmem:s6+$0x0] =	vst.add.f32.msk $0xffff, v8  }
0x1d9: {  	s7 =	sor.u32 $0xC100, s24;
	[tilespmem:s4+$0x0] =	vst.add.f32.msk $0xffff, v8  }
0x1da: {  	s15 =	sor.u32 $0xC180, s24;
	[tilespmem:s7+$0x0] =	vst.add.f32.msk $0xffff, v8  }
0x1db: {  	[tilespmem:s15+$0x0] =	vst.add.f32.msk $0xffff, v8  }
0x1dc: {  	v8 =	vld [tilespmem:$0x1F680];
	_ =	sdelay $0x4  }
0x1dd: {  	v9 =	vshrl.u32 v8, $0x3  }
0x1de: {  	v9 =	vmul.u32 $0x30, v9  }
0x1df: {  	v8 =	vand.u32 $0x7, v8  }
0x1e0: {  	v8 =	vor.u32 v8, v9  }
0x1e1: {  	v9 =	vperm.xlane v8, v5;
	_ =	sdelay $0x1  }
0x1e2: {  	v9 =	vadd.s32 v6, v9;
	_ =	sdelay $0x3  }
0x1e3: {  	s31 =	simm.s32 $0x7600;
	v8 =	vperm.xlane v8, v7  }
0x1e4: {  	[hbm4b:s3+s5] =	stream.indirect_vreg.scatter [tilespmem:s31], [sflag:$0x7], $0x80, v9, vm0, $0xb8;
	[tilespmem:$0x1F880] =	vst v63  }
0x1e5: {  	v8 =	vadd.s32 v6, v8  }
0x1e6: {  	[hbm4b:s10+s5] =	stream.indirect_vreg.scatter [tilespmem:s18], [sflag:$0x7], $0x80, v9, vm0, $0xb8;
	[tilespmem:$0x1F880] =	vst v63  }
0x1e7: {  	s18 =	simm.s32 $0x8600  }
0x1e8: {  	[hbm4b:s11+s5] =	stream.indirect_vreg.scatter [tilespmem:s18], [sflag:$0x7], $0x80, v9, vm0, $0xb8;
	[tilespmem:$0x1F880] =	vst v63  }
0x1e9: {  	_ = 	snop  }
0x1ea: {  	[hbm4b:s3+s5] =	stream.indirect_vreg.scatter [tilespmem:s21], [sflag:$0x7], $0x80, v8, vm0, $0xb8;
	[tilespmem:$0x1F880] =	vst v63  }
0x1eb: {  	s21 =	simm.s32 $0x9600  }
0x1ec: {  	[hbm4b:s10+s5] =	stream.indirect_vreg.scatter [tilespmem:s21], [sflag:$0x7], $0x80, v8, vm0, $0xb8;
	[tilespmem:$0x1F880] =	vst v63  }
0x1ed: {  	_ = 	snop  }
0x1ee: {  	[hbm4b:s11+s5] =	stream.indirect_vreg.scatter [tilespmem:s22], [sflag:$0x7], $0x80, v8, vm0, $0xb8;
	[tilespmem:$0x1F880] =	vst v63  }
0x1ef: {  	v8 =	vld [tilespmem:$0x1F690];
	_ =	sdelay $0x4  }
0x1f0: {  	v9 =	vshrl.u32 v8, $0x3  }
0x1f1: {  	v9 =	vmul.u32 $0x30, v9  }
0x1f2: {  	v8 =	vand.u32 $0x7, v8  }
0x1f3: {  	v8 =	vor.u32 v8, v9  }
0x1f4: {  	v9 =	vperm.xlane v8, v5;
	_ =	sdelay $0x1  }
0x1f5: {  	v9 =	vadd.s32 v6, v9;
	_ =	sdelay $0x3  }
0x1f6: {  	s22 =	simm.s32 $0xA600;
	v8 =	vperm.xlane v8, v7  }
0x1f7: {  	[hbm4b:s3+s5] =	stream.indirect_vreg.scatter [tilespmem:s22], [sflag:$0x7], $0x80, v9, vm0, $0xb8;
	[tilespmem:$0x1F880] =	vst v63  }
0x1f8: {  	v8 =	vadd.s32 v6, v8  }
0x1f9: {  	[hbm4b:s10+s5] =	stream.indirect_vreg.scatter [tilespmem:s14], [sflag:$0x7], $0x80, v9, vm0, $0xb8;
	[tilespmem:$0x1F880] =	vst v63  }
0x1fa: {  	s14 =	simm.s32 $0xB600  }
0x1fb: {  	[hbm4b:s11+s5] =	stream.indirect_vreg.scatter [tilespmem:s14], [sflag:$0x7], $0x80, v9, vm0, $0xb8;
	[tilespmem:$0x1F880] =	vst v63  }
0x1fc: {  	s24 =	simm.s32 $0xBE00  }
0x1fd: {  	[hbm4b:s3+s5] =	stream.indirect_vreg.scatter [tilespmem:s24], [sflag:$0x7], $0x80, v8, vm0, $0xb8;
	[tilespmem:$0x1F880] =	vst v63  }
0x1fe: {  	s30 =	simm.s32 $0xC600  }
0x1ff: {  	[hbm4b:s10+s5] =	stream.indirect_vreg.scatter [tilespmem:s30], [sflag:$0x7], $0x80, v8, vm0, $0xb8;
	[tilespmem:$0x1F880] =	vst v63  }
0x200: {  	s0 =	simm.s32 @!p0 $0xA;
	s4 =	simm.s32 $0xCE00  }
0x201: {  	[hbm4b:s11+s5] =	stream.indirect_vreg.scatter [tilespmem:s4], [sflag:$0x7], $0x80, v8, vm0, $0xb8;
	[tilespmem:$0x1F880] =	vst v63  }
0x202: {  	s28 =	sadd.s32 $0x4, s1;
	_ =	swait.ge @!p0 [sflag:s0], $0x6000  }
0x203: {  	s1 =	sshll.u32 @!p0 s28, $0x5;
	[sflag:s0] =	ssyncset.done @!p0 $0x0  }
0x204: {  	[sflag:s0] =	ssyncadd.s32 @!p0 $0xFFFFA000;
	s0 =	sand.u32 @!p0 $0x3FFFFFE0, s1  }
0x205: {  	v8 =	vld @!p0 [tilespmem:s0+$0x0];
	_ =	sdelay $0x4  }
0x206: {  	v9 =	vshrl.u32 @!p0 v8, $0x3  }
0x207: {  	v9 =	vmul.u32 @!p0 $0x30, v9  }
0x208: {  	v10 =	vlaneseq.u32 @!p0;
	v8 =	vand.u32 @!p0 $0x7, v8  }
0x209: {  	v11 =	vshrl.u32 @!p0 v10, $0x3;
	v8 =	vor.u32 @!p0 v8, v9;
	v9 =	vand.u32 @!p0 $0x7, v10  }
0x20a: {  	v11 =	vmul.u32 @!p0 $0x8, v11;
	v12 =	vperm.xlane @!p0 v8, v9;
	_ =	sdelay $0x1  }
0x20b: {  	v12 =	vadd.s32 @!p0 v11, v12;
	_ =	sdelay $0x2  }
0x20c: {  	v10 =	vor.u32 @!p0 $0x8, v10  }
0x20d: {  	s4 =	simm.s32 @!p0 $0x19600;
	s1 =	simm.s32 @!p0 $0x0;
	v8 =	vperm.xlane @!p0 v8, v10  }
0x20e: {  	[tilespmem:s4], [sflag:$0x5] =	stream.indirect_vreg.gather @!p0 [hbm4b:s2+s1], $0x80, v12, vm1, $0xb8;
	[tilespmem:$0x1F880] =	vst v63  }
0x20f: {  	v8 =	vadd.s32 @!p0 v11, v8;
	s4 =	simm.s32 @!p0 $0x19E00  }
0x210: {  	[tilespmem:s4], [sflag:$0x5] =	stream.indirect_vreg.gather @!p0 [hbm4b:s8+s1], $0x80, v12, vm1, $0xb8;
	[tilespmem:$0x1F880] =	vst v63  }
0x211: {  	s4 =	simm.s32 @!p0 $0x1A600  }
0x212: {  	[tilespmem:s4], [sflag:$0x5] =	stream.indirect_vreg.gather @!p0 [hbm4b:s9+s1], $0x80, v12, vm1, $0xb8;
	[tilespmem:$0x1F880] =	vst v63  }
0x213: {  	s4 =	simm.s32 @!p0 $0x1AE00  }
0x214: {  	[tilespmem:s4], [sflag:$0x5] =	stream.indirect_vreg.gather @!p0 [hbm4b:s2+s1], $0x80, v8, vm1, $0xb8;
	[tilespmem:$0x1F880] =	vst v63  }
0x215: {  	s4 =	simm.s32 @!p0 $0x1B600  }
0x216: {  	[tilespmem:s4], [sflag:$0x5] =	stream.indirect_vreg.gather @!p0 [hbm4b:s8+s1], $0x80, v8, vm1, $0xb8;
	[tilespmem:$0x1F880] =	vst v63  }
0x217: {  	s4 =	simm.s32 @!p0 $0x1BE00  }
0x218: {  	[tilespmem:s4], [sflag:$0x5] =	stream.indirect_vreg.gather @!p0 [hbm4b:s9+s1], $0x80, v8, vm1, $0xb8;
	[tilespmem:$0x1F880] =	vst v63  }
0x219: {  	v8 =	vld @!p0 [tilespmem:s0+$0x10];
	_ =	sdelay $0x4  }
0x21a: {  	v12 =	vshrl.u32 @!p0 v8, $0x3  }
0x21b: {  	v12 =	vmul.u32 @!p0 $0x30, v12  }
0x21c: {  	v8 =	vand.u32 @!p0 $0x7, v8  }
0x21d: {  	v8 =	vor.u32 @!p0 v8, v12  }
0x21e: {  	v9 =	vperm.xlane @!p0 v8, v9;
	_ =	sdelay $0x1  }
0x21f: {  	v9 =	vadd.s32 @!p0 v11, v9;
	_ =	sdelay $0x3  }
0x220: {  	s0 =	simm.s32 @!p0 $0x1C600;
	v8 =	vperm.xlane @!p0 v8, v10  }
0x221: {  	[tilespmem:s0], [sflag:$0x5] =	stream.indirect_vreg.gather @!p0 [hbm4b:s2+s1], $0x80, v9, vm1, $0xb8;
	[tilespmem:$0x1F880] =	vst v63  }
0x222: {  	v8 =	vadd.s32 @!p0 v11, v8;
	s0 =	simm.s32 @!p0 $0x1CE00  }
0x223: {  	[tilespmem:s0], [sflag:$0x5] =	stream.indirect_vreg.gather @!p0 [hbm4b:s8+s1], $0x80, v9, vm1, $0xb8;
	[tilespmem:$0x1F880] =	vst v63  }
0x224: {  	s0 =	simm.s32 @!p0 $0x1D600  }
0x225: {  	[tilespmem:s0], [sflag:$0x5] =	stream.indirect_vreg.gather @!p0 [hbm4b:s9+s1], $0x80, v9, vm1, $0xb8;
	[tilespmem:$0x1F880] =	vst v63  }
0x226: {  	s0 =	simm.s32 @!p0 $0x1DE00  }
0x227: {  	[tilespmem:s0], [sflag:$0x5] =	stream.indirect_vreg.gather @!p0 [hbm4b:s2+s1], $0x80, v8, vm1, $0xb8;
	[tilespmem:$0x1F880] =	vst v63  }
0x228: {  	s0 =	simm.s32 @!p0 $0x1E600  }
0x229: {  	[tilespmem:s0], [sflag:$0x5] =	stream.indirect_vreg.gather @!p0 [hbm4b:s8+s1], $0x80, v8, vm1, $0xb8;
	[tilespmem:$0x1F880] =	vst v63  }
0x22a: {  	s6 =	rddreg [dreg:$0x7];
	s0 =	simm.s32 @!p0 $0x1EE00  }
0x22b: {  	[tilespmem:s0], [sflag:$0x5] =	stream.indirect_vreg.gather @!p0 [hbm4b:s9+s1], $0x80, v8, vm1, $0xb8;
	[tilespmem:$0x1F880] =	vst v63  }
0x22c: {  	s0 =	sadd.s32 s29, s6  }
0x22d: {  	s7 =	sand.u32 $0x3E0, s0  }
0x22e: {  	s1 =	smul.u32 $0x4D, s7  }
0x22f: {  	s0 =	sshrl.u32 s0, $0xA  }
0x230: {  	s0 =	sadd.s32 s0, s1  }
0x231: {  	v8 =	vadd.s32 s0, v0;
	s0 =	sadd.s32 $0x4D0, s0  }
0x232: {  	[tilespmem:$0x1F700] =	vst v8;
	v8 =	vadd.s32 s0, v0  }
0x233: {  	s15 =	simm.s32 $0x3;
	[tilespmem:$0x1F710] =	vst v8  }
0x234: {  	s24 =	sadd.s32 $0x0, s25;
	s7 =	simm.s32 $0x0;
	_ =	swait.ge [sflag:s15], $0x6000  }
0x235: {  	s29 =	sand.u32 $0x70, s7;
	s0 =	sand.u32 $0xFFFFFF80, s24;
	[sflag:s15] =	ssyncset.done $0x0  }
0x236: {  	s0 =	sor.u32 s29, s0;
	[sflag:s15] =	ssyncadd.s32 $0xFFFFA000  }
0x237: {  	v8 =	vld [tilespmem:s0+$0xA00];
	_ =	sdelay $0x2  }
0x238: {  	s30 =	sand.u32 $0x1C00, s7  }
0x239: {  	s1 =	sor.u32 s29, s30  }
0x23a: {  	[tilespmem:s1+$0xD780] =	vst.add.f32.msk $0xffff, v8  }
0x23b: {  	[tilespmem:s1+$0xD700] =	vst.add.f32.msk $0xffff, v8  }
0x23c: {  	[tilespmem:s1+$0xD600] =	vst.add.f32.msk $0xffff, v8  }
0x23d: {  	s24 =	simm.s32 $0x10;
	s15 =	sor.u32 s7, s7;
	[tilespmem:s1+$0xD680] =	vst.add.f32.msk $0xffff, v8  }
.LBB2_7:
0x23e: {  	p0 =	sne.s32 s24, $0x2F0  }
0x23f: {  	[tilespmem:s1+$0xD800] =	vst.add.f32.msk $0xffff, v8;
	s7 =	sadd.s32 $0x80, s7;
	s0 =	smov.u32 s24;
	s24 =	sadd.s32 $0x10, s24  }
0x240: {  	s4 =	sor.u32 s7, s0;
	[tilespmem:s1+$0xD900] =	vst.add.f32.msk $0xffff, v8  }
0x241: {  	s6 =	sor.u32 $0x380, s15;
	[tilespmem:s1+$0xD880] =	vst.add.f32.msk $0xffff, v8;
	s15 =	smov.u32 s4  }
0x242: {  	[tilespmem:s6+$0xD600] =	vst.add.f32.msk $0xffff, v8  }
0x243: {  	[tilespmem:s1+$0xEE00] =	vst.add.f32.msk $0xffff, v8  }
0x244: {  	[tilespmem:s1+$0x11F80] =	vst.add.f32.msk $0xffff, v8  }
0x245: {  	[tilespmem:s1+$0x11F00] =	vst.add.f32.msk $0xffff, v8  }
0x246: {  	[tilespmem:s1+$0x11E80] =	vst.add.f32.msk $0xffff, v8  }
0x247: {  	[tilespmem:s1+$0x11E00] =	vst.add.f32.msk $0xffff, v8  }
0x248: {  	[tilespmem:s1+$0x10980] =	vst.add.f32.msk $0xffff, v8  }
0x249: {  	[tilespmem:s1+$0x10900] =	vst.add.f32.msk $0xffff, v8  }
0x24a: {  	[tilespmem:s1+$0x10880] =	vst.add.f32.msk $0xffff, v8  }
0x24b: {  	[tilespmem:s1+$0x10800] =	vst.add.f32.msk $0xffff, v8  }
0x24c: {  	[tilespmem:s1+$0x10780] =	vst.add.f32.msk $0xffff, v8  }
0x24d: {  	[tilespmem:s1+$0x10700] =	vst.add.f32.msk $0xffff, v8  }
0x24e: {  	[tilespmem:s1+$0x10680] =	vst.add.f32.msk $0xffff, v8  }
0x24f: {  	[tilespmem:s1+$0x10600] =	vst.add.f32.msk $0xffff, v8  }
0x250: {  	[tilespmem:s1+$0xF180] =	vst.add.f32.msk $0xffff, v8  }
0x251: {  	[tilespmem:s1+$0xF100] =	vst.add.f32.msk $0xffff, v8  }
0x252: {  	[tilespmem:s1+$0xF080] =	vst.add.f32.msk $0xffff, v8  }
0x253: {  	[tilespmem:s1+$0xF000] =	vst.add.f32.msk $0xffff, v8  }
0x254: {  	[tilespmem:s1+$0xEF80] =	vst.add.f32.msk $0xffff, v8  }
0x255: {  	s4 =	sor.u32 $0x12000, s1;
	[tilespmem:s1+$0xEF00] =	vst.add.f32.msk $0xffff, v8  }
0x256: {  	s29 =	sor.u32 $0x12080, s1;
	s6 =	sadd.s32 s0, s25;
	[tilespmem:s1+$0xEE80] =	vst.add.f32.msk $0xffff, v8  }
0x257: {  	s0 =	sand.u32 $0x70, s0;
	s6 =	sand.u32 $0xFFFFFF80, s6;
	[tilespmem:s4+$0x0] =	vst.add.f32.msk $0xffff, v8;
	s4 =	sor.u32 $0x12100, s1  }
0x258: {  	s6 =	sor.u32 s0, s6;
	s1 =	sor.u32 $0x12180, s1;
	[tilespmem:s29+$0x0] =	vst.add.f32.msk $0xffff, v8  }
0x259: {  	[tilespmem:s4+$0x0] =	vst.add.f32.msk $0xffff, v8  }
0x25a: {  	[tilespmem:s1+$0x0] =	vst.add.f32.msk $0xffff, v8  }
0x25b: {  	v8 =	vld [tilespmem:s6+$0xA00];
	_ =	sdelay $0x2  }
0x25c: {  	s1 =	sand.u32 $0x1C00, s7  }
.Ltmp2:
0x25d: {  	s1 =	sor.u32 s0, s1;
	(pc) =	sbr.rel @p0 .LBB2_7-.Ltmp2, $4  }
0x25e: {  	[tilespmem:s1+$0xD780] =	vst.add.f32.msk $0xffff, v8  }
0x25f: {  	[tilespmem:s1+$0xD700] =	vst.add.f32.msk $0xffff, v8  }
0x260: {  	[tilespmem:s1+$0xD600] =	vst.add.f32.msk $0xffff, v8  }
0x261: {  	[tilespmem:s1+$0xD680] =	vst.add.f32.msk $0xffff, v8  }
0x262: {  	[tilespmem:s1+$0xD800] =	vst.add.f32.msk $0xffff, v8  }
0x263: {  	[tilespmem:s1+$0xD900] =	vst.add.f32.msk $0xffff, v8  }
0x264: {  	[tilespmem:s1+$0xD880] =	vst.add.f32.msk $0xffff, v8;
	s0 =	sor.u32 $0x380, s15  }
0x265: {  	[tilespmem:s0+$0xD600] =	vst.add.f32.msk $0xffff, v8  }
0x266: {  	[tilespmem:s1+$0xEE00] =	vst.add.f32.msk $0xffff, v8  }
0x267: {  	[tilespmem:s1+$0x11F80] =	vst.add.f32.msk $0xffff, v8  }
0x268: {  	[tilespmem:s1+$0x11F00] =	vst.add.f32.msk $0xffff, v8  }
0x269: {  	[tilespmem:s1+$0x11E80] =	vst.add.f32.msk $0xffff, v8  }
0x26a: {  	[tilespmem:s1+$0x11E00] =	vst.add.f32.msk $0xffff, v8  }
0x26b: {  	[tilespmem:s1+$0x10980] =	vst.add.f32.msk $0xffff, v8  }
0x26c: {  	[tilespmem:s1+$0x10900] =	vst.add.f32.msk $0xffff, v8  }
0x26d: {  	[tilespmem:s1+$0x10880] =	vst.add.f32.msk $0xffff, v8  }
0x26e: {  	[tilespmem:s1+$0x10800] =	vst.add.f32.msk $0xffff, v8  }
0x26f: {  	[tilespmem:s1+$0x10780] =	vst.add.f32.msk $0xffff, v8  }
0x270: {  	[tilespmem:s1+$0x10700] =	vst.add.f32.msk $0xffff, v8  }
0x271: {  	[tilespmem:s1+$0x10680] =	vst.add.f32.msk $0xffff, v8  }
0x272: {  	[tilespmem:s1+$0x10600] =	vst.add.f32.msk $0xffff, v8  }
0x273: {  	[tilespmem:s1+$0xF180] =	vst.add.f32.msk $0xffff, v8  }
0x274: {  	[tilespmem:s1+$0xF100] =	vst.add.f32.msk $0xffff, v8  }
0x275: {  	[tilespmem:s1+$0xF080] =	vst.add.f32.msk $0xffff, v8  }
0x276: {  	[tilespmem:s1+$0xF000] =	vst.add.f32.msk $0xffff, v8  }
0x277: {  	[tilespmem:s1+$0xEF80] =	vst.add.f32.msk $0xffff, v8  }
0x278: {  	[tilespmem:s1+$0xEF00] =	vst.add.f32.msk $0xffff, v8  }
0x279: {  	s29 =	sor.u32 $0x12000, s1;
	[tilespmem:s1+$0xEE80] =	vst.add.f32.msk $0xffff, v8  }
0x27a: {  	s4 =	sor.u32 $0x12080, s1;
	[tilespmem:s29+$0x0] =	vst.add.f32.msk $0xffff, v8  }
0x27b: {  	s6 =	sor.u32 $0x12100, s1;
	[tilespmem:s4+$0x0] =	vst.add.f32.msk $0xffff, v8  }
0x27c: {  	s7 =	sor.u32 $0x12180, s1;
	[tilespmem:s6+$0x0] =	vst.add.f32.msk $0xffff, v8  }
0x27d: {  	[tilespmem:s7+$0x0] =	vst.add.f32.msk $0xffff, v8  }
0x27e: {  	v8 =	vld [tilespmem:$0x1F700];
	_ =	sdelay $0x4  }
0x27f: {  	v9 =	vshrl.u32 v8, $0x3  }
0x280: {  	v9 =	vmul.u32 $0x30, v9  }
0x281: {  	v8 =	vand.u32 $0x7, v8  }
0x282: {  	v8 =	vor.u32 v8, v9  }
0x283: {  	v9 =	vperm.xlane v8, v5;
	_ =	sdelay $0x1  }
0x284: {  	v9 =	vadd.s32 v6, v9;
	_ =	sdelay $0x3  }
0x285: {  	s15 =	simm.s32 $0xD600;
	s1 =	simm.s32 $0x0;
	v8 =	vperm.xlane v8, v7  }
0x286: {  	[hbm4b:s3+s1] =	stream.indirect_vreg.scatter [tilespmem:s15], [sflag:$0x8], $0x80, v9, vm0, $0xb8;
	[tilespmem:$0x1F880] =	vst v63  }
0x287: {  	s24 =	simm.s32 $0xDE00;
	v8 =	vadd.s32 v6, v8  }
0x288: {  	[hbm4b:s10+s1] =	stream.indirect_vreg.scatter [tilespmem:s24], [sflag:$0x8], $0x80, v9, vm0, $0xb8;
	[tilespmem:$0x1F880] =	vst v63  }
0x289: {  	s25 =	simm.s32 $0xE600  }
0x28a: {  	[hbm4b:s11+s1] =	stream.indirect_vreg.scatter [tilespmem:s25], [sflag:$0x8], $0x80, v9, vm0, $0xb8;
	[tilespmem:$0x1F880] =	vst v63  }
0x28b: {  	s29 =	simm.s32 $0xEE00  }
0x28c: {  	[hbm4b:s3+s1] =	stream.indirect_vreg.scatter [tilespmem:s29], [sflag:$0x8], $0x80, v8, vm0, $0xb8;
	[tilespmem:$0x1F880] =	vst v63  }
0x28d: {  	s4 =	simm.s32 $0xF600  }
0x28e: {  	[hbm4b:s10+s1] =	stream.indirect_vreg.scatter [tilespmem:s4], [sflag:$0x8], $0x80, v8, vm0, $0xb8;
	[tilespmem:$0x1F880] =	vst v63  }
0x28f: {  	s6 =	simm.s32 $0xFE00  }
0x290: {  	[hbm4b:s11+s1] =	stream.indirect_vreg.scatter [tilespmem:s6], [sflag:$0x8], $0x80, v8, vm0, $0xb8;
	[tilespmem:$0x1F880] =	vst v63  }
0x291: {  	v8 =	vld [tilespmem:$0x1F710];
	_ =	sdelay $0x4  }
0x292: {  	v9 =	vshrl.u32 v8, $0x3  }
0x293: {  	v9 =	vmul.u32 $0x30, v9  }
0x294: {  	v8 =	vand.u32 $0x7, v8  }
0x295: {  	v8 =	vor.u32 v8, v9  }
0x296: {  	v9 =	vperm.xlane v8, v5;
	_ =	sdelay $0x1  }
0x297: {  	v9 =	vadd.s32 v6, v9;
	_ =	sdelay $0x3  }
0x298: {  	s7 =	simm.s32 $0x10600;
	v8 =	vperm.xlane v8, v7  }
0x299: {  	[hbm4b:s3+s1] =	stream.indirect_vreg.scatter [tilespmem:s7], [sflag:$0x8], $0x80, v9, vm0, $0xb8;
	[tilespmem:$0x1F880] =	vst v63  }
0x29a: {  	s15 =	simm.s32 $0x10E00;
	v8 =	vadd.s32 v6, v8  }
0x29b: {  	[hbm4b:s10+s1] =	stream.indirect_vreg.scatter [tilespmem:s15], [sflag:$0x8], $0x80, v9, vm0, $0xb8;
	[tilespmem:$0x1F880] =	vst v63  }
0x29c: {  	s24 =	simm.s32 $0x11600  }
0x29d: {  	[hbm4b:s11+s1] =	stream.indirect_vreg.scatter [tilespmem:s24], [sflag:$0x8], $0x80, v9, vm0, $0xb8;
	[tilespmem:$0x1F880] =	vst v63  }
0x29e: {  	s25 =	simm.s32 $0x11E00  }
0x29f: {  	[hbm4b:s3+s1] =	stream.indirect_vreg.scatter [tilespmem:s25], [sflag:$0x8], $0x80, v8, vm0, $0xb8;
	[tilespmem:$0x1F880] =	vst v63  }
0x2a0: {  	s29 =	simm.s32 $0x12600  }
0x2a1: {  	[hbm4b:s10+s1] =	stream.indirect_vreg.scatter [tilespmem:s29], [sflag:$0x8], $0x80, v8, vm0, $0xb8;
	[tilespmem:$0x1F880] =	vst v63  }
0x2a2: {  	s4 =	simm.s32 $0x12E00;
	s6 =	simm.s32 $0x6  }
0x2a3: {  	[hbm4b:s11+s1] =	stream.indirect_vreg.scatter [tilespmem:s4], [sflag:$0x8], $0x80, v8, vm0, $0xb8;
	[tilespmem:$0x1F880] =	vst v63  }
0x2a4: {  	s7 =	smul.u32 $0x280, s23;
	_ =	swait.ge [sflag:s6], $0x6000  }
0x2a5: {  	[sflag:s6] =	ssyncset.done $0x0  }
0x2a6: {  	s25 =	sshra.s32 s7, $0x2;
	[sflag:s6] =	ssyncadd.s32 $0xFFFFA000  }
0x2a7: {  	v8 =	vld [tilespmem:s25+$0xA0];
	_ =	sdelay $0x4  }
0x2a8: {  	v9 =	vshrl.u32 v8, $0x3  }
0x2a9: {  	v9 =	vmul.u32 $0x30, v9  }
0x2aa: {  	v8 =	vand.u32 $0x7, v8  }
0x2ab: {  	v8 =	vor.u32 v8, v9  }
0x2ac: {  	v9 =	vperm.xlane v8, v5;
	_ =	sdelay $0x1  }
0x2ad: {  	v9 =	vadd.s32 v6, v9;
	_ =	sdelay $0x3  }
0x2ae: {  	s15 =	simm.s32 $0x1600;
	v8 =	vperm.xlane v8, v7  }
0x2af: {  	[tilespmem:s15], [sflag:$0x1] =	stream.indirect_vreg.gather [hbm4b:s2+s1], $0x80, v9, vm0, $0xb8;
	[tilespmem:$0x1F880] =	vst v63  }
0x2b0: {  	s24 =	simm.s32 $0x1E00;
	v8 =	vadd.s32 v6, v8  }
0x2b1: {  	[tilespmem:s24], [sflag:$0x1] =	stream.indirect_vreg.gather [hbm4b:s8+s1], $0x80, v9, vm0, $0xb8;
	[tilespmem:$0x1F880] =	vst v63  }
0x2b2: {  	s29 =	simm.s32 $0x2600  }
0x2b3: {  	[tilespmem:s29], [sflag:$0x1] =	stream.indirect_vreg.gather [hbm4b:s9+s1], $0x80, v9, vm0, $0xb8;
	[tilespmem:$0x1F880] =	vst v63  }
0x2b4: {  	s4 =	simm.s32 $0x2E00  }
0x2b5: {  	[tilespmem:s4], [sflag:$0x1] =	stream.indirect_vreg.gather [hbm4b:s2+s1], $0x80, v8, vm0, $0xb8;
	[tilespmem:$0x1F880] =	vst v63  }
0x2b6: {  	s6 =	simm.s32 $0x3600  }
0x2b7: {  	[tilespmem:s6], [sflag:$0x1] =	stream.indirect_vreg.gather [hbm4b:s8+s1], $0x80, v8, vm0, $0xb8;
	[tilespmem:$0x1F880] =	vst v63  }
0x2b8: {  	s7 =	simm.s32 $0x3E00  }
0x2b9: {  	[tilespmem:s7], [sflag:$0x1] =	stream.indirect_vreg.gather [hbm4b:s9+s1], $0x80, v8, vm0, $0xb8;
	[tilespmem:$0x1F880] =	vst v63  }
0x2ba: {  	v8 =	vld [tilespmem:s25+$0xB0];
	_ =	sdelay $0x4  }
0x2bb: {  	v9 =	vshrl.u32 v8, $0x3  }
0x2bc: {  	v9 =	vmul.u32 $0x30, v9  }
0x2bd: {  	v8 =	vand.u32 $0x7, v8  }
0x2be: {  	v8 =	vor.u32 v8, v9  }
0x2bf: {  	v9 =	vperm.xlane v8, v5;
	_ =	sdelay $0x1  }
0x2c0: {  	v9 =	vadd.s32 v6, v9;
	_ =	sdelay $0x3  }
0x2c1: {  	s15 =	simm.s32 $0x4600;
	v8 =	vperm.xlane v8, v7  }
0x2c2: {  	[tilespmem:s15], [sflag:$0x1] =	stream.indirect_vreg.gather [hbm4b:s2+s1], $0x80, v9, vm0, $0xb8;
	[tilespmem:$0x1F880] =	vst v63  }
0x2c3: {  	s24 =	simm.s32 $0x4E00;
	v8 =	vadd.s32 v6, v8;
	s15 =	sshll.u32 s26, $0x5  }
0x2c4: {  	[tilespmem:s24], [sflag:$0x1] =	stream.indirect_vreg.gather [hbm4b:s8+s1], $0x80, v9, vm0, $0xb8;
	[tilespmem:$0x1F880] =	vst v63  }
0x2c5: {  	s29 =	simm.s32 $0x5600;
	s0 =	sadd.s32 s17, s15  }
0x2c6: {  	[tilespmem:s29], [sflag:$0x1] =	stream.indirect_vreg.gather [hbm4b:s9+s1], $0x80, v9, vm0, $0xb8;
	[tilespmem:$0x1F880] =	vst v63  }
0x2c7: {  	s4 =	simm.s32 $0x5E00;
	s24 =	sand.u32 $0x3E0, s0  }
0x2c8: {  	[tilespmem:s4], [sflag:$0x1] =	stream.indirect_vreg.gather [hbm4b:s2+s1], $0x80, v8, vm0, $0xb8;
	[tilespmem:$0x1F880] =	vst v63  }
0x2c9: {  	s6 =	simm.s32 $0x6600;
	s0 =	sshrl.u32 s0, $0xA;
	s4 =	smul.u32 $0x4D, s24  }
0x2ca: {  	[tilespmem:s6], [sflag:$0x1] =	stream.indirect_vreg.gather [hbm4b:s8+s1], $0x80, v8, vm0, $0xb8;
	[tilespmem:$0x1F880] =	vst v63  }
0x2cb: {  	s7 =	simm.s32 $0x6E00;
	s0 =	sadd.s32 s0, s4  }
0x2cc: {  	[tilespmem:s7], [sflag:$0x1] =	stream.indirect_vreg.gather [hbm4b:s9+s1], $0x80, v8, vm0, $0xb8;
	[tilespmem:$0x1F880] =	vst v63  }
0x2cd: {  	v8 =	vadd.s32 s0, v0;
	s0 =	sadd.s32 $0x4D0, s0  }
0x2ce: {  	[tilespmem:$0x1F780] =	vst v8;
	v8 =	vadd.s32 s0, v0  }
0x2cf: {  	s6 =	simm.s32 $0x4;
	[tilespmem:$0x1F790] =	vst v8  }
0x2d0: {  	s26 =	sadd.s32 $0x0, s13;
	_ =	swait.ge [sflag:s6], $0x6000  }
0x2d1: {  	s29 =	sand.u32 $0x70, s1;
	s0 =	sand.u32 $0xFFFFFF80, s26;
	[sflag:s6] =	ssyncset.done $0x0  }
0x2d2: {  	s0 =	sor.u32 s29, s0;
	[sflag:s6] =	ssyncadd.s32 $0xFFFFA000  }
0x2d3: {  	v8 =	vld [tilespmem:s0+$0xA00];
	_ =	sdelay $0x1  }
0x2d4: {  	s6 =	sand.u32 $0x1C00, s1  }
0x2d5: {  	s26 =	sor.u32 s29, s6  }
0x2d6: {  	s0 =	sadd.s32 $0x13600, s26  }
0x2d7: {  	s7 =	sor.u32 $0x80, s0;
	[tilespmem:s26+$0x13600] =	vst.add.f32.msk $0xffff, v8  }
0x2d8: {  	s15 =	sor.u32 $0x100, s0;
	[tilespmem:s7+$0x0] =	vst.add.f32.msk $0xffff, v8  }
0x2d9: {  	s30 =	smov.u32 s17;
	s17 =	sor.u32 $0x180, s0;
	[tilespmem:s15+$0x0] =	vst.add.f32.msk $0xffff, v8  }
0x2da: {  	[tilespmem:s17+$0x0] =	vst.add.f32.msk $0xffff, v8  }
0x2db: {  	[tilespmem:s0+$0x300] =	vst.add.f32.msk $0xffff, v8  }
0x2dc: {  	s24 =	sor.u32 s1, s1;
	[tilespmem:s0+$0x200] =	vst.add.f32.msk $0xffff, v8  }
0x2dd: {  	s29 =	sor.u32 $0x380, s24;
	[tilespmem:s0+$0x280] =	vst.add.f32.msk $0xffff, v8  }
0x2de: {  	[tilespmem:s29+$0x13600] =	vst.add.f32.msk $0xffff, v8  }
0x2df: {  	[tilespmem:s26+$0x14E00] =	vst.add.f32.msk $0xffff, v8  }
0x2e0: {  	s7 =	simm.s32 $0x10;
	[tilespmem:s26+$0x17F80] =	vst.add.f32.msk $0xffff, v8  }
.LBB2_9:
0x2e1: {  	p0 =	sne.s32 s7, $0x2F0  }
0x2e2: {  	[tilespmem:s26+$0x17F00] =	vst.add.f32.msk $0xffff, v8;
	s1 =	sadd.s32 $0x80, s1;
	s15 =	smov.u32 s7;
	s7 =	sadd.s32 $0x10, s7  }
0x2e3: {  	[tilespmem:s26+$0x17E80] =	vst.add.f32.msk $0xffff, v8  }
0x2e4: {  	[tilespmem:s26+$0x17E00] =	vst.add.f32.msk $0xffff, v8  }
0x2e5: {  	[tilespmem:s26+$0x16980] =	vst.add.f32.msk $0xffff, v8  }
0x2e6: {  	[tilespmem:s26+$0x16900] =	vst.add.f32.msk $0xffff, v8  }
0x2e7: {  	[tilespmem:s26+$0x16880] =	vst.add.f32.msk $0xffff, v8  }
0x2e8: {  	[tilespmem:s26+$0x16800] =	vst.add.f32.msk $0xffff, v8  }
0x2e9: {  	[tilespmem:s26+$0x16780] =	vst.add.f32.msk $0xffff, v8  }
0x2ea: {  	[tilespmem:s26+$0x16700] =	vst.add.f32.msk $0xffff, v8  }
0x2eb: {  	[tilespmem:s26+$0x16680] =	vst.add.f32.msk $0xffff, v8  }
0x2ec: {  	[tilespmem:s26+$0x16600] =	vst.add.f32.msk $0xffff, v8  }
0x2ed: {  	[tilespmem:s26+$0x15180] =	vst.add.f32.msk $0xffff, v8  }
0x2ee: {  	[tilespmem:s26+$0x15100] =	vst.add.f32.msk $0xffff, v8  }
0x2ef: {  	[tilespmem:s26+$0x15080] =	vst.add.f32.msk $0xffff, v8  }
0x2f0: {  	[tilespmem:s26+$0x15000] =	vst.add.f32.msk $0xffff, v8  }
0x2f1: {  	[tilespmem:s26+$0x14F80] =	vst.add.f32.msk $0xffff, v8  }
0x2f2: {  	s0 =	sor.u32 $0x18000, s26;
	[tilespmem:s26+$0x14F00] =	vst.add.f32.msk $0xffff, v8  }
0x2f3: {  	s4 =	sor.u32 $0x18080, s26;
	[tilespmem:s26+$0x14E80] =	vst.add.f32.msk $0xffff, v8  }
0x2f4: {  	[tilespmem:s0+$0x0] =	vst.add.f32.msk $0xffff, v8;
	s0 =	sor.u32 $0x18100, s26  }
0x2f5: {  	s6 =	sadd.s32 s15, s13;
	[tilespmem:s4+$0x0] =	vst.add.f32.msk $0xffff, v8;
	s4 =	sor.u32 $0x18180, s26  }
0x2f6: {  	s24 =	sand.u32 $0x70, s15;
	s6 =	sand.u32 $0xFFFFFF80, s6;
	[tilespmem:s0+$0x0] =	vst.add.f32.msk $0xffff, v8  }
0x2f7: {  	s0 =	sor.u32 s24, s6;
	[tilespmem:s4+$0x0] =	vst.add.f32.msk $0xffff, v8  }
0x2f8: {  	v8 =	vld [tilespmem:s0+$0xA00];
	_ =	sdelay $0x1  }
0x2f9: {  	s0 =	sand.u32 $0x1C00, s1  }
0x2fa: {  	s26 =	sor.u32 s24, s0  }
0x2fb: {  	s0 =	sadd.s32 $0x13600, s26  }
0x2fc: {  	s4 =	sor.u32 $0x80, s0;
	[tilespmem:s26+$0x13600] =	vst.add.f32.msk $0xffff, v8  }
0x2fd: {  	[tilespmem:s4+$0x0] =	vst.add.f32.msk $0xffff, v8;
	s4 =	sor.u32 $0x100, s0  }
0x2fe: {  	[tilespmem:s4+$0x0] =	vst.add.f32.msk $0xffff, v8;
	s4 =	sor.u32 $0x180, s0  }
0x2ff: {  	[tilespmem:s4+$0x0] =	vst.add.f32.msk $0xffff, v8  }
0x300: {  	[tilespmem:s0+$0x300] =	vst.add.f32.msk $0xffff, v8  }
.Ltmp3:
0x301: {  	s4 =	sor.u32 s1, s15;
	[tilespmem:s0+$0x200] =	vst.add.f32.msk $0xffff, v8;
	(pc) =	sbr.rel @p0 .LBB2_9-.Ltmp3, $4  }
0x302: {  	[tilespmem:s0+$0x280] =	vst.add.f32.msk $0xffff, v8;
	s0 =	sor.u32 $0x380, s4  }
0x303: {  	[tilespmem:s0+$0x13600] =	vst.add.f32.msk $0xffff, v8  }
0x304: {  	[tilespmem:s26+$0x14E00] =	vst.add.f32.msk $0xffff, v8  }
0x305: {  	[tilespmem:s26+$0x17F80] =	vst.add.f32.msk $0xffff, v8  }
0x306: {  	[tilespmem:s26+$0x17F00] =	vst.add.f32.msk $0xffff, v8  }
0x307: {  	[tilespmem:s26+$0x17E80] =	vst.add.f32.msk $0xffff, v8  }
0x308: {  	[tilespmem:s26+$0x17E00] =	vst.add.f32.msk $0xffff, v8  }
0x309: {  	[tilespmem:s26+$0x16980] =	vst.add.f32.msk $0xffff, v8  }
0x30a: {  	[tilespmem:s26+$0x16900] =	vst.add.f32.msk $0xffff, v8  }
0x30b: {  	[tilespmem:s26+$0x16880] =	vst.add.f32.msk $0xffff, v8  }
0x30c: {  	[tilespmem:s26+$0x16800] =	vst.add.f32.msk $0xffff, v8  }
0x30d: {  	[tilespmem:s26+$0x16780] =	vst.add.f32.msk $0xffff, v8  }
0x30e: {  	[tilespmem:s26+$0x16700] =	vst.add.f32.msk $0xffff, v8  }
0x30f: {  	[tilespmem:s26+$0x16680] =	vst.add.f32.msk $0xffff, v8  }
0x310: {  	[tilespmem:s26+$0x16600] =	vst.add.f32.msk $0xffff, v8  }
0x311: {  	[tilespmem:s26+$0x15180] =	vst.add.f32.msk $0xffff, v8  }
0x312: {  	[tilespmem:s26+$0x15100] =	vst.add.f32.msk $0xffff, v8  }
0x313: {  	[tilespmem:s26+$0x15080] =	vst.add.f32.msk $0xffff, v8  }
0x314: {  	[tilespmem:s26+$0x15000] =	vst.add.f32.msk $0xffff, v8  }
0x315: {  	[tilespmem:s26+$0x14F80] =	vst.add.f32.msk $0xffff, v8  }
0x316: {  	[tilespmem:s26+$0x14F00] =	vst.add.f32.msk $0xffff, v8  }
0x317: {  	s0 =	sor.u32 $0x18000, s26;
	[tilespmem:s26+$0x14E80] =	vst.add.f32.msk $0xffff, v8  }
0x318: {  	s1 =	sor.u32 $0x18080, s26;
	[tilespmem:s0+$0x0] =	vst.add.f32.msk $0xffff, v8  }
0x319: {  	s6 =	sor.u32 $0x18100, s26;
	[tilespmem:s1+$0x0] =	vst.add.f32.msk $0xffff, v8  }
0x31a: {  	s7 =	sor.u32 $0x18180, s26;
	[tilespmem:s6+$0x0] =	vst.add.f32.msk $0xffff, v8  }
0x31b: {  	[tilespmem:s7+$0x0] =	vst.add.f32.msk $0xffff, v8  }
0x31c: {  	v8 =	vld [tilespmem:$0x1F780];
	_ =	sdelay $0x4  }
0x31d: {  	v9 =	vshrl.u32 v8, $0x3  }
0x31e: {  	v9 =	vmul.u32 $0x30, v9  }
0x31f: {  	v8 =	vand.u32 $0x7, v8  }
0x320: {  	v8 =	vor.u32 v8, v9  }
0x321: {  	v9 =	vperm.xlane v8, v5;
	_ =	sdelay $0x1  }
0x322: {  	v9 =	vadd.s32 v6, v9;
	_ =	sdelay $0x3  }
0x323: {  	s13 =	simm.s32 $0x13600;
	s1 =	simm.s32 $0x0;
	v8 =	vperm.xlane v8, v7  }
0x324: {  	[hbm4b:s3+s1] =	stream.indirect_vreg.scatter [tilespmem:s13], [sflag:$0x9], $0x80, v9, vm0, $0xb8;
	[tilespmem:$0x1F880] =	vst v63  }
0x325: {  	s15 =	simm.s32 $0x13E00;
	v8 =	vadd.s32 v6, v8  }
0x326: {  	[hbm4b:s10+s1] =	stream.indirect_vreg.scatter [tilespmem:s15], [sflag:$0x9], $0x80, v9, vm0, $0xb8;
	[tilespmem:$0x1F880] =	vst v63  }
0x327: {  	s17 =	simm.s32 $0x14600  }
0x328: {  	[hbm4b:s11+s1] =	stream.indirect_vreg.scatter [tilespmem:s17], [sflag:$0x9], $0x80, v9, vm0, $0xb8;
	[tilespmem:$0x1F880] =	vst v63  }
0x329: {  	s24 =	simm.s32 $0x14E00  }
0x32a: {  	[hbm4b:s3+s1] =	stream.indirect_vreg.scatter [tilespmem:s24], [sflag:$0x9], $0x80, v8, vm0, $0xb8;
	[tilespmem:$0x1F880] =	vst v63  }
0x32b: {  	s26 =	simm.s32 $0x15600  }
0x32c: {  	[hbm4b:s10+s1] =	stream.indirect_vreg.scatter [tilespmem:s26], [sflag:$0x9], $0x80, v8, vm0, $0xb8;
	[tilespmem:$0x1F880] =	vst v63  }
0x32d: {  	s4 =	simm.s32 $0x15E00  }
0x32e: {  	[hbm4b:s11+s1] =	stream.indirect_vreg.scatter [tilespmem:s4], [sflag:$0x9], $0x80, v8, vm0, $0xb8;
	[tilespmem:$0x1F880] =	vst v63  }
0x32f: {  	v8 =	vld [tilespmem:$0x1F790];
	_ =	sdelay $0x4  }
0x330: {  	v9 =	vshrl.u32 v8, $0x3  }
0x331: {  	v9 =	vmul.u32 $0x30, v9  }
0x332: {  	v8 =	vand.u32 $0x7, v8  }
0x333: {  	v8 =	vor.u32 v8, v9  }
0x334: {  	v9 =	vperm.xlane v8, v5;
	_ =	sdelay $0x1  }
0x335: {  	v9 =	vadd.s32 v6, v9;
	_ =	sdelay $0x3  }
0x336: {  	s6 =	simm.s32 $0x16600;
	v8 =	vperm.xlane v8, v7  }
0x337: {  	[hbm4b:s3+s1] =	stream.indirect_vreg.scatter [tilespmem:s6], [sflag:$0x9], $0x80, v9, vm0, $0xb8;
	[tilespmem:$0x1F880] =	vst v63  }
0x338: {  	s7 =	simm.s32 $0x16E00;
	v8 =	vadd.s32 v6, v8  }
0x339: {  	[hbm4b:s10+s1] =	stream.indirect_vreg.scatter [tilespmem:s7], [sflag:$0x9], $0x80, v9, vm0, $0xb8;
	[tilespmem:$0x1F880] =	vst v63  }
0x33a: {  	s13 =	simm.s32 $0x17600  }
0x33b: {  	[hbm4b:s11+s1] =	stream.indirect_vreg.scatter [tilespmem:s13], [sflag:$0x9], $0x80, v9, vm0, $0xb8;
	[tilespmem:$0x1F880] =	vst v63  }
0x33c: {  	s15 =	simm.s32 $0x17E00  }
0x33d: {  	[hbm4b:s3+s1] =	stream.indirect_vreg.scatter [tilespmem:s15], [sflag:$0x9], $0x80, v8, vm0, $0xb8;
	[tilespmem:$0x1F880] =	vst v63  }
0x33e: {  	s17 =	simm.s32 $0x18600  }
0x33f: {  	[hbm4b:s10+s1] =	stream.indirect_vreg.scatter [tilespmem:s17], [sflag:$0x9], $0x80, v8, vm0, $0xb8;
	[tilespmem:$0x1F880] =	vst v63  }
0x340: {  	s24 =	simm.s32 $0x18E00;
	s26 =	simm.s32 $0x7  }
0x341: {  	[hbm4b:s11+s1] =	stream.indirect_vreg.scatter [tilespmem:s24], [sflag:$0x9], $0x80, v8, vm0, $0xb8;
	[tilespmem:$0x1F880] =	vst v63  }
0x342: {  	_ =	swait.ge [sflag:s26], $0x6000  }
0x343: {  	[sflag:s26] =	ssyncset.done $0x0  }
0x344: {  	[sflag:s26] =	ssyncadd.s32 $0xFFFFA000  }
0x345: {  	v8 =	vld [tilespmem:s25+$0xC0];
	_ =	sdelay $0x4  }
0x346: {  	v9 =	vshrl.u32 v8, $0x3  }
0x347: {  	v9 =	vmul.u32 $0x30, v9  }
0x348: {  	v8 =	vand.u32 $0x7, v8  }
0x349: {  	v8 =	vor.u32 v8, v9  }
0x34a: {  	v9 =	vperm.xlane v8, v5;
	_ =	sdelay $0x1  }
0x34b: {  	v9 =	vadd.s32 v6, v9;
	_ =	sdelay $0x3  }
0x34c: {  	v8 =	vperm.xlane v8, v7  }
0x34d: {  	[tilespmem:s31], [sflag:$0x2] =	stream.indirect_vreg.gather [hbm4b:s2+s1], $0x80, v9, vm0, $0xb8;
	[tilespmem:$0x1F880] =	vst v63  }
0x34e: {  	s17 =	simm.s32 $0x7E00;
	v8 =	vadd.s32 v6, v8  }
0x34f: {  	[tilespmem:s17], [sflag:$0x2] =	stream.indirect_vreg.gather [hbm4b:s8+s1], $0x80, v9, vm0, $0xb8;
	[tilespmem:$0x1F880] =	vst v63  }
0x350: {  	_ = 	snop  }
0x351: {  	[tilespmem:s18], [sflag:$0x2] =	stream.indirect_vreg.gather [hbm4b:s9+s1], $0x80, v9, vm0, $0xb8;
	[tilespmem:$0x1F880] =	vst v63  }
0x352: {  	s24 =	simm.s32 $0x8E00  }
0x353: {  	[tilespmem:s24], [sflag:$0x2] =	stream.indirect_vreg.gather [hbm4b:s2+s1], $0x80, v8, vm0, $0xb8;
	[tilespmem:$0x1F880] =	vst v63  }
0x354: {  	_ = 	snop  }
0x355: {  	[tilespmem:s21], [sflag:$0x2] =	stream.indirect_vreg.gather [hbm4b:s8+s1], $0x80, v8, vm0, $0xb8;
	[tilespmem:$0x1F880] =	vst v63  }
0x356: {  	s26 =	simm.s32 $0x9E00  }
0x357: {  	[tilespmem:s26], [sflag:$0x2] =	stream.indirect_vreg.gather [hbm4b:s9+s1], $0x80, v8, vm0, $0xb8;
	[tilespmem:$0x1F880] =	vst v63  }
0x358: {  	v8 =	vld [tilespmem:s25+$0xD0];
	_ =	sdelay $0x4  }
0x359: {  	v9 =	vshrl.u32 v8, $0x3  }
0x35a: {  	v9 =	vmul.u32 $0x30, v9  }
0x35b: {  	v8 =	vand.u32 $0x7, v8  }
0x35c: {  	v8 =	vor.u32 v8, v9  }
0x35d: {  	v9 =	vperm.xlane v8, v5;
	_ =	sdelay $0x1  }
0x35e: {  	v9 =	vadd.s32 v6, v9;
	_ =	sdelay $0x3  }
0x35f: {  	v8 =	vperm.xlane v8, v7  }
0x360: {  	[tilespmem:s22], [sflag:$0x2] =	stream.indirect_vreg.gather [hbm4b:s2+s1], $0x80, v9, vm0, $0xb8;
	[tilespmem:$0x1F880] =	vst v63  }
0x361: {  	s29 =	simm.s32 $0xAE00;
	v8 =	vadd.s32 v6, v8  }
0x362: {  	[tilespmem:s29], [sflag:$0x2] =	stream.indirect_vreg.gather [hbm4b:s8+s1], $0x80, v9, vm0, $0xb8;
	[tilespmem:$0x1F880] =	vst v63  }
0x363: {  	s13 =	sshll.u32 s28, $0x5  }
0x364: {  	[tilespmem:s14], [sflag:$0x2] =	stream.indirect_vreg.gather [hbm4b:s9+s1], $0x80, v9, vm0, $0xb8;
	[tilespmem:$0x1F880] =	vst v63  }
0x365: {  	s4 =	simm.s32 $0xBE00;
	s0 =	sadd.s32 s30, s13  }
0x366: {  	[tilespmem:s4], [sflag:$0x2] =	stream.indirect_vreg.gather [hbm4b:s2+s1], $0x80, v8, vm0, $0xb8;
	[tilespmem:$0x1F880] =	vst v63  }
0x367: {  	s4 =	sand.u32 $0x3E0, s0  }
0x368: {  	s6 =	simm.s32 $0xC600;
	s0 =	sshrl.u32 s0, $0xA;
	s4 =	smul.u32 $0x4D, s4  }
0x369: {  	[tilespmem:s6], [sflag:$0x2] =	stream.indirect_vreg.gather [hbm4b:s8+s1], $0x80, v8, vm0, $0xb8;
	[tilespmem:$0x1F880] =	vst v63  }
0x36a: {  	s7 =	simm.s32 $0xCE00;
	s0 =	sadd.s32 s0, s4  }
0x36b: {  	[tilespmem:s7], [sflag:$0x2] =	stream.indirect_vreg.gather [hbm4b:s9+s1], $0x80, v8, vm0, $0xb8;
	[tilespmem:$0x1F880] =	vst v63  }
0x36c: {  	v8 =	vadd.s32 s0, v0;
	s0 =	sadd.s32 $0x4D0, s0  }
0x36d: {  	[tilespmem:$0x1F800] =	vst v8;
	v8 =	vadd.s32 s0, v0  }
0x36e: {  	s6 =	simm.s32 $0x5;
	[tilespmem:$0x1F810] =	vst v8  }
0x36f: {  	s14 =	sadd.s32 $0x0, s12;
	_ =	swait.ge [sflag:s6], $0x6000  }
0x370: {  	s15 =	sand.u32 $0x70, s1;
	s0 =	sand.u32 $0xFFFFFF80, s14;
	[sflag:s6] =	ssyncset.done $0x0  }
0x371: {  	s0 =	sor.u32 s15, s0;
	[sflag:s6] =	ssyncadd.s32 $0xFFFFA000  }
0x372: {  	v8 =	vld [tilespmem:s0+$0xA00];
	_ =	sdelay $0x1  }
0x373: {  	s28 =	sand.u32 $0x1C00, s1  }
0x374: {  	s13 =	sor.u32 s15, s28  }
0x375: {  	s0 =	sadd.s32 $0x19600, s13  }
0x376: {  	s6 =	sor.u32 $0x80, s0;
	[tilespmem:s13+$0x19600] =	vst.add.f32.msk $0xffff, v8  }
0x377: {  	s7 =	sor.u32 $0x100, s0;
	[tilespmem:s6+$0x0] =	vst.add.f32.msk $0xffff, v8  }
0x378: {  	s14 =	sor.u32 $0x180, s0;
	[tilespmem:s7+$0x0] =	vst.add.f32.msk $0xffff, v8  }
0x379: {  	[tilespmem:s14+$0x0] =	vst.add.f32.msk $0xffff, v8  }
0x37a: {  	[tilespmem:s0+$0x300] =	vst.add.f32.msk $0xffff, v8  }
0x37b: {  	s15 =	sor.u32 s1, s1;
	[tilespmem:s0+$0x200] =	vst.add.f32.msk $0xffff, v8  }
0x37c: {  	s28 =	sor.u32 $0x380, s15;
	[tilespmem:s0+$0x280] =	vst.add.f32.msk $0xffff, v8  }
0x37d: {  	[tilespmem:s28+$0x19600] =	vst.add.f32.msk $0xffff, v8  }
0x37e: {  	[tilespmem:s13+$0x1AE00] =	vst.add.f32.msk $0xffff, v8  }
0x37f: {  	s7 =	simm.s32 $0x10;
	[tilespmem:s13+$0x1DF80] =	vst.add.f32.msk $0xffff, v8  }
.LBB2_11:
0x380: {  	p0 =	sne.s32 s7, $0x2F0  }
0x381: {  	[tilespmem:s13+$0x1DF00] =	vst.add.f32.msk $0xffff, v8;
	s1 =	sadd.s32 $0x80, s1;
	s15 =	smov.u32 s7;
	s7 =	sadd.s32 $0x10, s7  }
0x382: {  	[tilespmem:s13+$0x1DE80] =	vst.add.f32.msk $0xffff, v8  }
0x383: {  	[tilespmem:s13+$0x1DE00] =	vst.add.f32.msk $0xffff, v8  }
0x384: {  	[tilespmem:s13+$0x1C980] =	vst.add.f32.msk $0xffff, v8  }
0x385: {  	[tilespmem:s13+$0x1C900] =	vst.add.f32.msk $0xffff, v8  }
0x386: {  	[tilespmem:s13+$0x1C880] =	vst.add.f32.msk $0xffff, v8  }
0x387: {  	[tilespmem:s13+$0x1C800] =	vst.add.f32.msk $0xffff, v8  }
0x388: {  	[tilespmem:s13+$0x1C780] =	vst.add.f32.msk $0xffff, v8  }
0x389: {  	[tilespmem:s13+$0x1C700] =	vst.add.f32.msk $0xffff, v8  }
0x38a: {  	[tilespmem:s13+$0x1C680] =	vst.add.f32.msk $0xffff, v8  }
0x38b: {  	[tilespmem:s13+$0x1C600] =	vst.add.f32.msk $0xffff, v8  }
0x38c: {  	[tilespmem:s13+$0x1B180] =	vst.add.f32.msk $0xffff, v8  }
0x38d: {  	[tilespmem:s13+$0x1B100] =	vst.add.f32.msk $0xffff, v8  }
0x38e: {  	[tilespmem:s13+$0x1B080] =	vst.add.f32.msk $0xffff, v8  }
0x38f: {  	[tilespmem:s13+$0x1B000] =	vst.add.f32.msk $0xffff, v8  }
0x390: {  	[tilespmem:s13+$0x1AF80] =	vst.add.f32.msk $0xffff, v8  }
0x391: {  	s0 =	sor.u32 $0x1E000, s13;
	[tilespmem:s13+$0x1AF00] =	vst.add.f32.msk $0xffff, v8  }
0x392: {  	s4 =	sor.u32 $0x1E080, s13;
	[tilespmem:s13+$0x1AE80] =	vst.add.f32.msk $0xffff, v8  }
0x393: {  	[tilespmem:s0+$0x0] =	vst.add.f32.msk $0xffff, v8;
	s0 =	sor.u32 $0x1E100, s13  }
0x394: {  	s6 =	sadd.s32 s15, s12;
	[tilespmem:s4+$0x0] =	vst.add.f32.msk $0xffff, v8;
	s4 =	sor.u32 $0x1E180, s13  }
0x395: {  	s6 =	sand.u32 $0xFFFFFF80, s6;
	s13 =	sand.u32 $0x70, s15;
	[tilespmem:s0+$0x0] =	vst.add.f32.msk $0xffff, v8  }
0x396: {  	s0 =	sor.u32 s13, s6;
	[tilespmem:s4+$0x0] =	vst.add.f32.msk $0xffff, v8  }
0x397: {  	v8 =	vld [tilespmem:s0+$0xA00];
	_ =	sdelay $0x1  }
0x398: {  	s0 =	sand.u32 $0x1C00, s1  }
0x399: {  	s13 =	sor.u32 s13, s0  }
0x39a: {  	s0 =	sadd.s32 $0x19600, s13  }
0x39b: {  	s4 =	sor.u32 $0x80, s0;
	[tilespmem:s13+$0x19600] =	vst.add.f32.msk $0xffff, v8  }
0x39c: {  	[tilespmem:s4+$0x0] =	vst.add.f32.msk $0xffff, v8;
	s4 =	sor.u32 $0x100, s0  }
0x39d: {  	[tilespmem:s4+$0x0] =	vst.add.f32.msk $0xffff, v8;
	s4 =	sor.u32 $0x180, s0  }
0x39e: {  	[tilespmem:s4+$0x0] =	vst.add.f32.msk $0xffff, v8  }
0x39f: {  	[tilespmem:s0+$0x300] =	vst.add.f32.msk $0xffff, v8  }
.Ltmp4:
0x3a0: {  	s4 =	sor.u32 s1, s15;
	[tilespmem:s0+$0x200] =	vst.add.f32.msk $0xffff, v8;
	(pc) =	sbr.rel @p0 .LBB2_11-.Ltmp4, $4  }
0x3a1: {  	[tilespmem:s0+$0x280] =	vst.add.f32.msk $0xffff, v8;
	s0 =	sor.u32 $0x380, s4  }
0x3a2: {  	[tilespmem:s0+$0x19600] =	vst.add.f32.msk $0xffff, v8  }
0x3a3: {  	[tilespmem:s13+$0x1AE00] =	vst.add.f32.msk $0xffff, v8  }
0x3a4: {  	[tilespmem:s13+$0x1DF80] =	vst.add.f32.msk $0xffff, v8  }
0x3a5: {  	[tilespmem:s13+$0x1DF00] =	vst.add.f32.msk $0xffff, v8  }
0x3a6: {  	[tilespmem:s13+$0x1DE80] =	vst.add.f32.msk $0xffff, v8  }
0x3a7: {  	[tilespmem:s13+$0x1DE00] =	vst.add.f32.msk $0xffff, v8  }
0x3a8: {  	[tilespmem:s13+$0x1C980] =	vst.add.f32.msk $0xffff, v8  }
0x3a9: {  	[tilespmem:s13+$0x1C900] =	vst.add.f32.msk $0xffff, v8  }
0x3aa: {  	[tilespmem:s13+$0x1C880] =	vst.add.f32.msk $0xffff, v8  }
0x3ab: {  	[tilespmem:s13+$0x1C800] =	vst.add.f32.msk $0xffff, v8  }
0x3ac: {  	[tilespmem:s13+$0x1C780] =	vst.add.f32.msk $0xffff, v8  }
0x3ad: {  	[tilespmem:s13+$0x1C700] =	vst.add.f32.msk $0xffff, v8  }
0x3ae: {  	[tilespmem:s13+$0x1C680] =	vst.add.f32.msk $0xffff, v8  }
0x3af: {  	[tilespmem:s13+$0x1C600] =	vst.add.f32.msk $0xffff, v8  }
0x3b0: {  	[tilespmem:s13+$0x1B180] =	vst.add.f32.msk $0xffff, v8  }
0x3b1: {  	[tilespmem:s13+$0x1B100] =	vst.add.f32.msk $0xffff, v8  }
0x3b2: {  	[tilespmem:s13+$0x1B080] =	vst.add.f32.msk $0xffff, v8  }
0x3b3: {  	[tilespmem:s13+$0x1B000] =	vst.add.f32.msk $0xffff, v8  }
0x3b4: {  	[tilespmem:s13+$0x1AF80] =	vst.add.f32.msk $0xffff, v8  }
0x3b5: {  	[tilespmem:s13+$0x1AF00] =	vst.add.f32.msk $0xffff, v8  }
0x3b6: {  	s0 =	sor.u32 $0x1E000, s13;
	[tilespmem:s13+$0x1AE80] =	vst.add.f32.msk $0xffff, v8  }
0x3b7: {  	s1 =	sor.u32 $0x1E080, s13;
	[tilespmem:s0+$0x0] =	vst.add.f32.msk $0xffff, v8  }
0x3b8: {  	s12 =	sor.u32 $0x1E100, s13;
	[tilespmem:s1+$0x0] =	vst.add.f32.msk $0xffff, v8  }
0x3b9: {  	s13 =	sor.u32 $0x1E180, s13;
	[tilespmem:s12+$0x0] =	vst.add.f32.msk $0xffff, v8  }
0x3ba: {  	[tilespmem:s13+$0x0] =	vst.add.f32.msk $0xffff, v8  }
0x3bb: {  	v8 =	vld [tilespmem:$0x1F800];
	_ =	sdelay $0x4  }
0x3bc: {  	v9 =	vshrl.u32 v8, $0x3  }
0x3bd: {  	v9 =	vmul.u32 $0x30, v9  }
0x3be: {  	v8 =	vand.u32 $0x7, v8  }
0x3bf: {  	v8 =	vor.u32 v8, v9  }
0x3c0: {  	v9 =	vperm.xlane v8, v5;
	_ =	sdelay $0x1  }
0x3c1: {  	v9 =	vadd.s32 v6, v9;
	_ =	sdelay $0x3  }
0x3c2: {  	s14 =	simm.s32 $0x19600;
	v8 =	vperm.xlane v8, v7  }
0x3c3: {  	[hbm4b:s3+s5] =	stream.indirect_vreg.scatter [tilespmem:s14], [sflag:$0xA], $0x80, v9, vm0, $0xb8;
	[tilespmem:$0x1F880] =	vst v63  }
0x3c4: {  	s15 =	simm.s32 $0x19E00;
	v8 =	vadd.s32 v6, v8  }
0x3c5: {  	[hbm4b:s10+s5] =	stream.indirect_vreg.scatter [tilespmem:s15], [sflag:$0xA], $0x80, v9, vm0, $0xb8;
	[tilespmem:$0x1F880] =	vst v63  }
0x3c6: {  	s28 =	simm.s32 $0x1A600  }
0x3c7: {  	[hbm4b:s11+s5] =	stream.indirect_vreg.scatter [tilespmem:s28], [sflag:$0xA], $0x80, v9, vm0, $0xb8;
	[tilespmem:$0x1F880] =	vst v63  }
0x3c8: {  	s1 =	simm.s32 $0x1AE00  }
0x3c9: {  	[hbm4b:s3+s5] =	stream.indirect_vreg.scatter [tilespmem:s1], [sflag:$0xA], $0x80, v8, vm0, $0xb8;
	[tilespmem:$0x1F880] =	vst v63  }
0x3ca: {  	s4 =	simm.s32 $0x1B600  }
0x3cb: {  	[hbm4b:s10+s5] =	stream.indirect_vreg.scatter [tilespmem:s4], [sflag:$0xA], $0x80, v8, vm0, $0xb8;
	[tilespmem:$0x1F880] =	vst v63  }
0x3cc: {  	s6 =	simm.s32 $0x1BE00  }
0x3cd: {  	[hbm4b:s11+s5] =	stream.indirect_vreg.scatter [tilespmem:s6], [sflag:$0xA], $0x80, v8, vm0, $0xb8;
	[tilespmem:$0x1F880] =	vst v63  }
0x3ce: {  	v8 =	vld [tilespmem:$0x1F810];
	_ =	sdelay $0x4  }
0x3cf: {  	v63 =	vshrl.u32 v8, $0x3  }
0x3d0: {  	v9 =	vmul.u32 $0x30, v63  }
0x3d1: {  	v8 =	vand.u32 $0x7, v8  }
0x3d2: {  	v8 =	vor.u32 v8, v9  }
0x3d3: {  	v9 =	vperm.xlane v8, v5;
	_ =	sdelay $0x1  }
0x3d4: {  	v9 =	vadd.s32 v6, v9;
	_ =	sdelay $0x3  }
0x3d5: {  	s7 =	simm.s32 $0x1C600;
	v8 =	vperm.xlane v8, v7  }
0x3d6: {  	[hbm4b:s3+s5] =	stream.indirect_vreg.scatter [tilespmem:s7], [sflag:$0xA], $0x80, v9, vm0, $0xb8;
	[tilespmem:$0x1F880] =	vst v63  }
0x3d7: {  	s12 =	simm.s32 $0x1CE00;
	v8 =	vadd.s32 v6, v8  }
0x3d8: {  	[hbm4b:s10+s5] =	stream.indirect_vreg.scatter [tilespmem:s12], [sflag:$0xA], $0x80, v9, vm0, $0xb8;
	[tilespmem:$0x1F880] =	vst v63  }
0x3d9: {  	s13 =	simm.s32 $0x1D600  }
0x3da: {  	[hbm4b:s11+s5] =	stream.indirect_vreg.scatter [tilespmem:s13], [sflag:$0xA], $0x80, v9, vm0, $0xb8;
	[tilespmem:$0x1F880] =	vst v63  }
0x3db: {  	p0 =	seq.s32 s23, $0xE;
	s14 =	simm.s32 $0x1DE00  }
0x3dc: {  	[hbm4b:s3+s5] =	stream.indirect_vreg.scatter [tilespmem:s14], [sflag:$0xA], $0x80, v8, vm0, $0xb8;
	[tilespmem:$0x1F880] =	vst v63  }
.Ltmp5:
0x3dd: {  	_ = 	snop;
	(pc) =	sbr.rel @p0 .LBB2_14-.Ltmp5, $4  }
0x3de: {  	s15 =	simm.s32 $0x1E600  }
0x3df: {  	[hbm4b:s10+s5] =	stream.indirect_vreg.scatter [tilespmem:s15], [sflag:$0xA], $0x80, v8, vm0, $0xb8;
	[tilespmem:$0x1F880] =	vst v63  }
0x3e0: {  	s28 =	simm.s32 $0x1EE00  }
0x3e1: {  	[hbm4b:s11+s5] =	stream.indirect_vreg.scatter [tilespmem:s28], [sflag:$0xA], $0x80, v8, vm0, $0xb8;
	[tilespmem:$0x1F880] =	vst v63  }
0x3e2: {  	s0 =	simm.s32 $0x8  }
0x3e3: {  	_ =	swait.ge [sflag:s0], $0x6000  }
0x3e4: {  	[sflag:s0] =	ssyncset.done $0x0  }
0x3e5: {  	[sflag:s0] =	ssyncadd.s32 $0xFFFFA000  }
0x3e6: {  	v8 =	vld [tilespmem:s25+$0xE0];
	_ =	sdelay $0x4  }
0x3e7: {  	v9 =	vshrl.u32 v8, $0x3  }
0x3e8: {  	v9 =	vmul.u32 $0x30, v9  }
0x3e9: {  	v8 =	vand.u32 $0x7, v8  }
0x3ea: {  	v8 =	vor.u32 v8, v9  }
0x3eb: {  	v9 =	vperm.xlane v8, v5;
	_ =	sdelay $0x1  }
0x3ec: {  	v9 =	vadd.s32 v6, v9;
	_ =	sdelay $0x3  }
0x3ed: {  	s31 =	simm.s32 $0xD600;
	v8 =	vperm.xlane v8, v7  }
0x3ee: {  	[tilespmem:s31], [sflag:$0x3] =	stream.indirect_vreg.gather [hbm4b:s2+s5], $0x80, v9, vm0, $0xb8;
	[tilespmem:$0x1F880] =	vst v63  }
0x3ef: {  	s1 =	simm.s32 $0xDE00;
	v8 =	vadd.s32 v6, v8  }
0x3f0: {  	[tilespmem:s1], [sflag:$0x3] =	stream.indirect_vreg.gather [hbm4b:s8+s5], $0x80, v9, vm0, $0xb8;
	[tilespmem:$0x1F880] =	vst v63  }
0x3f1: {  	s4 =	simm.s32 $0xE600  }
0x3f2: {  	[tilespmem:s4], [sflag:$0x3] =	stream.indirect_vreg.gather [hbm4b:s9+s5], $0x80, v9, vm0, $0xb8;
	[tilespmem:$0x1F880] =	vst v63  }
0x3f3: {  	s6 =	simm.s32 $0xEE00  }
0x3f4: {  	[tilespmem:s6], [sflag:$0x3] =	stream.indirect_vreg.gather [hbm4b:s2+s5], $0x80, v8, vm0, $0xb8;
	[tilespmem:$0x1F880] =	vst v63  }
0x3f5: {  	s7 =	simm.s32 $0xF600  }
0x3f6: {  	[tilespmem:s7], [sflag:$0x3] =	stream.indirect_vreg.gather [hbm4b:s8+s5], $0x80, v8, vm0, $0xb8;
	[tilespmem:$0x1F880] =	vst v63  }
0x3f7: {  	s12 =	simm.s32 $0xFE00  }
0x3f8: {  	[tilespmem:s12], [sflag:$0x3] =	stream.indirect_vreg.gather [hbm4b:s9+s5], $0x80, v8, vm0, $0xb8;
	[tilespmem:$0x1F880] =	vst v63  }
0x3f9: {  	v8 =	vld [tilespmem:s25+$0xF0];
	_ =	sdelay $0x4  }
0x3fa: {  	v63 =	vshrl.u32 v8, $0x3  }
0x3fb: {  	v9 =	vmul.u32 $0x30, v63  }
0x3fc: {  	v8 =	vand.u32 $0x7, v8  }
0x3fd: {  	v8 =	vor.u32 v8, v9  }
0x3fe: {  	v9 =	vperm.xlane v8, v5;
	_ =	sdelay $0x1  }
0x3ff: {  	v9 =	vadd.s32 v6, v9;
	_ =	sdelay $0x2  }
0x400: {  	s14 =	simm.s32 $0xAE00  }
0x401: {  	s22 =	simm.s32 $0x9E00;
	s21 =	simm.s32 $0x8E00;
	s13 =	simm.s32 $0x10600;
	v8 =	vperm.xlane v8, v7  }
0x402: {  	[tilespmem:s13], [sflag:$0x3] =	stream.indirect_vreg.gather [hbm4b:s2+s5], $0x80, v9, vm0, $0xb8;
	[tilespmem:$0x1F880] =	vst v63  }
0x403: {  	s18 =	simm.s32 $0x7E00;
	s15 =	simm.s32 $0x10E00;
	s29 =	rddreg [dreg:$0x13];
	v8 =	vadd.s32 v6, v8  }
0x404: {  	[tilespmem:s15], [sflag:$0x3] =	stream.indirect_vreg.gather [hbm4b:s8+s5], $0x80, v9, vm0, $0xb8;
	[tilespmem:$0x1F880] =	vst v63  }
0x405: {  	s17 =	simm.s32 $0x11600;
	s24 =	simm.s32 $0x11E00;
	s28 =	rddreg [dreg:$0x12]  }
0x406: {  	[tilespmem:s17], [sflag:$0x3] =	stream.indirect_vreg.gather [hbm4b:s9+s5], $0x80, v9, vm0, $0xb8;
	[tilespmem:$0x1F880] =	vst v63  }
0x407: {  	s26 =	simm.s32 $0x12E00;
	s23 =	sadd.s32 $0x1, s23;
	s31 =	rddreg [dreg:$0x11]  }
0x408: {  	[tilespmem:s24], [sflag:$0x3] =	stream.indirect_vreg.gather [hbm4b:s2+s5], $0x80, v8, vm0, $0xb8;
	[tilespmem:$0x1F880] =	vst v63  }
.Ltmp6:
0x409: {  	s0 =	sadd.s32 $0xA0, s29;
	s4 =	rddreg [dreg:$0xf];
	(pc) =	sbr.rel .LBB2_2-.Ltmp6, $4  }
0x40a: {  	s28 =	sadd.s32 $0xA0, s28;
	s6 =	rddreg [dreg:$0x10];
	s25 =	simm.s32 $0x12600  }
0x40b: {  	[tilespmem:s25], [sflag:$0x3] =	stream.indirect_vreg.gather [hbm4b:s8+s5], $0x80, v8, vm0, $0xb8;
	[tilespmem:$0x1F880] =	vst v63  }
0x40c: {  	s4 =	sadd.s32 $0xA0, s4;
	s6 =	sadd.s32 $0xA0, s6;
	s25 =	sadd.s32 $0xA0, s31  }
0x40d: {  	[tilespmem:s26], [sflag:$0x3] =	stream.indirect_vreg.gather [hbm4b:s9+s5], $0x80, v8, vm0, $0xb8;
	[tilespmem:$0x1F880] =	vst v63  }
.LBB2_14:
0x40e: {  	[tilespmem:$0x1F600] =	vst v1  }
0x40f: {  	[tilespmem:$0x1F610] =	vst v2;
	s4 =	simm.s32 $0x1  }
0x410: {  	s7 =	simm.s32 $0x0;
	s0 =	sadd.s32 $0x0, s19;
	_ =	swait.ge [sflag:s4], $0x6000  }
0x411: {  	s0 =	sand.u32 $0xFFFFFF80, s0;
	s1 =	sand.u32 $0x70, s7;
	[sflag:s4] =	ssyncset.done $0x0  }
0x412: {  	s0 =	sor.u32 s1, s0;
	[sflag:s4] =	ssyncadd.s32 $0xFFFFA000  }
0x413: {  	v8 =	vld [tilespmem:s0+$0xA00];
	_ =	sdelay $0x2  }
0x414: {  	s28 =	sand.u32 $0x1C00, s7  }
0x415: {  	s1 =	sor.u32 s1, s28  }
0x416: {  	[tilespmem:s1+$0x1780] =	vst.add.f32.msk $0xffff, v8  }
0x417: {  	[tilespmem:s1+$0x1700] =	vst.add.f32.msk $0xffff, v8  }
0x418: {  	[tilespmem:s1+$0x1600] =	vst.add.f32.msk $0xffff, v8  }
0x419: {  	s13 =	simm.s32 $0x10;
	s12 =	sor.u32 s7, s7;
	[tilespmem:s1+$0x1680] =	vst.add.f32.msk $0xffff, v8  }
.LBB2_15:
0x41a: {  	p0 =	sne.s32 s13, $0x2F0  }
0x41b: {  	[tilespmem:s1+$0x1800] =	vst.add.f32.msk $0xffff, v8;
	s7 =	sadd.s32 $0x80, s7;
	s0 =	smov.u32 s13;
	s13 =	sadd.s32 $0x10, s13  }
0x41c: {  	s4 =	sor.u32 s7, s0;
	[tilespmem:s1+$0x1900] =	vst.add.f32.msk $0xffff, v8  }
0x41d: {  	s6 =	sor.u32 $0x380, s12;
	[tilespmem:s1+$0x1880] =	vst.add.f32.msk $0xffff, v8;
	s12 =	smov.u32 s4  }
0x41e: {  	[tilespmem:s6+$0x1600] =	vst.add.f32.msk $0xffff, v8  }
0x41f: {  	[tilespmem:s1+$0x2E00] =	vst.add.f32.msk $0xffff, v8  }
0x420: {  	[tilespmem:s1+$0x5F80] =	vst.add.f32.msk $0xffff, v8  }
0x421: {  	[tilespmem:s1+$0x5F00] =	vst.add.f32.msk $0xffff, v8  }
0x422: {  	[tilespmem:s1+$0x5E80] =	vst.add.f32.msk $0xffff, v8  }
0x423: {  	[tilespmem:s1+$0x5E00] =	vst.add.f32.msk $0xffff, v8  }
0x424: {  	[tilespmem:s1+$0x4980] =	vst.add.f32.msk $0xffff, v8  }
0x425: {  	[tilespmem:s1+$0x4900] =	vst.add.f32.msk $0xffff, v8  }
0x426: {  	[tilespmem:s1+$0x4880] =	vst.add.f32.msk $0xffff, v8  }
0x427: {  	[tilespmem:s1+$0x4800] =	vst.add.f32.msk $0xffff, v8  }
0x428: {  	[tilespmem:s1+$0x4780] =	vst.add.f32.msk $0xffff, v8  }
0x429: {  	[tilespmem:s1+$0x4700] =	vst.add.f32.msk $0xffff, v8  }
0x42a: {  	[tilespmem:s1+$0x4680] =	vst.add.f32.msk $0xffff, v8  }
0x42b: {  	[tilespmem:s1+$0x4600] =	vst.add.f32.msk $0xffff, v8  }
0x42c: {  	[tilespmem:s1+$0x3180] =	vst.add.f32.msk $0xffff, v8  }
0x42d: {  	[tilespmem:s1+$0x3100] =	vst.add.f32.msk $0xffff, v8  }
0x42e: {  	[tilespmem:s1+$0x3080] =	vst.add.f32.msk $0xffff, v8  }
0x42f: {  	[tilespmem:s1+$0x3000] =	vst.add.f32.msk $0xffff, v8  }
0x430: {  	[tilespmem:s1+$0x2F80] =	vst.add.f32.msk $0xffff, v8  }
0x431: {  	s4 =	sor.u32 $0x6000, s1;
	[tilespmem:s1+$0x2F00] =	vst.add.f32.msk $0xffff, v8  }
0x432: {  	s14 =	sor.u32 $0x6080, s1;
	s6 =	sadd.s32 s0, s19;
	[tilespmem:s1+$0x2E80] =	vst.add.f32.msk $0xffff, v8  }
0x433: {  	s0 =	sand.u32 $0x70, s0;
	s6 =	sand.u32 $0xFFFFFF80, s6;
	[tilespmem:s4+$0x0] =	vst.add.f32.msk $0xffff, v8;
	s4 =	sor.u32 $0x6100, s1  }
0x434: {  	s6 =	sor.u32 s0, s6;
	s1 =	sor.u32 $0x6180, s1;
	[tilespmem:s14+$0x0] =	vst.add.f32.msk $0xffff, v8  }
0x435: {  	[tilespmem:s4+$0x0] =	vst.add.f32.msk $0xffff, v8  }
0x436: {  	[tilespmem:s1+$0x0] =	vst.add.f32.msk $0xffff, v8  }
0x437: {  	v8 =	vld [tilespmem:s6+$0xA00];
	_ =	sdelay $0x2  }
0x438: {  	s1 =	sand.u32 $0x1C00, s7  }
.Ltmp7:
0x439: {  	s1 =	sor.u32 s0, s1;
	(pc) =	sbr.rel @p0 .LBB2_15-.Ltmp7, $4  }
0x43a: {  	[tilespmem:s1+$0x1780] =	vst.add.f32.msk $0xffff, v8  }
0x43b: {  	[tilespmem:s1+$0x1700] =	vst.add.f32.msk $0xffff, v8  }
0x43c: {  	[tilespmem:s1+$0x1600] =	vst.add.f32.msk $0xffff, v8  }
0x43d: {  	[tilespmem:s1+$0x1680] =	vst.add.f32.msk $0xffff, v8  }
0x43e: {  	[tilespmem:s1+$0x1800] =	vst.add.f32.msk $0xffff, v8  }
0x43f: {  	[tilespmem:s1+$0x1900] =	vst.add.f32.msk $0xffff, v8  }
0x440: {  	[tilespmem:s1+$0x1880] =	vst.add.f32.msk $0xffff, v8;
	s0 =	sor.u32 $0x380, s12  }
0x441: {  	[tilespmem:s0+$0x1600] =	vst.add.f32.msk $0xffff, v8  }
0x442: {  	[tilespmem:s1+$0x2E00] =	vst.add.f32.msk $0xffff, v8  }
0x443: {  	[tilespmem:s1+$0x5F80] =	vst.add.f32.msk $0xffff, v8  }
0x444: {  	[tilespmem:s1+$0x5F00] =	vst.add.f32.msk $0xffff, v8  }
0x445: {  	[tilespmem:s1+$0x5E80] =	vst.add.f32.msk $0xffff, v8  }
0x446: {  	[tilespmem:s1+$0x5E00] =	vst.add.f32.msk $0xffff, v8  }
0x447: {  	[tilespmem:s1+$0x4980] =	vst.add.f32.msk $0xffff, v8  }
0x448: {  	[tilespmem:s1+$0x4900] =	vst.add.f32.msk $0xffff, v8  }
0x449: {  	[tilespmem:s1+$0x4880] =	vst.add.f32.msk $0xffff, v8  }
0x44a: {  	[tilespmem:s1+$0x4800] =	vst.add.f32.msk $0xffff, v8  }
0x44b: {  	[tilespmem:s1+$0x4780] =	vst.add.f32.msk $0xffff, v8  }
0x44c: {  	[tilespmem:s1+$0x4700] =	vst.add.f32.msk $0xffff, v8  }
0x44d: {  	[tilespmem:s1+$0x4680] =	vst.add.f32.msk $0xffff, v8  }
0x44e: {  	[tilespmem:s1+$0x4600] =	vst.add.f32.msk $0xffff, v8  }
0x44f: {  	[tilespmem:s1+$0x3180] =	vst.add.f32.msk $0xffff, v8  }
0x450: {  	[tilespmem:s1+$0x3100] =	vst.add.f32.msk $0xffff, v8  }
0x451: {  	[tilespmem:s1+$0x3080] =	vst.add.f32.msk $0xffff, v8  }
0x452: {  	[tilespmem:s1+$0x3000] =	vst.add.f32.msk $0xffff, v8  }
0x453: {  	[tilespmem:s1+$0x2F80] =	vst.add.f32.msk $0xffff, v8  }
0x454: {  	[tilespmem:s1+$0x2F00] =	vst.add.f32.msk $0xffff, v8  }
0x455: {  	s7 =	sor.u32 $0x6000, s1;
	[tilespmem:s1+$0x2E80] =	vst.add.f32.msk $0xffff, v8  }
0x456: {  	s4 =	sor.u32 $0x6080, s1;
	[tilespmem:s7+$0x0] =	vst.add.f32.msk $0xffff, v8  }
0x457: {  	s12 =	sor.u32 $0x6100, s1;
	[tilespmem:s4+$0x0] =	vst.add.f32.msk $0xffff, v8  }
0x458: {  	s13 =	sor.u32 $0x6180, s1;
	[tilespmem:s12+$0x0] =	vst.add.f32.msk $0xffff, v8  }
0x459: {  	[tilespmem:s13+$0x0] =	vst.add.f32.msk $0xffff, v8  }
0x45a: {  	v8 =	vld [tilespmem:$0x1F600];
	_ =	sdelay $0x4  }
0x45b: {  	v9 =	vshrl.u32 v8, $0x3  }
0x45c: {  	v9 =	vmul.u32 $0x30, v9  }
0x45d: {  	v8 =	vand.u32 $0x7, v8  }
0x45e: {  	v8 =	vor.u32 v8, v9  }
0x45f: {  	v9 =	vperm.xlane v8, v5;
	_ =	sdelay $0x1  }
0x460: {  	v9 =	vadd.s32 v6, v9;
	_ =	sdelay $0x3  }
0x461: {  	s14 =	simm.s32 $0x1600;
	s1 =	simm.s32 $0x0;
	v8 =	vperm.xlane v8, v7  }
0x462: {  	[hbm4b:s3+s1] =	stream.indirect_vreg.scatter [tilespmem:s14], [sflag:$0x6], $0x80, v9, vm0, $0xb8;
	[tilespmem:$0x1F880] =	vst v63  }
0x463: {  	s15 =	simm.s32 $0x1E00;
	v8 =	vadd.s32 v6, v8  }
0x464: {  	[hbm4b:s10+s1] =	stream.indirect_vreg.scatter [tilespmem:s15], [sflag:$0x6], $0x80, v9, vm0, $0xb8;
	[tilespmem:$0x1F880] =	vst v63  }
0x465: {  	s23 =	simm.s32 $0x2600  }
0x466: {  	[hbm4b:s11+s1] =	stream.indirect_vreg.scatter [tilespmem:s23], [sflag:$0x6], $0x80, v9, vm0, $0xb8;
	[tilespmem:$0x1F880] =	vst v63  }
0x467: {  	s25 =	simm.s32 $0x2E00  }
0x468: {  	[hbm4b:s3+s1] =	stream.indirect_vreg.scatter [tilespmem:s25], [sflag:$0x6], $0x80, v8, vm0, $0xb8;
	[tilespmem:$0x1F880] =	vst v63  }
0x469: {  	s28 =	simm.s32 $0x3600  }
0x46a: {  	[hbm4b:s10+s1] =	stream.indirect_vreg.scatter [tilespmem:s28], [sflag:$0x6], $0x80, v8, vm0, $0xb8;
	[tilespmem:$0x1F880] =	vst v63  }
0x46b: {  	s4 =	simm.s32 $0x3E00  }
0x46c: {  	[hbm4b:s11+s1] =	stream.indirect_vreg.scatter [tilespmem:s4], [sflag:$0x6], $0x80, v8, vm0, $0xb8;
	[tilespmem:$0x1F880] =	vst v63  }
0x46d: {  	v8 =	vld [tilespmem:$0x1F610];
	_ =	sdelay $0x4  }
0x46e: {  	v9 =	vshrl.u32 v8, $0x3  }
0x46f: {  	v9 =	vmul.u32 $0x30, v9  }
0x470: {  	v8 =	vand.u32 $0x7, v8  }
0x471: {  	v8 =	vor.u32 v8, v9  }
0x472: {  	v9 =	vperm.xlane v8, v5;
	_ =	sdelay $0x1  }
0x473: {  	v9 =	vadd.s32 v6, v9;
	_ =	sdelay $0x3  }
0x474: {  	s6 =	simm.s32 $0x4600;
	v8 =	vperm.xlane v8, v7  }
0x475: {  	[hbm4b:s3+s1] =	stream.indirect_vreg.scatter [tilespmem:s6], [sflag:$0x6], $0x80, v9, vm0, $0xb8;
	[tilespmem:$0x1F880] =	vst v63  }
0x476: {  	s7 =	simm.s32 $0x4E00;
	v8 =	vadd.s32 v6, v8  }
0x477: {  	[hbm4b:s10+s1] =	stream.indirect_vreg.scatter [tilespmem:s7], [sflag:$0x6], $0x80, v9, vm0, $0xb8;
	[tilespmem:$0x1F880] =	vst v63  }
0x478: {  	s12 =	simm.s32 $0x5600  }
0x479: {  	[hbm4b:s11+s1] =	stream.indirect_vreg.scatter [tilespmem:s12], [sflag:$0x6], $0x80, v9, vm0, $0xb8;
	[tilespmem:$0x1F880] =	vst v63  }
0x47a: {  	s13 =	simm.s32 $0x5E00  }
0x47b: {  	[hbm4b:s3+s1] =	stream.indirect_vreg.scatter [tilespmem:s13], [sflag:$0x6], $0x80, v8, vm0, $0xb8;
	[tilespmem:$0x1F880] =	vst v63  }
0x47c: {  	s14 =	simm.s32 $0x6600  }
0x47d: {  	[hbm4b:s10+s1] =	stream.indirect_vreg.scatter [tilespmem:s14], [sflag:$0x6], $0x80, v8, vm0, $0xb8;
	[tilespmem:$0x1F880] =	vst v63  }
0x47e: {  	s15 =	simm.s32 $0x6E00  }
0x47f: {  	[hbm4b:s11+s1] =	stream.indirect_vreg.scatter [tilespmem:s15], [sflag:$0x6], $0x80, v8, vm0, $0xb8;
	[tilespmem:$0x1F880] =	vst v63  }
0x480: {  	[tilespmem:$0x1F680] =	vst v3  }
0x481: {  	s6 =	simm.s32 $0x2;
	[tilespmem:$0x1F690] =	vst v4  }
0x482: {  	s23 =	sadd.s32 $0x0, s20;
	_ =	swait.ge [sflag:s6], $0x6000  }
0x483: {  	s0 =	sand.u32 $0xFFFFFF80, s23;
	s25 =	sand.u32 $0x70, s1;
	[sflag:s6] =	ssyncset.done $0x0  }
0x484: {  	s0 =	sor.u32 s25, s0;
	[sflag:s6] =	ssyncadd.s32 $0xFFFFA000  }
0x485: {  	v8 =	vld [tilespmem:s0+$0xA00];
	_ =	sdelay $0x2  }
0x486: {  	s28 =	sand.u32 $0x1C00, s1  }
0x487: {  	s12 =	sor.u32 s25, s28  }
0x488: {  	[tilespmem:s12+$0x7780] =	vst.add.f32.msk $0xffff, v8  }
0x489: {  	[tilespmem:s12+$0x7700] =	vst.add.f32.msk $0xffff, v8  }
0x48a: {  	[tilespmem:s12+$0x7600] =	vst.add.f32.msk $0xffff, v8  }
0x48b: {  	s7 =	sor.u32 s1, s1;
	s13 =	simm.s32 $0x10;
	s15 =	simm.s32 $0xCE00;
	[tilespmem:s12+$0x7680] =	vst.add.f32.msk $0xffff, v8  }
.LBB2_17:
0x48c: {  	p0 =	sne.s32 s13, $0x2F0  }
0x48d: {  	[tilespmem:s12+$0x7800] =	vst.add.f32.msk $0xffff, v8;
	s1 =	sadd.s32 $0x80, s1;
	s0 =	smov.u32 s13;
	s13 =	sadd.s32 $0x10, s13  }
0x48e: {  	s4 =	sor.u32 s1, s0;
	[tilespmem:s12+$0x7900] =	vst.add.f32.msk $0xffff, v8  }
0x48f: {  	s6 =	sor.u32 $0x380, s7;
	[tilespmem:s12+$0x7880] =	vst.add.f32.msk $0xffff, v8;
	s7 =	smov.u32 s4  }
0x490: {  	[tilespmem:s6+$0x7600] =	vst.add.f32.msk $0xffff, v8  }
0x491: {  	[tilespmem:s12+$0x8E00] =	vst.add.f32.msk $0xffff, v8  }
0x492: {  	[tilespmem:s12+$0xBF80] =	vst.add.f32.msk $0xffff, v8  }
0x493: {  	[tilespmem:s12+$0xBF00] =	vst.add.f32.msk $0xffff, v8  }
0x494: {  	[tilespmem:s12+$0xBE80] =	vst.add.f32.msk $0xffff, v8  }
0x495: {  	[tilespmem:s12+$0xBE00] =	vst.add.f32.msk $0xffff, v8  }
0x496: {  	[tilespmem:s12+$0xA980] =	vst.add.f32.msk $0xffff, v8  }
0x497: {  	[tilespmem:s12+$0xA900] =	vst.add.f32.msk $0xffff, v8  }
0x498: {  	[tilespmem:s12+$0xA880] =	vst.add.f32.msk $0xffff, v8  }
0x499: {  	[tilespmem:s12+$0xA800] =	vst.add.f32.msk $0xffff, v8  }
0x49a: {  	[tilespmem:s12+$0xA780] =	vst.add.f32.msk $0xffff, v8  }
0x49b: {  	[tilespmem:s12+$0xA700] =	vst.add.f32.msk $0xffff, v8  }
0x49c: {  	[tilespmem:s12+$0xA680] =	vst.add.f32.msk $0xffff, v8  }
0x49d: {  	[tilespmem:s12+$0xA600] =	vst.add.f32.msk $0xffff, v8  }
0x49e: {  	[tilespmem:s12+$0x9180] =	vst.add.f32.msk $0xffff, v8  }
0x49f: {  	[tilespmem:s12+$0x9100] =	vst.add.f32.msk $0xffff, v8  }
0x4a0: {  	[tilespmem:s12+$0x9080] =	vst.add.f32.msk $0xffff, v8  }
0x4a1: {  	[tilespmem:s12+$0x9000] =	vst.add.f32.msk $0xffff, v8  }
0x4a2: {  	[tilespmem:s12+$0x8F80] =	vst.add.f32.msk $0xffff, v8  }
0x4a3: {  	s4 =	sor.u32 $0xC000, s12;
	[tilespmem:s12+$0x8F00] =	vst.add.f32.msk $0xffff, v8  }
0x4a4: {  	s14 =	sor.u32 $0xC080, s12;
	s6 =	sadd.s32 s0, s20;
	[tilespmem:s12+$0x8E80] =	vst.add.f32.msk $0xffff, v8  }
0x4a5: {  	s0 =	sand.u32 $0x70, s0;
	s6 =	sand.u32 $0xFFFFFF80, s6;
	[tilespmem:s4+$0x0] =	vst.add.f32.msk $0xffff, v8;
	s4 =	sor.u32 $0xC100, s12  }
0x4a6: {  	s6 =	sor.u32 s0, s6;
	s12 =	sor.u32 $0xC180, s12;
	[tilespmem:s14+$0x0] =	vst.add.f32.msk $0xffff, v8  }
0x4a7: {  	[tilespmem:s4+$0x0] =	vst.add.f32.msk $0xffff, v8  }
0x4a8: {  	[tilespmem:s12+$0x0] =	vst.add.f32.msk $0xffff, v8  }
0x4a9: {  	v8 =	vld [tilespmem:s6+$0xA00];
	_ =	sdelay $0x2  }
0x4aa: {  	s4 =	sand.u32 $0x1C00, s1  }
.Ltmp8:
0x4ab: {  	s12 =	sor.u32 s0, s4;
	(pc) =	sbr.rel @p0 .LBB2_17-.Ltmp8, $4  }
0x4ac: {  	[tilespmem:s12+$0x7780] =	vst.add.f32.msk $0xffff, v8  }
0x4ad: {  	[tilespmem:s12+$0x7700] =	vst.add.f32.msk $0xffff, v8  }
0x4ae: {  	[tilespmem:s12+$0x7600] =	vst.add.f32.msk $0xffff, v8  }
0x4af: {  	[tilespmem:s12+$0x7680] =	vst.add.f32.msk $0xffff, v8  }
0x4b0: {  	[tilespmem:s12+$0x7800] =	vst.add.f32.msk $0xffff, v8  }
0x4b1: {  	[tilespmem:s12+$0x7900] =	vst.add.f32.msk $0xffff, v8  }
0x4b2: {  	[tilespmem:s12+$0x7880] =	vst.add.f32.msk $0xffff, v8;
	s0 =	sor.u32 $0x380, s7  }
0x4b3: {  	[tilespmem:s0+$0x7600] =	vst.add.f32.msk $0xffff, v8  }
0x4b4: {  	[tilespmem:s12+$0x8E00] =	vst.add.f32.msk $0xffff, v8  }
0x4b5: {  	[tilespmem:s12+$0xBF80] =	vst.add.f32.msk $0xffff, v8  }
0x4b6: {  	[tilespmem:s12+$0xBF00] =	vst.add.f32.msk $0xffff, v8  }
0x4b7: {  	[tilespmem:s12+$0xBE80] =	vst.add.f32.msk $0xffff, v8  }
0x4b8: {  	[tilespmem:s12+$0xBE00] =	vst.add.f32.msk $0xffff, v8  }
0x4b9: {  	[tilespmem:s12+$0xA980] =	vst.add.f32.msk $0xffff, v8  }
0x4ba: {  	[tilespmem:s12+$0xA900] =	vst.add.f32.msk $0xffff, v8  }
0x4bb: {  	[tilespmem:s12+$0xA880] =	vst.add.f32.msk $0xffff, v8  }
0x4bc: {  	[tilespmem:s12+$0xA800] =	vst.add.f32.msk $0xffff, v8  }
0x4bd: {  	[tilespmem:s12+$0xA780] =	vst.add.f32.msk $0xffff, v8  }
0x4be: {  	[tilespmem:s12+$0xA700] =	vst.add.f32.msk $0xffff, v8  }
0x4bf: {  	[tilespmem:s12+$0xA680] =	vst.add.f32.msk $0xffff, v8  }
0x4c0: {  	[tilespmem:s12+$0xA600] =	vst.add.f32.msk $0xffff, v8  }
0x4c1: {  	[tilespmem:s12+$0x9180] =	vst.add.f32.msk $0xffff, v8  }
0x4c2: {  	[tilespmem:s12+$0x9100] =	vst.add.f32.msk $0xffff, v8  }
0x4c3: {  	[tilespmem:s12+$0x9080] =	vst.add.f32.msk $0xffff, v8  }
0x4c4: {  	[tilespmem:s12+$0x9000] =	vst.add.f32.msk $0xffff, v8  }
0x4c5: {  	[tilespmem:s12+$0x8F80] =	vst.add.f32.msk $0xffff, v8  }
0x4c6: {  	[tilespmem:s12+$0x8F00] =	vst.add.f32.msk $0xffff, v8  }
0x4c7: {  	s6 =	sor.u32 $0xC000, s12;
	[tilespmem:s12+$0x8E80] =	vst.add.f32.msk $0xffff, v8  }
0x4c8: {  	s1 =	sor.u32 $0xC080, s12;
	[tilespmem:s6+$0x0] =	vst.add.f32.msk $0xffff, v8  }
0x4c9: {  	s7 =	sor.u32 $0xC100, s12;
	[tilespmem:s1+$0x0] =	vst.add.f32.msk $0xffff, v8  }
0x4ca: {  	s13 =	sor.u32 $0xC180, s12;
	[tilespmem:s7+$0x0] =	vst.add.f32.msk $0xffff, v8  }
0x4cb: {  	[tilespmem:s13+$0x0] =	vst.add.f32.msk $0xffff, v8  }
0x4cc: {  	v8 =	vld [tilespmem:$0x1F680];
	_ =	sdelay $0x4  }
0x4cd: {  	v9 =	vshrl.u32 v8, $0x3  }
0x4ce: {  	v9 =	vmul.u32 $0x30, v9  }
0x4cf: {  	v8 =	vand.u32 $0x7, v8  }
0x4d0: {  	v8 =	vor.u32 v8, v9  }
0x4d1: {  	v9 =	vperm.xlane v8, v5;
	_ =	sdelay $0x1  }
0x4d2: {  	v9 =	vadd.s32 v6, v9;
	_ =	sdelay $0x3  }
0x4d3: {  	v8 =	vperm.xlane v8, v7  }
0x4d4: {  	[hbm4b:s3+s5] =	stream.indirect_vreg.scatter [tilespmem:s31], [sflag:$0x7], $0x80, v9, vm0, $0xb8;
	[tilespmem:$0x1F880] =	vst v63  }
0x4d5: {  	v8 =	vadd.s32 v6, v8  }
0x4d6: {  	[hbm4b:s10+s5] =	stream.indirect_vreg.scatter [tilespmem:s17], [sflag:$0x7], $0x80, v9, vm0, $0xb8;
	[tilespmem:$0x1F880] =	vst v63  }
0x4d7: {  	_ = 	snop  }
0x4d8: {  	[hbm4b:s11+s5] =	stream.indirect_vreg.scatter [tilespmem:s18], [sflag:$0x7], $0x80, v9, vm0, $0xb8;
	[tilespmem:$0x1F880] =	vst v63  }
0x4d9: {  	_ = 	snop  }
0x4da: {  	[hbm4b:s3+s5] =	stream.indirect_vreg.scatter [tilespmem:s24], [sflag:$0x7], $0x80, v8, vm0, $0xb8;
	[tilespmem:$0x1F880] =	vst v63  }
0x4db: {  	_ = 	snop  }
0x4dc: {  	[hbm4b:s10+s5] =	stream.indirect_vreg.scatter [tilespmem:s21], [sflag:$0x7], $0x80, v8, vm0, $0xb8;
	[tilespmem:$0x1F880] =	vst v63  }
0x4dd: {  	_ = 	snop  }
0x4de: {  	[hbm4b:s11+s5] =	stream.indirect_vreg.scatter [tilespmem:s26], [sflag:$0x7], $0x80, v8, vm0, $0xb8;
	[tilespmem:$0x1F880] =	vst v63  }
0x4df: {  	v8 =	vld [tilespmem:$0x1F690];
	_ =	sdelay $0x4  }
0x4e0: {  	v63 =	vshrl.u32 v8, $0x3  }
0x4e1: {  	v9 =	vmul.u32 $0x30, v63  }
0x4e2: {  	v8 =	vand.u32 $0x7, v8  }
0x4e3: {  	v8 =	vor.u32 v8, v9  }
0x4e4: {  	v9 =	vperm.xlane v8, v5;
	_ =	sdelay $0x1  }
0x4e5: {  	v9 =	vadd.s32 v6, v9;
	_ =	sdelay $0x3  }
0x4e6: {  	v8 =	vperm.xlane v8, v7  }
0x4e7: {  	[hbm4b:s3+s5] =	stream.indirect_vreg.scatter [tilespmem:s22], [sflag:$0x7], $0x80, v9, vm0, $0xb8;
	[tilespmem:$0x1F880] =	vst v63  }
0x4e8: {  	v8 =	vadd.s32 v6, v8  }
0x4e9: {  	[hbm4b:s10+s5] =	stream.indirect_vreg.scatter [tilespmem:s29], [sflag:$0x7], $0x80, v9, vm0, $0xb8;
	[tilespmem:$0x1F880] =	vst v63  }
0x4ea: {  	s14 =	simm.s32 $0xB600  }
0x4eb: {  	[hbm4b:s11+s5] =	stream.indirect_vreg.scatter [tilespmem:s14], [sflag:$0x7], $0x80, v9, vm0, $0xb8;
	[tilespmem:$0x1F880] =	vst v63  }
0x4ec: {  	s12 =	simm.s32 $0xBE00  }
0x4ed: {  	[hbm4b:s3+s5] =	stream.indirect_vreg.scatter [tilespmem:s12], [sflag:$0x7], $0x80, v8, vm0, $0xb8;
	[tilespmem:$0x1F880] =	vst v63  }
0x4ee: {  	s13 =	simm.s32 $0xC600  }
0x4ef: {  	[hbm4b:s10+s5] =	stream.indirect_vreg.scatter [tilespmem:s13], [sflag:$0x7], $0x80, v8, vm0, $0xb8;
	[tilespmem:$0x1F880] =	vst v63  }
0x4f0: {  	s18 =	simm.s32 $0x8  }
0x4f1: {  	[hbm4b:s11+s5] =	stream.indirect_vreg.scatter [tilespmem:s15], [sflag:$0x7], $0x80, v8, vm0, $0xb8;
	[tilespmem:$0x1F880] =	vst v63  }
0x4f2: {  	_ =	swait.ge [sflag:s18], $0x6000  }
0x4f3: {  	[sflag:s18] =	ssyncset.done $0x0  }
0x4f4: {  	s21 =	simm.s32 $0x9;
	[sflag:s18] =	ssyncadd.s32 $0xFFFFA000  }
0x4f5: {  	_ =	swait.ge [sflag:s21], $0x6000  }
0x4f6: {  	[sflag:s21] =	ssyncset.done $0x0  }
0x4f7: {  	s22 =	simm.s32 $0xA;
	[sflag:s21] =	ssyncadd.s32 $0xFFFFA000  }
0x4f8: {  	_ =	swait.ge [sflag:s22], $0x6000  }
0x4f9: {  	[sflag:s22] =	ssyncset.done $0x0  }
0x4fa: {  	s23 =	simm.s32 $0x6;
	[sflag:s22] =	ssyncadd.s32 $0xFFFFA000  }
0x4fb: {  	_ =	swait.ge [sflag:s23], $0x6000  }
0x4fc: {  	[sflag:s23] =	ssyncset.done $0x0  }
0x4fd: {  	s25 =	simm.s32 $0x7;
	[sflag:s23] =	ssyncadd.s32 $0xFFFFA000  }
0x4fe: {  	_ =	swait.ge [sflag:s25], $0x6000  }
0x4ff: {  	s4 =	rddreg [dreg:$0xe]  }
0x500: {  	s28 =	rddreg [dreg:$0x9];
	s4 =	sadd.s32 $0x1, s4  }
0x501: {  	p0 =	sne.s32 s4, s28  }
.Ltmp9:
0x502: {  	_ = 	snop;
	(pc) =	sbr.rel @p0 .LBB2_1-.Ltmp9, $3  }
0x503: {  	_ =	sdelay $0x1  }
0x504: {  	[sflag:s25] =	ssyncset.done $0x0  }
0x505: {  	[sflag:s25] =	ssyncadd.s32 $0xFFFFA000  }
0x506: {  	_ =	sfence.sel $0x180000  }
0x507: {  	[bflag:$0x0] =	sbarrier.arrive $0xFFFF  }
0x508: {  	_ =	strace $0x90000047  }
0x509: {  	s0 =	stileid.u32;
	[bflag:$0x2] =	sbarrier.arrive $0xFFFF  }
0x50a: {  	p0 =	sne.s32 s0, $0x0;
	s0 =	rddreg [dreg:$0x3]  }
0x50b: {  	s0 =	sadd.s32 @!p0 $0x100000, s0  }
0x50c: {  	[sflag:s0] =	ssyncadd.tile.s32 @!p0 $0x1;
	_ =	shalt  }
.Lfunc_end2:
_tile_overlayer_lowered:
.L_overlay_start_2:
0x50d: {  	(tag) =	ssettag $0x2  }
0x50e: {  	s0 =	rddreg [dreg:$0x0];
	s2 =	stileid.u32  }
0x50f: {  	s1 =	rddreg [dreg:$0x1];
	p0 =	sne.s32 s2, $0x0  }
0x510: {  	s3 =	rddreg [dreg:$0x2];
	[bflag:$0x3] =	sbarrier.arrive $0xFFFF;
	s2 =	simm.s32 @!p0 $0x1C0B  }
0x511: {  	[timem:s3], [sflag:s2] =	dma.local @!p0 [hbm:s0], s1  }
0x512: {  	s0 =	simm.s32 @!p0 $0xB  }
0x513: {  	_ =	swait.ge @!p0 [sflag:s0], s1  }
0x514: {  	s1 =	ssub.s32 @!p0 $0x0, s1;
	[sflag:s0] =	ssyncset.done @!p0 $0x0  }
0x515: {  	[sflag:s0] =	ssyncadd.s32 @!p0 s1  }
0x516: {  	[bflag:$0x3] =	sbarrier.arrive $0xFFFF  }
0x517: {  	_ =	shalt  }

// kernel: sparse-core-data-format-call.cloned.1.call-start
scs
called_computation_lowered:
.L_overlay_start_0:
0x0: {  	s2 =	sld [smem:$0x3FD9]  }
0x1: {  	s3 =	sld [smem:$0x3FFE];
	_ =	sdelay $0x1  }
0x2: {  	s1 =	srdreg.scid  }
0x3: {  	s0 =	sand.u32 $0x1, s1  }
0x4: {  	s18 =	sshll.u32 s0, $0xA;
	s2 =	sadd.s32 s3, s2  }
0x5: {  	s2 =	sadd.s32 s2, s18  }
0x6: {  	[smem:$0x3FC5] =	sst s2  }
0x7: {  	_ = 	snop  }
0x8: {  	s2 =	sld [smem:$0x3FD0];
	(tm) =	ssettm $0x1  }
0x9: {  	s19 =	sld [smem:$0x3FFB];
	_ =	sdelay $0x3  }
0xa: {  	_ =	strace s19  }
0xb: {  	s3 =	sld [smem:$0x3FFC];
	_ =	sdelay $0x3  }
0xc: {  	_ =	strace s3  }
0xd: {  	s3 =	sld [smem:$0x3FFD];
	_ =	sdelay $0x3  }
0xe: {  	_ =	strace s3  }
0xf: {  	_ =	strace $0x8FFFFFFF  }
0x10: {  	s20 =	sld [smem:$0x3FDB];
	_ =	sdelay $0x1  }
0x11: {  	s4 =	simm.s32 $_scs_section_size  }
0x12: {  	s5 =	simm.s32 $_size__tile_overlayer_lowered;
	s6 =	simm.s32 $_tile_overlayer_lowered  }
0x13: {  	s23 =	simm.s32 $0x1BFF;
	s22 =	sshll.u32 s6, $0x1;
	s3 =	sadd.s32 s4, s20  }
0x14: {  	s7 =	simm.s32 $0x0;
	s21 =	sshll.u32 s5, $0x1;
	s5 =	sadd.s32 s22, s3  }
0x15: {  	[timem:s7], [sflag:s23] =	dma.local [hbm:s5], s21  }
0x16: {  	_ =	swait.ge [sflag:s23], s21  }
0x17: {  	s4 =	ssub.s32 $0x0, s21;
	[sflag:s23] =	ssyncset.done $0x0  }
0x18: {  	[sflag:s23] =	ssyncadd.s32 s4;
	_ =	sdelay $0x1  }
0x19: {  	s24 =	simm.s32 $0x1B8B  }
0x1a: {  	_ =	swait.ge [sflag:s24], $0x1  }
0x1b: {  	[sflag:s24] =	ssyncset.done $0x0  }
0x1c: {  	s26 =	simm.s32 $0x1B8E;
	s25 =	sld [smem:$0x3FFE];
	[sflag:s24] =	ssyncadd.s32 $0xFFFFFFFF  }
0x1d: {  	s27 =	simm.s32 $execute0_lowered;
	[smem:$0x3FD2] =	sst s26  }
0x1e: {  	s5 =	sshll.u32 s27, $0x1;
	_ =	strace $0x80000049;
	[dreg:$0x1] =	wrdreg $0xFFFFFFFF  }
0x1f: {  	s28 =	simm.s32 $_size_execute0_lowered;
	s3 =	sadd.s32 s3, s5;
	[dreg:$0x0] =	wrdreg $0x0  }
0x20: {  	s5 =	sshll.u32 s28, $0x1;
	[dreg:$0x2] =	wrdreg s3  }
0x21: {  	[dreg:$0x3] =	wrdreg s5  }
0x22: {  	[dreg:$0x4] =	wrdreg $0xC0  }
0x23: {  	_ =	task [dreg:s7], $0x5FFFF  }
0x24: {  	[dreg:$0x1] =	wrdreg $0xFFFFFFFF  }
0x25: {  	[dreg:$0x0] =	wrdreg $0x60  }
0x26: {  	[dreg:$0x2] =	wrdreg s25  }
0x27: {  	[dreg:$0x3] =	wrdreg s2  }
0x28: {  	[dreg:$0x4] =	wrdreg $0x9  }
0x29: {  	_ =	task.clear_ibuf [dreg:s7], $0x5FFFF;
	_ =	strace $0x90000049  }
0x2a: {  	s29 =	simm.s32 $0x9;
	_ =	strace $0x8000004B  }
0x2b: {  	_ =	swait.ge [sflag:s29], $0x1  }
0x2c: {  	[sflag:s29] =	ssyncadd.s32 $0xFFFFFFFF  }
0x2d: {  	_ =	strace $0x9000004B  }
0x2e: {  	_ =	sfence  }
0x2f: {  	s30 =	sld [smem:$0x0];
	_ =	sdelay $0x2  }
0x30: {  	s31 =	sshll.u32 s1, $0xD;
	s1 =	sshrl.u32 s1, $0x2  }
0x31: {  	s3 =	sand.u32 $0x4000, s31;
	s1 =	sadd.s32 s1, s30  }
0x32: {  	s0 =	sor.u32 s3, s0;
	s1 =	sshll.u32 s1, $0x11  }
0x33: {  	s0 =	sor.u32 s1, s0  }
0x34: {  	s0 =	sadd.s32 $0x8F2B, s0  }
0x35: {  	[sflag:s0] =	ssyncadd.remote.s32 $0x1  }
0x36: {  	_ =	sfence.sel $0xFFFF  }
0x37: {  	[dreg:$0x0] =	wrdreg $0xFFFFFFFF;
	(pc) =	sbr.abs _section_cstart, $3  }
0x38: {  	[dreg:$0x1] =	wrdreg $0xFFFFFFFF  }
0x39: {  	_ =	task.clear_ibuf [dreg:s7], $0x2FFFF;
	_ =	strace $0x9FFFFFFF  }
0x3a: {  	(tm) =	ssettm $0x7FFFFFFF  }
0x3b: {  	_ =	shalt  }
tec
execute0_lowered:
.L_overlay_start_1:
0x0: {  	(tag) =	ssettag $0x1  }
0x1: {  	s0 =	stileid.u32  }
0x2: {  	s1 =	srdreg.scid;
	s2 =	sshll.u32 s0, $0x7  }
0x3: {  	s7 =	rddreg [dreg:$0x0];
	s3 =	sshll.u32 s1, $0x4;
	s1 =	sand.u32 $0x380, s2  }
0x4: {  	s8 =	simm.s32 $0x2;
	s30 =	sand.u32 $0x10, s3;
	s31 =	ssub.s32 $0x400, s1  }
0x5: {  	s16 =	simm.s32 $0x0;
	s2 =	sor.u32 s0, s30;
	s4 =	sand.u32 $0x380, s31  }
0x6: {  	s2 =	sshrl.u32 s2, $0x3;
	p0 =	sne.s32 s4, $0x0;
	s4 =	simm.s32 $0x1  }
0x7: {  	s3 =	sshrl.u32 s31, $0xA;
	s5 =	ssub.s32 $0x50, s2;
	s4 =	simm.s32 @!p0 $0x0  }
0x8: {  	s9 =	simm.s32 $0x1800;
	s5 =	sshrl.u32 s5, $0x2;
	s3 =	sadd.s32 s4, s3  }
0x9: {  	s10 =	simm.s32 $0x0;
	s15 =	simm.s32 $0x0;
	s6 =	smul.u32 s3, s5  }
.Ltmp0:
0xa: {  	s17 =	simm.s32 $0x0;
	s4 =	rddreg [dreg:$0x1];
	(pc) =	sbr.rel .LBB1_1-.Ltmp0, $4  }
0xb: {  	s11 =	simm.s32 $0x0;
	s14 =	simm.s32 $0x0;
	s3 =	rddreg [dreg:$0x2]  }
0xc: {  	_ =	strace $0x8000004A;
	s5 =	simm.s32 $0x1;
	s6 =	smul.u32 $0x6, s6  }
0xd: {  	s7 =	sadd.s32 $0x800, s7;
	s13 =	smov.u32 s1;
	[sflag:s5] =	ssyncpa.u1 $0x0  }
0xe: {  	s12 =	smov.u32 s2;
	[sflag:s8] =	ssyncpa.u1 $0x0;
	s8 =	sor.u32 $0x1, s6  }
.LBB1_4:
0xf: {  	_ =	sdelay $0x2  }
0x10: {  	s21 =	sshrl.u32 s17, $0x3  }
0x11: {  	[tilespmem:v0+s20+$0xFFFFFFD0 ss:$0x1] =	vst.idx.msk $0xffff, v7;
	s22 =	sshll.u32 s16, $0x3;
	s21 =	smul.u32 $0x1800, s21  }
0x12: {  	v56 =	vld.idx.msk [tilespmem:v1+s19+$0x0 ss:$0x1], $0xffff;
	[tilespmem:v0+s20+$0xFFFFFFE0 ss:$0x1] =	vst.idx.msk $0xffff, v5;
	s27 =	sshll.u32 s17, $0x7;
	s22 =	sand.u32 $0xFFFFFC00, s22  }
0x13: {  	v57 =	vld.idx.msk [tilespmem:v1+s19+$0xFFFFFF90 ss:$0x1], $0xffff;
	[tilespmem:v0+s20+$0xFFFFFFF0 ss:$0x1] =	vst.idx.msk $0xffff, v4;
	s17 =	sand.u32 $0x380, s27;
	s21 =	sadd.s32 s21, s22  }
0x14: {  	v58 =	vld.idx.msk [tilespmem:v1+s19+$0xFFFFFFA0 ss:$0x1], $0xffff;
	[tilespmem:v0+s20+$0x0 ss:$0x1] =	vst.idx.msk $0xffff, v2;
	s28 =	sand.u32 $0x7F, s16;
	s17 =	sor.u32 s17, s21  }
0x15: {  	v59 =	vld.idx.msk [tilespmem:v1+s19+$0xFFFFFFB0 ss:$0x1], $0xffff;
	[tilespmem:v0+s20+$0x10 ss:$0x1] =	vst.idx.msk $0xffff, v3;
	s16 =	sor.u32 s28, s17  }
0x16: {  	v60 =	vld.idx.msk [tilespmem:v1+s19+$0xFFFFFFC0 ss:$0x1], $0xffff;
	[tilespmem:v0+s20+$0x20 ss:$0x1] =	vst.idx.msk $0xffff, v6;
	s29 =	smulhi.u32 $0xAAAAAAAB, s16  }
0x17: {  	v61 =	vld.idx.msk [tilespmem:v1+s19+$0xFFFFFFD0 ss:$0x1], $0xffff;
	[tilespmem:v0+s19+$0x30 ss:$0x1] =	vst.idx.msk $0xffff, v56;
	s17 =	smulhi.u32 $0xAAAAAAAB, s17  }
0x18: {  	v62 =	vld.idx.msk [tilespmem:v1+s19+$0xFFFFFFE0 ss:$0x1], $0xffff;
	[tilespmem:v0+s19+$0xFFFFFFC0 ss:$0x1] =	vst.idx.msk $0xffff, v57;
	s20 =	sshrl.u32 s29, $0x9  }
0x19: {  	v63 =	vld.idx.msk [tilespmem:v1+s19+$0xFFFFFFF0 ss:$0x1], $0xffff;
	[tilespmem:v0+s19+$0xFFFFFFD0 ss:$0x1] =	vst.idx.msk $0xffff, v58;
	s17 =	sshrl.u32 s17, $0x9;
	s20 =	smul.u32 $0x300, s20  }
0x1a: {  	s15 =	smul.u32 $0x18000, s15;
	[tilespmem:v0+s19+$0xFFFFFFE0 ss:$0x1] =	vst.idx.msk $0xffff, v59;
	s17 =	sand.u32 $0x3FF, s17  }
0x1b: {  	[tilespmem:v0+s19+$0xFFFFFFF0 ss:$0x1] =	vst.idx.msk $0xffff, v60;
	s17 =	smul.u32 $0x60, s17;
	s16 =	ssub.s32 s16, s20  }
0x1c: {  	s15 =	sadd.s32 s4, s15;
	[tilespmem:v0+s19+$0x0 ss:$0x1] =	vst.idx.msk $0xffff, v61;
	s20 =	sand.u32 $0x7, s16  }
0x1d: {  	[tilespmem:v0+s19+$0x10 ss:$0x1] =	vst.idx.msk $0xffff, v62;
	s15 =	sadd.s32 s17, s15;
	s16 =	sshrl.u32 s16, $0x3;
	s30 =	sshll.u32 s20, $0x12  }
0x1e: {  	[tilespmem:v0+s19+$0x20 ss:$0x1] =	vst.idx.msk $0xffff, v63;
	s15 =	sadd.s32 s16, s15;
	s31 =	sor.u32 $0x400, s30  }
0x1f: {  	[hbm4b:s15+s31] =	stream.strided.scatter [tilespmem:s18], [sflag:$0x2], $0x4000, s9, s31, $0x38;
	[tilespmem:$0x10000] =	vst v63  }
.LBB1_5:
0x20: {  	s18 =	sadd.s32 $0x80, s11  }
0x21: {  	s15 =	sadd.s32 $0x4, s12;
	s19 =	smov.u32 s12;
	p1 =	sgt.s32 s18, $0x2FF  }
0x22: {  	s19 =	smov.u32 @p1 s15  }
0x23: {  	s21 =	smov.u32 s13;
	s15 =	sadd.s32 $0x400, s13;
	p2 =	sgt.s32 s19, $0x4C  }
0x24: {  	s21 =	smov.u32 @p2 s15  }
0x25: {  	s18 =	simm.s32 @p1 $0x0;
	p1 =	sgt.s32 s21, $0x3FF  }
0x26: {  	p0 =	slt.u32 s14, $0x2;
	s21 =	smov.u32 @p1 s1;
	p1 =	sne.s32 s14, s8  }
.Ltmp1:
0x27: {  	s20 =	simm.s32 @!p0 $0x2;
	(pc) =	sbr.rel @!p1 .LBB1_6-.Ltmp1, $4  }
0x28: {  	s16 =	smov.u32 s11;
	s17 =	smov.u32 s13;
	_ =	swait.ge @!p0 [sflag:s20], $0x4000  }
0x29: {  	s10 =	sadd.s32 $0x4000, s10;
	[sflag:s20] =	ssyncset.done @!p0 $0x0;
	s11 =	smov.u32 s18  }
0x2a: {  	s19 =	smov.u32 @p2 s2;
	s15 =	smov.u32 s12;
	[sflag:s20] =	ssyncadd.s32 @!p0 $0xFFFFC000  }
0x2b: {  	s12 =	smov.u32 s19;
	s14 =	sadd.s32 $0x1, s14;
	s13 =	smov.u32 s21  }
.LBB1_1:
0x2c: {  	p0 =	sge.u32 s14, s6  }
0x2d: {  	s18 =	sshrl.u32 @!p0 s12, $0x3  }
0x2e: {  	s19 =	sshll.u32 @!p0 s11, $0x3;
	s18 =	smul.u32 @!p0 $0x1800, s18  }
0x2f: {  	s20 =	sshll.u32 @!p0 s12, $0x7;
	s19 =	sand.u32 @!p0 $0xFFFFFC00, s19  }
0x30: {  	s18 =	sadd.s32 @!p0 s18, s19;
	s19 =	sand.u32 @!p0 $0x380, s20  }
0x31: {  	s18 =	sor.u32 @!p0 s19, s18  }
0x32: {  	s19 =	sand.u32 @!p0 $0x7F, s11;
	s20 =	smulhi.u32 @!p0 $0xAAAAAAAB, s18  }
0x33: {  	s18 =	sor.u32 @!p0 s19, s18  }
0x34: {  	s19 =	smulhi.u32 @!p0 $0xAAAAAAAB, s18;
	s20 =	sshrl.u32 @!p0 s20, $0x9  }
0x35: {  	s21 =	smulhi.u32 @!p0 $0x3333334, s20;
	_ =	sdelay $0x1  }
0x36: {  	s19 =	sshrl.u32 @!p0 s19, $0x9;
	s21 =	smul.u32 @!p0 $0x50, s21  }
0x37: {  	s31 =	sadd.s32 $0xFFFFFFFF, s14;
	s19 =	smul.u32 @!p0 $0x300, s19  }
0x38: {  	s22 =	sxor.u32 @!p0 $0xFFFFFFFF, s14;
	s20 =	ssub.s32 @!p0 s20, s21;
	s21 =	smul.u32 @!p0 $0x1E00, s13  }
0x39: {  	s22 =	sshll.u32 @!p0 s22, $0xE;
	s18 =	ssub.s32 @!p0 s18, s19;
	s19 =	smul.u32 @!p0 $0x60, s20  }
0x3a: {  	s20 =	sand.u32 @!p0 $0x4000, s22;
	s22 =	sand.u32 @!p0 $0x7, s18;
	s21 =	sadd.s32 @!p0 s7, s21  }
0x3b: {  	s18 =	sshrl.u32 @!p0 s18, $0x3;
	s19 =	sadd.s32 @!p0 s19, s21;
	s21 =	sshll.u32 @!p0 s22, $0x12  }
0x3c: {  	s18 =	sadd.s32 @!p0 s18, s19;
	s19 =	sor.u32 @!p0 $0x80, s21;
	s21 =	simm.s32 @!p0 $0xF000  }
0x3d: {  	[tilespmem:s20], [sflag:$0x1] =	stream.strided.gather @!p0 [hbm4b:s18+s19], $0x4000, s21, s19, $0x38;
	[tilespmem:$0x10000] =	vst v63  }
0x3e: {  	p0 =	sge.u32 s31, s6  }
.Ltmp2:
0x3f: {  	_ = 	snop;
	(pc) =	sbr.rel @p0 .LBB1_5-.Ltmp2, $1  }
0x40: {  	_ =	sdelay $0x3  }
0x41: {  	s18 =	sand.u32 $0x4000, s10  }
0x42: {  	s19 =	sor.u32 $0x70, s18  }
0x43: {  	v1 =	vmov s19;
	_ =	sdelay $0x1  }
0x44: {  	_ =	swait.ge [sflag:s5], $0x4000  }
0x45: {  	[sflag:s5] =	ssyncset.done $0x0  }
0x46: {  	s20 =	simm.s32 $0x0;
	[sflag:s5] =	ssyncadd.s32 $0xFFFFC000  }
0x47: {  	s18 =	sor.u32 $0x8040, s18;
	v6 =	vld.idx.msk [tilespmem:v1+s20+$0x0 ss:$0x1], $0xffff  }
0x48: {  	v0 =	vmov s18;
	v8 =	vld.idx.msk [tilespmem:v1+s20+$0xFFFFFF90 ss:$0x1], $0xffff  }
0x49: {  	v7 =	vld.idx.msk [tilespmem:v1+s20+$0xFFFFFFA0 ss:$0x1], $0xffff  }
0x4a: {  	v5 =	vld.idx.msk [tilespmem:v1+s20+$0xFFFFFFB0 ss:$0x1], $0xffff  }
0x4b: {  	v4 =	vld.idx.msk [tilespmem:v1+s20+$0xFFFFFFC0 ss:$0x1], $0xffff  }
0x4c: {  	s31 =	sshll.u32 s14, $0xE;
	v2 =	vld.idx.msk [tilespmem:v1+s20+$0xFFFFFFD0 ss:$0x1], $0xffff  }
0x4d: {  	s18 =	sand.u32 $0x4000, s31;
	v3 =	vld.idx.msk [tilespmem:v1+s20+$0xFFFFFFE0 ss:$0x1], $0xffff;
	[tilespmem:v0+s20+$0x30 ss:$0x1] =	vst.idx.msk $0xffff, v6  }
0x4e: {  	s21 =	simm.s32 $0x400;
	s19 =	simm.s32 $0x80;
	s18 =	sor.u32 $0x8000, s18;
	[tilespmem:v0+s20+$0xFFFFFFC0 ss:$0x1] =	vst.idx.msk $0xffff, v8;
	v6 =	vld.idx.msk [tilespmem:v1+s20+$0xFFFFFFF0 ss:$0x1], $0xffff  }
.LBB1_3:
0x4f: {  	p0 =	sne.s32 s21, $0xFE00;
	v8 =	vld.idx.msk [tilespmem:v1+s19+$0x0 ss:$0x1], $0xffff;
	[tilespmem:v0+s20+$0xFFFFFFD0 ss:$0x1] =	vst.idx.msk $0xffff, v7  }
0x50: {  	v9 =	vld.idx.msk [tilespmem:v1+s19+$0xFFFFFF90 ss:$0x1], $0xffff;
	[tilespmem:v0+s20+$0xFFFFFFE0 ss:$0x1] =	vst.idx.msk $0xffff, v5  }
0x51: {  	v7 =	vld.idx.msk [tilespmem:v1+s19+$0xFFFFFFA0 ss:$0x1], $0xffff;
	[tilespmem:v0+s20+$0xFFFFFFF0 ss:$0x1] =	vst.idx.msk $0xffff, v4  }
.Ltmp3:
0x52: {  	v5 =	vld.idx.msk [tilespmem:v1+s19+$0xFFFFFFB0 ss:$0x1], $0xffff;
	[tilespmem:v0+s20+$0x0 ss:$0x1] =	vst.idx.msk $0xffff, v2;
	(pc) =	sbr.rel @p0 .LBB1_3-.Ltmp3, $4  }
0x53: {  	v4 =	vld.idx.msk [tilespmem:v1+s19+$0xFFFFFFC0 ss:$0x1], $0xffff;
	[tilespmem:v0+s20+$0x10 ss:$0x1] =	vst.idx.msk $0xffff, v3  }
0x54: {  	v2 =	vld.idx.msk [tilespmem:v1+s19+$0xFFFFFFD0 ss:$0x1], $0xffff;
	[tilespmem:v0+s20+$0x20 ss:$0x1] =	vst.idx.msk $0xffff, v6;
	s20 =	smov.u32 s19  }
0x55: {  	v3 =	vld.idx.msk [tilespmem:v1+s20+$0xFFFFFFE0 ss:$0x1], $0xffff;
	[tilespmem:v0+s20+$0x30 ss:$0x1] =	vst.idx.msk $0xffff, v8  }
0x56: {  	s19 =	sshra.s32 s21, $0x2;
	s21 =	sadd.s32 $0x200, s21;
	[tilespmem:v0+s20+$0xFFFFFFC0 ss:$0x1] =	vst.idx.msk $0xffff, v9;
	v6 =	vld.idx.msk [tilespmem:v1+s20+$0xFFFFFFF0 ss:$0x1], $0xffff  }
.Ltmp4:
0x57: {  	_ = 	snop;
	(pc) =	sbr.rel .LBB1_4-.Ltmp4, $1  }
0x58: {  	_ =	sdelay $0x3  }
.LBB1_6:
0x59: {  	_ =	sfence.sel $0x180000  }
0x5a: {  	s1 =	simm.s32 $0x1;
	[bflag:$0x0] =	sbarrier.arrive $0xFFFF  }
0x5b: {  	s31 =	simm.s32 $0x2;
	[sflag:s1] =	ssyncpa.u1 $0x1  }
0x5c: {  	[sflag:s31] =	ssyncpa.u1 $0x1  }
0x5d: {  	p0 =	sne.s32 s0, $0x0;
	_ =	strace $0x9000004A  }
0x5e: {  	s0 =	sadd.s32 @!p0 $0x100000, s3;
	[bflag:$0x2] =	sbarrier.arrive $0xFFFF  }
0x5f: {  	[sflag:s0] =	ssyncadd.tile.s32 @!p0 $0x1;
	_ =	shalt  }
.Lfunc_end1:
_tile_overlayer_lowered:
.L_overlay_start_2:
0x60: {  	(tag) =	ssettag $0x2  }
0x61: {  	s0 =	rddreg [dreg:$0x0];
	s2 =	stileid.u32  }
0x62: {  	s1 =	rddreg [dreg:$0x1];
	p0 =	sne.s32 s2, $0x0  }
0x63: {  	s3 =	rddreg [dreg:$0x2];
	[bflag:$0x3] =	sbarrier.arrive $0xFFFF;
	s2 =	simm.s32 @!p0 $0x1C01  }
0x64: {  	[timem:s3], [sflag:s2] =	dma.local @!p0 [hbm:s0], s1  }
0x65: {  	s0 =	simm.s32 @!p0 $0x1  }
0x66: {  	_ =	swait.ge @!p0 [sflag:s0], s1  }
0x67: {  	s1 =	ssub.s32 @!p0 $0x0, s1;
	[sflag:s0] =	ssyncset.done @!p0 $0x0  }
0x68: {  	[sflag:s0] =	ssyncadd.s32 @!p0 s1  }
0x69: {  	[bflag:$0x3] =	sbarrier.arrive $0xFFFF  }
0x6a: {  	_ =	shalt  }

</sc_bundles>
